<compile_context>
chip_gen: v7x
topology: tpu7x:2x2x1
jax: 0.10.2.dev20260603
libtpu: 0.0.44.dev20260713+nightly
codegen_flags: <defaults>
</compile_context>

<pallas_src>
import functools

import jax
import jax.numpy as jnp
from jax import lax
from jax.experimental import pallas as pl
from jax.experimental.pallas import tpu as pltpu
from jax.experimental.pallas import tpu_sc as plsc

_NC = 2
_NS = 16
_NW = _NC * _NS
_L = 16
_BLK = 32


def _sc_scatter_kernel(rpw, buffer_size, p,
                       obs_hbm, next_hbm, act_hbm, rew_hbm, msk_hbm, don_hbm,
                       posv_hbm,
                       out_obs, out_next, out_act, out_rew, out_msk, out_don,
                       stage128, stage_a, stage_r, stage_m, stage_d,
                       idx_ref, posv_v, sem):
  n_chunks = rpw // 128
  c = lax.axis_index("c")
  s = lax.axis_index("s")
  wid = s * _NC + c
  base = wid * rpw

  pltpu.sync_copy(posv_hbm, posv_v)
  pv = posv_v[...]
  iota = lax.iota(jnp.int32, _L)

  for q in range(rpw // _L):
    v = (pv + (base + q * _L) + iota) & (buffer_size - 1)
    idx_ref[q // 8, pl.ds((q % 8) * _L, _L)] = v

  def put_scatter(src_hbm, out_ref):
    for t in range(n_chunks):
      pltpu.sync_copy(src_hbm.at[pl.ds(base + t * 128, 128)], stage128)
      pltpu.async_copy(stage128, out_ref.at[idx_ref.at[t]], sem).wait()

  put_scatter(obs_hbm, out_obs)
  put_scatter(next_hbm, out_next)

  pb = lax.shift_right_logical(p, 5)

  def put_linear(src_hbm, stage, out_ref, rows):
    for h in range(rpw // rows):
      pltpu.sync_copy(src_hbm.at[pl.ds(base + h * rows, rows)], stage)
      for j in range(rows // _BLK):
        blk = (base + h * rows) // _BLK + j
        dst = ((pb + blk) & (buffer_size // _BLK - 1)) * _BLK
        pltpu.sync_copy(stage.at[pl.ds(j * _BLK, _BLK)],
                        out_ref.at[pl.ds(dst, _BLK)])

  put_linear(act_hbm, stage_a, out_act, 64)
  put_linear(rew_hbm, stage_r, out_rew, rpw)
  put_linear(msk_hbm, stage_m, out_msk, rpw)
  put_linear(don_hbm, stage_d, out_don, rpw)


def kernel(obs, next_obs, action, reward, done, mask,
           buf_obs, buf_next_obs, buf_actions, buf_rewards, buf_dones,
           buf_masks, pos, full):
  k = obs.shape[0]
  buffer_size = buf_obs.shape[0]
  obs_d = buf_obs.shape[1]
  act_d = buf_actions.shape[1]
  n_masks = buf_masks.shape[1]
  rpw = k // _NW

  action = action.reshape(k, act_d)
  posv = jnp.full((_L,), pos, dtype=jnp.int32)

  out_obs = jax.new_ref(buf_obs)
  out_next = jax.new_ref(buf_next_obs)
  out_act = jax.new_ref(buf_actions)
  out_rew = jax.new_ref(buf_rewards)
  out_msk = jax.new_ref(buf_masks.view(jnp.uint8))
  out_don = jax.new_ref(buf_dones.view(jnp.uint8))

  mesh = plsc.VectorSubcoreMesh(core_axis_name="c", subcore_axis_name="s")
  sckern = pl.kernel(
      functools.partial(_sc_scatter_kernel, rpw, buffer_size, pos),
      out_type=(),
      mesh=mesh,
      scratch_types=[
          pltpu.VMEM((128, obs_d), jnp.float32),
          pltpu.VMEM((64, act_d), jnp.float32),
          pltpu.VMEM((rpw, 1), jnp.float32),
          pltpu.VMEM((rpw, n_masks), jnp.uint8),
          pltpu.VMEM((rpw, 1), jnp.uint8),
          pltpu.VMEM((rpw // 128, 128), jnp.int32),
          pltpu.VMEM((_L,), jnp.int32),
          pltpu.SemaphoreType.DMA,
      ],
  )
  sckern(obs, next_obs, action, reward.reshape(k, 1),
         mask.view(jnp.uint8), done.reshape(k, 1).view(jnp.uint8), posv,
         out_obs, out_next, out_act, out_rew, out_msk, out_don)

  new_obs = out_obs[...]
  new_next = out_next[...]
  new_act = out_act[...]
  new_rewards = out_rew[...]
  new_masks = out_msk[...].view(jnp.bool_)
  new_dones = out_don[...].view(jnp.bool_)

  new_pos = jnp.mod(pos + k, buffer_size)
  new_full = jnp.logical_or(full, pos + k >= buffer_size)
  return (new_obs, new_next, new_act, new_rewards, new_dones, new_masks,
          new_pos, new_full)

# --- scband reference (transcript-rebuilt; emitter-appended) ---
"""Pipeline reference for scband-replay-buffer-58978490908963 (READ-ONLY COPY).

The authoritative reference and input builder live on the scoring server;
editing this copy changes nothing except your own understanding.
"""

import jax, jax.numpy as jnp
import numpy as np

BUFFER_SIZE = 131072
K = 16384
OBS = 128
ACT = 32
MASKS = 10

def setup_inputs(seed: int = 0) -> dict:
    key = jax.random.key(seed)
    ks = jax.random.split(key, 8)
    obs = jax.random.normal(ks[0], (K, OBS), dtype=jnp.float32)
    next_obs = jax.random.normal(ks[1], (K, OBS), dtype=jnp.float32)
    action = jax.random.normal(ks[2], (K, ACT), dtype=jnp.float32)
    reward = jax.random.normal(ks[3], (K,), dtype=jnp.float32)
    done = jnp.zeros((K,), dtype=jnp.bool_)
    mask = jnp.ones((K, MASKS), dtype=jnp.bool_)
    # buffer state (analogous to learned parameters / persistent memory)
    buf_obs = jax.random.normal(ks[4], (BUFFER_SIZE, OBS), dtype=jnp.float32)
    buf_next_obs = jax.random.normal(ks[5], (BUFFER_SIZE, OBS), dtype=jnp.float32)
    buf_actions = jax.random.normal(ks[6], (BUFFER_SIZE, ACT), dtype=jnp.float32)
    buf_rewards = jax.random.normal(ks[7], (BUFFER_SIZE, 1), dtype=jnp.float32)
    buf_dones = jnp.zeros((BUFFER_SIZE, 1), dtype=jnp.bool_)
    buf_masks = jnp.zeros((BUFFER_SIZE, MASKS), dtype=jnp.bool_)
    pos = jnp.array(124000, dtype=jnp.int32)  # nonzero to exercise wraparound
    full = jnp.zeros((), dtype=jnp.bool_)
    return {"obs": obs, "next_obs": next_obs, "action": action, "reward": reward,
            "done": done, "mask": mask,
            "buf_obs": buf_obs, "buf_next_obs": buf_next_obs, "buf_actions": buf_actions,
            "buf_rewards": buf_rewards, "buf_dones": buf_dones, "buf_masks": buf_masks,
            "pos": pos, "full": full}

def reference(obs, next_obs, action, reward, done, mask,
              buf_obs, buf_next_obs, buf_actions, buf_rewards, buf_dones, buf_masks,
              pos, full):
    k = obs.shape[0]
    buffer_size = buf_obs.shape[0]
    reward = reward.reshape(k, 1)
    done = done.reshape(k, 1)
    act_tail_shape = buf_actions.shape[1:]
    action = action.reshape(k, *act_tail_shape)
    idx = jnp.mod(pos + jnp.arange(k), buffer_size)
    new_observations = buf_obs.at[idx].set(obs)
    new_next_observations = buf_next_obs.at[idx].set(next_obs)
    new_actions = buf_actions.at[idx].set(action)
    new_rewards = buf_rewards.at[idx].set(reward)
    new_dones = buf_dones.at[idx].set(done)
    new_masks = buf_masks.at[idx].set(mask)
    new_pos = jnp.mod(pos + k, buffer_size)
    new_full = jnp.logical_or(full, pos + k >= buffer_size)
    return (new_observations, new_next_observations, new_actions, new_rewards,
            new_dones, new_masks, new_pos, new_full)

if __name__ == "__main__":
    import jax
    _d = setup_inputs()
    print(jax.jit(kernel)(*tuple(_d.values())))

</pallas_src>

<mosaic_0001>
#map = affine_map<(d0, d1) -> (0, 0)>
#map1 = affine_map<(d0, d1) -> (0)>
module attributes {stable_mosaic.version = 14 : i64} {
  func.func @new_body(%arg0: i32, %arg1: i32, %arg2: memref<16384x128xf32, #tpu.memory_space<hbm>>, %arg3: memref<16384x128xf32, #tpu.memory_space<hbm>>, %arg4: memref<16384x32xf32, #tpu.memory_space<hbm>>, %arg5: memref<16384x1xf32, #tpu.memory_space<hbm>>, %arg6: memref<16384x10xi8, #tpu.memory_space<hbm>>, %arg7: memref<16384x1xi8, #tpu.memory_space<hbm>>, %arg8: memref<16xi32, #tpu.memory_space<hbm>>, %arg9: memref<131072x128xf32, #tpu.memory_space<hbm>>, %arg10: memref<131072x128xf32, #tpu.memory_space<hbm>>, %arg11: memref<131072x32xf32, #tpu.memory_space<hbm>>, %arg12: memref<131072x1xf32, #tpu.memory_space<hbm>>, %arg13: memref<131072x10xi8, #tpu.memory_space<hbm>>, %arg14: memref<131072x1xi8, #tpu.memory_space<hbm>>, %arg15: memref<1xi32, #tpu.memory_space<hbm>>, %arg16: memref<131072x128xf32, #tpu.memory_space<hbm>>, %arg17: memref<131072x128xf32, #tpu.memory_space<hbm>>, %arg18: memref<131072x32xf32, #tpu.memory_space<hbm>>, %arg19: memref<131072x1xf32, #tpu.memory_space<hbm>>, %arg20: memref<131072x10xi8, #tpu.memory_space<hbm>>, %arg21: memref<131072x1xi8, #tpu.memory_space<hbm>>, %arg22: memref<128x128xf32, #tpu.memory_space<vmem>>, %arg23: memref<64x32xf32, #tpu.memory_space<vmem>>, %arg24: memref<512x1xf32, #tpu.memory_space<vmem>>, %arg25: memref<512x10xi8, #tpu.memory_space<vmem>>, %arg26: memref<512x1xi8, #tpu.memory_space<vmem>>, %arg27: memref<4x128xi32, #tpu.memory_space<vmem>>, %arg28: memref<16xi32, #tpu.memory_space<vmem>>, %arg29: memref<!tpu.dma_semaphore, #tpu.memory_space<semaphore_mem>>) attributes {dimension_semantics = [#tpu.dimension_semantics<core_parallel>, #tpu.dimension_semantics<subcore_parallel>], iteration_bounds = array<i64: 2, 16>, scalar_prefetch = 0 : i64, scratch_operands = 8 : i64, tpu.core_type = #tpu.core_type<sc_vector_subcore>, window_params = [{transform_indices = #map}, {transform_indices = #map}, {transform_indices = #map}, {transform_indices = #map}, {transform_indices = #map}, {transform_indices = #map}, {transform_indices = #map1}, {transform_indices = #map}, {transform_indices = #map}, {transform_indices = #map}, {transform_indices = #map}, {transform_indices = #map}, {transform_indices = #map}, {transform_indices = #map1}, {transform_indices = #map}, {transform_indices = #map}, {transform_indices = #map}, {transform_indices = #map}, {transform_indices = #map}, {transform_indices = #map}]} {
    %empty_ref3A = memref.alloca() : memref<16xi32, #tpu.memory_space<vmem>>
    "tpu.region"() ({
      %run_scoped3A = tpu.sem_alloc : memref<!tpu.dma_semaphore, #tpu.memory_space<semaphore_mem>>
      %dma_start3A_2708 = arith.constant 0 : i32
      %dma_start3A_2709 = tpu.memref_slice %empty_ref3A[%dma_start3A_2708] : memref<16xi32, #tpu.memory_space<vmem>> -> memref<1xi32, #tpu.memory_space<vmem>>
      %dma_start3A_2710 = arith.constant 0 : i32
      %dma_start3A_2711 = tpu.memref_slice %empty_ref3A[%dma_start3A_2710] : memref<16xi32, #tpu.memory_space<vmem>> -> memref<1xi32, #tpu.memory_space<vmem>>
      tpu.enqueue_dma source(%arg15 : memref<1xi32, #tpu.memory_space<hbm>>) target(%dma_start3A_2711 : memref<1xi32, #tpu.memory_space<vmem>>) target_semaphore(%run_scoped3A : memref<!tpu.dma_semaphore, #tpu.memory_space<semaphore_mem>>)
      %dma_wait3A_2712 = arith.constant 0 : i32
      %dma_wait3A_2713 = tpu.memref_slice %empty_ref3A[%dma_wait3A_2712] : memref<16xi32, #tpu.memory_space<vmem>> -> memref<1xi32, #tpu.memory_space<vmem>>
      %dma_wait3A_2714 = arith.constant 0 : i32
      %dma_wait3A_2715 = tpu.memref_slice %empty_ref3A[%dma_wait3A_2714] : memref<16xi32, #tpu.memory_space<vmem>> -> memref<1xi32, #tpu.memory_space<vmem>>
      tpu.wait_dma2 semaphore(%run_scoped3A : memref<!tpu.dma_semaphore, #tpu.memory_space<semaphore_mem>>) src(%arg15 : memref<1xi32, #tpu.memory_space<hbm>>) dst(%dma_wait3A_2715 : memref<1xi32, #tpu.memory_space<vmem>>)
      tpu.yield
    }) : () -> ()
    %get3A = arith.constant 0 : index
    %get3A_0 = tpu.vector_load %empty_ref3A[%get3A] {strides = array<i32>} : memref<16xi32, #tpu.memory_space<vmem>>, vector<16xi32>,
    %get3A_1 = vector.shape_cast %get3A_0 : vector<16xi32> to vector<16xi32>
    %slice3A = vector.extract_strided_slice %get3A_1 {offsets = [0], sizes = [1], strides = [1]} : vector<16xi32> to vector<1xi32>
    %squeeze3A = vector.extract %slice3A[0] : i32 from vector<1xi32>
    %mul3A = arith.constant 2 : i32
    %mul3A_2 = arith.muli %arg1, %mul3A : i32
    %add3A = arith.addi %mul3A_2, %arg0 : i32
    %mul3A_3 = arith.constant 512 : i32
    %mul3A_4 = arith.muli %add3A, %mul3A_3 : i32
    "tpu.region"() ({
      %run_scoped3A = tpu.sem_alloc : memref<!tpu.dma_semaphore, #tpu.memory_space<semaphore_mem>>
      tpu.enqueue_dma source(%arg8 : memref<16xi32, #tpu.memory_space<hbm>>) target(%arg28 : memref<16xi32, #tpu.memory_space<vmem>>) target_semaphore(%run_scoped3A : memref<!tpu.dma_semaphore, #tpu.memory_space<semaphore_mem>>)
      tpu.wait_dma2 semaphore(%run_scoped3A : memref<!tpu.dma_semaphore, #tpu.memory_space<semaphore_mem>>) src(%arg8 : memref<16xi32, #tpu.memory_space<hbm>>) dst(%arg28 : memref<16xi32, #tpu.memory_space<vmem>>)
      tpu.yield
    }) : () -> ()
    %get3A_5 = arith.constant 0 : index
    %get3A_6 = tpu.vector_load %arg28[%get3A_5] {strides = array<i32>} : memref<16xi32, #tpu.memory_space<vmem>>, vector<16xi32>,
    %get3A_7 = vector.shape_cast %get3A_6 : vector<16xi32> to vector<16xi32>
    %iota3A = tpu.iota {dimensions = array<i32: 0>} : vector<16xi32>
    %add3A_8 = arith.constant 0 : i32
    %add3A_9 = arith.addi %mul3A_4, %add3A_8 : i32
    %add3A_10 = vector.broadcast %add3A_9 : i32 to vector<16xi32>
    %add3A_11 = arith.addi %get3A_7, %add3A_10 : vector<16xi32>
    %add3A_12 = arith.addi %add3A_11, %iota3A : vector<16xi32>
    %and3A = arith.constant 131071 : i32
    %and3A_13 = vector.broadcast %and3A : i32 to vector<16xi32>
    %and3A_14 = arith.andi %add3A_12, %and3A_13 : vector<16xi32>
    %swap3A = arith.constant 0 : i32
    %swap3A_15 = arith.index_cast %swap3A : i32 to index
    %swap3A_16 = arith.constant 0 : index
    %swap3A_17 = tpu.vector_load %arg27[%swap3A_15, %swap3A_16] {strides = array<i32>} : memref<4x128xi32, #tpu.memory_space<vmem>>, vector<1x16xi32>,
    %swap3A_18 = vector.shape_cast %swap3A_17 : vector<1x16xi32> to vector<16xi32>
    %swap3A_19 = vector.shape_cast %and3A_14 : vector<16xi32> to vector<1x16xi32>
    tpu.vector_store %arg27[%swap3A_15, %swap3A_16], %swap3A_19 {strides = array<i32>} : memref<4x128xi32, #tpu.memory_space<vmem>>, vector<1x16xi32>,
    %add3A_20 = arith.constant 16 : i32
    %add3A_21 = arith.addi %mul3A_4, %add3A_20 : i32
    %add3A_22 = vector.broadcast %add3A_21 : i32 to vector<16xi32>
    %add3A_23 = arith.addi %get3A_7, %add3A_22 : vector<16xi32>
    %add3A_24 = arith.addi %add3A_23, %iota3A : vector<16xi32>
    %and3A_25 = arith.constant 131071 : i32
    %and3A_26 = vector.broadcast %and3A_25 : i32 to vector<16xi32>
    %and3A_27 = arith.andi %add3A_24, %and3A_26 : vector<16xi32>
    %swap3A_28 = arith.constant 0 : i32
    %swap3A_29 = arith.index_cast %swap3A_28 : i32 to index
    %swap3A_30 = arith.constant 16 : index
    %swap3A_31 = tpu.vector_load %arg27[%swap3A_29, %swap3A_30] {strides = array<i32>} : memref<4x128xi32, #tpu.memory_space<vmem>>, vector<1x16xi32>,
    %swap3A_32 = vector.shape_cast %swap3A_31 : vector<1x16xi32> to vector<16xi32>
    %swap3A_33 = vector.shape_cast %and3A_27 : vector<16xi32> to vector<1x16xi32>
    tpu.vector_store %arg27[%swap3A_29, %swap3A_30], %swap3A_33 {strides = array<i32>} : memref<4x128xi32, #tpu.memory_space<vmem>>, vector<1x16xi32>,
    %add3A_34 = arith.constant 32 : i32
    %add3A_35 = arith.addi %mul3A_4, %add3A_34 : i32
    %add3A_36 = vector.broadcast %add3A_35 : i32 to vector<16xi32>
    %add3A_37 = arith.addi %get3A_7, %add3A_36 : vector<16xi32>
    %add3A_38 = arith.addi %add3A_37, %iota3A : vector<16xi32>
    %and3A_39 = arith.constant 131071 : i32
    %and3A_40 = vector.broadcast %and3A_39 : i32 to vector<16xi32>
    %and3A_41 = arith.andi %add3A_38, %and3A_40 : vector<16xi32>
    %swap3A_42 = arith.constant 0 : i32
    %swap3A_43 = arith.index_cast %swap3A_42 : i32 to index
    %swap3A_44 = arith.constant 32 : index
    %swap3A_45 = tpu.vector_load %arg27[%swap3A_43, %swap3A_44] {strides = array<i32>} : memref<4x128xi32, #tpu.memory_space<vmem>>, vector<1x16xi32>,
    %swap3A_46 = vector.shape_cast %swap3A_45 : vector<1x16xi32> to vector<16xi32>
    %swap3A_47 = vector.shape_cast %and3A_41 : vector<16xi32> to vector<1x16xi32>
    tpu.vector_store %arg27[%swap3A_43, %swap3A_44], %swap3A_47 {strides = array<i32>} : memref<4x128xi32, #tpu.memory_space<vmem>>, vector<1x16xi32>,
    %add3A_48 = arith.constant 48 : i32
    %add3A_49 = arith.addi %mul3A_4, %add3A_48 : i32
    %add3A_50 = vector.broadcast %add3A_49 : i32 to vector<16xi32>
    %add3A_51 = arith.addi %get3A_7, %add3A_50 : vector<16xi32>
    %add3A_52 = arith.addi %add3A_51, %iota3A : vector<16xi32>
    %and3A_53 = arith.constant 131071 : i32
    %and3A_54 = vector.broadcast %and3A_53 : i32 to vector<16xi32>
    %and3A_55 = arith.andi %add3A_52, %and3A_54 : vector<16xi32>
    %swap3A_56 = arith.constant 0 : i32
    %swap3A_57 = arith.index_cast %swap3A_56 : i32 to index
    %swap3A_58 = arith.constant 48 : index
    %swap3A_59 = tpu.vector_load %arg27[%swap3A_57, %swap3A_58] {strides = array<i32>} : memref<4x128xi32, #tpu.memory_space<vmem>>, vector<1x16xi32>,
    %swap3A_60 = vector.shape_cast %swap3A_59 : vector<1x16xi32> to vector<16xi32>
    %swap3A_61 = vector.shape_cast %and3A_55 : vector<16xi32> to vector<1x16xi32>
    tpu.vector_store %arg27[%swap3A_57, %swap3A_58], %swap3A_61 {strides = array<i32>} : memref<4x128xi32, #tpu.memory_space<vmem>>, vector<1x16xi32>,
    %add3A_62 = arith.constant 64 : i32
    %add3A_63 = arith.addi %mul3A_4, %add3A_62 : i32
    %add3A_64 = vector.broadcast %add3A_63 : i32 to vector<16xi32>
    %add3A_65 = arith.addi %get3A_7, %add3A_64 : vector<16xi32>
    %add3A_66 = arith.addi %add3A_65, %iota3A : vector<16xi32>
    %and3A_67 = arith.constant 131071 : i32
    %and3A_68 = vector.broadcast %and3A_67 : i32 to vector<16xi32>
    %and3A_69 = arith.andi %add3A_66, %and3A_68 : vector<16xi32>
    %swap3A_70 = arith.constant 0 : i32
    %swap3A_71 = arith.index_cast %swap3A_70 : i32 to index
    %swap3A_72 = arith.constant 64 : index
    %swap3A_73 = tpu.vector_load %arg27[%swap3A_71, %swap3A_72] {strides = array<i32>} : memref<4x128xi32, #tpu.memory_space<vmem>>, vector<1x16xi32>,
    %swap3A_74 = vector.shape_cast %swap3A_73 : vector<1x16xi32> to vector<16xi32>
    %swap3A_75 = vector.shape_cast %and3A_69 : vector<16xi32> to vector<1x16xi32>
    tpu.vector_store %arg27[%swap3A_71, %swap3A_72], %swap3A_75 {strides = array<i32>} : memref<4x128xi32, #tpu.memory_space<vmem>>, vector<1x16xi32>,
    %add3A_76 = arith.constant 80 : i32
    %add3A_77 = arith.addi %mul3A_4, %add3A_76 : i32
    %add3A_78 = vector.broadcast %add3A_77 : i32 to vector<16xi32>
    %add3A_79 = arith.addi %get3A_7, %add3A_78 : vector<16xi32>
    %add3A_80 = arith.addi %add3A_79, %iota3A : vector<16xi32>
    %and3A_81 = arith.constant 131071 : i32
    %and3A_82 = vector.broadcast %and3A_81 : i32 to vector<16xi32>
    %and3A_83 = arith.andi %add3A_80, %and3A_82 : vector<16xi32>
    %swap3A_84 = arith.constant 0 : i32
    %swap3A_85 = arith.index_cast %swap3A_84 : i32 to index
    %swap3A_86 = arith.constant 80 : index
    %swap3A_87 = tpu.vector_load %arg27[%swap3A_85, %swap3A_86] {strides = array<i32>} : memref<4x128xi32, #tpu.memory_space<vmem>>, vector<1x16xi32>,
    %swap3A_88 = vector.shape_cast %swap3A_87 : vector<1x16xi32> to vector<16xi32>
    %swap3A_89 = vector.shape_cast %and3A_83 : vector<16xi32> to vector<1x16xi32>
    tpu.vector_store %arg27[%swap3A_85, %swap3A_86], %swap3A_89 {strides = array<i32>} : memref<4x128xi32, #tpu.memory_space<vmem>>, vector<1x16xi32>,
    %add3A_90 = arith.constant 96 : i32
    %add3A_91 = arith.addi %mul3A_4, %add3A_90 : i32
    %add3A_92 = vector.broadcast %add3A_91 : i32 to vector<16xi32>
    %add3A_93 = arith.addi %get3A_7, %add3A_92 : vector<16xi32>
    %add3A_94 = arith.addi %add3A_93, %iota3A : vector<16xi32>
    %and3A_95 = arith.constant 131071 : i32
    %and3A_96 = vector.broadcast %and3A_95 : i32 to vector<16xi32>
    %and3A_97 = arith.andi %add3A_94, %and3A_96 : vector<16xi32>
    %swap3A_98 = arith.constant 0 : i32
    %swap3A_99 = arith.index_cast %swap3A_98 : i32 to index
    %swap3A_100 = arith.constant 96 : index
    %swap3A_101 = tpu.vector_load %arg27[%swap3A_99, %swap3A_100] {strides = array<i32>} : memref<4x128xi32, #tpu.memory_space<vmem>>, vector<1x16xi32>,
    %swap3A_102 = vector.shape_cast %swap3A_101 : vector<1x16xi32> to vector<16xi32>
    %swap3A_103 = vector.shape_cast %and3A_97 : vector<16xi32> to vector<1x16xi32>
    tpu.vector_store %arg27[%swap3A_99, %swap3A_100], %swap3A_103 {strides = array<i32>} : memref<4x128xi32, #tpu.memory_space<vmem>>, vector<1x16xi32>,
    %add3A_104 = arith.constant 112 : i32
    %add3A_105 = arith.addi %mul3A_4, %add3A_104 : i32
    %add3A_106 = vector.broadcast %add3A_105 : i32 to vector<16xi32>
    %add3A_107 = arith.addi %get3A_7, %add3A_106 : vector<16xi32>
    %add3A_108 = arith.addi %add3A_107, %iota3A : vector<16xi32>
    %and3A_109 = arith.constant 131071 : i32
    %and3A_110 = vector.broadcast %and3A_109 : i32 to vector<16xi32>
    %and3A_111 = arith.andi %add3A_108, %and3A_110 : vector<16xi32>
    %swap3A_112 = arith.constant 0 : i32
    %swap3A_113 = arith.index_cast %swap3A_112 : i32 to index
    %swap3A_114 = arith.constant 112 : index
    %swap3A_115 = tpu.vector_load %arg27[%swap3A_113, %swap3A_114] {strides = array<i32>} : memref<4x128xi32, #tpu.memory_space<vmem>>, vector<1x16xi32>,
    %swap3A_116 = vector.shape_cast %swap3A_115 : vector<1x16xi32> to vector<16xi32>
    %swap3A_117 = vector.shape_cast %and3A_111 : vector<16xi32> to vector<1x16xi32>
    tpu.vector_store %arg27[%swap3A_113, %swap3A_114], %swap3A_117 {strides = array<i32>} : memref<4x128xi32, #tpu.memory_space<vmem>>, vector<1x16xi32>,
    %add3A_118 = arith.constant 128 : i32
    %add3A_119 = arith.addi %mul3A_4, %add3A_118 : i32
    %add3A_120 = vector.broadcast %add3A_119 : i32 to vector<16xi32>
    %add3A_121 = arith.addi %get3A_7, %add3A_120 : vector<16xi32>
    %add3A_122 = arith.addi %add3A_121, %iota3A : vector<16xi32>
    %and3A_123 = arith.constant 131071 : i32
    %and3A_124 = vector.broadcast %and3A_123 : i32 to vector<16xi32>
    %and3A_125 = arith.andi %add3A_122, %and3A_124 : vector<16xi32>
    %swap3A_126 = arith.constant 1 : i32
    %swap3A_127 = arith.index_cast %swap3A_126 : i32 to index
    %swap3A_128 = arith.constant 0 : index
    %swap3A_129 = tpu.vector_load %arg27[%swap3A_127, %swap3A_128] {strides = array<i32>} : memref<4x128xi32, #tpu.memory_space<vmem>>, vector<1x16xi32>,
    %swap3A_130 = vector.shape_cast %swap3A_129 : vector<1x16xi32> to vector<16xi32>
    %swap3A_131 = vector.shape_cast %and3A_125 : vector<16xi32> to vector<1x16xi32>
    tpu.vector_store %arg27[%swap3A_127, %swap3A_128], %swap3A_131 {strides = array<i32>} : memref<4x128xi32, #tpu.memory_space<vmem>>, vector<1x16xi32>,
    %add3A_132 = arith.constant 144 : i32
    %add3A_133 = arith.addi %mul3A_4, %add3A_132 : i32
    %add3A_134 = vector.broadcast %add3A_133 : i32 to vector<16xi32>
    %add3A_135 = arith.addi %get3A_7, %add3A_134 : vector<16xi32>
    %add3A_136 = arith.addi %add3A_135, %iota3A : vector<16xi32>
    %and3A_137 = arith.constant 131071 : i32
    %and3A_138 = vector.broadcast %and3A_137 : i32 to vector<16xi32>
    %and3A_139 = arith.andi %add3A_136, %and3A_138 : vector<16xi32>
    %swap3A_140 = arith.constant 1 : i32
    %swap3A_141 = arith.index_cast %swap3A_140 : i32 to index
    %swap3A_142 = arith.constant 16 : index
    %swap3A_143 = tpu.vector_load %arg27[%swap3A_141, %swap3A_142] {strides = array<i32>} : memref<4x128xi32, #tpu.memory_space<vmem>>, vector<1x16xi32>,
    %swap3A_144 = vector.shape_cast %swap3A_143 : vector<1x16xi32> to vector<16xi32>
    %swap3A_145 = vector.shape_cast %and3A_139 : vector<16xi32> to vector<1x16xi32>
    tpu.vector_store %arg27[%swap3A_141, %swap3A_142], %swap3A_145 {strides = array<i32>} : memref<4x128xi32, #tpu.memory_space<vmem>>, vector<1x16xi32>,
    %add3A_146 = arith.constant 160 : i32
    %add3A_147 = arith.addi %mul3A_4, %add3A_146 : i32
    %add3A_148 = vector.broadcast %add3A_147 : i32 to vector<16xi32>
    %add3A_149 = arith.addi %get3A_7, %add3A_148 : vector<16xi32>
    %add3A_150 = arith.addi %add3A_149, %iota3A : vector<16xi32>
    %and3A_151 = arith.constant 131071 : i32
    %and3A_152 = vector.broadcast %and3A_151 : i32 to vector<16xi32>
    %and3A_153 = arith.andi %add3A_150, %and3A_152 : vector<16xi32>
    %swap3A_154 = arith.constant 1 : i32
    %swap3A_155 = arith.index_cast %swap3A_154 : i32 to index
    %swap3A_156 = arith.constant 32 : index
    %swap3A_157 = tpu.vector_load %arg27[%swap3A_155, %swap3A_156] {strides = array<i32>} : memref<4x128xi32, #tpu.memory_space<vmem>>, vector<1x16xi32>,
    %swap3A_158 = vector.shape_cast %swap3A_157 : vector<1x16xi32> to vector<16xi32>
    %swap3A_159 = vector.shape_cast %and3A_153 : vector<16xi32> to vector<1x16xi32>
    tpu.vector_store %arg27[%swap3A_155, %swap3A_156], %swap3A_159 {strides = array<i32>} : memref<4x128xi32, #tpu.memory_space<vmem>>, vector<1x16xi32>,
    %add3A_160 = arith.constant 176 : i32
    %add3A_161 = arith.addi %mul3A_4, %add3A_160 : i32
    %add3A_162 = vector.broadcast %add3A_161 : i32 to vector<16xi32>
    %add3A_163 = arith.addi %get3A_7, %add3A_162 : vector<16xi32>
    %add3A_164 = arith.addi %add3A_163, %iota3A : vector<16xi32>
    %and3A_165 = arith.constant 131071 : i32
    %and3A_166 = vector.broadcast %and3A_165 : i32 to vector<16xi32>
    %and3A_167 = arith.andi %add3A_164, %and3A_166 : vector<16xi32>
    %swap3A_168 = arith.constant 1 : i32
    %swap3A_169 = arith.index_cast %swap3A_168 : i32 to index
    %swap3A_170 = arith.constant 48 : index
    %swap3A_171 = tpu.vector_load %arg27[%swap3A_169, %swap3A_170] {strides = array<i32>} : memref<4x128xi32, #tpu.memory_space<vmem>>, vector<1x16xi32>,
    %swap3A_172 = vector.shape_cast %swap3A_171 : vector<1x16xi32> to vector<16xi32>
    %swap3A_173 = vector.shape_cast %and3A_167 : vector<16xi32> to vector<1x16xi32>
    tpu.vector_store %arg27[%swap3A_169, %swap3A_170], %swap3A_173 {strides = array<i32>} : memref<4x128xi32, #tpu.memory_space<vmem>>, vector<1x16xi32>,
    %add3A_174 = arith.constant 192 : i32
    %add3A_175 = arith.addi %mul3A_4, %add3A_174 : i32
    %add3A_176 = vector.broadcast %add3A_175 : i32 to vector<16xi32>
    %add3A_177 = arith.addi %get3A_7, %add3A_176 : vector<16xi32>
    %add3A_178 = arith.addi %add3A_177, %iota3A : vector<16xi32>
    %and3A_179 = arith.constant 131071 : i32
    %and3A_180 = vector.broadcast %and3A_179 : i32 to vector<16xi32>
    %and3A_181 = arith.andi %add3A_178, %and3A_180 : vector<16xi32>
    %swap3A_182 = arith.constant 1 : i32
    %swap3A_183 = arith.index_cast %swap3A_182 : i32 to index
    %swap3A_184 = arith.constant 64 : index
    %swap3A_185 = tpu.vector_load %arg27[%swap3A_183, %swap3A_184] {strides = array<i32>} : memref<4x128xi32, #tpu.memory_space<vmem>>, vector<1x16xi32>,
    %swap3A_186 = vector.shape_cast %swap3A_185 : vector<1x16xi32> to vector<16xi32>
    %swap3A_187 = vector.shape_cast %and3A_181 : vector<16xi32> to vector<1x16xi32>
    tpu.vector_store %arg27[%swap3A_183, %swap3A_184], %swap3A_187 {strides = array<i32>} : memref<4x128xi32, #tpu.memory_space<vmem>>, vector<1x16xi32>,
    %add3A_188 = arith.constant 208 : i32
    %add3A_189 = arith.addi %mul3A_4, %add3A_188 : i32
    %add3A_190 = vector.broadcast %add3A_189 : i32 to vector<16xi32>
    %add3A_191 = arith.addi %get3A_7, %add3A_190 : vector<16xi32>
    %add3A_192 = arith.addi %add3A_191, %iota3A : vector<16xi32>
    %and3A_193 = arith.constant 131071 : i32
    %and3A_194 = vector.broadcast %and3A_193 : i32 to vector<16xi32>
    %and3A_195 = arith.andi %add3A_192, %and3A_194 : vector<16xi32>
    %swap3A_196 = arith.constant 1 : i32
    %swap3A_197 = arith.index_cast %swap3A_196 : i32 to index
    %swap3A_198 = arith.constant 80 : index
    %swap3A_199 = tpu.vector_load %arg27[%swap3A_197, %swap3A_198] {strides = array<i32>} : memref<4x128xi32, #tpu.memory_space<vmem>>, vector<1x16xi32>,
    %swap3A_200 = vector.shape_cast %swap3A_199 : vector<1x16xi32> to vector<16xi32>
    %swap3A_201 = vector.shape_cast %and3A_195 : vector<16xi32> to vector<1x16xi32>
    tpu.vector_store %arg27[%swap3A_197, %swap3A_198], %swap3A_201 {strides = array<i32>} : memref<4x128xi32, #tpu.memory_space<vmem>>, vector<1x16xi32>,
    %add3A_202 = arith.constant 224 : i32
    %add3A_203 = arith.addi %mul3A_4, %add3A_202 : i32
    %add3A_204 = vector.broadcast %add3A_203 : i32 to vector<16xi32>
    %add3A_205 = arith.addi %get3A_7, %add3A_204 : vector<16xi32>
    %add3A_206 = arith.addi %add3A_205, %iota3A : vector<16xi32>
    %and3A_207 = arith.constant 131071 : i32
    %and3A_208 = vector.broadcast %and3A_207 : i32 to vector<16xi32>
    %and3A_209 = arith.andi %add3A_206, %and3A_208 : vector<16xi32>
    %swap3A_210 = arith.constant 1 : i32
    %swap3A_211 = arith.index_cast %swap3A_210 : i32 to index
    %swap3A_212 = arith.constant 96 : index
    %swap3A_213 = tpu.vector_load %arg27[%swap3A_211, %swap3A_212] {strides = array<i32>} : memref<4x128xi32, #tpu.memory_space<vmem>>, vector<1x16xi32>,
    %swap3A_214 = vector.shape_cast %swap3A_213 : vector<1x16xi32> to vector<16xi32>
    %swap3A_215 = vector.shape_cast %and3A_209 : vector<16xi32> to vector<1x16xi32>
    tpu.vector_store %arg27[%swap3A_211, %swap3A_212], %swap3A_215 {strides = array<i32>} : memref<4x128xi32, #tpu.memory_space<vmem>>, vector<1x16xi32>,
    %add3A_216 = arith.constant 240 : i32
    %add3A_217 = arith.addi %mul3A_4, %add3A_216 : i32
    %add3A_218 = vector.broadcast %add3A_217 : i32 to vector<16xi32>
    %add3A_219 = arith.addi %get3A_7, %add3A_218 : vector<16xi32>
    %add3A_220 = arith.addi %add3A_219, %iota3A : vector<16xi32>
    %and3A_221 = arith.constant 131071 : i32
    %and3A_222 = vector.broadcast %and3A_221 : i32 to vector<16xi32>
    %and3A_223 = arith.andi %add3A_220, %and3A_222 : vector<16xi32>
    %swap3A_224 = arith.constant 1 : i32
    %swap3A_225 = arith.index_cast %swap3A_224 : i32 to index
    %swap3A_226 = arith.constant 112 : index
    %swap3A_227 = tpu.vector_load %arg27[%swap3A_225, %swap3A_226] {strides = array<i32>} : memref<4x128xi32, #tpu.memory_space<vmem>>, vector<1x16xi32>,
    %swap3A_228 = vector.shape_cast %swap3A_227 : vector<1x16xi32> to vector<16xi32>
    %swap3A_229 = vector.shape_cast %and3A_223 : vector<16xi32> to vector<1x16xi32>
    tpu.vector_store %arg27[%swap3A_225, %swap3A_226], %swap3A_229 {strides = array<i32>} : memref<4x128xi32, #tpu.memory_space<vmem>>, vector<1x16xi32>,
    %add3A_230 = arith.constant 256 : i32
    %add3A_231 = arith.addi %mul3A_4, %add3A_230 : i32
    %add3A_232 = vector.broadcast %add3A_231 : i32 to vector<16xi32>
    %add3A_233 = arith.addi %get3A_7, %add3A_232 : vector<16xi32>
    %add3A_234 = arith.addi %add3A_233, %iota3A : vector<16xi32>
    %and3A_235 = arith.constant 131071 : i32
    %and3A_236 = vector.broadcast %and3A_235 : i32 to vector<16xi32>
    %and3A_237 = arith.andi %add3A_234, %and3A_236 : vector<16xi32>
    %swap3A_238 = arith.constant 2 : i32
    %swap3A_239 = arith.index_cast %swap3A_238 : i32 to index
    %swap3A_240 = arith.constant 0 : index
    %swap3A_241 = tpu.vector_load %arg27[%swap3A_239, %swap3A_240] {strides = array<i32>} : memref<4x128xi32, #tpu.memory_space<vmem>>, vector<1x16xi32>,
    %swap3A_242 = vector.shape_cast %swap3A_241 : vector<1x16xi32> to vector<16xi32>
    %swap3A_243 = vector.shape_cast %and3A_237 : vector<16xi32> to vector<1x16xi32>
    tpu.vector_store %arg27[%swap3A_239, %swap3A_240], %swap3A_243 {strides = array<i32>} : memref<4x128xi32, #tpu.memory_space<vmem>>, vector<1x16xi32>,
    %add3A_244 = arith.constant 272 : i32
    %add3A_245 = arith.addi %mul3A_4, %add3A_244 : i32
    %add3A_246 = vector.broadcast %add3A_245 : i32 to vector<16xi32>
    %add3A_247 = arith.addi %get3A_7, %add3A_246 : vector<16xi32>
    %add3A_248 = arith.addi %add3A_247, %iota3A : vector<16xi32>
    %and3A_249 = arith.constant 131071 : i32
    %and3A_250 = vector.broadcast %and3A_249 : i32 to vector<16xi32>
    %and3A_251 = arith.andi %add3A_248, %and3A_250 : vector<16xi32>
    %swap3A_252 = arith.constant 2 : i32
    %swap3A_253 = arith.index_cast %swap3A_252 : i32 to index
    %swap3A_254 = arith.constant 16 : index
    %swap3A_255 = tpu.vector_load %arg27[%swap3A_253, %swap3A_254] {strides = array<i32>} : memref<4x128xi32, #tpu.memory_space<vmem>>, vector<1x16xi32>,
    %swap3A_256 = vector.shape_cast %swap3A_255 : vector<1x16xi32> to vector<16xi32>
    %swap3A_257 = vector.shape_cast %and3A_251 : vector<16xi32> to vector<1x16xi32>
    tpu.vector_store %arg27[%swap3A_253, %swap3A_254], %swap3A_257 {strides = array<i32>} : memref<4x128xi32, #tpu.memory_space<vmem>>, vector<1x16xi32>,
    %add3A_258 = arith.constant 288 : i32
    %add3A_259 = arith.addi %mul3A_4, %add3A_258 : i32
    %add3A_260 = vector.broadcast %add3A_259 : i32 to vector<16xi32>
    %add3A_261 = arith.addi %get3A_7, %add3A_260 : vector<16xi32>
    %add3A_262 = arith.addi %add3A_261, %iota3A : vector<16xi32>
    %and3A_263 = arith.constant 131071 : i32
    %and3A_264 = vector.broadcast %and3A_263 : i32 to vector<16xi32>
    %and3A_265 = arith.andi %add3A_262, %and3A_264 : vector<16xi32>
    %swap3A_266 = arith.constant 2 : i32
    %swap3A_267 = arith.index_cast %swap3A_266 : i32 to index
    %swap3A_268 = arith.constant 32 : index
    %swap3A_269 = tpu.vector_load %arg27[%swap3A_267, %swap3A_268] {strides = array<i32>} : memref<4x128xi32, #tpu.memory_space<vmem>>, vector<1x16xi32>,
    %swap3A_270 = vector.shape_cast %swap3A_269 : vector<1x16xi32> to vector<16xi32>
    %swap3A_271 = vector.shape_cast %and3A_265 : vector<16xi32> to vector<1x16xi32>
    tpu.vector_store %arg27[%swap3A_267, %swap3A_268], %swap3A_271 {strides = array<i32>} : memref<4x128xi32, #tpu.memory_space<vmem>>, vector<1x16xi32>,
    %add3A_272 = arith.constant 304 : i32
    %add3A_273 = arith.addi %mul3A_4, %add3A_272 : i32
    %add3A_274 = vector.broadcast %add3A_273 : i32 to vector<16xi32>
    %add3A_275 = arith.addi %get3A_7, %add3A_274 : vector<16xi32>
    %add3A_276 = arith.addi %add3A_275, %iota3A : vector<16xi32>
    %and3A_277 = arith.constant 131071 : i32
    %and3A_278 = vector.broadcast %and3A_277 : i32 to vector<16xi32>
    %and3A_279 = arith.andi %add3A_276, %and3A_278 : vector<16xi32>
    %swap3A_280 = arith.constant 2 : i32
    %swap3A_281 = arith.index_cast %swap3A_280 : i32 to index
    %swap3A_282 = arith.constant 48 : index
    %swap3A_283 = tpu.vector_load %arg27[%swap3A_281, %swap3A_282] {strides = array<i32>} : memref<4x128xi32, #tpu.memory_space<vmem>>, vector<1x16xi32>,
    %swap3A_284 = vector.shape_cast %swap3A_283 : vector<1x16xi32> to vector<16xi32>
    %swap3A_285 = vector.shape_cast %and3A_279 : vector<16xi32> to vector<1x16xi32>
    tpu.vector_store %arg27[%swap3A_281, %swap3A_282], %swap3A_285 {strides = array<i32>} : memref<4x128xi32, #tpu.memory_space<vmem>>, vector<1x16xi32>,
    %add3A_286 = arith.constant 320 : i32
    %add3A_287 = arith.addi %mul3A_4, %add3A_286 : i32
    %add3A_288 = vector.broadcast %add3A_287 : i32 to vector<16xi32>
    %add3A_289 = arith.addi %get3A_7, %add3A_288 : vector<16xi32>
    %add3A_290 = arith.addi %add3A_289, %iota3A : vector<16xi32>
    %and3A_291 = arith.constant 131071 : i32
    %and3A_292 = vector.broadcast %and3A_291 : i32 to vector<16xi32>
    %and3A_293 = arith.andi %add3A_290, %and3A_292 : vector<16xi32>
    %swap3A_294 = arith.constant 2 : i32
    %swap3A_295 = arith.index_cast %swap3A_294 : i32 to index
    %swap3A_296 = arith.constant 64 : index
    %swap3A_297 = tpu.vector_load %arg27[%swap3A_295, %swap3A_296] {strides = array<i32>} : memref<4x128xi32, #tpu.memory_space<vmem>>, vector<1x16xi32>,
    %swap3A_298 = vector.shape_cast %swap3A_297 : vector<1x16xi32> to vector<16xi32>
    %swap3A_299 = vector.shape_cast %and3A_293 : vector<16xi32> to vector<1x16xi32>
    tpu.vector_store %arg27[%swap3A_295, %swap3A_296], %swap3A_299 {strides = array<i32>} : memref<4x128xi32, #tpu.memory_space<vmem>>, vector<1x16xi32>,
    %add3A_300 = arith.constant 336 : i32
    %add3A_301 = arith.addi %mul3A_4, %add3A_300 : i32
    %add3A_302 = vector.broadcast %add3A_301 : i32 to vector<16xi32>
    %add3A_303 = arith.addi %get3A_7, %add3A_302 : vector<16xi32>
    %add3A_304 = arith.addi %add3A_303, %iota3A : vector<16xi32>
    %and3A_305 = arith.constant 131071 : i32
    %and3A_306 = vector.broadcast %and3A_305 : i32 to vector<16xi32>
    %and3A_307 = arith.andi %add3A_304, %and3A_306 : vector<16xi32>
    %swap3A_308 = arith.constant 2 : i32
    %swap3A_309 = arith.index_cast %swap3A_308 : i32 to index
    %swap3A_310 = arith.constant 80 : index
    %swap3A_311 = tpu.vector_load %arg27[%swap3A_309, %swap3A_310] {strides = array<i32>} : memref<4x128xi32, #tpu.memory_space<vmem>>, vector<1x16xi32>,
    %swap3A_312 = vector.shape_cast %swap3A_311 : vector<1x16xi32> to vector<16xi32>
    %swap3A_313 = vector.shape_cast %and3A_307 : vector<16xi32> to vector<1x16xi32>
    tpu.vector_store %arg27[%swap3A_309, %swap3A_310], %swap3A_313 {strides = array<i32>} : memref<4x128xi32, #tpu.memory_space<vmem>>, vector<1x16xi32>,
    %add3A_314 = arith.constant 352 : i32
    %add3A_315 = arith.addi %mul3A_4, %add3A_314 : i32
    %add3A_316 = vector.broadcast %add3A_315 : i32 to vector<16xi32>
    %add3A_317 = arith.addi %get3A_7, %add3A_316 : vector<16xi32>
    %add3A_318 = arith.addi %add3A_317, %iota3A : vector<16xi32>
    %and3A_319 = arith.constant 131071 : i32
    %and3A_320 = vector.broadcast %and3A_319 : i32 to vector<16xi32>
    %and3A_321 = arith.andi %add3A_318, %and3A_320 : vector<16xi32>
    %swap3A_322 = arith.constant 2 : i32
    %swap3A_323 = arith.index_cast %swap3A_322 : i32 to index
    %swap3A_324 = arith.constant 96 : index
    %swap3A_325 = tpu.vector_load %arg27[%swap3A_323, %swap3A_324] {strides = array<i32>} : memref<4x128xi32, #tpu.memory_space<vmem>>, vector<1x16xi32>,
    %swap3A_326 = vector.shape_cast %swap3A_325 : vector<1x16xi32> to vector<16xi32>
    %swap3A_327 = vector.shape_cast %and3A_321 : vector<16xi32> to vector<1x16xi32>
    tpu.vector_store %arg27[%swap3A_323, %swap3A_324], %swap3A_327 {strides = array<i32>} : memref<4x128xi32, #tpu.memory_space<vmem>>, vector<1x16xi32>,
    %add3A_328 = arith.constant 368 : i32
    %add3A_329 = arith.addi %mul3A_4, %add3A_328 : i32
    %add3A_330 = vector.broadcast %add3A_329 : i32 to vector<16xi32>
    %add3A_331 = arith.addi %get3A_7, %add3A_330 : vector<16xi32>
    %add3A_332 = arith.addi %add3A_331, %iota3A : vector<16xi32>
    %and3A_333 = arith.constant 131071 : i32
    %and3A_334 = vector.broadcast %and3A_333 : i32 to vector<16xi32>
    %and3A_335 = arith.andi %add3A_332, %and3A_334 : vector<16xi32>
    %swap3A_336 = arith.constant 2 : i32
    %swap3A_337 = arith.index_cast %swap3A_336 : i32 to index
    %swap3A_338 = arith.constant 112 : index
    %swap3A_339 = tpu.vector_load %arg27[%swap3A_337, %swap3A_338] {strides = array<i32>} : memref<4x128xi32, #tpu.memory_space<vmem>>, vector<1x16xi32>,
    %swap3A_340 = vector.shape_cast %swap3A_339 : vector<1x16xi32> to vector<16xi32>
    %swap3A_341 = vector.shape_cast %and3A_335 : vector<16xi32> to vector<1x16xi32>
    tpu.vector_store %arg27[%swap3A_337, %swap3A_338], %swap3A_341 {strides = array<i32>} : memref<4x128xi32, #tpu.memory_space<vmem>>, vector<1x16xi32>,
    %add3A_342 = arith.constant 384 : i32
    %add3A_343 = arith.addi %mul3A_4, %add3A_342 : i32
    %add3A_344 = vector.broadcast %add3A_343 : i32 to vector<16xi32>
    %add3A_345 = arith.addi %get3A_7, %add3A_344 : vector<16xi32>
    %add3A_346 = arith.addi %add3A_345, %iota3A : vector<16xi32>
    %and3A_347 = arith.constant 131071 : i32
    %and3A_348 = vector.broadcast %and3A_347 : i32 to vector<16xi32>
    %and3A_349 = arith.andi %add3A_346, %and3A_348 : vector<16xi32>
    %swap3A_350 = arith.constant 3 : i32
    %swap3A_351 = arith.index_cast %swap3A_350 : i32 to index
    %swap3A_352 = arith.constant 0 : index
    %swap3A_353 = tpu.vector_load %arg27[%swap3A_351, %swap3A_352] {strides = array<i32>} : memref<4x128xi32, #tpu.memory_space<vmem>>, vector<1x16xi32>,
    %swap3A_354 = vector.shape_cast %swap3A_353 : vector<1x16xi32> to vector<16xi32>
    %swap3A_355 = vector.shape_cast %and3A_349 : vector<16xi32> to vector<1x16xi32>
    tpu.vector_store %arg27[%swap3A_351, %swap3A_352], %swap3A_355 {strides = array<i32>} : memref<4x128xi32, #tpu.memory_space<vmem>>, vector<1x16xi32>,
    %add3A_356 = arith.constant 400 : i32
    %add3A_357 = arith.addi %mul3A_4, %add3A_356 : i32
    %add3A_358 = vector.broadcast %add3A_357 : i32 to vector<16xi32>
    %add3A_359 = arith.addi %get3A_7, %add3A_358 : vector<16xi32>
    %add3A_360 = arith.addi %add3A_359, %iota3A : vector<16xi32>
    %and3A_361 = arith.constant 131071 : i32
    %and3A_362 = vector.broadcast %and3A_361 : i32 to vector<16xi32>
    %and3A_363 = arith.andi %add3A_360, %and3A_362 : vector<16xi32>
    %swap3A_364 = arith.constant 3 : i32
    %swap3A_365 = arith.index_cast %swap3A_364 : i32 to index
    %swap3A_366 = arith.constant 16 : index
    %swap3A_367 = tpu.vector_load %arg27[%swap3A_365, %swap3A_366] {strides = array<i32>} : memref<4x128xi32, #tpu.memory_space<vmem>>, vector<1x16xi32>,
    %swap3A_368 = vector.shape_cast %swap3A_367 : vector<1x16xi32> to vector<16xi32>
    %swap3A_369 = vector.shape_cast %and3A_363 : vector<16xi32> to vector<1x16xi32>
    tpu.vector_store %arg27[%swap3A_365, %swap3A_366], %swap3A_369 {strides = array<i32>} : memref<4x128xi32, #tpu.memory_space<vmem>>, vector<1x16xi32>,
    %add3A_370 = arith.constant 416 : i32
    %add3A_371 = arith.addi %mul3A_4, %add3A_370 : i32
    %add3A_372 = vector.broadcast %add3A_371 : i32 to vector<16xi32>
    %add3A_373 = arith.addi %get3A_7, %add3A_372 : vector<16xi32>
    %add3A_374 = arith.addi %add3A_373, %iota3A : vector<16xi32>
    %and3A_375 = arith.constant 131071 : i32
    %and3A_376 = vector.broadcast %and3A_375 : i32 to vector<16xi32>
    %and3A_377 = arith.andi %add3A_374, %and3A_376 : vector<16xi32>
    %swap3A_378 = arith.constant 3 : i32
    %swap3A_379 = arith.index_cast %swap3A_378 : i32 to index
    %swap3A_380 = arith.constant 32 : index
    %swap3A_381 = tpu.vector_load %arg27[%swap3A_379, %swap3A_380] {strides = array<i32>} : memref<4x128xi32, #tpu.memory_space<vmem>>, vector<1x16xi32>,
    %swap3A_382 = vector.shape_cast %swap3A_381 : vector<1x16xi32> to vector<16xi32>
    %swap3A_383 = vector.shape_cast %and3A_377 : vector<16xi32> to vector<1x16xi32>
    tpu.vector_store %arg27[%swap3A_379, %swap3A_380], %swap3A_383 {strides = array<i32>} : memref<4x128xi32, #tpu.memory_space<vmem>>, vector<1x16xi32>,
    %add3A_384 = arith.constant 432 : i32
    %add3A_385 = arith.addi %mul3A_4, %add3A_384 : i32
    %add3A_386 = vector.broadcast %add3A_385 : i32 to vector<16xi32>
    %add3A_387 = arith.addi %get3A_7, %add3A_386 : vector<16xi32>
    %add3A_388 = arith.addi %add3A_387, %iota3A : vector<16xi32>
    %and3A_389 = arith.constant 131071 : i32
    %and3A_390 = vector.broadcast %and3A_389 : i32 to vector<16xi32>
    %and3A_391 = arith.andi %add3A_388, %and3A_390 : vector<16xi32>
    %swap3A_392 = arith.constant 3 : i32
    %swap3A_393 = arith.index_cast %swap3A_392 : i32 to index
    %swap3A_394 = arith.constant 48 : index
    %swap3A_395 = tpu.vector_load %arg27[%swap3A_393, %swap3A_394] {strides = array<i32>} : memref<4x128xi32, #tpu.memory_space<vmem>>, vector<1x16xi32>,
    %swap3A_396 = vector.shape_cast %swap3A_395 : vector<1x16xi32> to vector<16xi32>
    %swap3A_397 = vector.shape_cast %and3A_391 : vector<16xi32> to vector<1x16xi32>
    tpu.vector_store %arg27[%swap3A_393, %swap3A_394], %swap3A_397 {strides = array<i32>} : memref<4x128xi32, #tpu.memory_space<vmem>>, vector<1x16xi32>,
    %add3A_398 = arith.constant 448 : i32
    %add3A_399 = arith.addi %mul3A_4, %add3A_398 : i32
    %add3A_400 = vector.broadcast %add3A_399 : i32 to vector<16xi32>
    %add3A_401 = arith.addi %get3A_7, %add3A_400 : vector<16xi32>
    %add3A_402 = arith.addi %add3A_401, %iota3A : vector<16xi32>
    %and3A_403 = arith.constant 131071 : i32
    %and3A_404 = vector.broadcast %and3A_403 : i32 to vector<16xi32>
    %and3A_405 = arith.andi %add3A_402, %and3A_404 : vector<16xi32>
    %swap3A_406 = arith.constant 3 : i32
    %swap3A_407 = arith.index_cast %swap3A_406 : i32 to index
    %swap3A_408 = arith.constant 64 : index
    %swap3A_409 = tpu.vector_load %arg27[%swap3A_407, %swap3A_408] {strides = array<i32>} : memref<4x128xi32, #tpu.memory_space<vmem>>, vector<1x16xi32>,
    %swap3A_410 = vector.shape_cast %swap3A_409 : vector<1x16xi32> to vector<16xi32>
    %swap3A_411 = vector.shape_cast %and3A_405 : vector<16xi32> to vector<1x16xi32>
    tpu.vector_store %arg27[%swap3A_407, %swap3A_408], %swap3A_411 {strides = array<i32>} : memref<4x128xi32, #tpu.memory_space<vmem>>, vector<1x16xi32>,
    %add3A_412 = arith.constant 464 : i32
    %add3A_413 = arith.addi %mul3A_4, %add3A_412 : i32
    %add3A_414 = vector.broadcast %add3A_413 : i32 to vector<16xi32>
    %add3A_415 = arith.addi %get3A_7, %add3A_414 : vector<16xi32>
    %add3A_416 = arith.addi %add3A_415, %iota3A : vector<16xi32>
    %and3A_417 = arith.constant 131071 : i32
    %and3A_418 = vector.broadcast %and3A_417 : i32 to vector<16xi32>
    %and3A_419 = arith.andi %add3A_416, %and3A_418 : vector<16xi32>
    %swap3A_420 = arith.constant 3 : i32
    %swap3A_421 = arith.index_cast %swap3A_420 : i32 to index
    %swap3A_422 = arith.constant 80 : index
    %swap3A_423 = tpu.vector_load %arg27[%swap3A_421, %swap3A_422] {strides = array<i32>} : memref<4x128xi32, #tpu.memory_space<vmem>>, vector<1x16xi32>,
    %swap3A_424 = vector.shape_cast %swap3A_423 : vector<1x16xi32> to vector<16xi32>
    %swap3A_425 = vector.shape_cast %and3A_419 : vector<16xi32> to vector<1x16xi32>
    tpu.vector_store %arg27[%swap3A_421, %swap3A_422], %swap3A_425 {strides = array<i32>} : memref<4x128xi32, #tpu.memory_space<vmem>>, vector<1x16xi32>,
    %add3A_426 = arith.constant 480 : i32
    %add3A_427 = arith.addi %mul3A_4, %add3A_426 : i32
    %add3A_428 = vector.broadcast %add3A_427 : i32 to vector<16xi32>
    %add3A_429 = arith.addi %get3A_7, %add3A_428 : vector<16xi32>
    %add3A_430 = arith.addi %add3A_429, %iota3A : vector<16xi32>
    %and3A_431 = arith.constant 131071 : i32
    %and3A_432 = vector.broadcast %and3A_431 : i32 to vector<16xi32>
    %and3A_433 = arith.andi %add3A_430, %and3A_432 : vector<16xi32>
    %swap3A_434 = arith.constant 3 : i32
    %swap3A_435 = arith.index_cast %swap3A_434 : i32 to index
    %swap3A_436 = arith.constant 96 : index
    %swap3A_437 = tpu.vector_load %arg27[%swap3A_435, %swap3A_436] {strides = array<i32>} : memref<4x128xi32, #tpu.memory_space<vmem>>, vector<1x16xi32>,
    %swap3A_438 = vector.shape_cast %swap3A_437 : vector<1x16xi32> to vector<16xi32>
    %swap3A_439 = vector.shape_cast %and3A_433 : vector<16xi32> to vector<1x16xi32>
    tpu.vector_store %arg27[%swap3A_435, %swap3A_436], %swap3A_439 {strides = array<i32>} : memref<4x128xi32, #tpu.memory_space<vmem>>, vector<1x16xi32>,
    %add3A_440 = arith.constant 496 : i32
    %add3A_441 = arith.addi %mul3A_4, %add3A_440 : i32
    %add3A_442 = vector.broadcast %add3A_441 : i32 to vector<16xi32>
    %add3A_443 = arith.addi %get3A_7, %add3A_442 : vector<16xi32>
    %add3A_444 = arith.addi %add3A_443, %iota3A : vector<16xi32>
    %and3A_445 = arith.constant 131071 : i32
    %and3A_446 = vector.broadcast %and3A_445 : i32 to vector<16xi32>
    %and3A_447 = arith.andi %add3A_444, %and3A_446 : vector<16xi32>
    %swap3A_448 = arith.constant 3 : i32
    %swap3A_449 = arith.index_cast %swap3A_448 : i32 to index
    %swap3A_450 = arith.constant 112 : index
    %swap3A_451 = tpu.vector_load %arg27[%swap3A_449, %swap3A_450] {strides = array<i32>} : memref<4x128xi32, #tpu.memory_space<vmem>>, vector<1x16xi32>,
    %swap3A_452 = vector.shape_cast %swap3A_451 : vector<1x16xi32> to vector<16xi32>
    %swap3A_453 = vector.shape_cast %and3A_447 : vector<16xi32> to vector<1x16xi32>
    tpu.vector_store %arg27[%swap3A_449, %swap3A_450], %swap3A_453 {strides = array<i32>} : memref<4x128xi32, #tpu.memory_space<vmem>>, vector<1x16xi32>,
    %add3A_454 = arith.constant 0 : i32
    %add3A_455 = arith.addi %mul3A_4, %add3A_454 : i32
    "tpu.region"() ({
      %run_scoped3A = tpu.sem_alloc : memref<!tpu.dma_semaphore, #tpu.memory_space<semaphore_mem>>
      %dma_start3A_2708 = arith.constant 0 : i32
      %dma_start3A_2709 = tpu.memref_slice %arg2[%add3A_455, %dma_start3A_2708] : memref<16384x128xf32, #tpu.memory_space<hbm>> -> memref<128x128xf32, #tpu.memory_space<hbm>>
      %dma_start3A_2710 = arith.constant 0 : i32
      %dma_start3A_2711 = tpu.memref_slice %arg2[%add3A_455, %dma_start3A_2710] : memref<16384x128xf32, #tpu.memory_space<hbm>> -> memref<128x128xf32, #tpu.memory_space<hbm>>
      tpu.enqueue_dma source(%dma_start3A_2711 : memref<128x128xf32, #tpu.memory_space<hbm>>) target(%arg22 : memref<128x128xf32, #tpu.memory_space<vmem>>) target_semaphore(%run_scoped3A : memref<!tpu.dma_semaphore, #tpu.memory_space<semaphore_mem>>)
      %dma_wait3A_2712 = arith.constant 0 : i32
      %dma_wait3A_2713 = tpu.memref_slice %arg2[%add3A_455, %dma_wait3A_2712] : memref<16384x128xf32, #tpu.memory_space<hbm>> -> memref<128x128xf32, #tpu.memory_space<hbm>>
      %dma_wait3A_2714 = arith.constant 0 : i32
      %dma_wait3A_2715 = tpu.memref_slice %arg2[%add3A_455, %dma_wait3A_2714] : memref<16384x128xf32, #tpu.memory_space<hbm>> -> memref<128x128xf32, #tpu.memory_space<hbm>>
      tpu.wait_dma2 semaphore(%run_scoped3A : memref<!tpu.dma_semaphore, #tpu.memory_space<semaphore_mem>>) src(%dma_wait3A_2715 : memref<128x128xf32, #tpu.memory_space<hbm>>) dst(%arg22 : memref<128x128xf32, #tpu.memory_space<vmem>>)
      tpu.yield
    }) : () -> ()
    %dma_start3A = arith.constant 0 : i32
    %dma_start3A_456 = arith.constant 0 : i32
    %dma_start3A_457 = tpu.memref_slice %arg27[%dma_start3A, %dma_start3A_456] : memref<4x128xi32, #tpu.memory_space<vmem>> -> memref<1x128xi32, #tpu.memory_space<vmem>>
    %dma_start3A_458 = tpu.memref_squeeze %dma_start3A_457 : memref<1x128xi32, #tpu.memory_space<vmem>> -> memref<128xi32, #tpu.memory_space<vmem>>
    %dma_start3A_459 = arith.constant 0 : i32
    %dma_start3A_460 = arith.constant 0 : i32
    %dma_start3A_461 = tpu.memref_slice %arg9[%dma_start3A_459, %dma_start3A_460] : memref<131072x128xf32, #tpu.memory_space<hbm>> -> memref<131072x128xf32, #tpu.memory_space<hbm>>
    tpu.enqueue_indirect_dma source(%arg22 : memref<128x128xf32, #tpu.memory_space<vmem>>) target(%dma_start3A_461 : memref<131072x128xf32, #tpu.memory_space<hbm>>) offsets(%dma_start3A_458 : memref<128xi32, #tpu.memory_space<vmem>>) semaphore(%arg29 : memref<!tpu.dma_semaphore, #tpu.memory_space<semaphore_mem>>)
    %dma_wait3A = arith.constant 0 : i32
    %dma_wait3A_462 = arith.constant 0 : i32
    %dma_wait3A_463 = tpu.memref_slice %arg27[%dma_wait3A, %dma_wait3A_462] : memref<4x128xi32, #tpu.memory_space<vmem>> -> memref<1x128xi32, #tpu.memory_space<vmem>>
    %dma_wait3A_464 = tpu.memref_squeeze %dma_wait3A_463 : memref<1x128xi32, #tpu.memory_space<vmem>> -> memref<128xi32, #tpu.memory_space<vmem>>
    %dma_wait3A_465 = arith.constant 0 : i32
    %dma_wait3A_466 = arith.constant 0 : i32
    %dma_wait3A_467 = tpu.memref_slice %arg9[%dma_wait3A_465, %dma_wait3A_466] : memref<131072x128xf32, #tpu.memory_space<hbm>> -> memref<131072x128xf32, #tpu.memory_space<hbm>>
    tpu.wait_indirect_dma semaphore(%arg29 : memref<!tpu.dma_semaphore, #tpu.memory_space<semaphore_mem>>) src(%arg22 : memref<128x128xf32, #tpu.memory_space<vmem>>) dst(%dma_wait3A_467 : memref<131072x128xf32, #tpu.memory_space<hbm>>)
    %add3A_468 = arith.constant 128 : i32
    %add3A_469 = arith.addi %mul3A_4, %add3A_468 : i32
    "tpu.region"() ({
      %run_scoped3A = tpu.sem_alloc : memref<!tpu.dma_semaphore, #tpu.memory_space<semaphore_mem>>
      %dma_start3A_2708 = arith.constant 0 : i32
      %dma_start3A_2709 = tpu.memref_slice %arg2[%add3A_469, %dma_start3A_2708] : memref<16384x128xf32, #tpu.memory_space<hbm>> -> memref<128x128xf32, #tpu.memory_space<hbm>>
      %dma_start3A_2710 = arith.constant 0 : i32
      %dma_start3A_2711 = tpu.memref_slice %arg2[%add3A_469, %dma_start3A_2710] : memref<16384x128xf32, #tpu.memory_space<hbm>> -> memref<128x128xf32, #tpu.memory_space<hbm>>
      tpu.enqueue_dma source(%dma_start3A_2711 : memref<128x128xf32, #tpu.memory_space<hbm>>) target(%arg22 : memref<128x128xf32, #tpu.memory_space<vmem>>) target_semaphore(%run_scoped3A : memref<!tpu.dma_semaphore, #tpu.memory_space<semaphore_mem>>)
      %dma_wait3A_2712 = arith.constant 0 : i32
      %dma_wait3A_2713 = tpu.memref_slice %arg2[%add3A_469, %dma_wait3A_2712] : memref<16384x128xf32, #tpu.memory_space<hbm>> -> memref<128x128xf32, #tpu.memory_space<hbm>>
      %dma_wait3A_2714 = arith.constant 0 : i32
      %dma_wait3A_2715 = tpu.memref_slice %arg2[%add3A_469, %dma_wait3A_2714] : memref<16384x128xf32, #tpu.memory_space<hbm>> -> memref<128x128xf32, #tpu.memory_space<hbm>>
      tpu.wait_dma2 semaphore(%run_scoped3A : memref<!tpu.dma_semaphore, #tpu.memory_space<semaphore_mem>>) src(%dma_wait3A_2715 : memref<128x128xf32, #tpu.memory_space<hbm>>) dst(%arg22 : memref<128x128xf32, #tpu.memory_space<vmem>>)
      tpu.yield
    }) : () -> ()
    %dma_start3A_470 = arith.constant 1 : i32
    %dma_start3A_471 = arith.constant 0 : i32
    %dma_start3A_472 = tpu.memref_slice %arg27[%dma_start3A_470, %dma_start3A_471] : memref<4x128xi32, #tpu.memory_space<vmem>> -> memref<1x128xi32, #tpu.memory_space<vmem>>
    %dma_start3A_473 = tpu.memref_squeeze %dma_start3A_472 : memref<1x128xi32, #tpu.memory_space<vmem>> -> memref<128xi32, #tpu.memory_space<vmem>>
    %dma_start3A_474 = arith.constant 0 : i32
    %dma_start3A_475 = arith.constant 0 : i32
    %dma_start3A_476 = tpu.memref_slice %arg9[%dma_start3A_474, %dma_start3A_475] : memref<131072x128xf32, #tpu.memory_space<hbm>> -> memref<131072x128xf32, #tpu.memory_space<hbm>>
    tpu.enqueue_indirect_dma source(%arg22 : memref<128x128xf32, #tpu.memory_space<vmem>>) target(%dma_start3A_476 : memref<131072x128xf32, #tpu.memory_space<hbm>>) offsets(%dma_start3A_473 : memref<128xi32, #tpu.memory_space<vmem>>) semaphore(%arg29 : memref<!tpu.dma_semaphore, #tpu.memory_space<semaphore_mem>>)
    %dma_wait3A_477 = arith.constant 1 : i32
    %dma_wait3A_478 = arith.constant 0 : i32
    %dma_wait3A_479 = tpu.memref_slice %arg27[%dma_wait3A_477, %dma_wait3A_478] : memref<4x128xi32, #tpu.memory_space<vmem>> -> memref<1x128xi32, #tpu.memory_space<vmem>>
    %dma_wait3A_480 = tpu.memref_squeeze %dma_wait3A_479 : memref<1x128xi32, #tpu.memory_space<vmem>> -> memref<128xi32, #tpu.memory_space<vmem>>
    %dma_wait3A_481 = arith.constant 0 : i32
    %dma_wait3A_482 = arith.constant 0 : i32
    %dma_wait3A_483 = tpu.memref_slice %arg9[%dma_wait3A_481, %dma_wait3A_482] : memref<131072x128xf32, #tpu.memory_space<hbm>> -> memref<131072x128xf32, #tpu.memory_space<hbm>>
    tpu.wait_indirect_dma semaphore(%arg29 : memref<!tpu.dma_semaphore, #tpu.memory_space<semaphore_mem>>) src(%arg22 : memref<128x128xf32, #tpu.memory_space<vmem>>) dst(%dma_wait3A_483 : memref<131072x128xf32, #tpu.memory_space<hbm>>)
    %add3A_484 = arith.constant 256 : i32
    %add3A_485 = arith.addi %mul3A_4, %add3A_484 : i32
    "tpu.region"() ({
      %run_scoped3A = tpu.sem_alloc : memref<!tpu.dma_semaphore, #tpu.memory_space<semaphore_mem>>
      %dma_start3A_2708 = arith.constant 0 : i32
      %dma_start3A_2709 = tpu.memref_slice %arg2[%add3A_485, %dma_start3A_2708] : memref<16384x128xf32, #tpu.memory_space<hbm>> -> memref<128x128xf32, #tpu.memory_space<hbm>>
      %dma_start3A_2710 = arith.constant 0 : i32
      %dma_start3A_2711 = tpu.memref_slice %arg2[%add3A_485, %dma_start3A_2710] : memref<16384x128xf32, #tpu.memory_space<hbm>> -> memref<128x128xf32, #tpu.memory_space<hbm>>
      tpu.enqueue_dma source(%dma_start3A_2711 : memref<128x128xf32, #tpu.memory_space<hbm>>) target(%arg22 : memref<128x128xf32, #tpu.memory_space<vmem>>) target_semaphore(%run_scoped3A : memref<!tpu.dma_semaphore, #tpu.memory_space<semaphore_mem>>)
      %dma_wait3A_2712 = arith.constant 0 : i32
      %dma_wait3A_2713 = tpu.memref_slice %arg2[%add3A_485, %dma_wait3A_2712] : memref<16384x128xf32, #tpu.memory_space<hbm>> -> memref<128x128xf32, #tpu.memory_space<hbm>>
      %dma_wait3A_2714 = arith.constant 0 : i32
      %dma_wait3A_2715 = tpu.memref_slice %arg2[%add3A_485, %dma_wait3A_2714] : memref<16384x128xf32, #tpu.memory_space<hbm>> -> memref<128x128xf32, #tpu.memory_space<hbm>>
      tpu.wait_dma2 semaphore(%run_scoped3A : memref<!tpu.dma_semaphore, #tpu.memory_space<semaphore_mem>>) src(%dma_wait3A_2715 : memref<128x128xf32, #tpu.memory_space<hbm>>) dst(%arg22 : memref<128x128xf32, #tpu.memory_space<vmem>>)
      tpu.yield
    }) : () -> ()
    %dma_start3A_486 = arith.constant 2 : i32
    %dma_start3A_487 = arith.constant 0 : i32
    %dma_start3A_488 = tpu.memref_slice %arg27[%dma_start3A_486, %dma_start3A_487] : memref<4x128xi32, #tpu.memory_space<vmem>> -> memref<1x128xi32, #tpu.memory_space<vmem>>
    %dma_start3A_489 = tpu.memref_squeeze %dma_start3A_488 : memref<1x128xi32, #tpu.memory_space<vmem>> -> memref<128xi32, #tpu.memory_space<vmem>>
    %dma_start3A_490 = arith.constant 0 : i32
    %dma_start3A_491 = arith.constant 0 : i32
    %dma_start3A_492 = tpu.memref_slice %arg9[%dma_start3A_490, %dma_start3A_491] : memref<131072x128xf32, #tpu.memory_space<hbm>> -> memref<131072x128xf32, #tpu.memory_space<hbm>>
    tpu.enqueue_indirect_dma source(%arg22 : memref<128x128xf32, #tpu.memory_space<vmem>>) target(%dma_start3A_492 : memref<131072x128xf32, #tpu.memory_space<hbm>>) offsets(%dma_start3A_489 : memref<128xi32, #tpu.memory_space<vmem>>) semaphore(%arg29 : memref<!tpu.dma_semaphore, #tpu.memory_space<semaphore_mem>>)
    %dma_wait3A_493 = arith.constant 2 : i32
    %dma_wait3A_494 = arith.constant 0 : i32
    %dma_wait3A_495 = tpu.memref_slice %arg27[%dma_wait3A_493, %dma_wait3A_494] : memref<4x128xi32, #tpu.memory_space<vmem>> -> memref<1x128xi32, #tpu.memory_space<vmem>>
    %dma_wait3A_496 = tpu.memref_squeeze %dma_wait3A_495 : memref<1x128xi32, #tpu.memory_space<vmem>> -> memref<128xi32, #tpu.memory_space<vmem>>
    %dma_wait3A_497 = arith.constant 0 : i32
    %dma_wait3A_498 = arith.constant 0 : i32
    %dma_wait3A_499 = tpu.memref_slice %arg9[%dma_wait3A_497, %dma_wait3A_498] : memref<131072x128xf32, #tpu.memory_space<hbm>> -> memref<131072x128xf32, #tpu.memory_space<hbm>>
    tpu.wait_indirect_dma semaphore(%arg29 : memref<!tpu.dma_semaphore, #tpu.memory_space<semaphore_mem>>) src(%arg22 : memref<128x128xf32, #tpu.memory_space<vmem>>) dst(%dma_wait3A_499 : memref<131072x128xf32, #tpu.memory_space<hbm>>)
    %add3A_500 = arith.constant 384 : i32
    %add3A_501 = arith.addi %mul3A_4, %add3A_500 : i32
    "tpu.region"() ({
      %run_scoped3A = tpu.sem_alloc : memref<!tpu.dma_semaphore, #tpu.memory_space<semaphore_mem>>
      %dma_start3A_2708 = arith.constant 0 : i32
      %dma_start3A_2709 = tpu.memref_slice %arg2[%add3A_501, %dma_start3A_2708] : memref<16384x128xf32, #tpu.memory_space<hbm>> -> memref<128x128xf32, #tpu.memory_space<hbm>>
      %dma_start3A_2710 = arith.constant 0 : i32
      %dma_start3A_2711 = tpu.memref_slice %arg2[%add3A_501, %dma_start3A_2710] : memref<16384x128xf32, #tpu.memory_space<hbm>> -> memref<128x128xf32, #tpu.memory_space<hbm>>
      tpu.enqueue_dma source(%dma_start3A_2711 : memref<128x128xf32, #tpu.memory_space<hbm>>) target(%arg22 : memref<128x128xf32, #tpu.memory_space<vmem>>) target_semaphore(%run_scoped3A : memref<!tpu.dma_semaphore, #tpu.memory_space<semaphore_mem>>)
      %dma_wait3A_2712 = arith.constant 0 : i32
      %dma_wait3A_2713 = tpu.memref_slice %arg2[%add3A_501, %dma_wait3A_2712] : memref<16384x128xf32, #tpu.memory_space<hbm>> -> memref<128x128xf32, #tpu.memory_space<hbm>>
      %dma_wait3A_2714 = arith.constant 0 : i32
      %dma_wait3A_2715 = tpu.memref_slice %arg2[%add3A_501, %dma_wait3A_2714] : memref<16384x128xf32, #tpu.memory_space<hbm>> -> memref<128x128xf32, #tpu.memory_space<hbm>>
      tpu.wait_dma2 semaphore(%run_scoped3A : memref<!tpu.dma_semaphore, #tpu.memory_space<semaphore_mem>>) src(%dma_wait3A_2715 : memref<128x128xf32, #tpu.memory_space<hbm>>) dst(%arg22 : memref<128x128xf32, #tpu.memory_space<vmem>>)
      tpu.yield
    }) : () -> ()
    %dma_start3A_502 = arith.constant 3 : i32
    %dma_start3A_503 = arith.constant 0 : i32
    %dma_start3A_504 = tpu.memref_slice %arg27[%dma_start3A_502, %dma_start3A_503] : memref<4x128xi32, #tpu.memory_space<vmem>> -> memref<1x128xi32, #tpu.memory_space<vmem>>
    %dma_start3A_505 = tpu.memref_squeeze %dma_start3A_504 : memref<1x128xi32, #tpu.memory_space<vmem>> -> memref<128xi32, #tpu.memory_space<vmem>>
    %dma_start3A_506 = arith.constant 0 : i32
    %dma_start3A_507 = arith.constant 0 : i32
    %dma_start3A_508 = tpu.memref_slice %arg9[%dma_start3A_506, %dma_start3A_507] : memref<131072x128xf32, #tpu.memory_space<hbm>> -> memref<131072x128xf32, #tpu.memory_space<hbm>>
    tpu.enqueue_indirect_dma source(%arg22 : memref<128x128xf32, #tpu.memory_space<vmem>>) target(%dma_start3A_508 : memref<131072x128xf32, #tpu.memory_space<hbm>>) offsets(%dma_start3A_505 : memref<128xi32, #tpu.memory_space<vmem>>) semaphore(%arg29 : memref<!tpu.dma_semaphore, #tpu.memory_space<semaphore_mem>>)
    %dma_wait3A_509 = arith.constant 3 : i32
    %dma_wait3A_510 = arith.constant 0 : i32
    %dma_wait3A_511 = tpu.memref_slice %arg27[%dma_wait3A_509, %dma_wait3A_510] : memref<4x128xi32, #tpu.memory_space<vmem>> -> memref<1x128xi32, #tpu.memory_space<vmem>>
    %dma_wait3A_512 = tpu.memref_squeeze %dma_wait3A_511 : memref<1x128xi32, #tpu.memory_space<vmem>> -> memref<128xi32, #tpu.memory_space<vmem>>
    %dma_wait3A_513 = arith.constant 0 : i32
    %dma_wait3A_514 = arith.constant 0 : i32
    %dma_wait3A_515 = tpu.memref_slice %arg9[%dma_wait3A_513, %dma_wait3A_514] : memref<131072x128xf32, #tpu.memory_space<hbm>> -> memref<131072x128xf32, #tpu.memory_space<hbm>>
    tpu.wait_indirect_dma semaphore(%arg29 : memref<!tpu.dma_semaphore, #tpu.memory_space<semaphore_mem>>) src(%arg22 : memref<128x128xf32, #tpu.memory_space<vmem>>) dst(%dma_wait3A_515 : memref<131072x128xf32, #tpu.memory_space<hbm>>)
    %add3A_516 = arith.constant 0 : i32
    %add3A_517 = arith.addi %mul3A_4, %add3A_516 : i32
    "tpu.region"() ({
      %run_scoped3A = tpu.sem_alloc : memref<!tpu.dma_semaphore, #tpu.memory_space<semaphore_mem>>
      %dma_start3A_2708 = arith.constant 0 : i32
      %dma_start3A_2709 = tpu.memref_slice %arg3[%add3A_517, %dma_start3A_2708] : memref<16384x128xf32, #tpu.memory_space<hbm>> -> memref<128x128xf32, #tpu.memory_space<hbm>>
      %dma_start3A_2710 = arith.constant 0 : i32
      %dma_start3A_2711 = tpu.memref_slice %arg3[%add3A_517, %dma_start3A_2710] : memref<16384x128xf32, #tpu.memory_space<hbm>> -> memref<128x128xf32, #tpu.memory_space<hbm>>
      tpu.enqueue_dma source(%dma_start3A_2711 : memref<128x128xf32, #tpu.memory_space<hbm>>) target(%arg22 : memref<128x128xf32, #tpu.memory_space<vmem>>) target_semaphore(%run_scoped3A : memref<!tpu.dma_semaphore, #tpu.memory_space<semaphore_mem>>)
      %dma_wait3A_2712 = arith.constant 0 : i32
      %dma_wait3A_2713 = tpu.memref_slice %arg3[%add3A_517, %dma_wait3A_2712] : memref<16384x128xf32, #tpu.memory_space<hbm>> -> memref<128x128xf32, #tpu.memory_space<hbm>>
      %dma_wait3A_2714 = arith.constant 0 : i32
      %dma_wait3A_2715 = tpu.memref_slice %arg3[%add3A_517, %dma_wait3A_2714] : memref<16384x128xf32, #tpu.memory_space<hbm>> -> memref<128x128xf32, #tpu.memory_space<hbm>>
      tpu.wait_dma2 semaphore(%run_scoped3A : memref<!tpu.dma_semaphore, #tpu.memory_space<semaphore_mem>>) src(%dma_wait3A_2715 : memref<128x128xf32, #tpu.memory_space<hbm>>) dst(%arg22 : memref<128x128xf32, #tpu.memory_space<vmem>>)
      tpu.yield
    }) : () -> ()
    %dma_start3A_518 = arith.constant 0 : i32
    %dma_start3A_519 = arith.constant 0 : i32
    %dma_start3A_520 = tpu.memref_slice %arg27[%dma_start3A_518, %dma_start3A_519] : memref<4x128xi32, #tpu.memory_space<vmem>> -> memref<1x128xi32, #tpu.memory_space<vmem>>
    %dma_start3A_521 = tpu.memref_squeeze %dma_start3A_520 : memref<1x128xi32, #tpu.memory_space<vmem>> -> memref<128xi32, #tpu.memory_space<vmem>>
    %dma_start3A_522 = arith.constant 0 : i32
    %dma_start3A_523 = arith.constant 0 : i32
    %dma_start3A_524 = tpu.memref_slice %arg10[%dma_start3A_522, %dma_start3A_523] : memref<131072x128xf32, #tpu.memory_space<hbm>> -> memref<131072x128xf32, #tpu.memory_space<hbm>>
    tpu.enqueue_indirect_dma source(%arg22 : memref<128x128xf32, #tpu.memory_space<vmem>>) target(%dma_start3A_524 : memref<131072x128xf32, #tpu.memory_space<hbm>>) offsets(%dma_start3A_521 : memref<128xi32, #tpu.memory_space<vmem>>) semaphore(%arg29 : memref<!tpu.dma_semaphore, #tpu.memory_space<semaphore_mem>>)
    %dma_wait3A_525 = arith.constant 0 : i32
    %dma_wait3A_526 = arith.constant 0 : i32
    %dma_wait3A_527 = tpu.memref_slice %arg27[%dma_wait3A_525, %dma_wait3A_526] : memref<4x128xi32, #tpu.memory_space<vmem>> -> memref<1x128xi32, #tpu.memory_space<vmem>>
    %dma_wait3A_528 = tpu.memref_squeeze %dma_wait3A_527 : memref<1x128xi32, #tpu.memory_space<vmem>> -> memref<128xi32, #tpu.memory_space<vmem>>
    %dma_wait3A_529 = arith.constant 0 : i32
    %dma_wait3A_530 = arith.constant 0 : i32
    %dma_wait3A_531 = tpu.memref_slice %arg10[%dma_wait3A_529, %dma_wait3A_530] : memref<131072x128xf32, #tpu.memory_space<hbm>> -> memref<131072x128xf32, #tpu.memory_space<hbm>>
    tpu.wait_indirect_dma semaphore(%arg29 : memref<!tpu.dma_semaphore, #tpu.memory_space<semaphore_mem>>) src(%arg22 : memref<128x128xf32, #tpu.memory_space<vmem>>) dst(%dma_wait3A_531 : memref<131072x128xf32, #tpu.memory_space<hbm>>)
    %add3A_532 = arith.constant 128 : i32
    %add3A_533 = arith.addi %mul3A_4, %add3A_532 : i32
    "tpu.region"() ({
      %run_scoped3A = tpu.sem_alloc : memref<!tpu.dma_semaphore, #tpu.memory_space<semaphore_mem>>
      %dma_start3A_2708 = arith.constant 0 : i32
      %dma_start3A_2709 = tpu.memref_slice %arg3[%add3A_533, %dma_start3A_2708] : memref<16384x128xf32, #tpu.memory_space<hbm>> -> memref<128x128xf32, #tpu.memory_space<hbm>>
      %dma_start3A_2710 = arith.constant 0 : i32
      %dma_start3A_2711 = tpu.memref_slice %arg3[%add3A_533, %dma_start3A_2710] : memref<16384x128xf32, #tpu.memory_space<hbm>> -> memref<128x128xf32, #tpu.memory_space<hbm>>
      tpu.enqueue_dma source(%dma_start3A_2711 : memref<128x128xf32, #tpu.memory_space<hbm>>) target(%arg22 : memref<128x128xf32, #tpu.memory_space<vmem>>) target_semaphore(%run_scoped3A : memref<!tpu.dma_semaphore, #tpu.memory_space<semaphore_mem>>)
      %dma_wait3A_2712 = arith.constant 0 : i32
      %dma_wait3A_2713 = tpu.memref_slice %arg3[%add3A_533, %dma_wait3A_2712] : memref<16384x128xf32, #tpu.memory_space<hbm>> -> memref<128x128xf32, #tpu.memory_space<hbm>>
      %dma_wait3A_2714 = arith.constant 0 : i32
      %dma_wait3A_2715 = tpu.memref_slice %arg3[%add3A_533, %dma_wait3A_2714] : memref<16384x128xf32, #tpu.memory_space<hbm>> -> memref<128x128xf32, #tpu.memory_space<hbm>>
      tpu.wait_dma2 semaphore(%run_scoped3A : memref<!tpu.dma_semaphore, #tpu.memory_space<semaphore_mem>>) src(%dma_wait3A_2715 : memref<128x128xf32, #tpu.memory_space<hbm>>) dst(%arg22 : memref<128x128xf32, #tpu.memory_space<vmem>>)
      tpu.yield
    }) : () -> ()
    %dma_start3A_534 = arith.constant 1 : i32
    %dma_start3A_535 = arith.constant 0 : i32
    %dma_start3A_536 = tpu.memref_slice %arg27[%dma_start3A_534, %dma_start3A_535] : memref<4x128xi32, #tpu.memory_space<vmem>> -> memref<1x128xi32, #tpu.memory_space<vmem>>
    %dma_start3A_537 = tpu.memref_squeeze %dma_start3A_536 : memref<1x128xi32, #tpu.memory_space<vmem>> -> memref<128xi32, #tpu.memory_space<vmem>>
    %dma_start3A_538 = arith.constant 0 : i32
    %dma_start3A_539 = arith.constant 0 : i32
    %dma_start3A_540 = tpu.memref_slice %arg10[%dma_start3A_538, %dma_start3A_539] : memref<131072x128xf32, #tpu.memory_space<hbm>> -> memref<131072x128xf32, #tpu.memory_space<hbm>>
    tpu.enqueue_indirect_dma source(%arg22 : memref<128x128xf32, #tpu.memory_space<vmem>>) target(%dma_start3A_540 : memref<131072x128xf32, #tpu.memory_space<hbm>>) offsets(%dma_start3A_537 : memref<128xi32, #tpu.memory_space<vmem>>) semaphore(%arg29 : memref<!tpu.dma_semaphore, #tpu.memory_space<semaphore_mem>>)
    %dma_wait3A_541 = arith.constant 1 : i32
    %dma_wait3A_542 = arith.constant 0 : i32
    %dma_wait3A_543 = tpu.memref_slice %arg27[%dma_wait3A_541, %dma_wait3A_542] : memref<4x128xi32, #tpu.memory_space<vmem>> -> memref<1x128xi32, #tpu.memory_space<vmem>>
    %dma_wait3A_544 = tpu.memref_squeeze %dma_wait3A_543 : memref<1x128xi32, #tpu.memory_space<vmem>> -> memref<128xi32, #tpu.memory_space<vmem>>
    %dma_wait3A_545 = arith.constant 0 : i32
    %dma_wait3A_546 = arith.constant 0 : i32
    %dma_wait3A_547 = tpu.memref_slice %arg10[%dma_wait3A_545, %dma_wait3A_546] : memref<131072x128xf32, #tpu.memory_space<hbm>> -> memref<131072x128xf32, #tpu.memory_space<hbm>>
    tpu.wait_indirect_dma semaphore(%arg29 : memref<!tpu.dma_semaphore, #tpu.memory_space<semaphore_mem>>) src(%arg22 : memref<128x128xf32, #tpu.memory_space<vmem>>) dst(%dma_wait3A_547 : memref<131072x128xf32, #tpu.memory_space<hbm>>)
    %add3A_548 = arith.constant 256 : i32
    %add3A_549 = arith.addi %mul3A_4, %add3A_548 : i32
    "tpu.region"() ({
      %run_scoped3A = tpu.sem_alloc : memref<!tpu.dma_semaphore, #tpu.memory_space<semaphore_mem>>
      %dma_start3A_2708 = arith.constant 0 : i32
      %dma_start3A_2709 = tpu.memref_slice %arg3[%add3A_549, %dma_start3A_2708] : memref<16384x128xf32, #tpu.memory_space<hbm>> -> memref<128x128xf32, #tpu.memory_space<hbm>>
      %dma_start3A_2710 = arith.constant 0 : i32
      %dma_start3A_2711 = tpu.memref_slice %arg3[%add3A_549, %dma_start3A_2710] : memref<16384x128xf32, #tpu.memory_space<hbm>> -> memref<128x128xf32, #tpu.memory_space<hbm>>
      tpu.enqueue_dma source(%dma_start3A_2711 : memref<128x128xf32, #tpu.memory_space<hbm>>) target(%arg22 : memref<128x128xf32, #tpu.memory_space<vmem>>) target_semaphore(%run_scoped3A : memref<!tpu.dma_semaphore, #tpu.memory_space<semaphore_mem>>)
      %dma_wait3A_2712 = arith.constant 0 : i32
      %dma_wait3A_2713 = tpu.memref_slice %arg3[%add3A_549, %dma_wait3A_2712] : memref<16384x128xf32, #tpu.memory_space<hbm>> -> memref<128x128xf32, #tpu.memory_space<hbm>>
      %dma_wait3A_2714 = arith.constant 0 : i32
      %dma_wait3A_2715 = tpu.memref_slice %arg3[%add3A_549, %dma_wait3A_2714] : memref<16384x128xf32, #tpu.memory_space<hbm>> -> memref<128x128xf32, #tpu.memory_space<hbm>>
      tpu.wait_dma2 semaphore(%run_scoped3A : memref<!tpu.dma_semaphore, #tpu.memory_space<semaphore_mem>>) src(%dma_wait3A_2715 : memref<128x128xf32, #tpu.memory_space<hbm>>) dst(%arg22 : memref<128x128xf32, #tpu.memory_space<vmem>>)
      tpu.yield
    }) : () -> ()
    %dma_start3A_550 = arith.constant 2 : i32
    %dma_start3A_551 = arith.constant 0 : i32
    %dma_start3A_552 = tpu.memref_slice %arg27[%dma_start3A_550, %dma_start3A_551] : memref<4x128xi32, #tpu.memory_space<vmem>> -> memref<1x128xi32, #tpu.memory_space<vmem>>
    %dma_start3A_553 = tpu.memref_squeeze %dma_start3A_552 : memref<1x128xi32, #tpu.memory_space<vmem>> -> memref<128xi32, #tpu.memory_space<vmem>>
    %dma_start3A_554 = arith.constant 0 : i32
    %dma_start3A_555 = arith.constant 0 : i32
    %dma_start3A_556 = tpu.memref_slice %arg10[%dma_start3A_554, %dma_start3A_555] : memref<131072x128xf32, #tpu.memory_space<hbm>> -> memref<131072x128xf32, #tpu.memory_space<hbm>>
    tpu.enqueue_indirect_dma source(%arg22 : memref<128x128xf32, #tpu.memory_space<vmem>>) target(%dma_start3A_556 : memref<131072x128xf32, #tpu.memory_space<hbm>>) offsets(%dma_start3A_553 : memref<128xi32, #tpu.memory_space<vmem>>) semaphore(%arg29 : memref<!tpu.dma_semaphore, #tpu.memory_space<semaphore_mem>>)
    %dma_wait3A_557 = arith.constant 2 : i32
    %dma_wait3A_558 = arith.constant 0 : i32
    %dma_wait3A_559 = tpu.memref_slice %arg27[%dma_wait3A_557, %dma_wait3A_558] : memref<4x128xi32, #tpu.memory_space<vmem>> -> memref<1x128xi32, #tpu.memory_space<vmem>>
    %dma_wait3A_560 = tpu.memref_squeeze %dma_wait3A_559 : memref<1x128xi32, #tpu.memory_space<vmem>> -> memref<128xi32, #tpu.memory_space<vmem>>
    %dma_wait3A_561 = arith.constant 0 : i32
    %dma_wait3A_562 = arith.constant 0 : i32
    %dma_wait3A_563 = tpu.memref_slice %arg10[%dma_wait3A_561, %dma_wait3A_562] : memref<131072x128xf32, #tpu.memory_space<hbm>> -> memref<131072x128xf32, #tpu.memory_space<hbm>>
    tpu.wait_indirect_dma semaphore(%arg29 : memref<!tpu.dma_semaphore, #tpu.memory_space<semaphore_mem>>) src(%arg22 : memref<128x128xf32, #tpu.memory_space<vmem>>) dst(%dma_wait3A_563 : memref<131072x128xf32, #tpu.memory_space<hbm>>)
    %add3A_564 = arith.constant 384 : i32
    %add3A_565 = arith.addi %mul3A_4, %add3A_564 : i32
    "tpu.region"() ({
      %run_scoped3A = tpu.sem_alloc : memref<!tpu.dma_semaphore, #tpu.memory_space<semaphore_mem>>
      %dma_start3A_2708 = arith.constant 0 : i32
      %dma_start3A_2709 = tpu.memref_slice %arg3[%add3A_565, %dma_start3A_2708] : memref<16384x128xf32, #tpu.memory_space<hbm>> -> memref<128x128xf32, #tpu.memory_space<hbm>>
      %dma_start3A_2710 = arith.constant 0 : i32
      %dma_start3A_2711 = tpu.memref_slice %arg3[%add3A_565, %dma_start3A_2710] : memref<16384x128xf32, #tpu.memory_space<hbm>> -> memref<128x128xf32, #tpu.memory_space<hbm>>
      tpu.enqueue_dma source(%dma_start3A_2711 : memref<128x128xf32, #tpu.memory_space<hbm>>) target(%arg22 : memref<128x128xf32, #tpu.memory_space<vmem>>) target_semaphore(%run_scoped3A : memref<!tpu.dma_semaphore, #tpu.memory_space<semaphore_mem>>)
      %dma_wait3A_2712 = arith.constant 0 : i32
      %dma_wait3A_2713 = tpu.memref_slice %arg3[%add3A_565, %dma_wait3A_2712] : memref<16384x128xf32, #tpu.memory_space<hbm>> -> memref<128x128xf32, #tpu.memory_space<hbm>>
      %dma_wait3A_2714 = arith.constant 0 : i32
      %dma_wait3A_2715 = tpu.memref_slice %arg3[%add3A_565, %dma_wait3A_2714] : memref<16384x128xf32, #tpu.memory_space<hbm>> -> memref<128x128xf32, #tpu.memory_space<hbm>>
      tpu.wait_dma2 semaphore(%run_scoped3A : memref<!tpu.dma_semaphore, #tpu.memory_space<semaphore_mem>>) src(%dma_wait3A_2715 : memref<128x128xf32, #tpu.memory_space<hbm>>) dst(%arg22 : memref<128x128xf32, #tpu.memory_space<vmem>>)
      tpu.yield
    }) : () -> ()
    %dma_start3A_566 = arith.constant 3 : i32
    %dma_start3A_567 = arith.constant 0 : i32
    %dma_start3A_568 = tpu.memref_slice %arg27[%dma_start3A_566, %dma_start3A_567] : memref<4x128xi32, #tpu.memory_space<vmem>> -> memref<1x128xi32, #tpu.memory_space<vmem>>
    %dma_start3A_569 = tpu.memref_squeeze %dma_start3A_568 : memref<1x128xi32, #tpu.memory_space<vmem>> -> memref<128xi32, #tpu.memory_space<vmem>>
    %dma_start3A_570 = arith.constant 0 : i32
    %dma_start3A_571 = arith.constant 0 : i32
    %dma_start3A_572 = tpu.memref_slice %arg10[%dma_start3A_570, %dma_start3A_571] : memref<131072x128xf32, #tpu.memory_space<hbm>> -> memref<131072x128xf32, #tpu.memory_space<hbm>>
    tpu.enqueue_indirect_dma source(%arg22 : memref<128x128xf32, #tpu.memory_space<vmem>>) target(%dma_start3A_572 : memref<131072x128xf32, #tpu.memory_space<hbm>>) offsets(%dma_start3A_569 : memref<128xi32, #tpu.memory_space<vmem>>) semaphore(%arg29 : memref<!tpu.dma_semaphore, #tpu.memory_space<semaphore_mem>>)
    %dma_wait3A_573 = arith.constant 3 : i32
    %dma_wait3A_574 = arith.constant 0 : i32
    %dma_wait3A_575 = tpu.memref_slice %arg27[%dma_wait3A_573, %dma_wait3A_574] : memref<4x128xi32, #tpu.memory_space<vmem>> -> memref<1x128xi32, #tpu.memory_space<vmem>>
    %dma_wait3A_576 = tpu.memref_squeeze %dma_wait3A_575 : memref<1x128xi32, #tpu.memory_space<vmem>> -> memref<128xi32, #tpu.memory_space<vmem>>
    %dma_wait3A_577 = arith.constant 0 : i32
    %dma_wait3A_578 = arith.constant 0 : i32
    %dma_wait3A_579 = tpu.memref_slice %arg10[%dma_wait3A_577, %dma_wait3A_578] : memref<131072x128xf32, #tpu.memory_space<hbm>> -> memref<131072x128xf32, #tpu.memory_space<hbm>>
    tpu.wait_indirect_dma semaphore(%arg29 : memref<!tpu.dma_semaphore, #tpu.memory_space<semaphore_mem>>) src(%arg22 : memref<128x128xf32, #tpu.memory_space<vmem>>) dst(%dma_wait3A_579 : memref<131072x128xf32, #tpu.memory_space<hbm>>)
    %shift_right_logical3A = arith.constant 5 : i32
    %shift_right_logical3A_580 = arith.shrui %squeeze3A, %shift_right_logical3A : i32
    %add3A_581 = arith.constant 0 : i32
    %add3A_582 = arith.addi %mul3A_4, %add3A_581 : i32
    "tpu.region"() ({
      %run_scoped3A = tpu.sem_alloc : memref<!tpu.dma_semaphore, #tpu.memory_space<semaphore_mem>>
      %dma_start3A_2708 = arith.constant 0 : i32
      %dma_start3A_2709 = tpu.memref_slice %arg4[%add3A_582, %dma_start3A_2708] : memref<16384x32xf32, #tpu.memory_space<hbm>> -> memref<64x32xf32, #tpu.memory_space<hbm>>
      %dma_start3A_2710 = arith.constant 0 : i32
      %dma_start3A_2711 = tpu.memref_slice %arg4[%add3A_582, %dma_start3A_2710] : memref<16384x32xf32, #tpu.memory_space<hbm>> -> memref<64x32xf32, #tpu.memory_space<hbm>>
      tpu.enqueue_dma source(%dma_start3A_2711 : memref<64x32xf32, #tpu.memory_space<hbm>>) target(%arg23 : memref<64x32xf32, #tpu.memory_space<vmem>>) target_semaphore(%run_scoped3A : memref<!tpu.dma_semaphore, #tpu.memory_space<semaphore_mem>>)
      %dma_wait3A_2712 = arith.constant 0 : i32
      %dma_wait3A_2713 = tpu.memref_slice %arg4[%add3A_582, %dma_wait3A_2712] : memref<16384x32xf32, #tpu.memory_space<hbm>> -> memref<64x32xf32, #tpu.memory_space<hbm>>
      %dma_wait3A_2714 = arith.constant 0 : i32
      %dma_wait3A_2715 = tpu.memref_slice %arg4[%add3A_582, %dma_wait3A_2714] : memref<16384x32xf32, #tpu.memory_space<hbm>> -> memref<64x32xf32, #tpu.memory_space<hbm>>
      tpu.wait_dma2 semaphore(%run_scoped3A : memref<!tpu.dma_semaphore, #tpu.memory_space<semaphore_mem>>) src(%dma_wait3A_2715 : memref<64x32xf32, #tpu.memory_space<hbm>>) dst(%arg23 : memref<64x32xf32, #tpu.memory_space<vmem>>)
      tpu.yield
    }) : () -> ()
    %add3A_583 = arith.constant 0 : i32
    %add3A_584 = arith.addi %mul3A_4, %add3A_583 : i32
    %jit3A = arith.constant 32 : i32
    %div3A = arith.divsi %add3A_584, %jit3A : i32
    %sign3A = arith.constant 0 : i32
    %sign3A_585 = arith.cmpi sgt, %add3A_584, %sign3A : i32
    %sign3A_586 = arith.extui %sign3A_585 : i1 to i32
    %sign3A_587 = arith.constant 0 : i32
    %sign3A_588 = arith.cmpi slt, %add3A_584, %sign3A_587 : i32
    %sign3A_589 = arith.extui %sign3A_588 : i1 to i32
    %sign3A_590 = arith.subi %sign3A_586, %sign3A_589 : i32
    %sign3A_591 = arith.constant 0 : i32
    %sign3A_592 = arith.cmpi sgt, %jit3A, %sign3A_591 : i32
    %sign3A_593 = arith.extui %sign3A_592 : i1 to i32
    %sign3A_594 = arith.constant 0 : i32
    %sign3A_595 = arith.cmpi slt, %jit3A, %sign3A_594 : i32
    %sign3A_596 = arith.extui %sign3A_595 : i1 to i32
    %sign3A_597 = arith.subi %sign3A_593, %sign3A_596 : i32
    %ne3A = arith.cmpi ne, %sign3A_590, %sign3A_597 : i32
    %rem3A = arith.remsi %add3A_584, %jit3A : i32
    %ne3A_598 = arith.constant 0 : i32
    %ne3A_599 = arith.cmpi ne, %rem3A, %ne3A_598 : i32
    %and3A_600 = arith.andi %ne3A, %ne3A_599 : i1
    %sub3A = arith.constant 1 : i32
    %sub3A_601 = arith.subi %div3A, %sub3A : i32
    %select_n3A = arith.select %and3A_600, %sub3A_601, %div3A : i32
    %add3A_602 = arith.constant 0 : i32
    %add3A_603 = arith.addi %select_n3A, %add3A_602 : i32
    %add3A_604 = arith.addi %shift_right_logical3A_580, %add3A_603 : i32
    %and3A_605 = arith.constant 4095 : i32
    %and3A_606 = arith.andi %add3A_604, %and3A_605 : i32
    %mul3A_607 = arith.constant 32 : i32
    %mul3A_608 = arith.muli %and3A_606, %mul3A_607 : i32
    "tpu.region"() ({
      %run_scoped3A = tpu.sem_alloc : memref<!tpu.dma_semaphore, #tpu.memory_space<semaphore_mem>>
      %dma_start3A_2708 = arith.constant 0 : i32
      %dma_start3A_2709 = arith.constant 0 : i32
      %dma_start3A_2710 = tpu.memref_slice %arg23[%dma_start3A_2708, %dma_start3A_2709] : memref<64x32xf32, #tpu.memory_space<vmem>> -> memref<32x32xf32, #tpu.memory_space<vmem>>
      %dma_start3A_2711 = arith.constant 0 : i32
      %dma_start3A_2712 = tpu.memref_slice %arg11[%mul3A_608, %dma_start3A_2711] : memref<131072x32xf32, #tpu.memory_space<hbm>> -> memref<32x32xf32, #tpu.memory_space<hbm>>
      %dma_start3A_2713 = arith.constant 0 : i32
      %dma_start3A_2714 = tpu.memref_slice %arg11[%mul3A_608, %dma_start3A_2713] : memref<131072x32xf32, #tpu.memory_space<hbm>> -> memref<32x32xf32, #tpu.memory_space<hbm>>
      %dma_start3A_2715 = arith.constant 0 : i32
      %dma_start3A_2716 = arith.constant 0 : i32
      %dma_start3A_2717 = tpu.memref_slice %arg23[%dma_start3A_2715, %dma_start3A_2716] : memref<64x32xf32, #tpu.memory_space<vmem>> -> memref<32x32xf32, #tpu.memory_space<vmem>>
      tpu.enqueue_dma source(%dma_start3A_2717 : memref<32x32xf32, #tpu.memory_space<vmem>>) target(%dma_start3A_2714 : memref<32x32xf32, #tpu.memory_space<hbm>>) target_semaphore(%run_scoped3A : memref<!tpu.dma_semaphore, #tpu.memory_space<semaphore_mem>>)
      %dma_wait3A_2718 = arith.constant 0 : i32
      %dma_wait3A_2719 = arith.constant 0 : i32
      %dma_wait3A_2720 = tpu.memref_slice %arg23[%dma_wait3A_2718, %dma_wait3A_2719] : memref<64x32xf32, #tpu.memory_space<vmem>> -> memref<32x32xf32, #tpu.memory_space<vmem>>
      %dma_wait3A_2721 = arith.constant 0 : i32
      %dma_wait3A_2722 = tpu.memref_slice %arg11[%mul3A_608, %dma_wait3A_2721] : memref<131072x32xf32, #tpu.memory_space<hbm>> -> memref<32x32xf32, #tpu.memory_space<hbm>>
      %dma_wait3A_2723 = arith.constant 0 : i32
      %dma_wait3A_2724 = tpu.memref_slice %arg11[%mul3A_608, %dma_wait3A_2723] : memref<131072x32xf32, #tpu.memory_space<hbm>> -> memref<32x32xf32, #tpu.memory_space<hbm>>
      %dma_wait3A_2725 = arith.constant 0 : i32
      %dma_wait3A_2726 = arith.constant 0 : i32
      %dma_wait3A_2727 = tpu.memref_slice %arg23[%dma_wait3A_2725, %dma_wait3A_2726] : memref<64x32xf32, #tpu.memory_space<vmem>> -> memref<32x32xf32, #tpu.memory_space<vmem>>
      tpu.wait_dma2 semaphore(%run_scoped3A : memref<!tpu.dma_semaphore, #tpu.memory_space<semaphore_mem>>) src(%dma_wait3A_2727 : memref<32x32xf32, #tpu.memory_space<vmem>>) dst(%dma_wait3A_2724 : memref<32x32xf32, #tpu.memory_space<hbm>>)
      tpu.yield
    }) : () -> ()
    %add3A_609 = arith.constant 0 : i32
    %add3A_610 = arith.addi %mul3A_4, %add3A_609 : i32
    %jit3A_611 = arith.constant 32 : i32
    %div3A_612 = arith.divsi %add3A_610, %jit3A_611 : i32
    %sign3A_613 = arith.constant 0 : i32
    %sign3A_614 = arith.cmpi sgt, %add3A_610, %sign3A_613 : i32
    %sign3A_615 = arith.extui %sign3A_614 : i1 to i32
    %sign3A_616 = arith.constant 0 : i32
    %sign3A_617 = arith.cmpi slt, %add3A_610, %sign3A_616 : i32
    %sign3A_618 = arith.extui %sign3A_617 : i1 to i32
    %sign3A_619 = arith.subi %sign3A_615, %sign3A_618 : i32
    %sign3A_620 = arith.constant 0 : i32
    %sign3A_621 = arith.cmpi sgt, %jit3A_611, %sign3A_620 : i32
    %sign3A_622 = arith.extui %sign3A_621 : i1 to i32
    %sign3A_623 = arith.constant 0 : i32
    %sign3A_624 = arith.cmpi slt, %jit3A_611, %sign3A_623 : i32
    %sign3A_625 = arith.extui %sign3A_624 : i1 to i32
    %sign3A_626 = arith.subi %sign3A_622, %sign3A_625 : i32
    %ne3A_627 = arith.cmpi ne, %sign3A_619, %sign3A_626 : i32
    %rem3A_628 = arith.remsi %add3A_610, %jit3A_611 : i32
    %ne3A_629 = arith.constant 0 : i32
    %ne3A_630 = arith.cmpi ne, %rem3A_628, %ne3A_629 : i32
    %and3A_631 = arith.andi %ne3A_627, %ne3A_630 : i1
    %sub3A_632 = arith.constant 1 : i32
    %sub3A_633 = arith.subi %div3A_612, %sub3A_632 : i32
    %select_n3A_634 = arith.select %and3A_631, %sub3A_633, %div3A_612 : i32
    %add3A_635 = arith.constant 1 : i32
    %add3A_636 = arith.addi %select_n3A_634, %add3A_635 : i32
    %add3A_637 = arith.addi %shift_right_logical3A_580, %add3A_636 : i32
    %and3A_638 = arith.constant 4095 : i32
    %and3A_639 = arith.andi %add3A_637, %and3A_638 : i32
    %mul3A_640 = arith.constant 32 : i32
    %mul3A_641 = arith.muli %and3A_639, %mul3A_640 : i32
    "tpu.region"() ({
      %run_scoped3A = tpu.sem_alloc : memref<!tpu.dma_semaphore, #tpu.memory_space<semaphore_mem>>
      %dma_start3A_2708 = arith.constant 32 : i32
      %dma_start3A_2709 = arith.constant 0 : i32
      %dma_start3A_2710 = tpu.memref_slice %arg23[%dma_start3A_2708, %dma_start3A_2709] : memref<64x32xf32, #tpu.memory_space<vmem>> -> memref<32x32xf32, #tpu.memory_space<vmem>>
      %dma_start3A_2711 = arith.constant 0 : i32
      %dma_start3A_2712 = tpu.memref_slice %arg11[%mul3A_641, %dma_start3A_2711] : memref<131072x32xf32, #tpu.memory_space<hbm>> -> memref<32x32xf32, #tpu.memory_space<hbm>>
      %dma_start3A_2713 = arith.constant 0 : i32
      %dma_start3A_2714 = tpu.memref_slice %arg11[%mul3A_641, %dma_start3A_2713] : memref<131072x32xf32, #tpu.memory_space<hbm>> -> memref<32x32xf32, #tpu.memory_space<hbm>>
      %dma_start3A_2715 = arith.constant 32 : i32
      %dma_start3A_2716 = arith.constant 0 : i32
      %dma_start3A_2717 = tpu.memref_slice %arg23[%dma_start3A_2715, %dma_start3A_2716] : memref<64x32xf32, #tpu.memory_space<vmem>> -> memref<32x32xf32, #tpu.memory_space<vmem>>
      tpu.enqueue_dma source(%dma_start3A_2717 : memref<32x32xf32, #tpu.memory_space<vmem>>) target(%dma_start3A_2714 : memref<32x32xf32, #tpu.memory_space<hbm>>) target_semaphore(%run_scoped3A : memref<!tpu.dma_semaphore, #tpu.memory_space<semaphore_mem>>)
      %dma_wait3A_2718 = arith.constant 32 : i32
      %dma_wait3A_2719 = arith.constant 0 : i32
      %dma_wait3A_2720 = tpu.memref_slice %arg23[%dma_wait3A_2718, %dma_wait3A_2719] : memref<64x32xf32, #tpu.memory_space<vmem>> -> memref<32x32xf32, #tpu.memory_space<vmem>>
      %dma_wait3A_2721 = arith.constant 0 : i32
      %dma_wait3A_2722 = tpu.memref_slice %arg11[%mul3A_641, %dma_wait3A_2721] : memref<131072x32xf32, #tpu.memory_space<hbm>> -> memref<32x32xf32, #tpu.memory_space<hbm>>
      %dma_wait3A_2723 = arith.constant 0 : i32
      %dma_wait3A_2724 = tpu.memref_slice %arg11[%mul3A_641, %dma_wait3A_2723] : memref<131072x32xf32, #tpu.memory_space<hbm>> -> memref<32x32xf32, #tpu.memory_space<hbm>>
      %dma_wait3A_2725 = arith.constant 32 : i32
      %dma_wait3A_2726 = arith.constant 0 : i32
      %dma_wait3A_2727 = tpu.memref_slice %arg23[%dma_wait3A_2725, %dma_wait3A_2726] : memref<64x32xf32, #tpu.memory_space<vmem>> -> memref<32x32xf32, #tpu.memory_space<vmem>>
      tpu.wait_dma2 semaphore(%run_scoped3A : memref<!tpu.dma_semaphore, #tpu.memory_space<semaphore_mem>>) src(%dma_wait3A_2727 : memref<32x32xf32, #tpu.memory_space<vmem>>) dst(%dma_wait3A_2724 : memref<32x32xf32, #tpu.memory_space<hbm>>)
      tpu.yield
    }) : () -> ()
    %add3A_642 = arith.constant 64 : i32
    %add3A_643 = arith.addi %mul3A_4, %add3A_642 : i32
    "tpu.region"() ({
      %run_scoped3A = tpu.sem_alloc : memref<!tpu.dma_semaphore, #tpu.memory_space<semaphore_mem>>
      %dma_start3A_2708 = arith.constant 0 : i32
      %dma_start3A_2709 = tpu.memref_slice %arg4[%add3A_643, %dma_start3A_2708] : memref<16384x32xf32, #tpu.memory_space<hbm>> -> memref<64x32xf32, #tpu.memory_space<hbm>>
      %dma_start3A_2710 = arith.constant 0 : i32
      %dma_start3A_2711 = tpu.memref_slice %arg4[%add3A_643, %dma_start3A_2710] : memref<16384x32xf32, #tpu.memory_space<hbm>> -> memref<64x32xf32, #tpu.memory_space<hbm>>
      tpu.enqueue_dma source(%dma_start3A_2711 : memref<64x32xf32, #tpu.memory_space<hbm>>) target(%arg23 : memref<64x32xf32, #tpu.memory_space<vmem>>) target_semaphore(%run_scoped3A : memref<!tpu.dma_semaphore, #tpu.memory_space<semaphore_mem>>)
      %dma_wait3A_2712 = arith.constant 0 : i32
      %dma_wait3A_2713 = tpu.memref_slice %arg4[%add3A_643, %dma_wait3A_2712] : memref<16384x32xf32, #tpu.memory_space<hbm>> -> memref<64x32xf32, #tpu.memory_space<hbm>>
      %dma_wait3A_2714 = arith.constant 0 : i32
      %dma_wait3A_2715 = tpu.memref_slice %arg4[%add3A_643, %dma_wait3A_2714] : memref<16384x32xf32, #tpu.memory_space<hbm>> -> memref<64x32xf32, #tpu.memory_space<hbm>>
      tpu.wait_dma2 semaphore(%run_scoped3A : memref<!tpu.dma_semaphore, #tpu.memory_space<semaphore_mem>>) src(%dma_wait3A_2715 : memref<64x32xf32, #tpu.memory_space<hbm>>) dst(%arg23 : memref<64x32xf32, #tpu.memory_space<vmem>>)
      tpu.yield
    }) : () -> ()
    %add3A_644 = arith.constant 64 : i32
    %add3A_645 = arith.addi %mul3A_4, %add3A_644 : i32
    %jit3A_646 = arith.constant 32 : i32
    %div3A_647 = arith.divsi %add3A_645, %jit3A_646 : i32
    %sign3A_648 = arith.constant 0 : i32
    %sign3A_649 = arith.cmpi sgt, %add3A_645, %sign3A_648 : i32
    %sign3A_650 = arith.extui %sign3A_649 : i1 to i32
    %sign3A_651 = arith.constant 0 : i32
    %sign3A_652 = arith.cmpi slt, %add3A_645, %sign3A_651 : i32
    %sign3A_653 = arith.extui %sign3A_652 : i1 to i32
    %sign3A_654 = arith.subi %sign3A_650, %sign3A_653 : i32
    %sign3A_655 = arith.constant 0 : i32
    %sign3A_656 = arith.cmpi sgt, %jit3A_646, %sign3A_655 : i32
    %sign3A_657 = arith.extui %sign3A_656 : i1 to i32
    %sign3A_658 = arith.constant 0 : i32
    %sign3A_659 = arith.cmpi slt, %jit3A_646, %sign3A_658 : i32
    %sign3A_660 = arith.extui %sign3A_659 : i1 to i32
    %sign3A_661 = arith.subi %sign3A_657, %sign3A_660 : i32
    %ne3A_662 = arith.cmpi ne, %sign3A_654, %sign3A_661 : i32
    %rem3A_663 = arith.remsi %add3A_645, %jit3A_646 : i32
    %ne3A_664 = arith.constant 0 : i32
    %ne3A_665 = arith.cmpi ne, %rem3A_663, %ne3A_664 : i32
    %and3A_666 = arith.andi %ne3A_662, %ne3A_665 : i1
    %sub3A_667 = arith.constant 1 : i32
    %sub3A_668 = arith.subi %div3A_647, %sub3A_667 : i32
    %select_n3A_669 = arith.select %and3A_666, %sub3A_668, %div3A_647 : i32
    %add3A_670 = arith.constant 0 : i32
    %add3A_671 = arith.addi %select_n3A_669, %add3A_670 : i32
    %add3A_672 = arith.addi %shift_right_logical3A_580, %add3A_671 : i32
    %and3A_673 = arith.constant 4095 : i32
    %and3A_674 = arith.andi %add3A_672, %and3A_673 : i32
    %mul3A_675 = arith.constant 32 : i32
    %mul3A_676 = arith.muli %and3A_674, %mul3A_675 : i32
    "tpu.region"() ({
      %run_scoped3A = tpu.sem_alloc : memref<!tpu.dma_semaphore, #tpu.memory_space<semaphore_mem>>
      %dma_start3A_2708 = arith.constant 0 : i32
      %dma_start3A_2709 = arith.constant 0 : i32
      %dma_start3A_2710 = tpu.memref_slice %arg23[%dma_start3A_2708, %dma_start3A_2709] : memref<64x32xf32, #tpu.memory_space<vmem>> -> memref<32x32xf32, #tpu.memory_space<vmem>>
      %dma_start3A_2711 = arith.constant 0 : i32
      %dma_start3A_2712 = tpu.memref_slice %arg11[%mul3A_676, %dma_start3A_2711] : memref<131072x32xf32, #tpu.memory_space<hbm>> -> memref<32x32xf32, #tpu.memory_space<hbm>>
      %dma_start3A_2713 = arith.constant 0 : i32
      %dma_start3A_2714 = tpu.memref_slice %arg11[%mul3A_676, %dma_start3A_2713] : memref<131072x32xf32, #tpu.memory_space<hbm>> -> memref<32x32xf32, #tpu.memory_space<hbm>>
      %dma_start3A_2715 = arith.constant 0 : i32
      %dma_start3A_2716 = arith.constant 0 : i32
      %dma_start3A_2717 = tpu.memref_slice %arg23[%dma_start3A_2715, %dma_start3A_2716] : memref<64x32xf32, #tpu.memory_space<vmem>> -> memref<32x32xf32, #tpu.memory_space<vmem>>
      tpu.enqueue_dma source(%dma_start3A_2717 : memref<32x32xf32, #tpu.memory_space<vmem>>) target(%dma_start3A_2714 : memref<32x32xf32, #tpu.memory_space<hbm>>) target_semaphore(%run_scoped3A : memref<!tpu.dma_semaphore, #tpu.memory_space<semaphore_mem>>)
      %dma_wait3A_2718 = arith.constant 0 : i32
      %dma_wait3A_2719 = arith.constant 0 : i32
      %dma_wait3A_2720 = tpu.memref_slice %arg23[%dma_wait3A_2718, %dma_wait3A_2719] : memref<64x32xf32, #tpu.memory_space<vmem>> -> memref<32x32xf32, #tpu.memory_space<vmem>>
      %dma_wait3A_2721 = arith.constant 0 : i32
      %dma_wait3A_2722 = tpu.memref_slice %arg11[%mul3A_676, %dma_wait3A_2721] : memref<131072x32xf32, #tpu.memory_space<hbm>> -> memref<32x32xf32, #tpu.memory_space<hbm>>
      %dma_wait3A_2723 = arith.constant 0 : i32
      %dma_wait3A_2724 = tpu.memref_slice %arg11[%mul3A_676, %dma_wait3A_2723] : memref<131072x32xf32, #tpu.memory_space<hbm>> -> memref<32x32xf32, #tpu.memory_space<hbm>>
      %dma_wait3A_2725 = arith.constant 0 : i32
      %dma_wait3A_2726 = arith.constant 0 : i32
      %dma_wait3A_2727 = tpu.memref_slice %arg23[%dma_wait3A_2725, %dma_wait3A_2726] : memref<64x32xf32, #tpu.memory_space<vmem>> -> memref<32x32xf32, #tpu.memory_space<vmem>>
      tpu.wait_dma2 semaphore(%run_scoped3A : memref<!tpu.dma_semaphore, #tpu.memory_space<semaphore_mem>>) src(%dma_wait3A_2727 : memref<32x32xf32, #tpu.memory_space<vmem>>) dst(%dma_wait3A_2724 : memref<32x32xf32, #tpu.memory_space<hbm>>)
      tpu.yield
    }) : () -> ()
    %add3A_677 = arith.constant 64 : i32
    %add3A_678 = arith.addi %mul3A_4, %add3A_677 : i32
    %jit3A_679 = arith.constant 32 : i32
    %div3A_680 = arith.divsi %add3A_678, %jit3A_679 : i32
    %sign3A_681 = arith.constant 0 : i32
    %sign3A_682 = arith.cmpi sgt, %add3A_678, %sign3A_681 : i32
    %sign3A_683 = arith.extui %sign3A_682 : i1 to i32
    %sign3A_684 = arith.constant 0 : i32
    %sign3A_685 = arith.cmpi slt, %add3A_678, %sign3A_684 : i32
    %sign3A_686 = arith.extui %sign3A_685 : i1 to i32
    %sign3A_687 = arith.subi %sign3A_683, %sign3A_686 : i32
    %sign3A_688 = arith.constant 0 : i32
    %sign3A_689 = arith.cmpi sgt, %jit3A_679, %sign3A_688 : i32
    %sign3A_690 = arith.extui %sign3A_689 : i1 to i32
    %sign3A_691 = arith.constant 0 : i32
    %sign3A_692 = arith.cmpi slt, %jit3A_679, %sign3A_691 : i32
    %sign3A_693 = arith.extui %sign3A_692 : i1 to i32
    %sign3A_694 = arith.subi %sign3A_690, %sign3A_693 : i32
    %ne3A_695 = arith.cmpi ne, %sign3A_687, %sign3A_694 : i32
    %rem3A_696 = arith.remsi %add3A_678, %jit3A_679 : i32
    %ne3A_697 = arith.constant 0 : i32
    %ne3A_698 = arith.cmpi ne, %rem3A_696, %ne3A_697 : i32
    %and3A_699 = arith.andi %ne3A_695, %ne3A_698 : i1
    %sub3A_700 = arith.constant 1 : i32
    %sub3A_701 = arith.subi %div3A_680, %sub3A_700 : i32
    %select_n3A_702 = arith.select %and3A_699, %sub3A_701, %div3A_680 : i32
    %add3A_703 = arith.constant 1 : i32
    %add3A_704 = arith.addi %select_n3A_702, %add3A_703 : i32
    %add3A_705 = arith.addi %shift_right_logical3A_580, %add3A_704 : i32
    %and3A_706 = arith.constant 4095 : i32
    %and3A_707 = arith.andi %add3A_705, %and3A_706 : i32
    %mul3A_708 = arith.constant 32 : i32
    %mul3A_709 = arith.muli %and3A_707, %mul3A_708 : i32
    "tpu.region"() ({
      %run_scoped3A = tpu.sem_alloc : memref<!tpu.dma_semaphore, #tpu.memory_space<semaphore_mem>>
      %dma_start3A_2708 = arith.constant 32 : i32
      %dma_start3A_2709 = arith.constant 0 : i32
      %dma_start3A_2710 = tpu.memref_slice %arg23[%dma_start3A_2708, %dma_start3A_2709] : memref<64x32xf32, #tpu.memory_space<vmem>> -> memref<32x32xf32, #tpu.memory_space<vmem>>
      %dma_start3A_2711 = arith.constant 0 : i32
      %dma_start3A_2712 = tpu.memref_slice %arg11[%mul3A_709, %dma_start3A_2711] : memref<131072x32xf32, #tpu.memory_space<hbm>> -> memref<32x32xf32, #tpu.memory_space<hbm>>
      %dma_start3A_2713 = arith.constant 0 : i32
      %dma_start3A_2714 = tpu.memref_slice %arg11[%mul3A_709, %dma_start3A_2713] : memref<131072x32xf32, #tpu.memory_space<hbm>> -> memref<32x32xf32, #tpu.memory_space<hbm>>
      %dma_start3A_2715 = arith.constant 32 : i32
      %dma_start3A_2716 = arith.constant 0 : i32
      %dma_start3A_2717 = tpu.memref_slice %arg23[%dma_start3A_2715, %dma_start3A_2716] : memref<64x32xf32, #tpu.memory_space<vmem>> -> memref<32x32xf32, #tpu.memory_space<vmem>>
      tpu.enqueue_dma source(%dma_start3A_2717 : memref<32x32xf32, #tpu.memory_space<vmem>>) target(%dma_start3A_2714 : memref<32x32xf32, #tpu.memory_space<hbm>>) target_semaphore(%run_scoped3A : memref<!tpu.dma_semaphore, #tpu.memory_space<semaphore_mem>>)
      %dma_wait3A_2718 = arith.constant 32 : i32
      %dma_wait3A_2719 = arith.constant 0 : i32
      %dma_wait3A_2720 = tpu.memref_slice %arg23[%dma_wait3A_2718, %dma_wait3A_2719] : memref<64x32xf32, #tpu.memory_space<vmem>> -> memref<32x32xf32, #tpu.memory_space<vmem>>
      %dma_wait3A_2721 = arith.constant 0 : i32
      %dma_wait3A_2722 = tpu.memref_slice %arg11[%mul3A_709, %dma_wait3A_2721] : memref<131072x32xf32, #tpu.memory_space<hbm>> -> memref<32x32xf32, #tpu.memory_space<hbm>>
      %dma_wait3A_2723 = arith.constant 0 : i32
      %dma_wait3A_2724 = tpu.memref_slice %arg11[%mul3A_709, %dma_wait3A_2723] : memref<131072x32xf32, #tpu.memory_space<hbm>> -> memref<32x32xf32, #tpu.memory_space<hbm>>
      %dma_wait3A_2725 = arith.constant 32 : i32
      %dma_wait3A_2726 = arith.constant 0 : i32
      %dma_wait3A_2727 = tpu.memref_slice %arg23[%dma_wait3A_2725, %dma_wait3A_2726] : memref<64x32xf32, #tpu.memory_space<vmem>> -> memref<32x32xf32, #tpu.memory_space<vmem>>
      tpu.wait_dma2 semaphore(%run_scoped3A : memref<!tpu.dma_semaphore, #tpu.memory_space<semaphore_mem>>) src(%dma_wait3A_2727 : memref<32x32xf32, #tpu.memory_space<vmem>>) dst(%dma_wait3A_2724 : memref<32x32xf32, #tpu.memory_space<hbm>>)
      tpu.yield
    }) : () -> ()
    %add3A_710 = arith.constant 128 : i32
    %add3A_711 = arith.addi %mul3A_4, %add3A_710 : i32
    "tpu.region"() ({
      %run_scoped3A = tpu.sem_alloc : memref<!tpu.dma_semaphore, #tpu.memory_space<semaphore_mem>>
      %dma_start3A_2708 = arith.constant 0 : i32
      %dma_start3A_2709 = tpu.memref_slice %arg4[%add3A_711, %dma_start3A_2708] : memref<16384x32xf32, #tpu.memory_space<hbm>> -> memref<64x32xf32, #tpu.memory_space<hbm>>
      %dma_start3A_2710 = arith.constant 0 : i32
      %dma_start3A_2711 = tpu.memref_slice %arg4[%add3A_711, %dma_start3A_2710] : memref<16384x32xf32, #tpu.memory_space<hbm>> -> memref<64x32xf32, #tpu.memory_space<hbm>>
      tpu.enqueue_dma source(%dma_start3A_2711 : memref<64x32xf32, #tpu.memory_space<hbm>>) target(%arg23 : memref<64x32xf32, #tpu.memory_space<vmem>>) target_semaphore(%run_scoped3A : memref<!tpu.dma_semaphore, #tpu.memory_space<semaphore_mem>>)
      %dma_wait3A_2712 = arith.constant 0 : i32
      %dma_wait3A_2713 = tpu.memref_slice %arg4[%add3A_711, %dma_wait3A_2712] : memref<16384x32xf32, #tpu.memory_space<hbm>> -> memref<64x32xf32, #tpu.memory_space<hbm>>
      %dma_wait3A_2714 = arith.constant 0 : i32
      %dma_wait3A_2715 = tpu.memref_slice %arg4[%add3A_711, %dma_wait3A_2714] : memref<16384x32xf32, #tpu.memory_space<hbm>> -> memref<64x32xf32, #tpu.memory_space<hbm>>
      tpu.wait_dma2 semaphore(%run_scoped3A : memref<!tpu.dma_semaphore, #tpu.memory_space<semaphore_mem>>) src(%dma_wait3A_2715 : memref<64x32xf32, #tpu.memory_space<hbm>>) dst(%arg23 : memref<64x32xf32, #tpu.memory_space<vmem>>)
      tpu.yield
    }) : () -> ()
    %add3A_712 = arith.constant 128 : i32
    %add3A_713 = arith.addi %mul3A_4, %add3A_712 : i32
    %jit3A_714 = arith.constant 32 : i32
    %div3A_715 = arith.divsi %add3A_713, %jit3A_714 : i32
    %sign3A_716 = arith.constant 0 : i32
    %sign3A_717 = arith.cmpi sgt, %add3A_713, %sign3A_716 : i32
    %sign3A_718 = arith.extui %sign3A_717 : i1 to i32
    %sign3A_719 = arith.constant 0 : i32
    %sign3A_720 = arith.cmpi slt, %add3A_713, %sign3A_719 : i32
    %sign3A_721 = arith.extui %sign3A_720 : i1 to i32
    %sign3A_722 = arith.subi %sign3A_718, %sign3A_721 : i32
    %sign3A_723 = arith.constant 0 : i32
    %sign3A_724 = arith.cmpi sgt, %jit3A_714, %sign3A_723 : i32
    %sign3A_725 = arith.extui %sign3A_724 : i1 to i32
    %sign3A_726 = arith.constant 0 : i32
    %sign3A_727 = arith.cmpi slt, %jit3A_714, %sign3A_726 : i32
    %sign3A_728 = arith.extui %sign3A_727 : i1 to i32
    %sign3A_729 = arith.subi %sign3A_725, %sign3A_728 : i32
    %ne3A_730 = arith.cmpi ne, %sign3A_722, %sign3A_729 : i32
    %rem3A_731 = arith.remsi %add3A_713, %jit3A_714 : i32
    %ne3A_732 = arith.constant 0 : i32
    %ne3A_733 = arith.cmpi ne, %rem3A_731, %ne3A_732 : i32
    %and3A_734 = arith.andi %ne3A_730, %ne3A_733 : i1
    %sub3A_735 = arith.constant 1 : i32
    %sub3A_736 = arith.subi %div3A_715, %sub3A_735 : i32
    %select_n3A_737 = arith.select %and3A_734, %sub3A_736, %div3A_715 : i32
    %add3A_738 = arith.constant 0 : i32
    %add3A_739 = arith.addi %select_n3A_737, %add3A_738 : i32
    %add3A_740 = arith.addi %shift_right_logical3A_580, %add3A_739 : i32
    %and3A_741 = arith.constant 4095 : i32
    %and3A_742 = arith.andi %add3A_740, %and3A_741 : i32
    %mul3A_743 = arith.constant 32 : i32
    %mul3A_744 = arith.muli %and3A_742, %mul3A_743 : i32
    "tpu.region"() ({
      %run_scoped3A = tpu.sem_alloc : memref<!tpu.dma_semaphore, #tpu.memory_space<semaphore_mem>>
      %dma_start3A_2708 = arith.constant 0 : i32
      %dma_start3A_2709 = arith.constant 0 : i32
      %dma_start3A_2710 = tpu.memref_slice %arg23[%dma_start3A_2708, %dma_start3A_2709] : memref<64x32xf32, #tpu.memory_space<vmem>> -> memref<32x32xf32, #tpu.memory_space<vmem>>
      %dma_start3A_2711 = arith.constant 0 : i32
      %dma_start3A_2712 = tpu.memref_slice %arg11[%mul3A_744, %dma_start3A_2711] : memref<131072x32xf32, #tpu.memory_space<hbm>> -> memref<32x32xf32, #tpu.memory_space<hbm>>
      %dma_start3A_2713 = arith.constant 0 : i32
      %dma_start3A_2714 = tpu.memref_slice %arg11[%mul3A_744, %dma_start3A_2713] : memref<131072x32xf32, #tpu.memory_space<hbm>> -> memref<32x32xf32, #tpu.memory_space<hbm>>
      %dma_start3A_2715 = arith.constant 0 : i32
      %dma_start3A_2716 = arith.constant 0 : i32
      %dma_start3A_2717 = tpu.memref_slice %arg23[%dma_start3A_2715, %dma_start3A_2716] : memref<64x32xf32, #tpu.memory_space<vmem>> -> memref<32x32xf32, #tpu.memory_space<vmem>>
      tpu.enqueue_dma source(%dma_start3A_2717 : memref<32x32xf32, #tpu.memory_space<vmem>>) target(%dma_start3A_2714 : memref<32x32xf32, #tpu.memory_space<hbm>>) target_semaphore(%run_scoped3A : memref<!tpu.dma_semaphore, #tpu.memory_space<semaphore_mem>>)
      %dma_wait3A_2718 = arith.constant 0 : i32
      %dma_wait3A_2719 = arith.constant 0 : i32
      %dma_wait3A_2720 = tpu.memref_slice %arg23[%dma_wait3A_2718, %dma_wait3A_2719] : memref<64x32xf32, #tpu.memory_space<vmem>> -> memref<32x32xf32, #tpu.memory_space<vmem>>
      %dma_wait3A_2721 = arith.constant 0 : i32
      %dma_wait3A_2722 = tpu.memref_slice %arg11[%mul3A_744, %dma_wait3A_2721] : memref<131072x32xf32, #tpu.memory_space<hbm>> -> memref<32x32xf32, #tpu.memory_space<hbm>>
      %dma_wait3A_2723 = arith.constant 0 : i32
      %dma_wait3A_2724 = tpu.memref_slice %arg11[%mul3A_744, %dma_wait3A_2723] : memref<131072x32xf32, #tpu.memory_space<hbm>> -> memref<32x32xf32, #tpu.memory_space<hbm>>
      %dma_wait3A_2725 = arith.constant 0 : i32
      %dma_wait3A_2726 = arith.constant 0 : i32
      %dma_wait3A_2727 = tpu.memref_slice %arg23[%dma_wait3A_2725, %dma_wait3A_2726] : memref<64x32xf32, #tpu.memory_space<vmem>> -> memref<32x32xf32, #tpu.memory_space<vmem>>
      tpu.wait_dma2 semaphore(%run_scoped3A : memref<!tpu.dma_semaphore, #tpu.memory_space<semaphore_mem>>) src(%dma_wait3A_2727 : memref<32x32xf32, #tpu.memory_space<vmem>>) dst(%dma_wait3A_2724 : memref<32x32xf32, #tpu.memory_space<hbm>>)
      tpu.yield
    }) : () -> ()
    %add3A_745 = arith.constant 128 : i32
    %add3A_746 = arith.addi %mul3A_4, %add3A_745 : i32
    %jit3A_747 = arith.constant 32 : i32
    %div3A_748 = arith.divsi %add3A_746, %jit3A_747 : i32
    %sign3A_749 = arith.constant 0 : i32
    %sign3A_750 = arith.cmpi sgt, %add3A_746, %sign3A_749 : i32
    %sign3A_751 = arith.extui %sign3A_750 : i1 to i32
    %sign3A_752 = arith.constant 0 : i32
    %sign3A_753 = arith.cmpi slt, %add3A_746, %sign3A_752 : i32
    %sign3A_754 = arith.extui %sign3A_753 : i1 to i32
    %sign3A_755 = arith.subi %sign3A_751, %sign3A_754 : i32
    %sign3A_756 = arith.constant 0 : i32
    %sign3A_757 = arith.cmpi sgt, %jit3A_747, %sign3A_756 : i32
    %sign3A_758 = arith.extui %sign3A_757 : i1 to i32
    %sign3A_759 = arith.constant 0 : i32
    %sign3A_760 = arith.cmpi slt, %jit3A_747, %sign3A_759 : i32
    %sign3A_761 = arith.extui %sign3A_760 : i1 to i32
    %sign3A_762 = arith.subi %sign3A_758, %sign3A_761 : i32
    %ne3A_763 = arith.cmpi ne, %sign3A_755, %sign3A_762 : i32
    %rem3A_764 = arith.remsi %add3A_746, %jit3A_747 : i32
    %ne3A_765 = arith.constant 0 : i32
    %ne3A_766 = arith.cmpi ne, %rem3A_764, %ne3A_765 : i32
    %and3A_767 = arith.andi %ne3A_763, %ne3A_766 : i1
    %sub3A_768 = arith.constant 1 : i32
    %sub3A_769 = arith.subi %div3A_748, %sub3A_768 : i32
    %select_n3A_770 = arith.select %and3A_767, %sub3A_769, %div3A_748 : i32
    %add3A_771 = arith.constant 1 : i32
    %add3A_772 = arith.addi %select_n3A_770, %add3A_771 : i32
    %add3A_773 = arith.addi %shift_right_logical3A_580, %add3A_772 : i32
    %and3A_774 = arith.constant 4095 : i32
    %and3A_775 = arith.andi %add3A_773, %and3A_774 : i32
    %mul3A_776 = arith.constant 32 : i32
    %mul3A_777 = arith.muli %and3A_775, %mul3A_776 : i32
    "tpu.region"() ({
      %run_scoped3A = tpu.sem_alloc : memref<!tpu.dma_semaphore, #tpu.memory_space<semaphore_mem>>
      %dma_start3A_2708 = arith.constant 32 : i32
      %dma_start3A_2709 = arith.constant 0 : i32
      %dma_start3A_2710 = tpu.memref_slice %arg23[%dma_start3A_2708, %dma_start3A_2709] : memref<64x32xf32, #tpu.memory_space<vmem>> -> memref<32x32xf32, #tpu.memory_space<vmem>>
      %dma_start3A_2711 = arith.constant 0 : i32
      %dma_start3A_2712 = tpu.memref_slice %arg11[%mul3A_777, %dma_start3A_2711] : memref<131072x32xf32, #tpu.memory_space<hbm>> -> memref<32x32xf32, #tpu.memory_space<hbm>>
      %dma_start3A_2713 = arith.constant 0 : i32
      %dma_start3A_2714 = tpu.memref_slice %arg11[%mul3A_777, %dma_start3A_2713] : memref<131072x32xf32, #tpu.memory_space<hbm>> -> memref<32x32xf32, #tpu.memory_space<hbm>>
      %dma_start3A_2715 = arith.constant 32 : i32
      %dma_start3A_2716 = arith.constant 0 : i32
      %dma_start3A_2717 = tpu.memref_slice %arg23[%dma_start3A_2715, %dma_start3A_2716] : memref<64x32xf32, #tpu.memory_space<vmem>> -> memref<32x32xf32, #tpu.memory_space<vmem>>
      tpu.enqueue_dma source(%dma_start3A_2717 : memref<32x32xf32, #tpu.memory_space<vmem>>) target(%dma_start3A_2714 : memref<32x32xf32, #tpu.memory_space<hbm>>) target_semaphore(%run_scoped3A : memref<!tpu.dma_semaphore, #tpu.memory_space<semaphore_mem>>)
      %dma_wait3A_2718 = arith.constant 32 : i32
      %dma_wait3A_2719 = arith.constant 0 : i32
      %dma_wait3A_2720 = tpu.memref_slice %arg23[%dma_wait3A_2718, %dma_wait3A_2719] : memref<64x32xf32, #tpu.memory_space<vmem>> -> memref<32x32xf32, #tpu.memory_space<vmem>>
      %dma_wait3A_2721 = arith.constant 0 : i32
      %dma_wait3A_2722 = tpu.memref_slice %arg11[%mul3A_777, %dma_wait3A_2721] : memref<131072x32xf32, #tpu.memory_space<hbm>> -> memref<32x32xf32, #tpu.memory_space<hbm>>
      %dma_wait3A_2723 = arith.constant 0 : i32
      %dma_wait3A_2724 = tpu.memref_slice %arg11[%mul3A_777, %dma_wait3A_2723] : memref<131072x32xf32, #tpu.memory_space<hbm>> -> memref<32x32xf32, #tpu.memory_space<hbm>>
      %dma_wait3A_2725 = arith.constant 32 : i32
      %dma_wait3A_2726 = arith.constant 0 : i32
      %dma_wait3A_2727 = tpu.memref_slice %arg23[%dma_wait3A_2725, %dma_wait3A_2726] : memref<64x32xf32, #tpu.memory_space<vmem>> -> memref<32x32xf32, #tpu.memory_space<vmem>>
      tpu.wait_dma2 semaphore(%run_scoped3A : memref<!tpu.dma_semaphore, #tpu.memory_space<semaphore_mem>>) src(%dma_wait3A_2727 : memref<32x32xf32, #tpu.memory_space<vmem>>) dst(%dma_wait3A_2724 : memref<32x32xf32, #tpu.memory_space<hbm>>)
      tpu.yield
    }) : () -> ()
    %add3A_778 = arith.constant 192 : i32
    %add3A_779 = arith.addi %mul3A_4, %add3A_778 : i32
    "tpu.region"() ({
      %run_scoped3A = tpu.sem_alloc : memref<!tpu.dma_semaphore, #tpu.memory_space<semaphore_mem>>
      %dma_start3A_2708 = arith.constant 0 : i32
      %dma_start3A_2709 = tpu.memref_slice %arg4[%add3A_779, %dma_start3A_2708] : memref<16384x32xf32, #tpu.memory_space<hbm>> -> memref<64x32xf32, #tpu.memory_space<hbm>>
      %dma_start3A_2710 = arith.constant 0 : i32
      %dma_start3A_2711 = tpu.memref_slice %arg4[%add3A_779, %dma_start3A_2710] : memref<16384x32xf32, #tpu.memory_space<hbm>> -> memref<64x32xf32, #tpu.memory_space<hbm>>
      tpu.enqueue_dma source(%dma_start3A_2711 : memref<64x32xf32, #tpu.memory_space<hbm>>) target(%arg23 : memref<64x32xf32, #tpu.memory_space<vmem>>) target_semaphore(%run_scoped3A : memref<!tpu.dma_semaphore, #tpu.memory_space<semaphore_mem>>)
      %dma_wait3A_2712 = arith.constant 0 : i32
      %dma_wait3A_2713 = tpu.memref_slice %arg4[%add3A_779, %dma_wait3A_2712] : memref<16384x32xf32, #tpu.memory_space<hbm>> -> memref<64x32xf32, #tpu.memory_space<hbm>>
      %dma_wait3A_2714 = arith.constant 0 : i32
      %dma_wait3A_2715 = tpu.memref_slice %arg4[%add3A_779, %dma_wait3A_2714] : memref<16384x32xf32, #tpu.memory_space<hbm>> -> memref<64x32xf32, #tpu.memory_space<hbm>>
      tpu.wait_dma2 semaphore(%run_scoped3A : memref<!tpu.dma_semaphore, #tpu.memory_space<semaphore_mem>>) src(%dma_wait3A_2715 : memref<64x32xf32, #tpu.memory_space<hbm>>) dst(%arg23 : memref<64x32xf32, #tpu.memory_space<vmem>>)
      tpu.yield
    }) : () -> ()
    %add3A_780 = arith.constant 192 : i32
    %add3A_781 = arith.addi %mul3A_4, %add3A_780 : i32
    %jit3A_782 = arith.constant 32 : i32
    %div3A_783 = arith.divsi %add3A_781, %jit3A_782 : i32
    %sign3A_784 = arith.constant 0 : i32
    %sign3A_785 = arith.cmpi sgt, %add3A_781, %sign3A_784 : i32
    %sign3A_786 = arith.extui %sign3A_785 : i1 to i32
    %sign3A_787 = arith.constant 0 : i32
    %sign3A_788 = arith.cmpi slt, %add3A_781, %sign3A_787 : i32
    %sign3A_789 = arith.extui %sign3A_788 : i1 to i32
    %sign3A_790 = arith.subi %sign3A_786, %sign3A_789 : i32
    %sign3A_791 = arith.constant 0 : i32
    %sign3A_792 = arith.cmpi sgt, %jit3A_782, %sign3A_791 : i32
    %sign3A_793 = arith.extui %sign3A_792 : i1 to i32
    %sign3A_794 = arith.constant 0 : i32
    %sign3A_795 = arith.cmpi slt, %jit3A_782, %sign3A_794 : i32
    %sign3A_796 = arith.extui %sign3A_795 : i1 to i32
    %sign3A_797 = arith.subi %sign3A_793, %sign3A_796 : i32
    %ne3A_798 = arith.cmpi ne, %sign3A_790, %sign3A_797 : i32
    %rem3A_799 = arith.remsi %add3A_781, %jit3A_782 : i32
    %ne3A_800 = arith.constant 0 : i32
    %ne3A_801 = arith.cmpi ne, %rem3A_799, %ne3A_800 : i32
    %and3A_802 = arith.andi %ne3A_798, %ne3A_801 : i1
    %sub3A_803 = arith.constant 1 : i32
    %sub3A_804 = arith.subi %div3A_783, %sub3A_803 : i32
    %select_n3A_805 = arith.select %and3A_802, %sub3A_804, %div3A_783 : i32
    %add3A_806 = arith.constant 0 : i32
    %add3A_807 = arith.addi %select_n3A_805, %add3A_806 : i32
    %add3A_808 = arith.addi %shift_right_logical3A_580, %add3A_807 : i32
    %and3A_809 = arith.constant 4095 : i32
    %and3A_810 = arith.andi %add3A_808, %and3A_809 : i32
    %mul3A_811 = arith.constant 32 : i32
    %mul3A_812 = arith.muli %and3A_810, %mul3A_811 : i32
    "tpu.region"() ({
      %run_scoped3A = tpu.sem_alloc : memref<!tpu.dma_semaphore, #tpu.memory_space<semaphore_mem>>
      %dma_start3A_2708 = arith.constant 0 : i32
      %dma_start3A_2709 = arith.constant 0 : i32
      %dma_start3A_2710 = tpu.memref_slice %arg23[%dma_start3A_2708, %dma_start3A_2709] : memref<64x32xf32, #tpu.memory_space<vmem>> -> memref<32x32xf32, #tpu.memory_space<vmem>>
      %dma_start3A_2711 = arith.constant 0 : i32
      %dma_start3A_2712 = tpu.memref_slice %arg11[%mul3A_812, %dma_start3A_2711] : memref<131072x32xf32, #tpu.memory_space<hbm>> -> memref<32x32xf32, #tpu.memory_space<hbm>>
      %dma_start3A_2713 = arith.constant 0 : i32
      %dma_start3A_2714 = tpu.memref_slice %arg11[%mul3A_812, %dma_start3A_2713] : memref<131072x32xf32, #tpu.memory_space<hbm>> -> memref<32x32xf32, #tpu.memory_space<hbm>>
      %dma_start3A_2715 = arith.constant 0 : i32
      %dma_start3A_2716 = arith.constant 0 : i32
      %dma_start3A_2717 = tpu.memref_slice %arg23[%dma_start3A_2715, %dma_start3A_2716] : memref<64x32xf32, #tpu.memory_space<vmem>> -> memref<32x32xf32, #tpu.memory_space<vmem>>
      tpu.enqueue_dma source(%dma_start3A_2717 : memref<32x32xf32, #tpu.memory_space<vmem>>) target(%dma_start3A_2714 : memref<32x32xf32, #tpu.memory_space<hbm>>) target_semaphore(%run_scoped3A : memref<!tpu.dma_semaphore, #tpu.memory_space<semaphore_mem>>)
      %dma_wait3A_2718 = arith.constant 0 : i32
      %dma_wait3A_2719 = arith.constant 0 : i32
      %dma_wait3A_2720 = tpu.memref_slice %arg23[%dma_wait3A_2718, %dma_wait3A_2719] : memref<64x32xf32, #tpu.memory_space<vmem>> -> memref<32x32xf32, #tpu.memory_space<vmem>>
      %dma_wait3A_2721 = arith.constant 0 : i32
      %dma_wait3A_2722 = tpu.memref_slice %arg11[%mul3A_812, %dma_wait3A_2721] : memref<131072x32xf32, #tpu.memory_space<hbm>> -> memref<32x32xf32, #tpu.memory_space<hbm>>
      %dma_wait3A_2723 = arith.constant 0 : i32
      %dma_wait3A_2724 = tpu.memref_slice %arg11[%mul3A_812, %dma_wait3A_2723] : memref<131072x32xf32, #tpu.memory_space<hbm>> -> memref<32x32xf32, #tpu.memory_space<hbm>>
      %dma_wait3A_2725 = arith.constant 0 : i32
      %dma_wait3A_2726 = arith.constant 0 : i32
      %dma_wait3A_2727 = tpu.memref_slice %arg23[%dma_wait3A_2725, %dma_wait3A_2726] : memref<64x32xf32, #tpu.memory_space<vmem>> -> memref<32x32xf32, #tpu.memory_space<vmem>>
      tpu.wait_dma2 semaphore(%run_scoped3A : memref<!tpu.dma_semaphore, #tpu.memory_space<semaphore_mem>>) src(%dma_wait3A_2727 : memref<32x32xf32, #tpu.memory_space<vmem>>) dst(%dma_wait3A_2724 : memref<32x32xf32, #tpu.memory_space<hbm>>)
      tpu.yield
    }) : () -> ()
    %add3A_813 = arith.constant 192 : i32
    %add3A_814 = arith.addi %mul3A_4, %add3A_813 : i32
    %jit3A_815 = arith.constant 32 : i32
    %div3A_816 = arith.divsi %add3A_814, %jit3A_815 : i32
    %sign3A_817 = arith.constant 0 : i32
    %sign3A_818 = arith.cmpi sgt, %add3A_814, %sign3A_817 : i32
    %sign3A_819 = arith.extui %sign3A_818 : i1 to i32
    %sign3A_820 = arith.constant 0 : i32
    %sign3A_821 = arith.cmpi slt, %add3A_814, %sign3A_820 : i32
    %sign3A_822 = arith.extui %sign3A_821 : i1 to i32
    %sign3A_823 = arith.subi %sign3A_819, %sign3A_822 : i32
    %sign3A_824 = arith.constant 0 : i32
    %sign3A_825 = arith.cmpi sgt, %jit3A_815, %sign3A_824 : i32
    %sign3A_826 = arith.extui %sign3A_825 : i1 to i32
    %sign3A_827 = arith.constant 0 : i32
    %sign3A_828 = arith.cmpi slt, %jit3A_815, %sign3A_827 : i32
    %sign3A_829 = arith.extui %sign3A_828 : i1 to i32
    %sign3A_830 = arith.subi %sign3A_826, %sign3A_829 : i32
    %ne3A_831 = arith.cmpi ne, %sign3A_823, %sign3A_830 : i32
    %rem3A_832 = arith.remsi %add3A_814, %jit3A_815 : i32
    %ne3A_833 = arith.constant 0 : i32
    %ne3A_834 = arith.cmpi ne, %rem3A_832, %ne3A_833 : i32
    %and3A_835 = arith.andi %ne3A_831, %ne3A_834 : i1
    %sub3A_836 = arith.constant 1 : i32
    %sub3A_837 = arith.subi %div3A_816, %sub3A_836 : i32
    %select_n3A_838 = arith.select %and3A_835, %sub3A_837, %div3A_816 : i32
    %add3A_839 = arith.constant 1 : i32
    %add3A_840 = arith.addi %select_n3A_838, %add3A_839 : i32
    %add3A_841 = arith.addi %shift_right_logical3A_580, %add3A_840 : i32
    %and3A_842 = arith.constant 4095 : i32
    %and3A_843 = arith.andi %add3A_841, %and3A_842 : i32
    %mul3A_844 = arith.constant 32 : i32
    %mul3A_845 = arith.muli %and3A_843, %mul3A_844 : i32
    "tpu.region"() ({
      %run_scoped3A = tpu.sem_alloc : memref<!tpu.dma_semaphore, #tpu.memory_space<semaphore_mem>>
      %dma_start3A_2708 = arith.constant 32 : i32
      %dma_start3A_2709 = arith.constant 0 : i32
      %dma_start3A_2710 = tpu.memref_slice %arg23[%dma_start3A_2708, %dma_start3A_2709] : memref<64x32xf32, #tpu.memory_space<vmem>> -> memref<32x32xf32, #tpu.memory_space<vmem>>
      %dma_start3A_2711 = arith.constant 0 : i32
      %dma_start3A_2712 = tpu.memref_slice %arg11[%mul3A_845, %dma_start3A_2711] : memref<131072x32xf32, #tpu.memory_space<hbm>> -> memref<32x32xf32, #tpu.memory_space<hbm>>
      %dma_start3A_2713 = arith.constant 0 : i32
      %dma_start3A_2714 = tpu.memref_slice %arg11[%mul3A_845, %dma_start3A_2713] : memref<131072x32xf32, #tpu.memory_space<hbm>> -> memref<32x32xf32, #tpu.memory_space<hbm>>
      %dma_start3A_2715 = arith.constant 32 : i32
      %dma_start3A_2716 = arith.constant 0 : i32
      %dma_start3A_2717 = tpu.memref_slice %arg23[%dma_start3A_2715, %dma_start3A_2716] : memref<64x32xf32, #tpu.memory_space<vmem>> -> memref<32x32xf32, #tpu.memory_space<vmem>>
      tpu.enqueue_dma source(%dma_start3A_2717 : memref<32x32xf32, #tpu.memory_space<vmem>>) target(%dma_start3A_2714 : memref<32x32xf32, #tpu.memory_space<hbm>>) target_semaphore(%run_scoped3A : memref<!tpu.dma_semaphore, #tpu.memory_space<semaphore_mem>>)
      %dma_wait3A_2718 = arith.constant 32 : i32
      %dma_wait3A_2719 = arith.constant 0 : i32
      %dma_wait3A_2720 = tpu.memref_slice %arg23[%dma_wait3A_2718, %dma_wait3A_2719] : memref<64x32xf32, #tpu.memory_space<vmem>> -> memref<32x32xf32, #tpu.memory_space<vmem>>
      %dma_wait3A_2721 = arith.constant 0 : i32
      %dma_wait3A_2722 = tpu.memref_slice %arg11[%mul3A_845, %dma_wait3A_2721] : memref<131072x32xf32, #tpu.memory_space<hbm>> -> memref<32x32xf32, #tpu.memory_space<hbm>>
      %dma_wait3A_2723 = arith.constant 0 : i32
      %dma_wait3A_2724 = tpu.memref_slice %arg11[%mul3A_845, %dma_wait3A_2723] : memref<131072x32xf32, #tpu.memory_space<hbm>> -> memref<32x32xf32, #tpu.memory_space<hbm>>
      %dma_wait3A_2725 = arith.constant 32 : i32
      %dma_wait3A_2726 = arith.constant 0 : i32
      %dma_wait3A_2727 = tpu.memref_slice %arg23[%dma_wait3A_2725, %dma_wait3A_2726] : memref<64x32xf32, #tpu.memory_space<vmem>> -> memref<32x32xf32, #tpu.memory_space<vmem>>
      tpu.wait_dma2 semaphore(%run_scoped3A : memref<!tpu.dma_semaphore, #tpu.memory_space<semaphore_mem>>) src(%dma_wait3A_2727 : memref<32x32xf32, #tpu.memory_space<vmem>>) dst(%dma_wait3A_2724 : memref<32x32xf32, #tpu.memory_space<hbm>>)
      tpu.yield
    }) : () -> ()
    %add3A_846 = arith.constant 256 : i32
    %add3A_847 = arith.addi %mul3A_4, %add3A_846 : i32
    "tpu.region"() ({
      %run_scoped3A = tpu.sem_alloc : memref<!tpu.dma_semaphore, #tpu.memory_space<semaphore_mem>>
      %dma_start3A_2708 = arith.constant 0 : i32
      %dma_start3A_2709 = tpu.memref_slice %arg4[%add3A_847, %dma_start3A_2708] : memref<16384x32xf32, #tpu.memory_space<hbm>> -> memref<64x32xf32, #tpu.memory_space<hbm>>
      %dma_start3A_2710 = arith.constant 0 : i32
      %dma_start3A_2711 = tpu.memref_slice %arg4[%add3A_847, %dma_start3A_2710] : memref<16384x32xf32, #tpu.memory_space<hbm>> -> memref<64x32xf32, #tpu.memory_space<hbm>>
      tpu.enqueue_dma source(%dma_start3A_2711 : memref<64x32xf32, #tpu.memory_space<hbm>>) target(%arg23 : memref<64x32xf32, #tpu.memory_space<vmem>>) target_semaphore(%run_scoped3A : memref<!tpu.dma_semaphore, #tpu.memory_space<semaphore_mem>>)
      %dma_wait3A_2712 = arith.constant 0 : i32
      %dma_wait3A_2713 = tpu.memref_slice %arg4[%add3A_847, %dma_wait3A_2712] : memref<16384x32xf32, #tpu.memory_space<hbm>> -> memref<64x32xf32, #tpu.memory_space<hbm>>
      %dma_wait3A_2714 = arith.constant 0 : i32
      %dma_wait3A_2715 = tpu.memref_slice %arg4[%add3A_847, %dma_wait3A_2714] : memref<16384x32xf32, #tpu.memory_space<hbm>> -> memref<64x32xf32, #tpu.memory_space<hbm>>
      tpu.wait_dma2 semaphore(%run_scoped3A : memref<!tpu.dma_semaphore, #tpu.memory_space<semaphore_mem>>) src(%dma_wait3A_2715 : memref<64x32xf32, #tpu.memory_space<hbm>>) dst(%arg23 : memref<64x32xf32, #tpu.memory_space<vmem>>)
      tpu.yield
    }) : () -> ()
    %add3A_848 = arith.constant 256 : i32
    %add3A_849 = arith.addi %mul3A_4, %add3A_848 : i32
    %jit3A_850 = arith.constant 32 : i32
    %div3A_851 = arith.divsi %add3A_849, %jit3A_850 : i32
    %sign3A_852 = arith.constant 0 : i32
    %sign3A_853 = arith.cmpi sgt, %add3A_849, %sign3A_852 : i32
    %sign3A_854 = arith.extui %sign3A_853 : i1 to i32
    %sign3A_855 = arith.constant 0 : i32
    %sign3A_856 = arith.cmpi slt, %add3A_849, %sign3A_855 : i32
    %sign3A_857 = arith.extui %sign3A_856 : i1 to i32
    %sign3A_858 = arith.subi %sign3A_854, %sign3A_857 : i32
    %sign3A_859 = arith.constant 0 : i32
    %sign3A_860 = arith.cmpi sgt, %jit3A_850, %sign3A_859 : i32
    %sign3A_861 = arith.extui %sign3A_860 : i1 to i32
    %sign3A_862 = arith.constant 0 : i32
    %sign3A_863 = arith.cmpi slt, %jit3A_850, %sign3A_862 : i32
    %sign3A_864 = arith.extui %sign3A_863 : i1 to i32
    %sign3A_865 = arith.subi %sign3A_861, %sign3A_864 : i32
    %ne3A_866 = arith.cmpi ne, %sign3A_858, %sign3A_865 : i32
    %rem3A_867 = arith.remsi %add3A_849, %jit3A_850 : i32
    %ne3A_868 = arith.constant 0 : i32
    %ne3A_869 = arith.cmpi ne, %rem3A_867, %ne3A_868 : i32
    %and3A_870 = arith.andi %ne3A_866, %ne3A_869 : i1
    %sub3A_871 = arith.constant 1 : i32
    %sub3A_872 = arith.subi %div3A_851, %sub3A_871 : i32
    %select_n3A_873 = arith.select %and3A_870, %sub3A_872, %div3A_851 : i32
    %add3A_874 = arith.constant 0 : i32
    %add3A_875 = arith.addi %select_n3A_873, %add3A_874 : i32
    %add3A_876 = arith.addi %shift_right_logical3A_580, %add3A_875 : i32
    %and3A_877 = arith.constant 4095 : i32
    %and3A_878 = arith.andi %add3A_876, %and3A_877 : i32
    %mul3A_879 = arith.constant 32 : i32
    %mul3A_880 = arith.muli %and3A_878, %mul3A_879 : i32
    "tpu.region"() ({
      %run_scoped3A = tpu.sem_alloc : memref<!tpu.dma_semaphore, #tpu.memory_space<semaphore_mem>>
      %dma_start3A_2708 = arith.constant 0 : i32
      %dma_start3A_2709 = arith.constant 0 : i32
      %dma_start3A_2710 = tpu.memref_slice %arg23[%dma_start3A_2708, %dma_start3A_2709] : memref<64x32xf32, #tpu.memory_space<vmem>> -> memref<32x32xf32, #tpu.memory_space<vmem>>
      %dma_start3A_2711 = arith.constant 0 : i32
      %dma_start3A_2712 = tpu.memref_slice %arg11[%mul3A_880, %dma_start3A_2711] : memref<131072x32xf32, #tpu.memory_space<hbm>> -> memref<32x32xf32, #tpu.memory_space<hbm>>
      %dma_start3A_2713 = arith.constant 0 : i32
      %dma_start3A_2714 = tpu.memref_slice %arg11[%mul3A_880, %dma_start3A_2713] : memref<131072x32xf32, #tpu.memory_space<hbm>> -> memref<32x32xf32, #tpu.memory_space<hbm>>
      %dma_start3A_2715 = arith.constant 0 : i32
      %dma_start3A_2716 = arith.constant 0 : i32
      %dma_start3A_2717 = tpu.memref_slice %arg23[%dma_start3A_2715, %dma_start3A_2716] : memref<64x32xf32, #tpu.memory_space<vmem>> -> memref<32x32xf32, #tpu.memory_space<vmem>>
      tpu.enqueue_dma source(%dma_start3A_2717 : memref<32x32xf32, #tpu.memory_space<vmem>>) target(%dma_start3A_2714 : memref<32x32xf32, #tpu.memory_space<hbm>>) target_semaphore(%run_scoped3A : memref<!tpu.dma_semaphore, #tpu.memory_space<semaphore_mem>>)
      %dma_wait3A_2718 = arith.constant 0 : i32
      %dma_wait3A_2719 = arith.constant 0 : i32
      %dma_wait3A_2720 = tpu.memref_slice %arg23[%dma_wait3A_2718, %dma_wait3A_2719] : memref<64x32xf32, #tpu.memory_space<vmem>> -> memref<32x32xf32, #tpu.memory_space<vmem>>
      %dma_wait3A_2721 = arith.constant 0 : i32
      %dma_wait3A_2722 = tpu.memref_slice %arg11[%mul3A_880, %dma_wait3A_2721] : memref<131072x32xf32, #tpu.memory_space<hbm>> -> memref<32x32xf32, #tpu.memory_space<hbm>>
      %dma_wait3A_2723 = arith.constant 0 : i32
      %dma_wait3A_2724 = tpu.memref_slice %arg11[%mul3A_880, %dma_wait3A_2723] : memref<131072x32xf32, #tpu.memory_space<hbm>> -> memref<32x32xf32, #tpu.memory_space<hbm>>
      %dma_wait3A_2725 = arith.constant 0 : i32
      %dma_wait3A_2726 = arith.constant 0 : i32
      %dma_wait3A_2727 = tpu.memref_slice %arg23[%dma_wait3A_2725, %dma_wait3A_2726] : memref<64x32xf32, #tpu.memory_space<vmem>> -> memref<32x32xf32, #tpu.memory_space<vmem>>
      tpu.wait_dma2 semaphore(%run_scoped3A : memref<!tpu.dma_semaphore, #tpu.memory_space<semaphore_mem>>) src(%dma_wait3A_2727 : memref<32x32xf32, #tpu.memory_space<vmem>>) dst(%dma_wait3A_2724 : memref<32x32xf32, #tpu.memory_space<hbm>>)
      tpu.yield
    }) : () -> ()
    %add3A_881 = arith.constant 256 : i32
    %add3A_882 = arith.addi %mul3A_4, %add3A_881 : i32
    %jit3A_883 = arith.constant 32 : i32
    %div3A_884 = arith.divsi %add3A_882, %jit3A_883 : i32
    %sign3A_885 = arith.constant 0 : i32
    %sign3A_886 = arith.cmpi sgt, %add3A_882, %sign3A_885 : i32
    %sign3A_887 = arith.extui %sign3A_886 : i1 to i32
    %sign3A_888 = arith.constant 0 : i32
    %sign3A_889 = arith.cmpi slt, %add3A_882, %sign3A_888 : i32
    %sign3A_890 = arith.extui %sign3A_889 : i1 to i32
    %sign3A_891 = arith.subi %sign3A_887, %sign3A_890 : i32
    %sign3A_892 = arith.constant 0 : i32
    %sign3A_893 = arith.cmpi sgt, %jit3A_883, %sign3A_892 : i32
    %sign3A_894 = arith.extui %sign3A_893 : i1 to i32
    %sign3A_895 = arith.constant 0 : i32
    %sign3A_896 = arith.cmpi slt, %jit3A_883, %sign3A_895 : i32
    %sign3A_897 = arith.extui %sign3A_896 : i1 to i32
    %sign3A_898 = arith.subi %sign3A_894, %sign3A_897 : i32
    %ne3A_899 = arith.cmpi ne, %sign3A_891, %sign3A_898 : i32
    %rem3A_900 = arith.remsi %add3A_882, %jit3A_883 : i32
    %ne3A_901 = arith.constant 0 : i32
    %ne3A_902 = arith.cmpi ne, %rem3A_900, %ne3A_901 : i32
    %and3A_903 = arith.andi %ne3A_899, %ne3A_902 : i1
    %sub3A_904 = arith.constant 1 : i32
    %sub3A_905 = arith.subi %div3A_884, %sub3A_904 : i32
    %select_n3A_906 = arith.select %and3A_903, %sub3A_905, %div3A_884 : i32
    %add3A_907 = arith.constant 1 : i32
    %add3A_908 = arith.addi %select_n3A_906, %add3A_907 : i32
    %add3A_909 = arith.addi %shift_right_logical3A_580, %add3A_908 : i32
    %and3A_910 = arith.constant 4095 : i32
    %and3A_911 = arith.andi %add3A_909, %and3A_910 : i32
    %mul3A_912 = arith.constant 32 : i32
    %mul3A_913 = arith.muli %and3A_911, %mul3A_912 : i32
    "tpu.region"() ({
      %run_scoped3A = tpu.sem_alloc : memref<!tpu.dma_semaphore, #tpu.memory_space<semaphore_mem>>
      %dma_start3A_2708 = arith.constant 32 : i32
      %dma_start3A_2709 = arith.constant 0 : i32
      %dma_start3A_2710 = tpu.memref_slice %arg23[%dma_start3A_2708, %dma_start3A_2709] : memref<64x32xf32, #tpu.memory_space<vmem>> -> memref<32x32xf32, #tpu.memory_space<vmem>>
      %dma_start3A_2711 = arith.constant 0 : i32
      %dma_start3A_2712 = tpu.memref_slice %arg11[%mul3A_913, %dma_start3A_2711] : memref<131072x32xf32, #tpu.memory_space<hbm>> -> memref<32x32xf32, #tpu.memory_space<hbm>>
      %dma_start3A_2713 = arith.constant 0 : i32
      %dma_start3A_2714 = tpu.memref_slice %arg11[%mul3A_913, %dma_start3A_2713] : memref<131072x32xf32, #tpu.memory_space<hbm>> -> memref<32x32xf32, #tpu.memory_space<hbm>>
      %dma_start3A_2715 = arith.constant 32 : i32
      %dma_start3A_2716 = arith.constant 0 : i32
      %dma_start3A_2717 = tpu.memref_slice %arg23[%dma_start3A_2715, %dma_start3A_2716] : memref<64x32xf32, #tpu.memory_space<vmem>> -> memref<32x32xf32, #tpu.memory_space<vmem>>
      tpu.enqueue_dma source(%dma_start3A_2717 : memref<32x32xf32, #tpu.memory_space<vmem>>) target(%dma_start3A_2714 : memref<32x32xf32, #tpu.memory_space<hbm>>) target_semaphore(%run_scoped3A : memref<!tpu.dma_semaphore, #tpu.memory_space<semaphore_mem>>)
      %dma_wait3A_2718 = arith.constant 32 : i32
      %dma_wait3A_2719 = arith.constant 0 : i32
      %dma_wait3A_2720 = tpu.memref_slice %arg23[%dma_wait3A_2718, %dma_wait3A_2719] : memref<64x32xf32, #tpu.memory_space<vmem>> -> memref<32x32xf32, #tpu.memory_space<vmem>>
      %dma_wait3A_2721 = arith.constant 0 : i32
      %dma_wait3A_2722 = tpu.memref_slice %arg11[%mul3A_913, %dma_wait3A_2721] : memref<131072x32xf32, #tpu.memory_space<hbm>> -> memref<32x32xf32, #tpu.memory_space<hbm>>
      %dma_wait3A_2723 = arith.constant 0 : i32
      %dma_wait3A_2724 = tpu.memref_slice %arg11[%mul3A_913, %dma_wait3A_2723] : memref<131072x32xf32, #tpu.memory_space<hbm>> -> memref<32x32xf32, #tpu.memory_space<hbm>>
      %dma_wait3A_2725 = arith.constant 32 : i32
      %dma_wait3A_2726 = arith.constant 0 : i32
      %dma_wait3A_2727 = tpu.memref_slice %arg23[%dma_wait3A_2725, %dma_wait3A_2726] : memref<64x32xf32, #tpu.memory_space<vmem>> -> memref<32x32xf32, #tpu.memory_space<vmem>>
      tpu.wait_dma2 semaphore(%run_scoped3A : memref<!tpu.dma_semaphore, #tpu.memory_space<semaphore_mem>>) src(%dma_wait3A_2727 : memref<32x32xf32, #tpu.memory_space<vmem>>) dst(%dma_wait3A_2724 : memref<32x32xf32, #tpu.memory_space<hbm>>)
      tpu.yield
    }) : () -> ()
    %add3A_914 = arith.constant 320 : i32
    %add3A_915 = arith.addi %mul3A_4, %add3A_914 : i32
    "tpu.region"() ({
      %run_scoped3A = tpu.sem_alloc : memref<!tpu.dma_semaphore, #tpu.memory_space<semaphore_mem>>
      %dma_start3A_2708 = arith.constant 0 : i32
      %dma_start3A_2709 = tpu.memref_slice %arg4[%add3A_915, %dma_start3A_2708] : memref<16384x32xf32, #tpu.memory_space<hbm>> -> memref<64x32xf32, #tpu.memory_space<hbm>>
      %dma_start3A_2710 = arith.constant 0 : i32
      %dma_start3A_2711 = tpu.memref_slice %arg4[%add3A_915, %dma_start3A_2710] : memref<16384x32xf32, #tpu.memory_space<hbm>> -> memref<64x32xf32, #tpu.memory_space<hbm>>
      tpu.enqueue_dma source(%dma_start3A_2711 : memref<64x32xf32, #tpu.memory_space<hbm>>) target(%arg23 : memref<64x32xf32, #tpu.memory_space<vmem>>) target_semaphore(%run_scoped3A : memref<!tpu.dma_semaphore, #tpu.memory_space<semaphore_mem>>)
      %dma_wait3A_2712 = arith.constant 0 : i32
      %dma_wait3A_2713 = tpu.memref_slice %arg4[%add3A_915, %dma_wait3A_2712] : memref<16384x32xf32, #tpu.memory_space<hbm>> -> memref<64x32xf32, #tpu.memory_space<hbm>>
      %dma_wait3A_2714 = arith.constant 0 : i32
      %dma_wait3A_2715 = tpu.memref_slice %arg4[%add3A_915, %dma_wait3A_2714] : memref<16384x32xf32, #tpu.memory_space<hbm>> -> memref<64x32xf32, #tpu.memory_space<hbm>>
      tpu.wait_dma2 semaphore(%run_scoped3A : memref<!tpu.dma_semaphore, #tpu.memory_space<semaphore_mem>>) src(%dma_wait3A_2715 : memref<64x32xf32, #tpu.memory_space<hbm>>) dst(%arg23 : memref<64x32xf32, #tpu.memory_space<vmem>>)
      tpu.yield
    }) : () -> ()
    %add3A_916 = arith.constant 320 : i32
    %add3A_917 = arith.addi %mul3A_4, %add3A_916 : i32
    %jit3A_918 = arith.constant 32 : i32
    %div3A_919 = arith.divsi %add3A_917, %jit3A_918 : i32
    %sign3A_920 = arith.constant 0 : i32
    %sign3A_921 = arith.cmpi sgt, %add3A_917, %sign3A_920 : i32
    %sign3A_922 = arith.extui %sign3A_921 : i1 to i32
    %sign3A_923 = arith.constant 0 : i32
    %sign3A_924 = arith.cmpi slt, %add3A_917, %sign3A_923 : i32
    %sign3A_925 = arith.extui %sign3A_924 : i1 to i32
    %sign3A_926 = arith.subi %sign3A_922, %sign3A_925 : i32
    %sign3A_927 = arith.constant 0 : i32
    %sign3A_928 = arith.cmpi sgt, %jit3A_918, %sign3A_927 : i32
    %sign3A_929 = arith.extui %sign3A_928 : i1 to i32
    %sign3A_930 = arith.constant 0 : i32
    %sign3A_931 = arith.cmpi slt, %jit3A_918, %sign3A_930 : i32
    %sign3A_932 = arith.extui %sign3A_931 : i1 to i32
    %sign3A_933 = arith.subi %sign3A_929, %sign3A_932 : i32
    %ne3A_934 = arith.cmpi ne, %sign3A_926, %sign3A_933 : i32
    %rem3A_935 = arith.remsi %add3A_917, %jit3A_918 : i32
    %ne3A_936 = arith.constant 0 : i32
    %ne3A_937 = arith.cmpi ne, %rem3A_935, %ne3A_936 : i32
    %and3A_938 = arith.andi %ne3A_934, %ne3A_937 : i1
    %sub3A_939 = arith.constant 1 : i32
    %sub3A_940 = arith.subi %div3A_919, %sub3A_939 : i32
    %select_n3A_941 = arith.select %and3A_938, %sub3A_940, %div3A_919 : i32
    %add3A_942 = arith.constant 0 : i32
    %add3A_943 = arith.addi %select_n3A_941, %add3A_942 : i32
    %add3A_944 = arith.addi %shift_right_logical3A_580, %add3A_943 : i32
    %and3A_945 = arith.constant 4095 : i32
    %and3A_946 = arith.andi %add3A_944, %and3A_945 : i32
    %mul3A_947 = arith.constant 32 : i32
    %mul3A_948 = arith.muli %and3A_946, %mul3A_947 : i32
    "tpu.region"() ({
      %run_scoped3A = tpu.sem_alloc : memref<!tpu.dma_semaphore, #tpu.memory_space<semaphore_mem>>
      %dma_start3A_2708 = arith.constant 0 : i32
      %dma_start3A_2709 = arith.constant 0 : i32
      %dma_start3A_2710 = tpu.memref_slice %arg23[%dma_start3A_2708, %dma_start3A_2709] : memref<64x32xf32, #tpu.memory_space<vmem>> -> memref<32x32xf32, #tpu.memory_space<vmem>>
      %dma_start3A_2711 = arith.constant 0 : i32
      %dma_start3A_2712 = tpu.memref_slice %arg11[%mul3A_948, %dma_start3A_2711] : memref<131072x32xf32, #tpu.memory_space<hbm>> -> memref<32x32xf32, #tpu.memory_space<hbm>>
      %dma_start3A_2713 = arith.constant 0 : i32
      %dma_start3A_2714 = tpu.memref_slice %arg11[%mul3A_948, %dma_start3A_2713] : memref<131072x32xf32, #tpu.memory_space<hbm>> -> memref<32x32xf32, #tpu.memory_space<hbm>>
      %dma_start3A_2715 = arith.constant 0 : i32
      %dma_start3A_2716 = arith.constant 0 : i32
      %dma_start3A_2717 = tpu.memref_slice %arg23[%dma_start3A_2715, %dma_start3A_2716] : memref<64x32xf32, #tpu.memory_space<vmem>> -> memref<32x32xf32, #tpu.memory_space<vmem>>
      tpu.enqueue_dma source(%dma_start3A_2717 : memref<32x32xf32, #tpu.memory_space<vmem>>) target(%dma_start3A_2714 : memref<32x32xf32, #tpu.memory_space<hbm>>) target_semaphore(%run_scoped3A : memref<!tpu.dma_semaphore, #tpu.memory_space<semaphore_mem>>)
      %dma_wait3A_2718 = arith.constant 0 : i32
      %dma_wait3A_2719 = arith.constant 0 : i32
      %dma_wait3A_2720 = tpu.memref_slice %arg23[%dma_wait3A_2718, %dma_wait3A_2719] : memref<64x32xf32, #tpu.memory_space<vmem>> -> memref<32x32xf32, #tpu.memory_space<vmem>>
      %dma_wait3A_2721 = arith.constant 0 : i32
      %dma_wait3A_2722 = tpu.memref_slice %arg11[%mul3A_948, %dma_wait3A_2721] : memref<131072x32xf32, #tpu.memory_space<hbm>> -> memref<32x32xf32, #tpu.memory_space<hbm>>
      %dma_wait3A_2723 = arith.constant 0 : i32
      %dma_wait3A_2724 = tpu.memref_slice %arg11[%mul3A_948, %dma_wait3A_2723] : memref<131072x32xf32, #tpu.memory_space<hbm>> -> memref<32x32xf32, #tpu.memory_space<hbm>>
      %dma_wait3A_2725 = arith.constant 0 : i32
      %dma_wait3A_2726 = arith.constant 0 : i32
      %dma_wait3A_2727 = tpu.memref_slice %arg23[%dma_wait3A_2725, %dma_wait3A_2726] : memref<64x32xf32, #tpu.memory_space<vmem>> -> memref<32x32xf32, #tpu.memory_space<vmem>>
      tpu.wait_dma2 semaphore(%run_scoped3A : memref<!tpu.dma_semaphore, #tpu.memory_space<semaphore_mem>>) src(%dma_wait3A_2727 : memref<32x32xf32, #tpu.memory_space<vmem>>) dst(%dma_wait3A_2724 : memref<32x32xf32, #tpu.memory_space<hbm>>)
      tpu.yield
    }) : () -> ()
    %add3A_949 = arith.constant 320 : i32
    %add3A_950 = arith.addi %mul3A_4, %add3A_949 : i32
    %jit3A_951 = arith.constant 32 : i32
    %div3A_952 = arith.divsi %add3A_950, %jit3A_951 : i32
    %sign3A_953 = arith.constant 0 : i32
    %sign3A_954 = arith.cmpi sgt, %add3A_950, %sign3A_953 : i32
    %sign3A_955 = arith.extui %sign3A_954 : i1 to i32
    %sign3A_956 = arith.constant 0 : i32
    %sign3A_957 = arith.cmpi slt, %add3A_950, %sign3A_956 : i32
    %sign3A_958 = arith.extui %sign3A_957 : i1 to i32
    %sign3A_959 = arith.subi %sign3A_955, %sign3A_958 : i32
    %sign3A_960 = arith.constant 0 : i32
    %sign3A_961 = arith.cmpi sgt, %jit3A_951, %sign3A_960 : i32
    %sign3A_962 = arith.extui %sign3A_961 : i1 to i32
    %sign3A_963 = arith.constant 0 : i32
    %sign3A_964 = arith.cmpi slt, %jit3A_951, %sign3A_963 : i32
    %sign3A_965 = arith.extui %sign3A_964 : i1 to i32
    %sign3A_966 = arith.subi %sign3A_962, %sign3A_965 : i32
    %ne3A_967 = arith.cmpi ne, %sign3A_959, %sign3A_966 : i32
    %rem3A_968 = arith.remsi %add3A_950, %jit3A_951 : i32
    %ne3A_969 = arith.constant 0 : i32
    %ne3A_970 = arith.cmpi ne, %rem3A_968, %ne3A_969 : i32
    %and3A_971 = arith.andi %ne3A_967, %ne3A_970 : i1
    %sub3A_972 = arith.constant 1 : i32
    %sub3A_973 = arith.subi %div3A_952, %sub3A_972 : i32
    %select_n3A_974 = arith.select %and3A_971, %sub3A_973, %div3A_952 : i32
    %add3A_975 = arith.constant 1 : i32
    %add3A_976 = arith.addi %select_n3A_974, %add3A_975 : i32
    %add3A_977 = arith.addi %shift_right_logical3A_580, %add3A_976 : i32
    %and3A_978 = arith.constant 4095 : i32
    %and3A_979 = arith.andi %add3A_977, %and3A_978 : i32
    %mul3A_980 = arith.constant 32 : i32
    %mul3A_981 = arith.muli %and3A_979, %mul3A_980 : i32
    "tpu.region"() ({
      %run_scoped3A = tpu.sem_alloc : memref<!tpu.dma_semaphore, #tpu.memory_space<semaphore_mem>>
      %dma_start3A_2708 = arith.constant 32 : i32
      %dma_start3A_2709 = arith.constant 0 : i32
      %dma_start3A_2710 = tpu.memref_slice %arg23[%dma_start3A_2708, %dma_start3A_2709] : memref<64x32xf32, #tpu.memory_space<vmem>> -> memref<32x32xf32, #tpu.memory_space<vmem>>
      %dma_start3A_2711 = arith.constant 0 : i32
      %dma_start3A_2712 = tpu.memref_slice %arg11[%mul3A_981, %dma_start3A_2711] : memref<131072x32xf32, #tpu.memory_space<hbm>> -> memref<32x32xf32, #tpu.memory_space<hbm>>
      %dma_start3A_2713 = arith.constant 0 : i32
      %dma_start3A_2714 = tpu.memref_slice %arg11[%mul3A_981, %dma_start3A_2713] : memref<131072x32xf32, #tpu.memory_space<hbm>> -> memref<32x32xf32, #tpu.memory_space<hbm>>
      %dma_start3A_2715 = arith.constant 32 : i32
      %dma_start3A_2716 = arith.constant 0 : i32
      %dma_start3A_2717 = tpu.memref_slice %arg23[%dma_start3A_2715, %dma_start3A_2716] : memref<64x32xf32, #tpu.memory_space<vmem>> -> memref<32x32xf32, #tpu.memory_space<vmem>>
      tpu.enqueue_dma source(%dma_start3A_2717 : memref<32x32xf32, #tpu.memory_space<vmem>>) target(%dma_start3A_2714 : memref<32x32xf32, #tpu.memory_space<hbm>>) target_semaphore(%run_scoped3A : memref<!tpu.dma_semaphore, #tpu.memory_space<semaphore_mem>>)
      %dma_wait3A_2718 = arith.constant 32 : i32
      %dma_wait3A_2719 = arith.constant 0 : i32
      %dma_wait3A_2720 = tpu.memref_slice %arg23[%dma_wait3A_2718, %dma_wait3A_2719] : memref<64x32xf32, #tpu.memory_space<vmem>> -> memref<32x32xf32, #tpu.memory_space<vmem>>
      %dma_wait3A_2721 = arith.constant 0 : i32
      %dma_wait3A_2722 = tpu.memref_slice %arg11[%mul3A_981, %dma_wait3A_2721] : memref<131072x32xf32, #tpu.memory_space<hbm>> -> memref<32x32xf32, #tpu.memory_space<hbm>>
      %dma_wait3A_2723 = arith.constant 0 : i32
      %dma_wait3A_2724 = tpu.memref_slice %arg11[%mul3A_981, %dma_wait3A_2723] : memref<131072x32xf32, #tpu.memory_space<hbm>> -> memref<32x32xf32, #tpu.memory_space<hbm>>
      %dma_wait3A_2725 = arith.constant 32 : i32
      %dma_wait3A_2726 = arith.constant 0 : i32
      %dma_wait3A_2727 = tpu.memref_slice %arg23[%dma_wait3A_2725, %dma_wait3A_2726] : memref<64x32xf32, #tpu.memory_space<vmem>> -> memref<32x32xf32, #tpu.memory_space<vmem>>
      tpu.wait_dma2 semaphore(%run_scoped3A : memref<!tpu.dma_semaphore, #tpu.memory_space<semaphore_mem>>) src(%dma_wait3A_2727 : memref<32x32xf32, #tpu.memory_space<vmem>>) dst(%dma_wait3A_2724 : memref<32x32xf32, #tpu.memory_space<hbm>>)
      tpu.yield
    }) : () -> ()
    %add3A_982 = arith.constant 384 : i32
    %add3A_983 = arith.addi %mul3A_4, %add3A_982 : i32
    "tpu.region"() ({
      %run_scoped3A = tpu.sem_alloc : memref<!tpu.dma_semaphore, #tpu.memory_space<semaphore_mem>>
      %dma_start3A_2708 = arith.constant 0 : i32
      %dma_start3A_2709 = tpu.memref_slice %arg4[%add3A_983, %dma_start3A_2708] : memref<16384x32xf32, #tpu.memory_space<hbm>> -> memref<64x32xf32, #tpu.memory_space<hbm>>
      %dma_start3A_2710 = arith.constant 0 : i32
      %dma_start3A_2711 = tpu.memref_slice %arg4[%add3A_983, %dma_start3A_2710] : memref<16384x32xf32, #tpu.memory_space<hbm>> -> memref<64x32xf32, #tpu.memory_space<hbm>>
      tpu.enqueue_dma source(%dma_start3A_2711 : memref<64x32xf32, #tpu.memory_space<hbm>>) target(%arg23 : memref<64x32xf32, #tpu.memory_space<vmem>>) target_semaphore(%run_scoped3A : memref<!tpu.dma_semaphore, #tpu.memory_space<semaphore_mem>>)
      %dma_wait3A_2712 = arith.constant 0 : i32
      %dma_wait3A_2713 = tpu.memref_slice %arg4[%add3A_983, %dma_wait3A_2712] : memref<16384x32xf32, #tpu.memory_space<hbm>> -> memref<64x32xf32, #tpu.memory_space<hbm>>
      %dma_wait3A_2714 = arith.constant 0 : i32
      %dma_wait3A_2715 = tpu.memref_slice %arg4[%add3A_983, %dma_wait3A_2714] : memref<16384x32xf32, #tpu.memory_space<hbm>> -> memref<64x32xf32, #tpu.memory_space<hbm>>
      tpu.wait_dma2 semaphore(%run_scoped3A : memref<!tpu.dma_semaphore, #tpu.memory_space<semaphore_mem>>) src(%dma_wait3A_2715 : memref<64x32xf32, #tpu.memory_space<hbm>>) dst(%arg23 : memref<64x32xf32, #tpu.memory_space<vmem>>)
      tpu.yield
    }) : () -> ()
    %add3A_984 = arith.constant 384 : i32
    %add3A_985 = arith.addi %mul3A_4, %add3A_984 : i32
    %jit3A_986 = arith.constant 32 : i32
    %div3A_987 = arith.divsi %add3A_985, %jit3A_986 : i32
    %sign3A_988 = arith.constant 0 : i32
    %sign3A_989 = arith.cmpi sgt, %add3A_985, %sign3A_988 : i32
    %sign3A_990 = arith.extui %sign3A_989 : i1 to i32
    %sign3A_991 = arith.constant 0 : i32
    %sign3A_992 = arith.cmpi slt, %add3A_985, %sign3A_991 : i32
    %sign3A_993 = arith.extui %sign3A_992 : i1 to i32
    %sign3A_994 = arith.subi %sign3A_990, %sign3A_993 : i32
    %sign3A_995 = arith.constant 0 : i32
    %sign3A_996 = arith.cmpi sgt, %jit3A_986, %sign3A_995 : i32
    %sign3A_997 = arith.extui %sign3A_996 : i1 to i32
    %sign3A_998 = arith.constant 0 : i32
    %sign3A_999 = arith.cmpi slt, %jit3A_986, %sign3A_998 : i32
    %sign3A_1000 = arith.extui %sign3A_999 : i1 to i32
    %sign3A_1001 = arith.subi %sign3A_997, %sign3A_1000 : i32
    %ne3A_1002 = arith.cmpi ne, %sign3A_994, %sign3A_1001 : i32
    %rem3A_1003 = arith.remsi %add3A_985, %jit3A_986 : i32
    %ne3A_1004 = arith.constant 0 : i32
    %ne3A_1005 = arith.cmpi ne, %rem3A_1003, %ne3A_1004 : i32
    %and3A_1006 = arith.andi %ne3A_1002, %ne3A_1005 : i1
    %sub3A_1007 = arith.constant 1 : i32
    %sub3A_1008 = arith.subi %div3A_987, %sub3A_1007 : i32
    %select_n3A_1009 = arith.select %and3A_1006, %sub3A_1008, %div3A_987 : i32
    %add3A_1010 = arith.constant 0 : i32
    %add3A_1011 = arith.addi %select_n3A_1009, %add3A_1010 : i32
    %add3A_1012 = arith.addi %shift_right_logical3A_580, %add3A_1011 : i32
    %and3A_1013 = arith.constant 4095 : i32
    %and3A_1014 = arith.andi %add3A_1012, %and3A_1013 : i32
    %mul3A_1015 = arith.constant 32 : i32
    %mul3A_1016 = arith.muli %and3A_1014, %mul3A_1015 : i32
    "tpu.region"() ({
      %run_scoped3A = tpu.sem_alloc : memref<!tpu.dma_semaphore, #tpu.memory_space<semaphore_mem>>
      %dma_start3A_2708 = arith.constant 0 : i32
      %dma_start3A_2709 = arith.constant 0 : i32
      %dma_start3A_2710 = tpu.memref_slice %arg23[%dma_start3A_2708, %dma_start3A_2709] : memref<64x32xf32, #tpu.memory_space<vmem>> -> memref<32x32xf32, #tpu.memory_space<vmem>>
      %dma_start3A_2711 = arith.constant 0 : i32
      %dma_start3A_2712 = tpu.memref_slice %arg11[%mul3A_1016, %dma_start3A_2711] : memref<131072x32xf32, #tpu.memory_space<hbm>> -> memref<32x32xf32, #tpu.memory_space<hbm>>
      %dma_start3A_2713 = arith.constant 0 : i32
      %dma_start3A_2714 = tpu.memref_slice %arg11[%mul3A_1016, %dma_start3A_2713] : memref<131072x32xf32, #tpu.memory_space<hbm>> -> memref<32x32xf32, #tpu.memory_space<hbm>>
      %dma_start3A_2715 = arith.constant 0 : i32
      %dma_start3A_2716 = arith.constant 0 : i32
      %dma_start3A_2717 = tpu.memref_slice %arg23[%dma_start3A_2715, %dma_start3A_2716] : memref<64x32xf32, #tpu.memory_space<vmem>> -> memref<32x32xf32, #tpu.memory_space<vmem>>
      tpu.enqueue_dma source(%dma_start3A_2717 : memref<32x32xf32, #tpu.memory_space<vmem>>) target(%dma_start3A_2714 : memref<32x32xf32, #tpu.memory_space<hbm>>) target_semaphore(%run_scoped3A : memref<!tpu.dma_semaphore, #tpu.memory_space<semaphore_mem>>)
      %dma_wait3A_2718 = arith.constant 0 : i32
      %dma_wait3A_2719 = arith.constant 0 : i32
      %dma_wait3A_2720 = tpu.memref_slice %arg23[%dma_wait3A_2718, %dma_wait3A_2719] : memref<64x32xf32, #tpu.memory_space<vmem>> -> memref<32x32xf32, #tpu.memory_space<vmem>>
      %dma_wait3A_2721 = arith.constant 0 : i32
      %dma_wait3A_2722 = tpu.memref_slice %arg11[%mul3A_1016, %dma_wait3A_2721] : memref<131072x32xf32, #tpu.memory_space<hbm>> -> memref<32x32xf32, #tpu.memory_space<hbm>>
      %dma_wait3A_2723 = arith.constant 0 : i32
      %dma_wait3A_2724 = tpu.memref_slice %arg11[%mul3A_1016, %dma_wait3A_2723] : memref<131072x32xf32, #tpu.memory_space<hbm>> -> memref<32x32xf32, #tpu.memory_space<hbm>>
      %dma_wait3A_2725 = arith.constant 0 : i32
      %dma_wait3A_2726 = arith.constant 0 : i32
      %dma_wait3A_2727 = tpu.memref_slice %arg23[%dma_wait3A_2725, %dma_wait3A_2726] : memref<64x32xf32, #tpu.memory_space<vmem>> -> memref<32x32xf32, #tpu.memory_space<vmem>>
      tpu.wait_dma2 semaphore(%run_scoped3A : memref<!tpu.dma_semaphore, #tpu.memory_space<semaphore_mem>>) src(%dma_wait3A_2727 : memref<32x32xf32, #tpu.memory_space<vmem>>) dst(%dma_wait3A_2724 : memref<32x32xf32, #tpu.memory_space<hbm>>)
      tpu.yield
    }) : () -> ()
    %add3A_1017 = arith.constant 384 : i32
    %add3A_1018 = arith.addi %mul3A_4, %add3A_1017 : i32
    %jit3A_1019 = arith.constant 32 : i32
    %div3A_1020 = arith.divsi %add3A_1018, %jit3A_1019 : i32
    %sign3A_1021 = arith.constant 0 : i32
    %sign3A_1022 = arith.cmpi sgt, %add3A_1018, %sign3A_1021 : i32
    %sign3A_1023 = arith.extui %sign3A_1022 : i1 to i32
    %sign3A_1024 = arith.constant 0 : i32
    %sign3A_1025 = arith.cmpi slt, %add3A_1018, %sign3A_1024 : i32
    %sign3A_1026 = arith.extui %sign3A_1025 : i1 to i32
    %sign3A_1027 = arith.subi %sign3A_1023, %sign3A_1026 : i32
    %sign3A_1028 = arith.constant 0 : i32
    %sign3A_1029 = arith.cmpi sgt, %jit3A_1019, %sign3A_1028 : i32
    %sign3A_1030 = arith.extui %sign3A_1029 : i1 to i32
    %sign3A_1031 = arith.constant 0 : i32
    %sign3A_1032 = arith.cmpi slt, %jit3A_1019, %sign3A_1031 : i32
    %sign3A_1033 = arith.extui %sign3A_1032 : i1 to i32
    %sign3A_1034 = arith.subi %sign3A_1030, %sign3A_1033 : i32
    %ne3A_1035 = arith.cmpi ne, %sign3A_1027, %sign3A_1034 : i32
    %rem3A_1036 = arith.remsi %add3A_1018, %jit3A_1019 : i32
    %ne3A_1037 = arith.constant 0 : i32
    %ne3A_1038 = arith.cmpi ne, %rem3A_1036, %ne3A_1037 : i32
    %and3A_1039 = arith.andi %ne3A_1035, %ne3A_1038 : i1
    %sub3A_1040 = arith.constant 1 : i32
    %sub3A_1041 = arith.subi %div3A_1020, %sub3A_1040 : i32
    %select_n3A_1042 = arith.select %and3A_1039, %sub3A_1041, %div3A_1020 : i32
    %add3A_1043 = arith.constant 1 : i32
    %add3A_1044 = arith.addi %select_n3A_1042, %add3A_1043 : i32
    %add3A_1045 = arith.addi %shift_right_logical3A_580, %add3A_1044 : i32
    %and3A_1046 = arith.constant 4095 : i32
    %and3A_1047 = arith.andi %add3A_1045, %and3A_1046 : i32
    %mul3A_1048 = arith.constant 32 : i32
    %mul3A_1049 = arith.muli %and3A_1047, %mul3A_1048 : i32
    "tpu.region"() ({
      %run_scoped3A = tpu.sem_alloc : memref<!tpu.dma_semaphore, #tpu.memory_space<semaphore_mem>>
      %dma_start3A_2708 = arith.constant 32 : i32
      %dma_start3A_2709 = arith.constant 0 : i32
      %dma_start3A_2710 = tpu.memref_slice %arg23[%dma_start3A_2708, %dma_start3A_2709] : memref<64x32xf32, #tpu.memory_space<vmem>> -> memref<32x32xf32, #tpu.memory_space<vmem>>
      %dma_start3A_2711 = arith.constant 0 : i32
      %dma_start3A_2712 = tpu.memref_slice %arg11[%mul3A_1049, %dma_start3A_2711] : memref<131072x32xf32, #tpu.memory_space<hbm>> -> memref<32x32xf32, #tpu.memory_space<hbm>>
      %dma_start3A_2713 = arith.constant 0 : i32
      %dma_start3A_2714 = tpu.memref_slice %arg11[%mul3A_1049, %dma_start3A_2713] : memref<131072x32xf32, #tpu.memory_space<hbm>> -> memref<32x32xf32, #tpu.memory_space<hbm>>
      %dma_start3A_2715 = arith.constant 32 : i32
      %dma_start3A_2716 = arith.constant 0 : i32
      %dma_start3A_2717 = tpu.memref_slice %arg23[%dma_start3A_2715, %dma_start3A_2716] : memref<64x32xf32, #tpu.memory_space<vmem>> -> memref<32x32xf32, #tpu.memory_space<vmem>>
      tpu.enqueue_dma source(%dma_start3A_2717 : memref<32x32xf32, #tpu.memory_space<vmem>>) target(%dma_start3A_2714 : memref<32x32xf32, #tpu.memory_space<hbm>>) target_semaphore(%run_scoped3A : memref<!tpu.dma_semaphore, #tpu.memory_space<semaphore_mem>>)
      %dma_wait3A_2718 = arith.constant 32 : i32
      %dma_wait3A_2719 = arith.constant 0 : i32
      %dma_wait3A_2720 = tpu.memref_slice %arg23[%dma_wait3A_2718, %dma_wait3A_2719] : memref<64x32xf32, #tpu.memory_space<vmem>> -> memref<32x32xf32, #tpu.memory_space<vmem>>
      %dma_wait3A_2721 = arith.constant 0 : i32
      %dma_wait3A_2722 = tpu.memref_slice %arg11[%mul3A_1049, %dma_wait3A_2721] : memref<131072x32xf32, #tpu.memory_space<hbm>> -> memref<32x32xf32, #tpu.memory_space<hbm>>
      %dma_wait3A_2723 = arith.constant 0 : i32
      %dma_wait3A_2724 = tpu.memref_slice %arg11[%mul3A_1049, %dma_wait3A_2723] : memref<131072x32xf32, #tpu.memory_space<hbm>> -> memref<32x32xf32, #tpu.memory_space<hbm>>
      %dma_wait3A_2725 = arith.constant 32 : i32
      %dma_wait3A_2726 = arith.constant 0 : i32
      %dma_wait3A_2727 = tpu.memref_slice %arg23[%dma_wait3A_2725, %dma_wait3A_2726] : memref<64x32xf32, #tpu.memory_space<vmem>> -> memref<32x32xf32, #tpu.memory_space<vmem>>
      tpu.wait_dma2 semaphore(%run_scoped3A : memref<!tpu.dma_semaphore, #tpu.memory_space<semaphore_mem>>) src(%dma_wait3A_2727 : memref<32x32xf32, #tpu.memory_space<vmem>>) dst(%dma_wait3A_2724 : memref<32x32xf32, #tpu.memory_space<hbm>>)
      tpu.yield
    }) : () -> ()
    %add3A_1050 = arith.constant 448 : i32
    %add3A_1051 = arith.addi %mul3A_4, %add3A_1050 : i32
    "tpu.region"() ({
      %run_scoped3A = tpu.sem_alloc : memref<!tpu.dma_semaphore, #tpu.memory_space<semaphore_mem>>
      %dma_start3A_2708 = arith.constant 0 : i32
      %dma_start3A_2709 = tpu.memref_slice %arg4[%add3A_1051, %dma_start3A_2708] : memref<16384x32xf32, #tpu.memory_space<hbm>> -> memref<64x32xf32, #tpu.memory_space<hbm>>
      %dma_start3A_2710 = arith.constant 0 : i32
      %dma_start3A_2711 = tpu.memref_slice %arg4[%add3A_1051, %dma_start3A_2710] : memref<16384x32xf32, #tpu.memory_space<hbm>> -> memref<64x32xf32, #tpu.memory_space<hbm>>
      tpu.enqueue_dma source(%dma_start3A_2711 : memref<64x32xf32, #tpu.memory_space<hbm>>) target(%arg23 : memref<64x32xf32, #tpu.memory_space<vmem>>) target_semaphore(%run_scoped3A : memref<!tpu.dma_semaphore, #tpu.memory_space<semaphore_mem>>)
      %dma_wait3A_2712 = arith.constant 0 : i32
      %dma_wait3A_2713 = tpu.memref_slice %arg4[%add3A_1051, %dma_wait3A_2712] : memref<16384x32xf32, #tpu.memory_space<hbm>> -> memref<64x32xf32, #tpu.memory_space<hbm>>
      %dma_wait3A_2714 = arith.constant 0 : i32
      %dma_wait3A_2715 = tpu.memref_slice %arg4[%add3A_1051, %dma_wait3A_2714] : memref<16384x32xf32, #tpu.memory_space<hbm>> -> memref<64x32xf32, #tpu.memory_space<hbm>>
      tpu.wait_dma2 semaphore(%run_scoped3A : memref<!tpu.dma_semaphore, #tpu.memory_space<semaphore_mem>>) src(%dma_wait3A_2715 : memref<64x32xf32, #tpu.memory_space<hbm>>) dst(%arg23 : memref<64x32xf32, #tpu.memory_space<vmem>>)
      tpu.yield
    }) : () -> ()
    %add3A_1052 = arith.constant 448 : i32
    %add3A_1053 = arith.addi %mul3A_4, %add3A_1052 : i32
    %jit3A_1054 = arith.constant 32 : i32
    %div3A_1055 = arith.divsi %add3A_1053, %jit3A_1054 : i32
    %sign3A_1056 = arith.constant 0 : i32
    %sign3A_1057 = arith.cmpi sgt, %add3A_1053, %sign3A_1056 : i32
    %sign3A_1058 = arith.extui %sign3A_1057 : i1 to i32
    %sign3A_1059 = arith.constant 0 : i32
    %sign3A_1060 = arith.cmpi slt, %add3A_1053, %sign3A_1059 : i32
    %sign3A_1061 = arith.extui %sign3A_1060 : i1 to i32
    %sign3A_1062 = arith.subi %sign3A_1058, %sign3A_1061 : i32
    %sign3A_1063 = arith.constant 0 : i32
    %sign3A_1064 = arith.cmpi sgt, %jit3A_1054, %sign3A_1063 : i32
    %sign3A_1065 = arith.extui %sign3A_1064 : i1 to i32
    %sign3A_1066 = arith.constant 0 : i32
    %sign3A_1067 = arith.cmpi slt, %jit3A_1054, %sign3A_1066 : i32
    %sign3A_1068 = arith.extui %sign3A_1067 : i1 to i32
    %sign3A_1069 = arith.subi %sign3A_1065, %sign3A_1068 : i32
    %ne3A_1070 = arith.cmpi ne, %sign3A_1062, %sign3A_1069 : i32
    %rem3A_1071 = arith.remsi %add3A_1053, %jit3A_1054 : i32
    %ne3A_1072 = arith.constant 0 : i32
    %ne3A_1073 = arith.cmpi ne, %rem3A_1071, %ne3A_1072 : i32
    %and3A_1074 = arith.andi %ne3A_1070, %ne3A_1073 : i1
    %sub3A_1075 = arith.constant 1 : i32
    %sub3A_1076 = arith.subi %div3A_1055, %sub3A_1075 : i32
    %select_n3A_1077 = arith.select %and3A_1074, %sub3A_1076, %div3A_1055 : i32
    %add3A_1078 = arith.constant 0 : i32
    %add3A_1079 = arith.addi %select_n3A_1077, %add3A_1078 : i32
    %add3A_1080 = arith.addi %shift_right_logical3A_580, %add3A_1079 : i32
    %and3A_1081 = arith.constant 4095 : i32
    %and3A_1082 = arith.andi %add3A_1080, %and3A_1081 : i32
    %mul3A_1083 = arith.constant 32 : i32
    %mul3A_1084 = arith.muli %and3A_1082, %mul3A_1083 : i32
    "tpu.region"() ({
      %run_scoped3A = tpu.sem_alloc : memref<!tpu.dma_semaphore, #tpu.memory_space<semaphore_mem>>
      %dma_start3A_2708 = arith.constant 0 : i32
      %dma_start3A_2709 = arith.constant 0 : i32
      %dma_start3A_2710 = tpu.memref_slice %arg23[%dma_start3A_2708, %dma_start3A_2709] : memref<64x32xf32, #tpu.memory_space<vmem>> -> memref<32x32xf32, #tpu.memory_space<vmem>>
      %dma_start3A_2711 = arith.constant 0 : i32
      %dma_start3A_2712 = tpu.memref_slice %arg11[%mul3A_1084, %dma_start3A_2711] : memref<131072x32xf32, #tpu.memory_space<hbm>> -> memref<32x32xf32, #tpu.memory_space<hbm>>
      %dma_start3A_2713 = arith.constant 0 : i32
      %dma_start3A_2714 = tpu.memref_slice %arg11[%mul3A_1084, %dma_start3A_2713] : memref<131072x32xf32, #tpu.memory_space<hbm>> -> memref<32x32xf32, #tpu.memory_space<hbm>>
      %dma_start3A_2715 = arith.constant 0 : i32
      %dma_start3A_2716 = arith.constant 0 : i32
      %dma_start3A_2717 = tpu.memref_slice %arg23[%dma_start3A_2715, %dma_start3A_2716] : memref<64x32xf32, #tpu.memory_space<vmem>> -> memref<32x32xf32, #tpu.memory_space<vmem>>
      tpu.enqueue_dma source(%dma_start3A_2717 : memref<32x32xf32, #tpu.memory_space<vmem>>) target(%dma_start3A_2714 : memref<32x32xf32, #tpu.memory_space<hbm>>) target_semaphore(%run_scoped3A : memref<!tpu.dma_semaphore, #tpu.memory_space<semaphore_mem>>)
      %dma_wait3A_2718 = arith.constant 0 : i32
      %dma_wait3A_2719 = arith.constant 0 : i32
      %dma_wait3A_2720 = tpu.memref_slice %arg23[%dma_wait3A_2718, %dma_wait3A_2719] : memref<64x32xf32, #tpu.memory_space<vmem>> -> memref<32x32xf32, #tpu.memory_space<vmem>>
      %dma_wait3A_2721 = arith.constant 0 : i32
      %dma_wait3A_2722 = tpu.memref_slice %arg11[%mul3A_1084, %dma_wait3A_2721] : memref<131072x32xf32, #tpu.memory_space<hbm>> -> memref<32x32xf32, #tpu.memory_space<hbm>>
      %dma_wait3A_2723 = arith.constant 0 : i32
      %dma_wait3A_2724 = tpu.memref_slice %arg11[%mul3A_1084, %dma_wait3A_2723] : memref<131072x32xf32, #tpu.memory_space<hbm>> -> memref<32x32xf32, #tpu.memory_space<hbm>>
      %dma_wait3A_2725 = arith.constant 0 : i32
      %dma_wait3A_2726 = arith.constant 0 : i32
      %dma_wait3A_2727 = tpu.memref_slice %arg23[%dma_wait3A_2725, %dma_wait3A_2726] : memref<64x32xf32, #tpu.memory_space<vmem>> -> memref<32x32xf32, #tpu.memory_space<vmem>>
      tpu.wait_dma2 semaphore(%run_scoped3A : memref<!tpu.dma_semaphore, #tpu.memory_space<semaphore_mem>>) src(%dma_wait3A_2727 : memref<32x32xf32, #tpu.memory_space<vmem>>) dst(%dma_wait3A_2724 : memref<32x32xf32, #tpu.memory_space<hbm>>)
      tpu.yield
    }) : () -> ()
    %add3A_1085 = arith.constant 448 : i32
    %add3A_1086 = arith.addi %mul3A_4, %add3A_1085 : i32
    %jit3A_1087 = arith.constant 32 : i32
    %div3A_1088 = arith.divsi %add3A_1086, %jit3A_1087 : i32
    %sign3A_1089 = arith.constant 0 : i32
    %sign3A_1090 = arith.cmpi sgt, %add3A_1086, %sign3A_1089 : i32
    %sign3A_1091 = arith.extui %sign3A_1090 : i1 to i32
    %sign3A_1092 = arith.constant 0 : i32
    %sign3A_1093 = arith.cmpi slt, %add3A_1086, %sign3A_1092 : i32
    %sign3A_1094 = arith.extui %sign3A_1093 : i1 to i32
    %sign3A_1095 = arith.subi %sign3A_1091, %sign3A_1094 : i32
    %sign3A_1096 = arith.constant 0 : i32
    %sign3A_1097 = arith.cmpi sgt, %jit3A_1087, %sign3A_1096 : i32
    %sign3A_1098 = arith.extui %sign3A_1097 : i1 to i32
    %sign3A_1099 = arith.constant 0 : i32
    %sign3A_1100 = arith.cmpi slt, %jit3A_1087, %sign3A_1099 : i32
    %sign3A_1101 = arith.extui %sign3A_1100 : i1 to i32
    %sign3A_1102 = arith.subi %sign3A_1098, %sign3A_1101 : i32
    %ne3A_1103 = arith.cmpi ne, %sign3A_1095, %sign3A_1102 : i32
    %rem3A_1104 = arith.remsi %add3A_1086, %jit3A_1087 : i32
    %ne3A_1105 = arith.constant 0 : i32
    %ne3A_1106 = arith.cmpi ne, %rem3A_1104, %ne3A_1105 : i32
    %and3A_1107 = arith.andi %ne3A_1103, %ne3A_1106 : i1
    %sub3A_1108 = arith.constant 1 : i32
    %sub3A_1109 = arith.subi %div3A_1088, %sub3A_1108 : i32
    %select_n3A_1110 = arith.select %and3A_1107, %sub3A_1109, %div3A_1088 : i32
    %add3A_1111 = arith.constant 1 : i32
    %add3A_1112 = arith.addi %select_n3A_1110, %add3A_1111 : i32
    %add3A_1113 = arith.addi %shift_right_logical3A_580, %add3A_1112 : i32
    %and3A_1114 = arith.constant 4095 : i32
    %and3A_1115 = arith.andi %add3A_1113, %and3A_1114 : i32
    %mul3A_1116 = arith.constant 32 : i32
    %mul3A_1117 = arith.muli %and3A_1115, %mul3A_1116 : i32
    "tpu.region"() ({
      %run_scoped3A = tpu.sem_alloc : memref<!tpu.dma_semaphore, #tpu.memory_space<semaphore_mem>>
      %dma_start3A_2708 = arith.constant 32 : i32
      %dma_start3A_2709 = arith.constant 0 : i32
      %dma_start3A_2710 = tpu.memref_slice %arg23[%dma_start3A_2708, %dma_start3A_2709] : memref<64x32xf32, #tpu.memory_space<vmem>> -> memref<32x32xf32, #tpu.memory_space<vmem>>
      %dma_start3A_2711 = arith.constant 0 : i32
      %dma_start3A_2712 = tpu.memref_slice %arg11[%mul3A_1117, %dma_start3A_2711] : memref<131072x32xf32, #tpu.memory_space<hbm>> -> memref<32x32xf32, #tpu.memory_space<hbm>>
      %dma_start3A_2713 = arith.constant 0 : i32
      %dma_start3A_2714 = tpu.memref_slice %arg11[%mul3A_1117, %dma_start3A_2713] : memref<131072x32xf32, #tpu.memory_space<hbm>> -> memref<32x32xf32, #tpu.memory_space<hbm>>
      %dma_start3A_2715 = arith.constant 32 : i32
      %dma_start3A_2716 = arith.constant 0 : i32
      %dma_start3A_2717 = tpu.memref_slice %arg23[%dma_start3A_2715, %dma_start3A_2716] : memref<64x32xf32, #tpu.memory_space<vmem>> -> memref<32x32xf32, #tpu.memory_space<vmem>>
      tpu.enqueue_dma source(%dma_start3A_2717 : memref<32x32xf32, #tpu.memory_space<vmem>>) target(%dma_start3A_2714 : memref<32x32xf32, #tpu.memory_space<hbm>>) target_semaphore(%run_scoped3A : memref<!tpu.dma_semaphore, #tpu.memory_space<semaphore_mem>>)
      %dma_wait3A_2718 = arith.constant 32 : i32
      %dma_wait3A_2719 = arith.constant 0 : i32
      %dma_wait3A_2720 = tpu.memref_slice %arg23[%dma_wait3A_2718, %dma_wait3A_2719] : memref<64x32xf32, #tpu.memory_space<vmem>> -> memref<32x32xf32, #tpu.memory_space<vmem>>
      %dma_wait3A_2721 = arith.constant 0 : i32
      %dma_wait3A_2722 = tpu.memref_slice %arg11[%mul3A_1117, %dma_wait3A_2721] : memref<131072x32xf32, #tpu.memory_space<hbm>> -> memref<32x32xf32, #tpu.memory_space<hbm>>
      %dma_wait3A_2723 = arith.constant 0 : i32
      %dma_wait3A_2724 = tpu.memref_slice %arg11[%mul3A_1117, %dma_wait3A_2723] : memref<131072x32xf32, #tpu.memory_space<hbm>> -> memref<32x32xf32, #tpu.memory_space<hbm>>
      %dma_wait3A_2725 = arith.constant 32 : i32
      %dma_wait3A_2726 = arith.constant 0 : i32
      %dma_wait3A_2727 = tpu.memref_slice %arg23[%dma_wait3A_2725, %dma_wait3A_2726] : memref<64x32xf32, #tpu.memory_space<vmem>> -> memref<32x32xf32, #tpu.memory_space<vmem>>
      tpu.wait_dma2 semaphore(%run_scoped3A : memref<!tpu.dma_semaphore, #tpu.memory_space<semaphore_mem>>) src(%dma_wait3A_2727 : memref<32x32xf32, #tpu.memory_space<vmem>>) dst(%dma_wait3A_2724 : memref<32x32xf32, #tpu.memory_space<hbm>>)
      tpu.yield
    }) : () -> ()
    %add3A_1118 = arith.constant 0 : i32
    %add3A_1119 = arith.addi %mul3A_4, %add3A_1118 : i32
    "tpu.region"() ({
      %run_scoped3A = tpu.sem_alloc : memref<!tpu.dma_semaphore, #tpu.memory_space<semaphore_mem>>
      %dma_start3A_2708 = arith.constant 0 : i32
      %dma_start3A_2709 = tpu.memref_slice %arg5[%add3A_1119, %dma_start3A_2708] : memref<16384x1xf32, #tpu.memory_space<hbm>> -> memref<512x1xf32, #tpu.memory_space<hbm>>
      %dma_start3A_2710 = arith.constant 0 : i32
      %dma_start3A_2711 = tpu.memref_slice %arg5[%add3A_1119, %dma_start3A_2710] : memref<16384x1xf32, #tpu.memory_space<hbm>> -> memref<512x1xf32, #tpu.memory_space<hbm>>
      tpu.enqueue_dma source(%dma_start3A_2711 : memref<512x1xf32, #tpu.memory_space<hbm>>) target(%arg24 : memref<512x1xf32, #tpu.memory_space<vmem>>) target_semaphore(%run_scoped3A : memref<!tpu.dma_semaphore, #tpu.memory_space<semaphore_mem>>)
      %dma_wait3A_2712 = arith.constant 0 : i32
      %dma_wait3A_2713 = tpu.memref_slice %arg5[%add3A_1119, %dma_wait3A_2712] : memref<16384x1xf32, #tpu.memory_space<hbm>> -> memref<512x1xf32, #tpu.memory_space<hbm>>
      %dma_wait3A_2714 = arith.constant 0 : i32
      %dma_wait3A_2715 = tpu.memref_slice %arg5[%add3A_1119, %dma_wait3A_2714] : memref<16384x1xf32, #tpu.memory_space<hbm>> -> memref<512x1xf32, #tpu.memory_space<hbm>>
      tpu.wait_dma2 semaphore(%run_scoped3A : memref<!tpu.dma_semaphore, #tpu.memory_space<semaphore_mem>>) src(%dma_wait3A_2715 : memref<512x1xf32, #tpu.memory_space<hbm>>) dst(%arg24 : memref<512x1xf32, #tpu.memory_space<vmem>>)
      tpu.yield
    }) : () -> ()
    %add3A_1120 = arith.constant 0 : i32
    %add3A_1121 = arith.addi %mul3A_4, %add3A_1120 : i32
    %jit3A_1122 = arith.constant 32 : i32
    %div3A_1123 = arith.divsi %add3A_1121, %jit3A_1122 : i32
    %sign3A_1124 = arith.constant 0 : i32
    %sign3A_1125 = arith.cmpi sgt, %add3A_1121, %sign3A_1124 : i32
    %sign3A_1126 = arith.extui %sign3A_1125 : i1 to i32
    %sign3A_1127 = arith.constant 0 : i32
    %sign3A_1128 = arith.cmpi slt, %add3A_1121, %sign3A_1127 : i32
    %sign3A_1129 = arith.extui %sign3A_1128 : i1 to i32
    %sign3A_1130 = arith.subi %sign3A_1126, %sign3A_1129 : i32
    %sign3A_1131 = arith.constant 0 : i32
    %sign3A_1132 = arith.cmpi sgt, %jit3A_1122, %sign3A_1131 : i32
    %sign3A_1133 = arith.extui %sign3A_1132 : i1 to i32
    %sign3A_1134 = arith.constant 0 : i32
    %sign3A_1135 = arith.cmpi slt, %jit3A_1122, %sign3A_1134 : i32
    %sign3A_1136 = arith.extui %sign3A_1135 : i1 to i32
    %sign3A_1137 = arith.subi %sign3A_1133, %sign3A_1136 : i32
    %ne3A_1138 = arith.cmpi ne, %sign3A_1130, %sign3A_1137 : i32
    %rem3A_1139 = arith.remsi %add3A_1121, %jit3A_1122 : i32
    %ne3A_1140 = arith.constant 0 : i32
    %ne3A_1141 = arith.cmpi ne, %rem3A_1139, %ne3A_1140 : i32
    %and3A_1142 = arith.andi %ne3A_1138, %ne3A_1141 : i1
    %sub3A_1143 = arith.constant 1 : i32
    %sub3A_1144 = arith.subi %div3A_1123, %sub3A_1143 : i32
    %select_n3A_1145 = arith.select %and3A_1142, %sub3A_1144, %div3A_1123 : i32
    %add3A_1146 = arith.constant 0 : i32
    %add3A_1147 = arith.addi %select_n3A_1145, %add3A_1146 : i32
    %add3A_1148 = arith.addi %shift_right_logical3A_580, %add3A_1147 : i32
    %and3A_1149 = arith.constant 4095 : i32
    %and3A_1150 = arith.andi %add3A_1148, %and3A_1149 : i32
    %mul3A_1151 = arith.constant 32 : i32
    %mul3A_1152 = arith.muli %and3A_1150, %mul3A_1151 : i32
    "tpu.region"() ({
      %run_scoped3A = tpu.sem_alloc : memref<!tpu.dma_semaphore, #tpu.memory_space<semaphore_mem>>
      %dma_start3A_2708 = arith.constant 0 : i32
      %dma_start3A_2709 = arith.constant 0 : i32
      %dma_start3A_2710 = tpu.memref_slice %arg24[%dma_start3A_2708, %dma_start3A_2709] : memref<512x1xf32, #tpu.memory_space<vmem>> -> memref<32x1xf32, #tpu.memory_space<vmem>>
      %dma_start3A_2711 = arith.constant 0 : i32
      %dma_start3A_2712 = tpu.memref_slice %arg12[%mul3A_1152, %dma_start3A_2711] : memref<131072x1xf32, #tpu.memory_space<hbm>> -> memref<32x1xf32, #tpu.memory_space<hbm>>
      %dma_start3A_2713 = arith.constant 0 : i32
      %dma_start3A_2714 = tpu.memref_slice %arg12[%mul3A_1152, %dma_start3A_2713] : memref<131072x1xf32, #tpu.memory_space<hbm>> -> memref<32x1xf32, #tpu.memory_space<hbm>>
      %dma_start3A_2715 = arith.constant 0 : i32
      %dma_start3A_2716 = arith.constant 0 : i32
      %dma_start3A_2717 = tpu.memref_slice %arg24[%dma_start3A_2715, %dma_start3A_2716] : memref<512x1xf32, #tpu.memory_space<vmem>> -> memref<32x1xf32, #tpu.memory_space<vmem>>
      tpu.enqueue_dma source(%dma_start3A_2717 : memref<32x1xf32, #tpu.memory_space<vmem>>) target(%dma_start3A_2714 : memref<32x1xf32, #tpu.memory_space<hbm>>) target_semaphore(%run_scoped3A : memref<!tpu.dma_semaphore, #tpu.memory_space<semaphore_mem>>)
      %dma_wait3A_2718 = arith.constant 0 : i32
      %dma_wait3A_2719 = arith.constant 0 : i32
      %dma_wait3A_2720 = tpu.memref_slice %arg24[%dma_wait3A_2718, %dma_wait3A_2719] : memref<512x1xf32, #tpu.memory_space<vmem>> -> memref<32x1xf32, #tpu.memory_space<vmem>>
      %dma_wait3A_2721 = arith.constant 0 : i32
      %dma_wait3A_2722 = tpu.memref_slice %arg12[%mul3A_1152, %dma_wait3A_2721] : memref<131072x1xf32, #tpu.memory_space<hbm>> -> memref<32x1xf32, #tpu.memory_space<hbm>>
      %dma_wait3A_2723 = arith.constant 0 : i32
      %dma_wait3A_2724 = tpu.memref_slice %arg12[%mul3A_1152, %dma_wait3A_2723] : memref<131072x1xf32, #tpu.memory_space<hbm>> -> memref<32x1xf32, #tpu.memory_space<hbm>>
      %dma_wait3A_2725 = arith.constant 0 : i32
      %dma_wait3A_2726 = arith.constant 0 : i32
      %dma_wait3A_2727 = tpu.memref_slice %arg24[%dma_wait3A_2725, %dma_wait3A_2726] : memref<512x1xf32, #tpu.memory_space<vmem>> -> memref<32x1xf32, #tpu.memory_space<vmem>>
      tpu.wait_dma2 semaphore(%run_scoped3A : memref<!tpu.dma_semaphore, #tpu.memory_space<semaphore_mem>>) src(%dma_wait3A_2727 : memref<32x1xf32, #tpu.memory_space<vmem>>) dst(%dma_wait3A_2724 : memref<32x1xf32, #tpu.memory_space<hbm>>)
      tpu.yield
    }) : () -> ()
    %add3A_1153 = arith.constant 0 : i32
    %add3A_1154 = arith.addi %mul3A_4, %add3A_1153 : i32
    %jit3A_1155 = arith.constant 32 : i32
    %div3A_1156 = arith.divsi %add3A_1154, %jit3A_1155 : i32
    %sign3A_1157 = arith.constant 0 : i32
    %sign3A_1158 = arith.cmpi sgt, %add3A_1154, %sign3A_1157 : i32
    %sign3A_1159 = arith.extui %sign3A_1158 : i1 to i32
    %sign3A_1160 = arith.constant 0 : i32
    %sign3A_1161 = arith.cmpi slt, %add3A_1154, %sign3A_1160 : i32
    %sign3A_1162 = arith.extui %sign3A_1161 : i1 to i32
    %sign3A_1163 = arith.subi %sign3A_1159, %sign3A_1162 : i32
    %sign3A_1164 = arith.constant 0 : i32
    %sign3A_1165 = arith.cmpi sgt, %jit3A_1155, %sign3A_1164 : i32
    %sign3A_1166 = arith.extui %sign3A_1165 : i1 to i32
    %sign3A_1167 = arith.constant 0 : i32
    %sign3A_1168 = arith.cmpi slt, %jit3A_1155, %sign3A_1167 : i32
    %sign3A_1169 = arith.extui %sign3A_1168 : i1 to i32
    %sign3A_1170 = arith.subi %sign3A_1166, %sign3A_1169 : i32
    %ne3A_1171 = arith.cmpi ne, %sign3A_1163, %sign3A_1170 : i32
    %rem3A_1172 = arith.remsi %add3A_1154, %jit3A_1155 : i32
    %ne3A_1173 = arith.constant 0 : i32
    %ne3A_1174 = arith.cmpi ne, %rem3A_1172, %ne3A_1173 : i32
    %and3A_1175 = arith.andi %ne3A_1171, %ne3A_1174 : i1
    %sub3A_1176 = arith.constant 1 : i32
    %sub3A_1177 = arith.subi %div3A_1156, %sub3A_1176 : i32
    %select_n3A_1178 = arith.select %and3A_1175, %sub3A_1177, %div3A_1156 : i32
    %add3A_1179 = arith.constant 1 : i32
    %add3A_1180 = arith.addi %select_n3A_1178, %add3A_1179 : i32
    %add3A_1181 = arith.addi %shift_right_logical3A_580, %add3A_1180 : i32
    %and3A_1182 = arith.constant 4095 : i32
    %and3A_1183 = arith.andi %add3A_1181, %and3A_1182 : i32
    %mul3A_1184 = arith.constant 32 : i32
    %mul3A_1185 = arith.muli %and3A_1183, %mul3A_1184 : i32
    "tpu.region"() ({
      %run_scoped3A = tpu.sem_alloc : memref<!tpu.dma_semaphore, #tpu.memory_space<semaphore_mem>>
      %dma_start3A_2708 = arith.constant 32 : i32
      %dma_start3A_2709 = arith.constant 0 : i32
      %dma_start3A_2710 = tpu.memref_slice %arg24[%dma_start3A_2708, %dma_start3A_2709] : memref<512x1xf32, #tpu.memory_space<vmem>> -> memref<32x1xf32, #tpu.memory_space<vmem>>
      %dma_start3A_2711 = arith.constant 0 : i32
      %dma_start3A_2712 = tpu.memref_slice %arg12[%mul3A_1185, %dma_start3A_2711] : memref<131072x1xf32, #tpu.memory_space<hbm>> -> memref<32x1xf32, #tpu.memory_space<hbm>>
      %dma_start3A_2713 = arith.constant 0 : i32
      %dma_start3A_2714 = tpu.memref_slice %arg12[%mul3A_1185, %dma_start3A_2713] : memref<131072x1xf32, #tpu.memory_space<hbm>> -> memref<32x1xf32, #tpu.memory_space<hbm>>
      %dma_start3A_2715 = arith.constant 32 : i32
      %dma_start3A_2716 = arith.constant 0 : i32
      %dma_start3A_2717 = tpu.memref_slice %arg24[%dma_start3A_2715, %dma_start3A_2716] : memref<512x1xf32, #tpu.memory_space<vmem>> -> memref<32x1xf32, #tpu.memory_space<vmem>>
      tpu.enqueue_dma source(%dma_start3A_2717 : memref<32x1xf32, #tpu.memory_space<vmem>>) target(%dma_start3A_2714 : memref<32x1xf32, #tpu.memory_space<hbm>>) target_semaphore(%run_scoped3A : memref<!tpu.dma_semaphore, #tpu.memory_space<semaphore_mem>>)
      %dma_wait3A_2718 = arith.constant 32 : i32
      %dma_wait3A_2719 = arith.constant 0 : i32
      %dma_wait3A_2720 = tpu.memref_slice %arg24[%dma_wait3A_2718, %dma_wait3A_2719] : memref<512x1xf32, #tpu.memory_space<vmem>> -> memref<32x1xf32, #tpu.memory_space<vmem>>
      %dma_wait3A_2721 = arith.constant 0 : i32
      %dma_wait3A_2722 = tpu.memref_slice %arg12[%mul3A_1185, %dma_wait3A_2721] : memref<131072x1xf32, #tpu.memory_space<hbm>> -> memref<32x1xf32, #tpu.memory_space<hbm>>
      %dma_wait3A_2723 = arith.constant 0 : i32
      %dma_wait3A_2724 = tpu.memref_slice %arg12[%mul3A_1185, %dma_wait3A_2723] : memref<131072x1xf32, #tpu.memory_space<hbm>> -> memref<32x1xf32, #tpu.memory_space<hbm>>
      %dma_wait3A_2725 = arith.constant 32 : i32
      %dma_wait3A_2726 = arith.constant 0 : i32
      %dma_wait3A_2727 = tpu.memref_slice %arg24[%dma_wait3A_2725, %dma_wait3A_2726] : memref<512x1xf32, #tpu.memory_space<vmem>> -> memref<32x1xf32, #tpu.memory_space<vmem>>
      tpu.wait_dma2 semaphore(%run_scoped3A : memref<!tpu.dma_semaphore, #tpu.memory_space<semaphore_mem>>) src(%dma_wait3A_2727 : memref<32x1xf32, #tpu.memory_space<vmem>>) dst(%dma_wait3A_2724 : memref<32x1xf32, #tpu.memory_space<hbm>>)
      tpu.yield
    }) : () -> ()
    %add3A_1186 = arith.constant 0 : i32
    %add3A_1187 = arith.addi %mul3A_4, %add3A_1186 : i32
    %jit3A_1188 = arith.constant 32 : i32
    %div3A_1189 = arith.divsi %add3A_1187, %jit3A_1188 : i32
    %sign3A_1190 = arith.constant 0 : i32
    %sign3A_1191 = arith.cmpi sgt, %add3A_1187, %sign3A_1190 : i32
    %sign3A_1192 = arith.extui %sign3A_1191 : i1 to i32
    %sign3A_1193 = arith.constant 0 : i32
    %sign3A_1194 = arith.cmpi slt, %add3A_1187, %sign3A_1193 : i32
    %sign3A_1195 = arith.extui %sign3A_1194 : i1 to i32
    %sign3A_1196 = arith.subi %sign3A_1192, %sign3A_1195 : i32
    %sign3A_1197 = arith.constant 0 : i32
    %sign3A_1198 = arith.cmpi sgt, %jit3A_1188, %sign3A_1197 : i32
    %sign3A_1199 = arith.extui %sign3A_1198 : i1 to i32
    %sign3A_1200 = arith.constant 0 : i32
    %sign3A_1201 = arith.cmpi slt, %jit3A_1188, %sign3A_1200 : i32
    %sign3A_1202 = arith.extui %sign3A_1201 : i1 to i32
    %sign3A_1203 = arith.subi %sign3A_1199, %sign3A_1202 : i32
    %ne3A_1204 = arith.cmpi ne, %sign3A_1196, %sign3A_1203 : i32
    %rem3A_1205 = arith.remsi %add3A_1187, %jit3A_1188 : i32
    %ne3A_1206 = arith.constant 0 : i32
    %ne3A_1207 = arith.cmpi ne, %rem3A_1205, %ne3A_1206 : i32
    %and3A_1208 = arith.andi %ne3A_1204, %ne3A_1207 : i1
    %sub3A_1209 = arith.constant 1 : i32
    %sub3A_1210 = arith.subi %div3A_1189, %sub3A_1209 : i32
    %select_n3A_1211 = arith.select %and3A_1208, %sub3A_1210, %div3A_1189 : i32
    %add3A_1212 = arith.constant 2 : i32
    %add3A_1213 = arith.addi %select_n3A_1211, %add3A_1212 : i32
    %add3A_1214 = arith.addi %shift_right_logical3A_580, %add3A_1213 : i32
    %and3A_1215 = arith.constant 4095 : i32
    %and3A_1216 = arith.andi %add3A_1214, %and3A_1215 : i32
    %mul3A_1217 = arith.constant 32 : i32
    %mul3A_1218 = arith.muli %and3A_1216, %mul3A_1217 : i32
    "tpu.region"() ({
      %run_scoped3A = tpu.sem_alloc : memref<!tpu.dma_semaphore, #tpu.memory_space<semaphore_mem>>
      %dma_start3A_2708 = arith.constant 64 : i32
      %dma_start3A_2709 = arith.constant 0 : i32
      %dma_start3A_2710 = tpu.memref_slice %arg24[%dma_start3A_2708, %dma_start3A_2709] : memref<512x1xf32, #tpu.memory_space<vmem>> -> memref<32x1xf32, #tpu.memory_space<vmem>>
      %dma_start3A_2711 = arith.constant 0 : i32
      %dma_start3A_2712 = tpu.memref_slice %arg12[%mul3A_1218, %dma_start3A_2711] : memref<131072x1xf32, #tpu.memory_space<hbm>> -> memref<32x1xf32, #tpu.memory_space<hbm>>
      %dma_start3A_2713 = arith.constant 0 : i32
      %dma_start3A_2714 = tpu.memref_slice %arg12[%mul3A_1218, %dma_start3A_2713] : memref<131072x1xf32, #tpu.memory_space<hbm>> -> memref<32x1xf32, #tpu.memory_space<hbm>>
      %dma_start3A_2715 = arith.constant 64 : i32
      %dma_start3A_2716 = arith.constant 0 : i32
      %dma_start3A_2717 = tpu.memref_slice %arg24[%dma_start3A_2715, %dma_start3A_2716] : memref<512x1xf32, #tpu.memory_space<vmem>> -> memref<32x1xf32, #tpu.memory_space<vmem>>
      tpu.enqueue_dma source(%dma_start3A_2717 : memref<32x1xf32, #tpu.memory_space<vmem>>) target(%dma_start3A_2714 : memref<32x1xf32, #tpu.memory_space<hbm>>) target_semaphore(%run_scoped3A : memref<!tpu.dma_semaphore, #tpu.memory_space<semaphore_mem>>)
      %dma_wait3A_2718 = arith.constant 64 : i32
      %dma_wait3A_2719 = arith.constant 0 : i32
      %dma_wait3A_2720 = tpu.memref_slice %arg24[%dma_wait3A_2718, %dma_wait3A_2719] : memref<512x1xf32, #tpu.memory_space<vmem>> -> memref<32x1xf32, #tpu.memory_space<vmem>>
      %dma_wait3A_2721 = arith.constant 0 : i32
      %dma_wait3A_2722 = tpu.memref_slice %arg12[%mul3A_1218, %dma_wait3A_2721] : memref<131072x1xf32, #tpu.memory_space<hbm>> -> memref<32x1xf32, #tpu.memory_space<hbm>>
      %dma_wait3A_2723 = arith.constant 0 : i32
      %dma_wait3A_2724 = tpu.memref_slice %arg12[%mul3A_1218, %dma_wait3A_2723] : memref<131072x1xf32, #tpu.memory_space<hbm>> -> memref<32x1xf32, #tpu.memory_space<hbm>>
      %dma_wait3A_2725 = arith.constant 64 : i32
      %dma_wait3A_2726 = arith.constant 0 : i32
      %dma_wait3A_2727 = tpu.memref_slice %arg24[%dma_wait3A_2725, %dma_wait3A_2726] : memref<512x1xf32, #tpu.memory_space<vmem>> -> memref<32x1xf32, #tpu.memory_space<vmem>>
      tpu.wait_dma2 semaphore(%run_scoped3A : memref<!tpu.dma_semaphore, #tpu.memory_space<semaphore_mem>>) src(%dma_wait3A_2727 : memref<32x1xf32, #tpu.memory_space<vmem>>) dst(%dma_wait3A_2724 : memref<32x1xf32, #tpu.memory_space<hbm>>)
      tpu.yield
    }) : () -> ()
    %add3A_1219 = arith.constant 0 : i32
    %add3A_1220 = arith.addi %mul3A_4, %add3A_1219 : i32
    %jit3A_1221 = arith.constant 32 : i32
    %div3A_1222 = arith.divsi %add3A_1220, %jit3A_1221 : i32
    %sign3A_1223 = arith.constant 0 : i32
    %sign3A_1224 = arith.cmpi sgt, %add3A_1220, %sign3A_1223 : i32
    %sign3A_1225 = arith.extui %sign3A_1224 : i1 to i32
    %sign3A_1226 = arith.constant 0 : i32
    %sign3A_1227 = arith.cmpi slt, %add3A_1220, %sign3A_1226 : i32
    %sign3A_1228 = arith.extui %sign3A_1227 : i1 to i32
    %sign3A_1229 = arith.subi %sign3A_1225, %sign3A_1228 : i32
    %sign3A_1230 = arith.constant 0 : i32
    %sign3A_1231 = arith.cmpi sgt, %jit3A_1221, %sign3A_1230 : i32
    %sign3A_1232 = arith.extui %sign3A_1231 : i1 to i32
    %sign3A_1233 = arith.constant 0 : i32
    %sign3A_1234 = arith.cmpi slt, %jit3A_1221, %sign3A_1233 : i32
    %sign3A_1235 = arith.extui %sign3A_1234 : i1 to i32
    %sign3A_1236 = arith.subi %sign3A_1232, %sign3A_1235 : i32
    %ne3A_1237 = arith.cmpi ne, %sign3A_1229, %sign3A_1236 : i32
    %rem3A_1238 = arith.remsi %add3A_1220, %jit3A_1221 : i32
    %ne3A_1239 = arith.constant 0 : i32
    %ne3A_1240 = arith.cmpi ne, %rem3A_1238, %ne3A_1239 : i32
    %and3A_1241 = arith.andi %ne3A_1237, %ne3A_1240 : i1
    %sub3A_1242 = arith.constant 1 : i32
    %sub3A_1243 = arith.subi %div3A_1222, %sub3A_1242 : i32
    %select_n3A_1244 = arith.select %and3A_1241, %sub3A_1243, %div3A_1222 : i32
    %add3A_1245 = arith.constant 3 : i32
    %add3A_1246 = arith.addi %select_n3A_1244, %add3A_1245 : i32
    %add3A_1247 = arith.addi %shift_right_logical3A_580, %add3A_1246 : i32
    %and3A_1248 = arith.constant 4095 : i32
    %and3A_1249 = arith.andi %add3A_1247, %and3A_1248 : i32
    %mul3A_1250 = arith.constant 32 : i32
    %mul3A_1251 = arith.muli %and3A_1249, %mul3A_1250 : i32
    "tpu.region"() ({
      %run_scoped3A = tpu.sem_alloc : memref<!tpu.dma_semaphore, #tpu.memory_space<semaphore_mem>>
      %dma_start3A_2708 = arith.constant 96 : i32
      %dma_start3A_2709 = arith.constant 0 : i32
      %dma_start3A_2710 = tpu.memref_slice %arg24[%dma_start3A_2708, %dma_start3A_2709] : memref<512x1xf32, #tpu.memory_space<vmem>> -> memref<32x1xf32, #tpu.memory_space<vmem>>
      %dma_start3A_2711 = arith.constant 0 : i32
      %dma_start3A_2712 = tpu.memref_slice %arg12[%mul3A_1251, %dma_start3A_2711] : memref<131072x1xf32, #tpu.memory_space<hbm>> -> memref<32x1xf32, #tpu.memory_space<hbm>>
      %dma_start3A_2713 = arith.constant 0 : i32
      %dma_start3A_2714 = tpu.memref_slice %arg12[%mul3A_1251, %dma_start3A_2713] : memref<131072x1xf32, #tpu.memory_space<hbm>> -> memref<32x1xf32, #tpu.memory_space<hbm>>
      %dma_start3A_2715 = arith.constant 96 : i32
      %dma_start3A_2716 = arith.constant 0 : i32
      %dma_start3A_2717 = tpu.memref_slice %arg24[%dma_start3A_2715, %dma_start3A_2716] : memref<512x1xf32, #tpu.memory_space<vmem>> -> memref<32x1xf32, #tpu.memory_space<vmem>>
      tpu.enqueue_dma source(%dma_start3A_2717 : memref<32x1xf32, #tpu.memory_space<vmem>>) target(%dma_start3A_2714 : memref<32x1xf32, #tpu.memory_space<hbm>>) target_semaphore(%run_scoped3A : memref<!tpu.dma_semaphore, #tpu.memory_space<semaphore_mem>>)
      %dma_wait3A_2718 = arith.constant 96 : i32
      %dma_wait3A_2719 = arith.constant 0 : i32
      %dma_wait3A_2720 = tpu.memref_slice %arg24[%dma_wait3A_2718, %dma_wait3A_2719] : memref<512x1xf32, #tpu.memory_space<vmem>> -> memref<32x1xf32, #tpu.memory_space<vmem>>
      %dma_wait3A_2721 = arith.constant 0 : i32
      %dma_wait3A_2722 = tpu.memref_slice %arg12[%mul3A_1251, %dma_wait3A_2721] : memref<131072x1xf32, #tpu.memory_space<hbm>> -> memref<32x1xf32, #tpu.memory_space<hbm>>
      %dma_wait3A_2723 = arith.constant 0 : i32
      %dma_wait3A_2724 = tpu.memref_slice %arg12[%mul3A_1251, %dma_wait3A_2723] : memref<131072x1xf32, #tpu.memory_space<hbm>> -> memref<32x1xf32, #tpu.memory_space<hbm>>
      %dma_wait3A_2725 = arith.constant 96 : i32
      %dma_wait3A_2726 = arith.constant 0 : i32
      %dma_wait3A_2727 = tpu.memref_slice %arg24[%dma_wait3A_2725, %dma_wait3A_2726] : memref<512x1xf32, #tpu.memory_space<vmem>> -> memref<32x1xf32, #tpu.memory_space<vmem>>
      tpu.wait_dma2 semaphore(%run_scoped3A : memref<!tpu.dma_semaphore, #tpu.memory_space<semaphore_mem>>) src(%dma_wait3A_2727 : memref<32x1xf32, #tpu.memory_space<vmem>>) dst(%dma_wait3A_2724 : memref<32x1xf32, #tpu.memory_space<hbm>>)
      tpu.yield
    }) : () -> ()
    %add3A_1252 = arith.constant 0 : i32
    %add3A_1253 = arith.addi %mul3A_4, %add3A_1252 : i32
    %jit3A_1254 = arith.constant 32 : i32
    %div3A_1255 = arith.divsi %add3A_1253, %jit3A_1254 : i32
    %sign3A_1256 = arith.constant 0 : i32
    %sign3A_1257 = arith.cmpi sgt, %add3A_1253, %sign3A_1256 : i32
    %sign3A_1258 = arith.extui %sign3A_1257 : i1 to i32
    %sign3A_1259 = arith.constant 0 : i32
    %sign3A_1260 = arith.cmpi slt, %add3A_1253, %sign3A_1259 : i32
    %sign3A_1261 = arith.extui %sign3A_1260 : i1 to i32
    %sign3A_1262 = arith.subi %sign3A_1258, %sign3A_1261 : i32
    %sign3A_1263 = arith.constant 0 : i32
    %sign3A_1264 = arith.cmpi sgt, %jit3A_1254, %sign3A_1263 : i32
    %sign3A_1265 = arith.extui %sign3A_1264 : i1 to i32
    %sign3A_1266 = arith.constant 0 : i32
    %sign3A_1267 = arith.cmpi slt, %jit3A_1254, %sign3A_1266 : i32
    %sign3A_1268 = arith.extui %sign3A_1267 : i1 to i32
    %sign3A_1269 = arith.subi %sign3A_1265, %sign3A_1268 : i32
    %ne3A_1270 = arith.cmpi ne, %sign3A_1262, %sign3A_1269 : i32
    %rem3A_1271 = arith.remsi %add3A_1253, %jit3A_1254 : i32
    %ne3A_1272 = arith.constant 0 : i32
    %ne3A_1273 = arith.cmpi ne, %rem3A_1271, %ne3A_1272 : i32
    %and3A_1274 = arith.andi %ne3A_1270, %ne3A_1273 : i1
    %sub3A_1275 = arith.constant 1 : i32
    %sub3A_1276 = arith.subi %div3A_1255, %sub3A_1275 : i32
    %select_n3A_1277 = arith.select %and3A_1274, %sub3A_1276, %div3A_1255 : i32
    %add3A_1278 = arith.constant 4 : i32
    %add3A_1279 = arith.addi %select_n3A_1277, %add3A_1278 : i32
    %add3A_1280 = arith.addi %shift_right_logical3A_580, %add3A_1279 : i32
    %and3A_1281 = arith.constant 4095 : i32
    %and3A_1282 = arith.andi %add3A_1280, %and3A_1281 : i32
    %mul3A_1283 = arith.constant 32 : i32
    %mul3A_1284 = arith.muli %and3A_1282, %mul3A_1283 : i32
    "tpu.region"() ({
      %run_scoped3A = tpu.sem_alloc : memref<!tpu.dma_semaphore, #tpu.memory_space<semaphore_mem>>
      %dma_start3A_2708 = arith.constant 128 : i32
      %dma_start3A_2709 = arith.constant 0 : i32
      %dma_start3A_2710 = tpu.memref_slice %arg24[%dma_start3A_2708, %dma_start3A_2709] : memref<512x1xf32, #tpu.memory_space<vmem>> -> memref<32x1xf32, #tpu.memory_space<vmem>>
      %dma_start3A_2711 = arith.constant 0 : i32
      %dma_start3A_2712 = tpu.memref_slice %arg12[%mul3A_1284, %dma_start3A_2711] : memref<131072x1xf32, #tpu.memory_space<hbm>> -> memref<32x1xf32, #tpu.memory_space<hbm>>
      %dma_start3A_2713 = arith.constant 0 : i32
      %dma_start3A_2714 = tpu.memref_slice %arg12[%mul3A_1284, %dma_start3A_2713] : memref<131072x1xf32, #tpu.memory_space<hbm>> -> memref<32x1xf32, #tpu.memory_space<hbm>>
      %dma_start3A_2715 = arith.constant 128 : i32
      %dma_start3A_2716 = arith.constant 0 : i32
      %dma_start3A_2717 = tpu.memref_slice %arg24[%dma_start3A_2715, %dma_start3A_2716] : memref<512x1xf32, #tpu.memory_space<vmem>> -> memref<32x1xf32, #tpu.memory_space<vmem>>
      tpu.enqueue_dma source(%dma_start3A_2717 : memref<32x1xf32, #tpu.memory_space<vmem>>) target(%dma_start3A_2714 : memref<32x1xf32, #tpu.memory_space<hbm>>) target_semaphore(%run_scoped3A : memref<!tpu.dma_semaphore, #tpu.memory_space<semaphore_mem>>)
      %dma_wait3A_2718 = arith.constant 128 : i32
      %dma_wait3A_2719 = arith.constant 0 : i32
      %dma_wait3A_2720 = tpu.memref_slice %arg24[%dma_wait3A_2718, %dma_wait3A_2719] : memref<512x1xf32, #tpu.memory_space<vmem>> -> memref<32x1xf32, #tpu.memory_space<vmem>>
      %dma_wait3A_2721 = arith.constant 0 : i32
      %dma_wait3A_2722 = tpu.memref_slice %arg12[%mul3A_1284, %dma_wait3A_2721] : memref<131072x1xf32, #tpu.memory_space<hbm>> -> memref<32x1xf32, #tpu.memory_space<hbm>>
      %dma_wait3A_2723 = arith.constant 0 : i32
      %dma_wait3A_2724 = tpu.memref_slice %arg12[%mul3A_1284, %dma_wait3A_2723] : memref<131072x1xf32, #tpu.memory_space<hbm>> -> memref<32x1xf32, #tpu.memory_space<hbm>>
      %dma_wait3A_2725 = arith.constant 128 : i32
      %dma_wait3A_2726 = arith.constant 0 : i32
      %dma_wait3A_2727 = tpu.memref_slice %arg24[%dma_wait3A_2725, %dma_wait3A_2726] : memref<512x1xf32, #tpu.memory_space<vmem>> -> memref<32x1xf32, #tpu.memory_space<vmem>>
      tpu.wait_dma2 semaphore(%run_scoped3A : memref<!tpu.dma_semaphore, #tpu.memory_space<semaphore_mem>>) src(%dma_wait3A_2727 : memref<32x1xf32, #tpu.memory_space<vmem>>) dst(%dma_wait3A_2724 : memref<32x1xf32, #tpu.memory_space<hbm>>)
      tpu.yield
    }) : () -> ()
    %add3A_1285 = arith.constant 0 : i32
    %add3A_1286 = arith.addi %mul3A_4, %add3A_1285 : i32
    %jit3A_1287 = arith.constant 32 : i32
    %div3A_1288 = arith.divsi %add3A_1286, %jit3A_1287 : i32
    %sign3A_1289 = arith.constant 0 : i32
    %sign3A_1290 = arith.cmpi sgt, %add3A_1286, %sign3A_1289 : i32
    %sign3A_1291 = arith.extui %sign3A_1290 : i1 to i32
    %sign3A_1292 = arith.constant 0 : i32
    %sign3A_1293 = arith.cmpi slt, %add3A_1286, %sign3A_1292 : i32
    %sign3A_1294 = arith.extui %sign3A_1293 : i1 to i32
    %sign3A_1295 = arith.subi %sign3A_1291, %sign3A_1294 : i32
    %sign3A_1296 = arith.constant 0 : i32
    %sign3A_1297 = arith.cmpi sgt, %jit3A_1287, %sign3A_1296 : i32
    %sign3A_1298 = arith.extui %sign3A_1297 : i1 to i32
    %sign3A_1299 = arith.constant 0 : i32
    %sign3A_1300 = arith.cmpi slt, %jit3A_1287, %sign3A_1299 : i32
    %sign3A_1301 = arith.extui %sign3A_1300 : i1 to i32
    %sign3A_1302 = arith.subi %sign3A_1298, %sign3A_1301 : i32
    %ne3A_1303 = arith.cmpi ne, %sign3A_1295, %sign3A_1302 : i32
    %rem3A_1304 = arith.remsi %add3A_1286, %jit3A_1287 : i32
    %ne3A_1305 = arith.constant 0 : i32
    %ne3A_1306 = arith.cmpi ne, %rem3A_1304, %ne3A_1305 : i32
    %and3A_1307 = arith.andi %ne3A_1303, %ne3A_1306 : i1
    %sub3A_1308 = arith.constant 1 : i32
    %sub3A_1309 = arith.subi %div3A_1288, %sub3A_1308 : i32
    %select_n3A_1310 = arith.select %and3A_1307, %sub3A_1309, %div3A_1288 : i32
    %add3A_1311 = arith.constant 5 : i32
    %add3A_1312 = arith.addi %select_n3A_1310, %add3A_1311 : i32
    %add3A_1313 = arith.addi %shift_right_logical3A_580, %add3A_1312 : i32
    %and3A_1314 = arith.constant 4095 : i32
    %and3A_1315 = arith.andi %add3A_1313, %and3A_1314 : i32
    %mul3A_1316 = arith.constant 32 : i32
    %mul3A_1317 = arith.muli %and3A_1315, %mul3A_1316 : i32
    "tpu.region"() ({
      %run_scoped3A = tpu.sem_alloc : memref<!tpu.dma_semaphore, #tpu.memory_space<semaphore_mem>>
      %dma_start3A_2708 = arith.constant 160 : i32
      %dma_start3A_2709 = arith.constant 0 : i32
      %dma_start3A_2710 = tpu.memref_slice %arg24[%dma_start3A_2708, %dma_start3A_2709] : memref<512x1xf32, #tpu.memory_space<vmem>> -> memref<32x1xf32, #tpu.memory_space<vmem>>
      %dma_start3A_2711 = arith.constant 0 : i32
      %dma_start3A_2712 = tpu.memref_slice %arg12[%mul3A_1317, %dma_start3A_2711] : memref<131072x1xf32, #tpu.memory_space<hbm>> -> memref<32x1xf32, #tpu.memory_space<hbm>>
      %dma_start3A_2713 = arith.constant 0 : i32
      %dma_start3A_2714 = tpu.memref_slice %arg12[%mul3A_1317, %dma_start3A_2713] : memref<131072x1xf32, #tpu.memory_space<hbm>> -> memref<32x1xf32, #tpu.memory_space<hbm>>
      %dma_start3A_2715 = arith.constant 160 : i32
      %dma_start3A_2716 = arith.constant 0 : i32
      %dma_start3A_2717 = tpu.memref_slice %arg24[%dma_start3A_2715, %dma_start3A_2716] : memref<512x1xf32, #tpu.memory_space<vmem>> -> memref<32x1xf32, #tpu.memory_space<vmem>>
      tpu.enqueue_dma source(%dma_start3A_2717 : memref<32x1xf32, #tpu.memory_space<vmem>>) target(%dma_start3A_2714 : memref<32x1xf32, #tpu.memory_space<hbm>>) target_semaphore(%run_scoped3A : memref<!tpu.dma_semaphore, #tpu.memory_space<semaphore_mem>>)
      %dma_wait3A_2718 = arith.constant 160 : i32
      %dma_wait3A_2719 = arith.constant 0 : i32
      %dma_wait3A_2720 = tpu.memref_slice %arg24[%dma_wait3A_2718, %dma_wait3A_2719] : memref<512x1xf32, #tpu.memory_space<vmem>> -> memref<32x1xf32, #tpu.memory_space<vmem>>
      %dma_wait3A_2721 = arith.constant 0 : i32
      %dma_wait3A_2722 = tpu.memref_slice %arg12[%mul3A_1317, %dma_wait3A_2721] : memref<131072x1xf32, #tpu.memory_space<hbm>> -> memref<32x1xf32, #tpu.memory_space<hbm>>
      %dma_wait3A_2723 = arith.constant 0 : i32
      %dma_wait3A_2724 = tpu.memref_slice %arg12[%mul3A_1317, %dma_wait3A_2723] : memref<131072x1xf32, #tpu.memory_space<hbm>> -> memref<32x1xf32, #tpu.memory_space<hbm>>
      %dma_wait3A_2725 = arith.constant 160 : i32
      %dma_wait3A_2726 = arith.constant 0 : i32
      %dma_wait3A_2727 = tpu.memref_slice %arg24[%dma_wait3A_2725, %dma_wait3A_2726] : memref<512x1xf32, #tpu.memory_space<vmem>> -> memref<32x1xf32, #tpu.memory_space<vmem>>
      tpu.wait_dma2 semaphore(%run_scoped3A : memref<!tpu.dma_semaphore, #tpu.memory_space<semaphore_mem>>) src(%dma_wait3A_2727 : memref<32x1xf32, #tpu.memory_space<vmem>>) dst(%dma_wait3A_2724 : memref<32x1xf32, #tpu.memory_space<hbm>>)
      tpu.yield
    }) : () -> ()
    %add3A_1318 = arith.constant 0 : i32
    %add3A_1319 = arith.addi %mul3A_4, %add3A_1318 : i32
    %jit3A_1320 = arith.constant 32 : i32
    %div3A_1321 = arith.divsi %add3A_1319, %jit3A_1320 : i32
    %sign3A_1322 = arith.constant 0 : i32
    %sign3A_1323 = arith.cmpi sgt, %add3A_1319, %sign3A_1322 : i32
    %sign3A_1324 = arith.extui %sign3A_1323 : i1 to i32
    %sign3A_1325 = arith.constant 0 : i32
    %sign3A_1326 = arith.cmpi slt, %add3A_1319, %sign3A_1325 : i32
    %sign3A_1327 = arith.extui %sign3A_1326 : i1 to i32
    %sign3A_1328 = arith.subi %sign3A_1324, %sign3A_1327 : i32
    %sign3A_1329 = arith.constant 0 : i32
    %sign3A_1330 = arith.cmpi sgt, %jit3A_1320, %sign3A_1329 : i32
    %sign3A_1331 = arith.extui %sign3A_1330 : i1 to i32
    %sign3A_1332 = arith.constant 0 : i32
    %sign3A_1333 = arith.cmpi slt, %jit3A_1320, %sign3A_1332 : i32
    %sign3A_1334 = arith.extui %sign3A_1333 : i1 to i32
    %sign3A_1335 = arith.subi %sign3A_1331, %sign3A_1334 : i32
    %ne3A_1336 = arith.cmpi ne, %sign3A_1328, %sign3A_1335 : i32
    %rem3A_1337 = arith.remsi %add3A_1319, %jit3A_1320 : i32
    %ne3A_1338 = arith.constant 0 : i32
    %ne3A_1339 = arith.cmpi ne, %rem3A_1337, %ne3A_1338 : i32
    %and3A_1340 = arith.andi %ne3A_1336, %ne3A_1339 : i1
    %sub3A_1341 = arith.constant 1 : i32
    %sub3A_1342 = arith.subi %div3A_1321, %sub3A_1341 : i32
    %select_n3A_1343 = arith.select %and3A_1340, %sub3A_1342, %div3A_1321 : i32
    %add3A_1344 = arith.constant 6 : i32
    %add3A_1345 = arith.addi %select_n3A_1343, %add3A_1344 : i32
    %add3A_1346 = arith.addi %shift_right_logical3A_580, %add3A_1345 : i32
    %and3A_1347 = arith.constant 4095 : i32
    %and3A_1348 = arith.andi %add3A_1346, %and3A_1347 : i32
    %mul3A_1349 = arith.constant 32 : i32
    %mul3A_1350 = arith.muli %and3A_1348, %mul3A_1349 : i32
    "tpu.region"() ({
      %run_scoped3A = tpu.sem_alloc : memref<!tpu.dma_semaphore, #tpu.memory_space<semaphore_mem>>
      %dma_start3A_2708 = arith.constant 192 : i32
      %dma_start3A_2709 = arith.constant 0 : i32
      %dma_start3A_2710 = tpu.memref_slice %arg24[%dma_start3A_2708, %dma_start3A_2709] : memref<512x1xf32, #tpu.memory_space<vmem>> -> memref<32x1xf32, #tpu.memory_space<vmem>>
      %dma_start3A_2711 = arith.constant 0 : i32
      %dma_start3A_2712 = tpu.memref_slice %arg12[%mul3A_1350, %dma_start3A_2711] : memref<131072x1xf32, #tpu.memory_space<hbm>> -> memref<32x1xf32, #tpu.memory_space<hbm>>
      %dma_start3A_2713 = arith.constant 0 : i32
      %dma_start3A_2714 = tpu.memref_slice %arg12[%mul3A_1350, %dma_start3A_2713] : memref<131072x1xf32, #tpu.memory_space<hbm>> -> memref<32x1xf32, #tpu.memory_space<hbm>>
      %dma_start3A_2715 = arith.constant 192 : i32
      %dma_start3A_2716 = arith.constant 0 : i32
      %dma_start3A_2717 = tpu.memref_slice %arg24[%dma_start3A_2715, %dma_start3A_2716] : memref<512x1xf32, #tpu.memory_space<vmem>> -> memref<32x1xf32, #tpu.memory_space<vmem>>
      tpu.enqueue_dma source(%dma_start3A_2717 : memref<32x1xf32, #tpu.memory_space<vmem>>) target(%dma_start3A_2714 : memref<32x1xf32, #tpu.memory_space<hbm>>) target_semaphore(%run_scoped3A : memref<!tpu.dma_semaphore, #tpu.memory_space<semaphore_mem>>)
      %dma_wait3A_2718 = arith.constant 192 : i32
      %dma_wait3A_2719 = arith.constant 0 : i32
      %dma_wait3A_2720 = tpu.memref_slice %arg24[%dma_wait3A_2718, %dma_wait3A_2719] : memref<512x1xf32, #tpu.memory_space<vmem>> -> memref<32x1xf32, #tpu.memory_space<vmem>>
      %dma_wait3A_2721 = arith.constant 0 : i32
      %dma_wait3A_2722 = tpu.memref_slice %arg12[%mul3A_1350, %dma_wait3A_2721] : memref<131072x1xf32, #tpu.memory_space<hbm>> -> memref<32x1xf32, #tpu.memory_space<hbm>>
      %dma_wait3A_2723 = arith.constant 0 : i32
      %dma_wait3A_2724 = tpu.memref_slice %arg12[%mul3A_1350, %dma_wait3A_2723] : memref<131072x1xf32, #tpu.memory_space<hbm>> -> memref<32x1xf32, #tpu.memory_space<hbm>>
      %dma_wait3A_2725 = arith.constant 192 : i32
      %dma_wait3A_2726 = arith.constant 0 : i32
      %dma_wait3A_2727 = tpu.memref_slice %arg24[%dma_wait3A_2725, %dma_wait3A_2726] : memref<512x1xf32, #tpu.memory_space<vmem>> -> memref<32x1xf32, #tpu.memory_space<vmem>>
      tpu.wait_dma2 semaphore(%run_scoped3A : memref<!tpu.dma_semaphore, #tpu.memory_space<semaphore_mem>>) src(%dma_wait3A_2727 : memref<32x1xf32, #tpu.memory_space<vmem>>) dst(%dma_wait3A_2724 : memref<32x1xf32, #tpu.memory_space<hbm>>)
      tpu.yield
    }) : () -> ()
    %add3A_1351 = arith.constant 0 : i32
    %add3A_1352 = arith.addi %mul3A_4, %add3A_1351 : i32
    %jit3A_1353 = arith.constant 32 : i32
    %div3A_1354 = arith.divsi %add3A_1352, %jit3A_1353 : i32
    %sign3A_1355 = arith.constant 0 : i32
    %sign3A_1356 = arith.cmpi sgt, %add3A_1352, %sign3A_1355 : i32
    %sign3A_1357 = arith.extui %sign3A_1356 : i1 to i32
    %sign3A_1358 = arith.constant 0 : i32
    %sign3A_1359 = arith.cmpi slt, %add3A_1352, %sign3A_1358 : i32
    %sign3A_1360 = arith.extui %sign3A_1359 : i1 to i32
    %sign3A_1361 = arith.subi %sign3A_1357, %sign3A_1360 : i32
    %sign3A_1362 = arith.constant 0 : i32
    %sign3A_1363 = arith.cmpi sgt, %jit3A_1353, %sign3A_1362 : i32
    %sign3A_1364 = arith.extui %sign3A_1363 : i1 to i32
    %sign3A_1365 = arith.constant 0 : i32
    %sign3A_1366 = arith.cmpi slt, %jit3A_1353, %sign3A_1365 : i32
    %sign3A_1367 = arith.extui %sign3A_1366 : i1 to i32
    %sign3A_1368 = arith.subi %sign3A_1364, %sign3A_1367 : i32
    %ne3A_1369 = arith.cmpi ne, %sign3A_1361, %sign3A_1368 : i32
    %rem3A_1370 = arith.remsi %add3A_1352, %jit3A_1353 : i32
    %ne3A_1371 = arith.constant 0 : i32
    %ne3A_1372 = arith.cmpi ne, %rem3A_1370, %ne3A_1371 : i32
    %and3A_1373 = arith.andi %ne3A_1369, %ne3A_1372 : i1
    %sub3A_1374 = arith.constant 1 : i32
    %sub3A_1375 = arith.subi %div3A_1354, %sub3A_1374 : i32
    %select_n3A_1376 = arith.select %and3A_1373, %sub3A_1375, %div3A_1354 : i32
    %add3A_1377 = arith.constant 7 : i32
    %add3A_1378 = arith.addi %select_n3A_1376, %add3A_1377 : i32
    %add3A_1379 = arith.addi %shift_right_logical3A_580, %add3A_1378 : i32
    %and3A_1380 = arith.constant 4095 : i32
    %and3A_1381 = arith.andi %add3A_1379, %and3A_1380 : i32
    %mul3A_1382 = arith.constant 32 : i32
    %mul3A_1383 = arith.muli %and3A_1381, %mul3A_1382 : i32
    "tpu.region"() ({
      %run_scoped3A = tpu.sem_alloc : memref<!tpu.dma_semaphore, #tpu.memory_space<semaphore_mem>>
      %dma_start3A_2708 = arith.constant 224 : i32
      %dma_start3A_2709 = arith.constant 0 : i32
      %dma_start3A_2710 = tpu.memref_slice %arg24[%dma_start3A_2708, %dma_start3A_2709] : memref<512x1xf32, #tpu.memory_space<vmem>> -> memref<32x1xf32, #tpu.memory_space<vmem>>
      %dma_start3A_2711 = arith.constant 0 : i32
      %dma_start3A_2712 = tpu.memref_slice %arg12[%mul3A_1383, %dma_start3A_2711] : memref<131072x1xf32, #tpu.memory_space<hbm>> -> memref<32x1xf32, #tpu.memory_space<hbm>>
      %dma_start3A_2713 = arith.constant 0 : i32
      %dma_start3A_2714 = tpu.memref_slice %arg12[%mul3A_1383, %dma_start3A_2713] : memref<131072x1xf32, #tpu.memory_space<hbm>> -> memref<32x1xf32, #tpu.memory_space<hbm>>
      %dma_start3A_2715 = arith.constant 224 : i32
      %dma_start3A_2716 = arith.constant 0 : i32
      %dma_start3A_2717 = tpu.memref_slice %arg24[%dma_start3A_2715, %dma_start3A_2716] : memref<512x1xf32, #tpu.memory_space<vmem>> -> memref<32x1xf32, #tpu.memory_space<vmem>>
      tpu.enqueue_dma source(%dma_start3A_2717 : memref<32x1xf32, #tpu.memory_space<vmem>>) target(%dma_start3A_2714 : memref<32x1xf32, #tpu.memory_space<hbm>>) target_semaphore(%run_scoped3A : memref<!tpu.dma_semaphore, #tpu.memory_space<semaphore_mem>>)
      %dma_wait3A_2718 = arith.constant 224 : i32
      %dma_wait3A_2719 = arith.constant 0 : i32
      %dma_wait3A_2720 = tpu.memref_slice %arg24[%dma_wait3A_2718, %dma_wait3A_2719] : memref<512x1xf32, #tpu.memory_space<vmem>> -> memref<32x1xf32, #tpu.memory_space<vmem>>
      %dma_wait3A_2721 = arith.constant 0 : i32
      %dma_wait3A_2722 = tpu.memref_slice %arg12[%mul3A_1383, %dma_wait3A_2721] : memref<131072x1xf32, #tpu.memory_space<hbm>> -> memref<32x1xf32, #tpu.memory_space<hbm>>
      %dma_wait3A_2723 = arith.constant 0 : i32
      %dma_wait3A_2724 = tpu.memref_slice %arg12[%mul3A_1383, %dma_wait3A_2723] : memref<131072x1xf32, #tpu.memory_space<hbm>> -> memref<32x1xf32, #tpu.memory_space<hbm>>
      %dma_wait3A_2725 = arith.constant 224 : i32
      %dma_wait3A_2726 = arith.constant 0 : i32
      %dma_wait3A_2727 = tpu.memref_slice %arg24[%dma_wait3A_2725, %dma_wait3A_2726] : memref<512x1xf32, #tpu.memory_space<vmem>> -> memref<32x1xf32, #tpu.memory_space<vmem>>
      tpu.wait_dma2 semaphore(%run_scoped3A : memref<!tpu.dma_semaphore, #tpu.memory_space<semaphore_mem>>) src(%dma_wait3A_2727 : memref<32x1xf32, #tpu.memory_space<vmem>>) dst(%dma_wait3A_2724 : memref<32x1xf32, #tpu.memory_space<hbm>>)
      tpu.yield
    }) : () -> ()
    %add3A_1384 = arith.constant 0 : i32
    %add3A_1385 = arith.addi %mul3A_4, %add3A_1384 : i32
    %jit3A_1386 = arith.constant 32 : i32
    %div3A_1387 = arith.divsi %add3A_1385, %jit3A_1386 : i32
    %sign3A_1388 = arith.constant 0 : i32
    %sign3A_1389 = arith.cmpi sgt, %add3A_1385, %sign3A_1388 : i32
    %sign3A_1390 = arith.extui %sign3A_1389 : i1 to i32
    %sign3A_1391 = arith.constant 0 : i32
    %sign3A_1392 = arith.cmpi slt, %add3A_1385, %sign3A_1391 : i32
    %sign3A_1393 = arith.extui %sign3A_1392 : i1 to i32
    %sign3A_1394 = arith.subi %sign3A_1390, %sign3A_1393 : i32
    %sign3A_1395 = arith.constant 0 : i32
    %sign3A_1396 = arith.cmpi sgt, %jit3A_1386, %sign3A_1395 : i32
    %sign3A_1397 = arith.extui %sign3A_1396 : i1 to i32
    %sign3A_1398 = arith.constant 0 : i32
    %sign3A_1399 = arith.cmpi slt, %jit3A_1386, %sign3A_1398 : i32
    %sign3A_1400 = arith.extui %sign3A_1399 : i1 to i32
    %sign3A_1401 = arith.subi %sign3A_1397, %sign3A_1400 : i32
    %ne3A_1402 = arith.cmpi ne, %sign3A_1394, %sign3A_1401 : i32
    %rem3A_1403 = arith.remsi %add3A_1385, %jit3A_1386 : i32
    %ne3A_1404 = arith.constant 0 : i32
    %ne3A_1405 = arith.cmpi ne, %rem3A_1403, %ne3A_1404 : i32
    %and3A_1406 = arith.andi %ne3A_1402, %ne3A_1405 : i1
    %sub3A_1407 = arith.constant 1 : i32
    %sub3A_1408 = arith.subi %div3A_1387, %sub3A_1407 : i32
    %select_n3A_1409 = arith.select %and3A_1406, %sub3A_1408, %div3A_1387 : i32
    %add3A_1410 = arith.constant 8 : i32
    %add3A_1411 = arith.addi %select_n3A_1409, %add3A_1410 : i32
    %add3A_1412 = arith.addi %shift_right_logical3A_580, %add3A_1411 : i32
    %and3A_1413 = arith.constant 4095 : i32
    %and3A_1414 = arith.andi %add3A_1412, %and3A_1413 : i32
    %mul3A_1415 = arith.constant 32 : i32
    %mul3A_1416 = arith.muli %and3A_1414, %mul3A_1415 : i32
    "tpu.region"() ({
      %run_scoped3A = tpu.sem_alloc : memref<!tpu.dma_semaphore, #tpu.memory_space<semaphore_mem>>
      %dma_start3A_2708 = arith.constant 256 : i32
      %dma_start3A_2709 = arith.constant 0 : i32
      %dma_start3A_2710 = tpu.memref_slice %arg24[%dma_start3A_2708, %dma_start3A_2709] : memref<512x1xf32, #tpu.memory_space<vmem>> -> memref<32x1xf32, #tpu.memory_space<vmem>>
      %dma_start3A_2711 = arith.constant 0 : i32
      %dma_start3A_2712 = tpu.memref_slice %arg12[%mul3A_1416, %dma_start3A_2711] : memref<131072x1xf32, #tpu.memory_space<hbm>> -> memref<32x1xf32, #tpu.memory_space<hbm>>
      %dma_start3A_2713 = arith.constant 0 : i32
      %dma_start3A_2714 = tpu.memref_slice %arg12[%mul3A_1416, %dma_start3A_2713] : memref<131072x1xf32, #tpu.memory_space<hbm>> -> memref<32x1xf32, #tpu.memory_space<hbm>>
      %dma_start3A_2715 = arith.constant 256 : i32
      %dma_start3A_2716 = arith.constant 0 : i32
      %dma_start3A_2717 = tpu.memref_slice %arg24[%dma_start3A_2715, %dma_start3A_2716] : memref<512x1xf32, #tpu.memory_space<vmem>> -> memref<32x1xf32, #tpu.memory_space<vmem>>
      tpu.enqueue_dma source(%dma_start3A_2717 : memref<32x1xf32, #tpu.memory_space<vmem>>) target(%dma_start3A_2714 : memref<32x1xf32, #tpu.memory_space<hbm>>) target_semaphore(%run_scoped3A : memref<!tpu.dma_semaphore, #tpu.memory_space<semaphore_mem>>)
      %dma_wait3A_2718 = arith.constant 256 : i32
      %dma_wait3A_2719 = arith.constant 0 : i32
      %dma_wait3A_2720 = tpu.memref_slice %arg24[%dma_wait3A_2718, %dma_wait3A_2719] : memref<512x1xf32, #tpu.memory_space<vmem>> -> memref<32x1xf32, #tpu.memory_space<vmem>>
      %dma_wait3A_2721 = arith.constant 0 : i32
      %dma_wait3A_2722 = tpu.memref_slice %arg12[%mul3A_1416, %dma_wait3A_2721] : memref<131072x1xf32, #tpu.memory_space<hbm>> -> memref<32x1xf32, #tpu.memory_space<hbm>>
      %dma_wait3A_2723 = arith.constant 0 : i32
      %dma_wait3A_2724 = tpu.memref_slice %arg12[%mul3A_1416, %dma_wait3A_2723] : memref<131072x1xf32, #tpu.memory_space<hbm>> -> memref<32x1xf32, #tpu.memory_space<hbm>>
      %dma_wait3A_2725 = arith.constant 256 : i32
      %dma_wait3A_2726 = arith.constant 0 : i32
      %dma_wait3A_2727 = tpu.memref_slice %arg24[%dma_wait3A_2725, %dma_wait3A_2726] : memref<512x1xf32, #tpu.memory_space<vmem>> -> memref<32x1xf32, #tpu.memory_space<vmem>>
      tpu.wait_dma2 semaphore(%run_scoped3A : memref<!tpu.dma_semaphore, #tpu.memory_space<semaphore_mem>>) src(%dma_wait3A_2727 : memref<32x1xf32, #tpu.memory_space<vmem>>) dst(%dma_wait3A_2724 : memref<32x1xf32, #tpu.memory_space<hbm>>)
      tpu.yield
    }) : () -> ()
    %add3A_1417 = arith.constant 0 : i32
    %add3A_1418 = arith.addi %mul3A_4, %add3A_1417 : i32
    %jit3A_1419 = arith.constant 32 : i32
    %div3A_1420 = arith.divsi %add3A_1418, %jit3A_1419 : i32
    %sign3A_1421 = arith.constant 0 : i32
    %sign3A_1422 = arith.cmpi sgt, %add3A_1418, %sign3A_1421 : i32
    %sign3A_1423 = arith.extui %sign3A_1422 : i1 to i32
    %sign3A_1424 = arith.constant 0 : i32
    %sign3A_1425 = arith.cmpi slt, %add3A_1418, %sign3A_1424 : i32
    %sign3A_1426 = arith.extui %sign3A_1425 : i1 to i32
    %sign3A_1427 = arith.subi %sign3A_1423, %sign3A_1426 : i32
    %sign3A_1428 = arith.constant 0 : i32
    %sign3A_1429 = arith.cmpi sgt, %jit3A_1419, %sign3A_1428 : i32
    %sign3A_1430 = arith.extui %sign3A_1429 : i1 to i32
    %sign3A_1431 = arith.constant 0 : i32
    %sign3A_1432 = arith.cmpi slt, %jit3A_1419, %sign3A_1431 : i32
    %sign3A_1433 = arith.extui %sign3A_1432 : i1 to i32
    %sign3A_1434 = arith.subi %sign3A_1430, %sign3A_1433 : i32
    %ne3A_1435 = arith.cmpi ne, %sign3A_1427, %sign3A_1434 : i32
    %rem3A_1436 = arith.remsi %add3A_1418, %jit3A_1419 : i32
    %ne3A_1437 = arith.constant 0 : i32
    %ne3A_1438 = arith.cmpi ne, %rem3A_1436, %ne3A_1437 : i32
    %and3A_1439 = arith.andi %ne3A_1435, %ne3A_1438 : i1
    %sub3A_1440 = arith.constant 1 : i32
    %sub3A_1441 = arith.subi %div3A_1420, %sub3A_1440 : i32
    %select_n3A_1442 = arith.select %and3A_1439, %sub3A_1441, %div3A_1420 : i32
    %add3A_1443 = arith.constant 9 : i32
    %add3A_1444 = arith.addi %select_n3A_1442, %add3A_1443 : i32
    %add3A_1445 = arith.addi %shift_right_logical3A_580, %add3A_1444 : i32
    %and3A_1446 = arith.constant 4095 : i32
    %and3A_1447 = arith.andi %add3A_1445, %and3A_1446 : i32
    %mul3A_1448 = arith.constant 32 : i32
    %mul3A_1449 = arith.muli %and3A_1447, %mul3A_1448 : i32
    "tpu.region"() ({
      %run_scoped3A = tpu.sem_alloc : memref<!tpu.dma_semaphore, #tpu.memory_space<semaphore_mem>>
      %dma_start3A_2708 = arith.constant 288 : i32
      %dma_start3A_2709 = arith.constant 0 : i32
      %dma_start3A_2710 = tpu.memref_slice %arg24[%dma_start3A_2708, %dma_start3A_2709] : memref<512x1xf32, #tpu.memory_space<vmem>> -> memref<32x1xf32, #tpu.memory_space<vmem>>
      %dma_start3A_2711 = arith.constant 0 : i32
      %dma_start3A_2712 = tpu.memref_slice %arg12[%mul3A_1449, %dma_start3A_2711] : memref<131072x1xf32, #tpu.memory_space<hbm>> -> memref<32x1xf32, #tpu.memory_space<hbm>>
      %dma_start3A_2713 = arith.constant 0 : i32
      %dma_start3A_2714 = tpu.memref_slice %arg12[%mul3A_1449, %dma_start3A_2713] : memref<131072x1xf32, #tpu.memory_space<hbm>> -> memref<32x1xf32, #tpu.memory_space<hbm>>
      %dma_start3A_2715 = arith.constant 288 : i32
      %dma_start3A_2716 = arith.constant 0 : i32
      %dma_start3A_2717 = tpu.memref_slice %arg24[%dma_start3A_2715, %dma_start3A_2716] : memref<512x1xf32, #tpu.memory_space<vmem>> -> memref<32x1xf32, #tpu.memory_space<vmem>>
      tpu.enqueue_dma source(%dma_start3A_2717 : memref<32x1xf32, #tpu.memory_space<vmem>>) target(%dma_start3A_2714 : memref<32x1xf32, #tpu.memory_space<hbm>>) target_semaphore(%run_scoped3A : memref<!tpu.dma_semaphore, #tpu.memory_space<semaphore_mem>>)
      %dma_wait3A_2718 = arith.constant 288 : i32
      %dma_wait3A_2719 = arith.constant 0 : i32
      %dma_wait3A_2720 = tpu.memref_slice %arg24[%dma_wait3A_2718, %dma_wait3A_2719] : memref<512x1xf32, #tpu.memory_space<vmem>> -> memref<32x1xf32, #tpu.memory_space<vmem>>
      %dma_wait3A_2721 = arith.constant 0 : i32
      %dma_wait3A_2722 = tpu.memref_slice %arg12[%mul3A_1449, %dma_wait3A_2721] : memref<131072x1xf32, #tpu.memory_space<hbm>> -> memref<32x1xf32, #tpu.memory_space<hbm>>
      %dma_wait3A_2723 = arith.constant 0 : i32
      %dma_wait3A_2724 = tpu.memref_slice %arg12[%mul3A_1449, %dma_wait3A_2723] : memref<131072x1xf32, #tpu.memory_space<hbm>> -> memref<32x1xf32, #tpu.memory_space<hbm>>
      %dma_wait3A_2725 = arith.constant 288 : i32
      %dma_wait3A_2726 = arith.constant 0 : i32
      %dma_wait3A_2727 = tpu.memref_slice %arg24[%dma_wait3A_2725, %dma_wait3A_2726] : memref<512x1xf32, #tpu.memory_space<vmem>> -> memref<32x1xf32, #tpu.memory_space<vmem>>
      tpu.wait_dma2 semaphore(%run_scoped3A : memref<!tpu.dma_semaphore, #tpu.memory_space<semaphore_mem>>) src(%dma_wait3A_2727 : memref<32x1xf32, #tpu.memory_space<vmem>>) dst(%dma_wait3A_2724 : memref<32x1xf32, #tpu.memory_space<hbm>>)
      tpu.yield
    }) : () -> ()
    %add3A_1450 = arith.constant 0 : i32
    %add3A_1451 = arith.addi %mul3A_4, %add3A_1450 : i32
    %jit3A_1452 = arith.constant 32 : i32
    %div3A_1453 = arith.divsi %add3A_1451, %jit3A_1452 : i32
    %sign3A_1454 = arith.constant 0 : i32
    %sign3A_1455 = arith.cmpi sgt, %add3A_1451, %sign3A_1454 : i32
    %sign3A_1456 = arith.extui %sign3A_1455 : i1 to i32
    %sign3A_1457 = arith.constant 0 : i32
    %sign3A_1458 = arith.cmpi slt, %add3A_1451, %sign3A_1457 : i32
    %sign3A_1459 = arith.extui %sign3A_1458 : i1 to i32
    %sign3A_1460 = arith.subi %sign3A_1456, %sign3A_1459 : i32
    %sign3A_1461 = arith.constant 0 : i32
    %sign3A_1462 = arith.cmpi sgt, %jit3A_1452, %sign3A_1461 : i32
    %sign3A_1463 = arith.extui %sign3A_1462 : i1 to i32
    %sign3A_1464 = arith.constant 0 : i32
    %sign3A_1465 = arith.cmpi slt, %jit3A_1452, %sign3A_1464 : i32
    %sign3A_1466 = arith.extui %sign3A_1465 : i1 to i32
    %sign3A_1467 = arith.subi %sign3A_1463, %sign3A_1466 : i32
    %ne3A_1468 = arith.cmpi ne, %sign3A_1460, %sign3A_1467 : i32
    %rem3A_1469 = arith.remsi %add3A_1451, %jit3A_1452 : i32
    %ne3A_1470 = arith.constant 0 : i32
    %ne3A_1471 = arith.cmpi ne, %rem3A_1469, %ne3A_1470 : i32
    %and3A_1472 = arith.andi %ne3A_1468, %ne3A_1471 : i1
    %sub3A_1473 = arith.constant 1 : i32
    %sub3A_1474 = arith.subi %div3A_1453, %sub3A_1473 : i32
    %select_n3A_1475 = arith.select %and3A_1472, %sub3A_1474, %div3A_1453 : i32
    %add3A_1476 = arith.constant 10 : i32
    %add3A_1477 = arith.addi %select_n3A_1475, %add3A_1476 : i32
    %add3A_1478 = arith.addi %shift_right_logical3A_580, %add3A_1477 : i32
    %and3A_1479 = arith.constant 4095 : i32
    %and3A_1480 = arith.andi %add3A_1478, %and3A_1479 : i32
    %mul3A_1481 = arith.constant 32 : i32
    %mul3A_1482 = arith.muli %and3A_1480, %mul3A_1481 : i32
    "tpu.region"() ({
      %run_scoped3A = tpu.sem_alloc : memref<!tpu.dma_semaphore, #tpu.memory_space<semaphore_mem>>
      %dma_start3A_2708 = arith.constant 320 : i32
      %dma_start3A_2709 = arith.constant 0 : i32
      %dma_start3A_2710 = tpu.memref_slice %arg24[%dma_start3A_2708, %dma_start3A_2709] : memref<512x1xf32, #tpu.memory_space<vmem>> -> memref<32x1xf32, #tpu.memory_space<vmem>>
      %dma_start3A_2711 = arith.constant 0 : i32
      %dma_start3A_2712 = tpu.memref_slice %arg12[%mul3A_1482, %dma_start3A_2711] : memref<131072x1xf32, #tpu.memory_space<hbm>> -> memref<32x1xf32, #tpu.memory_space<hbm>>
      %dma_start3A_2713 = arith.constant 0 : i32
      %dma_start3A_2714 = tpu.memref_slice %arg12[%mul3A_1482, %dma_start3A_2713] : memref<131072x1xf32, #tpu.memory_space<hbm>> -> memref<32x1xf32, #tpu.memory_space<hbm>>
      %dma_start3A_2715 = arith.constant 320 : i32
      %dma_start3A_2716 = arith.constant 0 : i32
      %dma_start3A_2717 = tpu.memref_slice %arg24[%dma_start3A_2715, %dma_start3A_2716] : memref<512x1xf32, #tpu.memory_space<vmem>> -> memref<32x1xf32, #tpu.memory_space<vmem>>
      tpu.enqueue_dma source(%dma_start3A_2717 : memref<32x1xf32, #tpu.memory_space<vmem>>) target(%dma_start3A_2714 : memref<32x1xf32, #tpu.memory_space<hbm>>) target_semaphore(%run_scoped3A : memref<!tpu.dma_semaphore, #tpu.memory_space<semaphore_mem>>)
      %dma_wait3A_2718 = arith.constant 320 : i32
      %dma_wait3A_2719 = arith.constant 0 : i32
      %dma_wait3A_2720 = tpu.memref_slice %arg24[%dma_wait3A_2718, %dma_wait3A_2719] : memref<512x1xf32, #tpu.memory_space<vmem>> -> memref<32x1xf32, #tpu.memory_space<vmem>>
      %dma_wait3A_2721 = arith.constant 0 : i32
      %dma_wait3A_2722 = tpu.memref_slice %arg12[%mul3A_1482, %dma_wait3A_2721] : memref<131072x1xf32, #tpu.memory_space<hbm>> -> memref<32x1xf32, #tpu.memory_space<hbm>>
      %dma_wait3A_2723 = arith.constant 0 : i32
      %dma_wait3A_2724 = tpu.memref_slice %arg12[%mul3A_1482, %dma_wait3A_2723] : memref<131072x1xf32, #tpu.memory_space<hbm>> -> memref<32x1xf32, #tpu.memory_space<hbm>>
      %dma_wait3A_2725 = arith.constant 320 : i32
      %dma_wait3A_2726 = arith.constant 0 : i32
      %dma_wait3A_2727 = tpu.memref_slice %arg24[%dma_wait3A_2725, %dma_wait3A_2726] : memref<512x1xf32, #tpu.memory_space<vmem>> -> memref<32x1xf32, #tpu.memory_space<vmem>>
      tpu.wait_dma2 semaphore(%run_scoped3A : memref<!tpu.dma_semaphore, #tpu.memory_space<semaphore_mem>>) src(%dma_wait3A_2727 : memref<32x1xf32, #tpu.memory_space<vmem>>) dst(%dma_wait3A_2724 : memref<32x1xf32, #tpu.memory_space<hbm>>)
      tpu.yield
    }) : () -> ()
    %add3A_1483 = arith.constant 0 : i32
    %add3A_1484 = arith.addi %mul3A_4, %add3A_1483 : i32
    %jit3A_1485 = arith.constant 32 : i32
    %div3A_1486 = arith.divsi %add3A_1484, %jit3A_1485 : i32
    %sign3A_1487 = arith.constant 0 : i32
    %sign3A_1488 = arith.cmpi sgt, %add3A_1484, %sign3A_1487 : i32
    %sign3A_1489 = arith.extui %sign3A_1488 : i1 to i32
    %sign3A_1490 = arith.constant 0 : i32
    %sign3A_1491 = arith.cmpi slt, %add3A_1484, %sign3A_1490 : i32
    %sign3A_1492 = arith.extui %sign3A_1491 : i1 to i32
    %sign3A_1493 = arith.subi %sign3A_1489, %sign3A_1492 : i32
    %sign3A_1494 = arith.constant 0 : i32
    %sign3A_1495 = arith.cmpi sgt, %jit3A_1485, %sign3A_1494 : i32
    %sign3A_1496 = arith.extui %sign3A_1495 : i1 to i32
    %sign3A_1497 = arith.constant 0 : i32
    %sign3A_1498 = arith.cmpi slt, %jit3A_1485, %sign3A_1497 : i32
    %sign3A_1499 = arith.extui %sign3A_1498 : i1 to i32
    %sign3A_1500 = arith.subi %sign3A_1496, %sign3A_1499 : i32
    %ne3A_1501 = arith.cmpi ne, %sign3A_1493, %sign3A_1500 : i32
    %rem3A_1502 = arith.remsi %add3A_1484, %jit3A_1485 : i32
    %ne3A_1503 = arith.constant 0 : i32
    %ne3A_1504 = arith.cmpi ne, %rem3A_1502, %ne3A_1503 : i32
    %and3A_1505 = arith.andi %ne3A_1501, %ne3A_1504 : i1
    %sub3A_1506 = arith.constant 1 : i32
    %sub3A_1507 = arith.subi %div3A_1486, %sub3A_1506 : i32
    %select_n3A_1508 = arith.select %and3A_1505, %sub3A_1507, %div3A_1486 : i32
    %add3A_1509 = arith.constant 11 : i32
    %add3A_1510 = arith.addi %select_n3A_1508, %add3A_1509 : i32
    %add3A_1511 = arith.addi %shift_right_logical3A_580, %add3A_1510 : i32
    %and3A_1512 = arith.constant 4095 : i32
    %and3A_1513 = arith.andi %add3A_1511, %and3A_1512 : i32
    %mul3A_1514 = arith.constant 32 : i32
    %mul3A_1515 = arith.muli %and3A_1513, %mul3A_1514 : i32
    "tpu.region"() ({
      %run_scoped3A = tpu.sem_alloc : memref<!tpu.dma_semaphore, #tpu.memory_space<semaphore_mem>>
      %dma_start3A_2708 = arith.constant 352 : i32
      %dma_start3A_2709 = arith.constant 0 : i32
      %dma_start3A_2710 = tpu.memref_slice %arg24[%dma_start3A_2708, %dma_start3A_2709] : memref<512x1xf32, #tpu.memory_space<vmem>> -> memref<32x1xf32, #tpu.memory_space<vmem>>
      %dma_start3A_2711 = arith.constant 0 : i32
      %dma_start3A_2712 = tpu.memref_slice %arg12[%mul3A_1515, %dma_start3A_2711] : memref<131072x1xf32, #tpu.memory_space<hbm>> -> memref<32x1xf32, #tpu.memory_space<hbm>>
      %dma_start3A_2713 = arith.constant 0 : i32
      %dma_start3A_2714 = tpu.memref_slice %arg12[%mul3A_1515, %dma_start3A_2713] : memref<131072x1xf32, #tpu.memory_space<hbm>> -> memref<32x1xf32, #tpu.memory_space<hbm>>
      %dma_start3A_2715 = arith.constant 352 : i32
      %dma_start3A_2716 = arith.constant 0 : i32
      %dma_start3A_2717 = tpu.memref_slice %arg24[%dma_start3A_2715, %dma_start3A_2716] : memref<512x1xf32, #tpu.memory_space<vmem>> -> memref<32x1xf32, #tpu.memory_space<vmem>>
      tpu.enqueue_dma source(%dma_start3A_2717 : memref<32x1xf32, #tpu.memory_space<vmem>>) target(%dma_start3A_2714 : memref<32x1xf32, #tpu.memory_space<hbm>>) target_semaphore(%run_scoped3A : memref<!tpu.dma_semaphore, #tpu.memory_space<semaphore_mem>>)
      %dma_wait3A_2718 = arith.constant 352 : i32
      %dma_wait3A_2719 = arith.constant 0 : i32
      %dma_wait3A_2720 = tpu.memref_slice %arg24[%dma_wait3A_2718, %dma_wait3A_2719] : memref<512x1xf32, #tpu.memory_space<vmem>> -> memref<32x1xf32, #tpu.memory_space<vmem>>
      %dma_wait3A_2721 = arith.constant 0 : i32
      %dma_wait3A_2722 = tpu.memref_slice %arg12[%mul3A_1515, %dma_wait3A_2721] : memref<131072x1xf32, #tpu.memory_space<hbm>> -> memref<32x1xf32, #tpu.memory_space<hbm>>
      %dma_wait3A_2723 = arith.constant 0 : i32
      %dma_wait3A_2724 = tpu.memref_slice %arg12[%mul3A_1515, %dma_wait3A_2723] : memref<131072x1xf32, #tpu.memory_space<hbm>> -> memref<32x1xf32, #tpu.memory_space<hbm>>
      %dma_wait3A_2725 = arith.constant 352 : i32
      %dma_wait3A_2726 = arith.constant 0 : i32
      %dma_wait3A_2727 = tpu.memref_slice %arg24[%dma_wait3A_2725, %dma_wait3A_2726] : memref<512x1xf32, #tpu.memory_space<vmem>> -> memref<32x1xf32, #tpu.memory_space<vmem>>
      tpu.wait_dma2 semaphore(%run_scoped3A : memref<!tpu.dma_semaphore, #tpu.memory_space<semaphore_mem>>) src(%dma_wait3A_2727 : memref<32x1xf32, #tpu.memory_space<vmem>>) dst(%dma_wait3A_2724 : memref<32x1xf32, #tpu.memory_space<hbm>>)
      tpu.yield
    }) : () -> ()
    %add3A_1516 = arith.constant 0 : i32
    %add3A_1517 = arith.addi %mul3A_4, %add3A_1516 : i32
    %jit3A_1518 = arith.constant 32 : i32
    %div3A_1519 = arith.divsi %add3A_1517, %jit3A_1518 : i32
    %sign3A_1520 = arith.constant 0 : i32
    %sign3A_1521 = arith.cmpi sgt, %add3A_1517, %sign3A_1520 : i32
    %sign3A_1522 = arith.extui %sign3A_1521 : i1 to i32
    %sign3A_1523 = arith.constant 0 : i32
    %sign3A_1524 = arith.cmpi slt, %add3A_1517, %sign3A_1523 : i32
    %sign3A_1525 = arith.extui %sign3A_1524 : i1 to i32
    %sign3A_1526 = arith.subi %sign3A_1522, %sign3A_1525 : i32
    %sign3A_1527 = arith.constant 0 : i32
    %sign3A_1528 = arith.cmpi sgt, %jit3A_1518, %sign3A_1527 : i32
    %sign3A_1529 = arith.extui %sign3A_1528 : i1 to i32
    %sign3A_1530 = arith.constant 0 : i32
    %sign3A_1531 = arith.cmpi slt, %jit3A_1518, %sign3A_1530 : i32
    %sign3A_1532 = arith.extui %sign3A_1531 : i1 to i32
    %sign3A_1533 = arith.subi %sign3A_1529, %sign3A_1532 : i32
    %ne3A_1534 = arith.cmpi ne, %sign3A_1526, %sign3A_1533 : i32
    %rem3A_1535 = arith.remsi %add3A_1517, %jit3A_1518 : i32
    %ne3A_1536 = arith.constant 0 : i32
    %ne3A_1537 = arith.cmpi ne, %rem3A_1535, %ne3A_1536 : i32
    %and3A_1538 = arith.andi %ne3A_1534, %ne3A_1537 : i1
    %sub3A_1539 = arith.constant 1 : i32
    %sub3A_1540 = arith.subi %div3A_1519, %sub3A_1539 : i32
    %select_n3A_1541 = arith.select %and3A_1538, %sub3A_1540, %div3A_1519 : i32
    %add3A_1542 = arith.constant 12 : i32
    %add3A_1543 = arith.addi %select_n3A_1541, %add3A_1542 : i32
    %add3A_1544 = arith.addi %shift_right_logical3A_580, %add3A_1543 : i32
    %and3A_1545 = arith.constant 4095 : i32
    %and3A_1546 = arith.andi %add3A_1544, %and3A_1545 : i32
    %mul3A_1547 = arith.constant 32 : i32
    %mul3A_1548 = arith.muli %and3A_1546, %mul3A_1547 : i32
    "tpu.region"() ({
      %run_scoped3A = tpu.sem_alloc : memref<!tpu.dma_semaphore, #tpu.memory_space<semaphore_mem>>
      %dma_start3A_2708 = arith.constant 384 : i32
      %dma_start3A_2709 = arith.constant 0 : i32
      %dma_start3A_2710 = tpu.memref_slice %arg24[%dma_start3A_2708, %dma_start3A_2709] : memref<512x1xf32, #tpu.memory_space<vmem>> -> memref<32x1xf32, #tpu.memory_space<vmem>>
      %dma_start3A_2711 = arith.constant 0 : i32
      %dma_start3A_2712 = tpu.memref_slice %arg12[%mul3A_1548, %dma_start3A_2711] : memref<131072x1xf32, #tpu.memory_space<hbm>> -> memref<32x1xf32, #tpu.memory_space<hbm>>
      %dma_start3A_2713 = arith.constant 0 : i32
      %dma_start3A_2714 = tpu.memref_slice %arg12[%mul3A_1548, %dma_start3A_2713] : memref<131072x1xf32, #tpu.memory_space<hbm>> -> memref<32x1xf32, #tpu.memory_space<hbm>>
      %dma_start3A_2715 = arith.constant 384 : i32
      %dma_start3A_2716 = arith.constant 0 : i32
      %dma_start3A_2717 = tpu.memref_slice %arg24[%dma_start3A_2715, %dma_start3A_2716] : memref<512x1xf32, #tpu.memory_space<vmem>> -> memref<32x1xf32, #tpu.memory_space<vmem>>
      tpu.enqueue_dma source(%dma_start3A_2717 : memref<32x1xf32, #tpu.memory_space<vmem>>) target(%dma_start3A_2714 : memref<32x1xf32, #tpu.memory_space<hbm>>) target_semaphore(%run_scoped3A : memref<!tpu.dma_semaphore, #tpu.memory_space<semaphore_mem>>)
      %dma_wait3A_2718 = arith.constant 384 : i32
      %dma_wait3A_2719 = arith.constant 0 : i32
      %dma_wait3A_2720 = tpu.memref_slice %arg24[%dma_wait3A_2718, %dma_wait3A_2719] : memref<512x1xf32, #tpu.memory_space<vmem>> -> memref<32x1xf32, #tpu.memory_space<vmem>>
      %dma_wait3A_2721 = arith.constant 0 : i32
      %dma_wait3A_2722 = tpu.memref_slice %arg12[%mul3A_1548, %dma_wait3A_2721] : memref<131072x1xf32, #tpu.memory_space<hbm>> -> memref<32x1xf32, #tpu.memory_space<hbm>>
      %dma_wait3A_2723 = arith.constant 0 : i32
      %dma_wait3A_2724 = tpu.memref_slice %arg12[%mul3A_1548, %dma_wait3A_2723] : memref<131072x1xf32, #tpu.memory_space<hbm>> -> memref<32x1xf32, #tpu.memory_space<hbm>>
      %dma_wait3A_2725 = arith.constant 384 : i32
      %dma_wait3A_2726 = arith.constant 0 : i32
      %dma_wait3A_2727 = tpu.memref_slice %arg24[%dma_wait3A_2725, %dma_wait3A_2726] : memref<512x1xf32, #tpu.memory_space<vmem>> -> memref<32x1xf32, #tpu.memory_space<vmem>>
      tpu.wait_dma2 semaphore(%run_scoped3A : memref<!tpu.dma_semaphore, #tpu.memory_space<semaphore_mem>>) src(%dma_wait3A_2727 : memref<32x1xf32, #tpu.memory_space<vmem>>) dst(%dma_wait3A_2724 : memref<32x1xf32, #tpu.memory_space<hbm>>)
      tpu.yield
    }) : () -> ()
    %add3A_1549 = arith.constant 0 : i32
    %add3A_1550 = arith.addi %mul3A_4, %add3A_1549 : i32
    %jit3A_1551 = arith.constant 32 : i32
    %div3A_1552 = arith.divsi %add3A_1550, %jit3A_1551 : i32
    %sign3A_1553 = arith.constant 0 : i32
    %sign3A_1554 = arith.cmpi sgt, %add3A_1550, %sign3A_1553 : i32
    %sign3A_1555 = arith.extui %sign3A_1554 : i1 to i32
    %sign3A_1556 = arith.constant 0 : i32
    %sign3A_1557 = arith.cmpi slt, %add3A_1550, %sign3A_1556 : i32
    %sign3A_1558 = arith.extui %sign3A_1557 : i1 to i32
    %sign3A_1559 = arith.subi %sign3A_1555, %sign3A_1558 : i32
    %sign3A_1560 = arith.constant 0 : i32
    %sign3A_1561 = arith.cmpi sgt, %jit3A_1551, %sign3A_1560 : i32
    %sign3A_1562 = arith.extui %sign3A_1561 : i1 to i32
    %sign3A_1563 = arith.constant 0 : i32
    %sign3A_1564 = arith.cmpi slt, %jit3A_1551, %sign3A_1563 : i32
    %sign3A_1565 = arith.extui %sign3A_1564 : i1 to i32
    %sign3A_1566 = arith.subi %sign3A_1562, %sign3A_1565 : i32
    %ne3A_1567 = arith.cmpi ne, %sign3A_1559, %sign3A_1566 : i32
    %rem3A_1568 = arith.remsi %add3A_1550, %jit3A_1551 : i32
    %ne3A_1569 = arith.constant 0 : i32
    %ne3A_1570 = arith.cmpi ne, %rem3A_1568, %ne3A_1569 : i32
    %and3A_1571 = arith.andi %ne3A_1567, %ne3A_1570 : i1
    %sub3A_1572 = arith.constant 1 : i32
    %sub3A_1573 = arith.subi %div3A_1552, %sub3A_1572 : i32
    %select_n3A_1574 = arith.select %and3A_1571, %sub3A_1573, %div3A_1552 : i32
    %add3A_1575 = arith.constant 13 : i32
    %add3A_1576 = arith.addi %select_n3A_1574, %add3A_1575 : i32
    %add3A_1577 = arith.addi %shift_right_logical3A_580, %add3A_1576 : i32
    %and3A_1578 = arith.constant 4095 : i32
    %and3A_1579 = arith.andi %add3A_1577, %and3A_1578 : i32
    %mul3A_1580 = arith.constant 32 : i32
    %mul3A_1581 = arith.muli %and3A_1579, %mul3A_1580 : i32
    "tpu.region"() ({
      %run_scoped3A = tpu.sem_alloc : memref<!tpu.dma_semaphore, #tpu.memory_space<semaphore_mem>>
      %dma_start3A_2708 = arith.constant 416 : i32
      %dma_start3A_2709 = arith.constant 0 : i32
      %dma_start3A_2710 = tpu.memref_slice %arg24[%dma_start3A_2708, %dma_start3A_2709] : memref<512x1xf32, #tpu.memory_space<vmem>> -> memref<32x1xf32, #tpu.memory_space<vmem>>
      %dma_start3A_2711 = arith.constant 0 : i32
      %dma_start3A_2712 = tpu.memref_slice %arg12[%mul3A_1581, %dma_start3A_2711] : memref<131072x1xf32, #tpu.memory_space<hbm>> -> memref<32x1xf32, #tpu.memory_space<hbm>>
      %dma_start3A_2713 = arith.constant 0 : i32
      %dma_start3A_2714 = tpu.memref_slice %arg12[%mul3A_1581, %dma_start3A_2713] : memref<131072x1xf32, #tpu.memory_space<hbm>> -> memref<32x1xf32, #tpu.memory_space<hbm>>
      %dma_start3A_2715 = arith.constant 416 : i32
      %dma_start3A_2716 = arith.constant 0 : i32
      %dma_start3A_2717 = tpu.memref_slice %arg24[%dma_start3A_2715, %dma_start3A_2716] : memref<512x1xf32, #tpu.memory_space<vmem>> -> memref<32x1xf32, #tpu.memory_space<vmem>>
      tpu.enqueue_dma source(%dma_start3A_2717 : memref<32x1xf32, #tpu.memory_space<vmem>>) target(%dma_start3A_2714 : memref<32x1xf32, #tpu.memory_space<hbm>>) target_semaphore(%run_scoped3A : memref<!tpu.dma_semaphore, #tpu.memory_space<semaphore_mem>>)
      %dma_wait3A_2718 = arith.constant 416 : i32
      %dma_wait3A_2719 = arith.constant 0 : i32
      %dma_wait3A_2720 = tpu.memref_slice %arg24[%dma_wait3A_2718, %dma_wait3A_2719] : memref<512x1xf32, #tpu.memory_space<vmem>> -> memref<32x1xf32, #tpu.memory_space<vmem>>
      %dma_wait3A_2721 = arith.constant 0 : i32
      %dma_wait3A_2722 = tpu.memref_slice %arg12[%mul3A_1581, %dma_wait3A_2721] : memref<131072x1xf32, #tpu.memory_space<hbm>> -> memref<32x1xf32, #tpu.memory_space<hbm>>
      %dma_wait3A_2723 = arith.constant 0 : i32
      %dma_wait3A_2724 = tpu.memref_slice %arg12[%mul3A_1581, %dma_wait3A_2723] : memref<131072x1xf32, #tpu.memory_space<hbm>> -> memref<32x1xf32, #tpu.memory_space<hbm>>
      %dma_wait3A_2725 = arith.constant 416 : i32
      %dma_wait3A_2726 = arith.constant 0 : i32
      %dma_wait3A_2727 = tpu.memref_slice %arg24[%dma_wait3A_2725, %dma_wait3A_2726] : memref<512x1xf32, #tpu.memory_space<vmem>> -> memref<32x1xf32, #tpu.memory_space<vmem>>
      tpu.wait_dma2 semaphore(%run_scoped3A : memref<!tpu.dma_semaphore, #tpu.memory_space<semaphore_mem>>) src(%dma_wait3A_2727 : memref<32x1xf32, #tpu.memory_space<vmem>>) dst(%dma_wait3A_2724 : memref<32x1xf32, #tpu.memory_space<hbm>>)
      tpu.yield
    }) : () -> ()
    %add3A_1582 = arith.constant 0 : i32
    %add3A_1583 = arith.addi %mul3A_4, %add3A_1582 : i32
    %jit3A_1584 = arith.constant 32 : i32
    %div3A_1585 = arith.divsi %add3A_1583, %jit3A_1584 : i32
    %sign3A_1586 = arith.constant 0 : i32
    %sign3A_1587 = arith.cmpi sgt, %add3A_1583, %sign3A_1586 : i32
    %sign3A_1588 = arith.extui %sign3A_1587 : i1 to i32
    %sign3A_1589 = arith.constant 0 : i32
    %sign3A_1590 = arith.cmpi slt, %add3A_1583, %sign3A_1589 : i32
    %sign3A_1591 = arith.extui %sign3A_1590 : i1 to i32
    %sign3A_1592 = arith.subi %sign3A_1588, %sign3A_1591 : i32
    %sign3A_1593 = arith.constant 0 : i32
    %sign3A_1594 = arith.cmpi sgt, %jit3A_1584, %sign3A_1593 : i32
    %sign3A_1595 = arith.extui %sign3A_1594 : i1 to i32
    %sign3A_1596 = arith.constant 0 : i32
    %sign3A_1597 = arith.cmpi slt, %jit3A_1584, %sign3A_1596 : i32
    %sign3A_1598 = arith.extui %sign3A_1597 : i1 to i32
    %sign3A_1599 = arith.subi %sign3A_1595, %sign3A_1598 : i32
    %ne3A_1600 = arith.cmpi ne, %sign3A_1592, %sign3A_1599 : i32
    %rem3A_1601 = arith.remsi %add3A_1583, %jit3A_1584 : i32
    %ne3A_1602 = arith.constant 0 : i32
    %ne3A_1603 = arith.cmpi ne, %rem3A_1601, %ne3A_1602 : i32
    %and3A_1604 = arith.andi %ne3A_1600, %ne3A_1603 : i1
    %sub3A_1605 = arith.constant 1 : i32
    %sub3A_1606 = arith.subi %div3A_1585, %sub3A_1605 : i32
    %select_n3A_1607 = arith.select %and3A_1604, %sub3A_1606, %div3A_1585 : i32
    %add3A_1608 = arith.constant 14 : i32
    %add3A_1609 = arith.addi %select_n3A_1607, %add3A_1608 : i32
    %add3A_1610 = arith.addi %shift_right_logical3A_580, %add3A_1609 : i32
    %and3A_1611 = arith.constant 4095 : i32
    %and3A_1612 = arith.andi %add3A_1610, %and3A_1611 : i32
    %mul3A_1613 = arith.constant 32 : i32
    %mul3A_1614 = arith.muli %and3A_1612, %mul3A_1613 : i32
    "tpu.region"() ({
      %run_scoped3A = tpu.sem_alloc : memref<!tpu.dma_semaphore, #tpu.memory_space<semaphore_mem>>
      %dma_start3A_2708 = arith.constant 448 : i32
      %dma_start3A_2709 = arith.constant 0 : i32
      %dma_start3A_2710 = tpu.memref_slice %arg24[%dma_start3A_2708, %dma_start3A_2709] : memref<512x1xf32, #tpu.memory_space<vmem>> -> memref<32x1xf32, #tpu.memory_space<vmem>>
      %dma_start3A_2711 = arith.constant 0 : i32
      %dma_start3A_2712 = tpu.memref_slice %arg12[%mul3A_1614, %dma_start3A_2711] : memref<131072x1xf32, #tpu.memory_space<hbm>> -> memref<32x1xf32, #tpu.memory_space<hbm>>
      %dma_start3A_2713 = arith.constant 0 : i32
      %dma_start3A_2714 = tpu.memref_slice %arg12[%mul3A_1614, %dma_start3A_2713] : memref<131072x1xf32, #tpu.memory_space<hbm>> -> memref<32x1xf32, #tpu.memory_space<hbm>>
      %dma_start3A_2715 = arith.constant 448 : i32
      %dma_start3A_2716 = arith.constant 0 : i32
      %dma_start3A_2717 = tpu.memref_slice %arg24[%dma_start3A_2715, %dma_start3A_2716] : memref<512x1xf32, #tpu.memory_space<vmem>> -> memref<32x1xf32, #tpu.memory_space<vmem>>
      tpu.enqueue_dma source(%dma_start3A_2717 : memref<32x1xf32, #tpu.memory_space<vmem>>) target(%dma_start3A_2714 : memref<32x1xf32, #tpu.memory_space<hbm>>) target_semaphore(%run_scoped3A : memref<!tpu.dma_semaphore, #tpu.memory_space<semaphore_mem>>)
      %dma_wait3A_2718 = arith.constant 448 : i32
      %dma_wait3A_2719 = arith.constant 0 : i32
      %dma_wait3A_2720 = tpu.memref_slice %arg24[%dma_wait3A_2718, %dma_wait3A_2719] : memref<512x1xf32, #tpu.memory_space<vmem>> -> memref<32x1xf32, #tpu.memory_space<vmem>>
      %dma_wait3A_2721 = arith.constant 0 : i32
      %dma_wait3A_2722 = tpu.memref_slice %arg12[%mul3A_1614, %dma_wait3A_2721] : memref<131072x1xf32, #tpu.memory_space<hbm>> -> memref<32x1xf32, #tpu.memory_space<hbm>>
      %dma_wait3A_2723 = arith.constant 0 : i32
      %dma_wait3A_2724 = tpu.memref_slice %arg12[%mul3A_1614, %dma_wait3A_2723] : memref<131072x1xf32, #tpu.memory_space<hbm>> -> memref<32x1xf32, #tpu.memory_space<hbm>>
      %dma_wait3A_2725 = arith.constant 448 : i32
      %dma_wait3A_2726 = arith.constant 0 : i32
      %dma_wait3A_2727 = tpu.memref_slice %arg24[%dma_wait3A_2725, %dma_wait3A_2726] : memref<512x1xf32, #tpu.memory_space<vmem>> -> memref<32x1xf32, #tpu.memory_space<vmem>>
      tpu.wait_dma2 semaphore(%run_scoped3A : memref<!tpu.dma_semaphore, #tpu.memory_space<semaphore_mem>>) src(%dma_wait3A_2727 : memref<32x1xf32, #tpu.memory_space<vmem>>) dst(%dma_wait3A_2724 : memref<32x1xf32, #tpu.memory_space<hbm>>)
      tpu.yield
    }) : () -> ()
    %add3A_1615 = arith.constant 0 : i32
    %add3A_1616 = arith.addi %mul3A_4, %add3A_1615 : i32
    %jit3A_1617 = arith.constant 32 : i32
    %div3A_1618 = arith.divsi %add3A_1616, %jit3A_1617 : i32
    %sign3A_1619 = arith.constant 0 : i32
    %sign3A_1620 = arith.cmpi sgt, %add3A_1616, %sign3A_1619 : i32
    %sign3A_1621 = arith.extui %sign3A_1620 : i1 to i32
    %sign3A_1622 = arith.constant 0 : i32
    %sign3A_1623 = arith.cmpi slt, %add3A_1616, %sign3A_1622 : i32
    %sign3A_1624 = arith.extui %sign3A_1623 : i1 to i32
    %sign3A_1625 = arith.subi %sign3A_1621, %sign3A_1624 : i32
    %sign3A_1626 = arith.constant 0 : i32
    %sign3A_1627 = arith.cmpi sgt, %jit3A_1617, %sign3A_1626 : i32
    %sign3A_1628 = arith.extui %sign3A_1627 : i1 to i32
    %sign3A_1629 = arith.constant 0 : i32
    %sign3A_1630 = arith.cmpi slt, %jit3A_1617, %sign3A_1629 : i32
    %sign3A_1631 = arith.extui %sign3A_1630 : i1 to i32
    %sign3A_1632 = arith.subi %sign3A_1628, %sign3A_1631 : i32
    %ne3A_1633 = arith.cmpi ne, %sign3A_1625, %sign3A_1632 : i32
    %rem3A_1634 = arith.remsi %add3A_1616, %jit3A_1617 : i32
    %ne3A_1635 = arith.constant 0 : i32
    %ne3A_1636 = arith.cmpi ne, %rem3A_1634, %ne3A_1635 : i32
    %and3A_1637 = arith.andi %ne3A_1633, %ne3A_1636 : i1
    %sub3A_1638 = arith.constant 1 : i32
    %sub3A_1639 = arith.subi %div3A_1618, %sub3A_1638 : i32
    %select_n3A_1640 = arith.select %and3A_1637, %sub3A_1639, %div3A_1618 : i32
    %add3A_1641 = arith.constant 15 : i32
    %add3A_1642 = arith.addi %select_n3A_1640, %add3A_1641 : i32
    %add3A_1643 = arith.addi %shift_right_logical3A_580, %add3A_1642 : i32
    %and3A_1644 = arith.constant 4095 : i32
    %and3A_1645 = arith.andi %add3A_1643, %and3A_1644 : i32
    %mul3A_1646 = arith.constant 32 : i32
    %mul3A_1647 = arith.muli %and3A_1645, %mul3A_1646 : i32
    "tpu.region"() ({
      %run_scoped3A = tpu.sem_alloc : memref<!tpu.dma_semaphore, #tpu.memory_space<semaphore_mem>>
      %dma_start3A_2708 = arith.constant 480 : i32
      %dma_start3A_2709 = arith.constant 0 : i32
      %dma_start3A_2710 = tpu.memref_slice %arg24[%dma_start3A_2708, %dma_start3A_2709] : memref<512x1xf32, #tpu.memory_space<vmem>> -> memref<32x1xf32, #tpu.memory_space<vmem>>
      %dma_start3A_2711 = arith.constant 0 : i32
      %dma_start3A_2712 = tpu.memref_slice %arg12[%mul3A_1647, %dma_start3A_2711] : memref<131072x1xf32, #tpu.memory_space<hbm>> -> memref<32x1xf32, #tpu.memory_space<hbm>>
      %dma_start3A_2713 = arith.constant 0 : i32
      %dma_start3A_2714 = tpu.memref_slice %arg12[%mul3A_1647, %dma_start3A_2713] : memref<131072x1xf32, #tpu.memory_space<hbm>> -> memref<32x1xf32, #tpu.memory_space<hbm>>
      %dma_start3A_2715 = arith.constant 480 : i32
      %dma_start3A_2716 = arith.constant 0 : i32
      %dma_start3A_2717 = tpu.memref_slice %arg24[%dma_start3A_2715, %dma_start3A_2716] : memref<512x1xf32, #tpu.memory_space<vmem>> -> memref<32x1xf32, #tpu.memory_space<vmem>>
      tpu.enqueue_dma source(%dma_start3A_2717 : memref<32x1xf32, #tpu.memory_space<vmem>>) target(%dma_start3A_2714 : memref<32x1xf32, #tpu.memory_space<hbm>>) target_semaphore(%run_scoped3A : memref<!tpu.dma_semaphore, #tpu.memory_space<semaphore_mem>>)
      %dma_wait3A_2718 = arith.constant 480 : i32
      %dma_wait3A_2719 = arith.constant 0 : i32
      %dma_wait3A_2720 = tpu.memref_slice %arg24[%dma_wait3A_2718, %dma_wait3A_2719] : memref<512x1xf32, #tpu.memory_space<vmem>> -> memref<32x1xf32, #tpu.memory_space<vmem>>
      %dma_wait3A_2721 = arith.constant 0 : i32
      %dma_wait3A_2722 = tpu.memref_slice %arg12[%mul3A_1647, %dma_wait3A_2721] : memref<131072x1xf32, #tpu.memory_space<hbm>> -> memref<32x1xf32, #tpu.memory_space<hbm>>
      %dma_wait3A_2723 = arith.constant 0 : i32
      %dma_wait3A_2724 = tpu.memref_slice %arg12[%mul3A_1647, %dma_wait3A_2723] : memref<131072x1xf32, #tpu.memory_space<hbm>> -> memref<32x1xf32, #tpu.memory_space<hbm>>
      %dma_wait3A_2725 = arith.constant 480 : i32
      %dma_wait3A_2726 = arith.constant 0 : i32
      %dma_wait3A_2727 = tpu.memref_slice %arg24[%dma_wait3A_2725, %dma_wait3A_2726] : memref<512x1xf32, #tpu.memory_space<vmem>> -> memref<32x1xf32, #tpu.memory_space<vmem>>
      tpu.wait_dma2 semaphore(%run_scoped3A : memref<!tpu.dma_semaphore, #tpu.memory_space<semaphore_mem>>) src(%dma_wait3A_2727 : memref<32x1xf32, #tpu.memory_space<vmem>>) dst(%dma_wait3A_2724 : memref<32x1xf32, #tpu.memory_space<hbm>>)
      tpu.yield
    }) : () -> ()
    %add3A_1648 = arith.constant 0 : i32
    %add3A_1649 = arith.addi %mul3A_4, %add3A_1648 : i32
    "tpu.region"() ({
      %run_scoped3A = tpu.sem_alloc : memref<!tpu.dma_semaphore, #tpu.memory_space<semaphore_mem>>
      %dma_start3A_2708 = arith.constant 0 : i32
      %dma_start3A_2709 = tpu.memref_slice %arg6[%add3A_1649, %dma_start3A_2708] : memref<16384x10xi8, #tpu.memory_space<hbm>> -> memref<512x10xi8, #tpu.memory_space<hbm>>
      %dma_start3A_2710 = arith.constant 0 : i32
      %dma_start3A_2711 = tpu.memref_slice %arg6[%add3A_1649, %dma_start3A_2710] : memref<16384x10xi8, #tpu.memory_space<hbm>> -> memref<512x10xi8, #tpu.memory_space<hbm>>
      tpu.enqueue_dma source(%dma_start3A_2711 : memref<512x10xi8, #tpu.memory_space<hbm>>) target(%arg25 : memref<512x10xi8, #tpu.memory_space<vmem>>) target_semaphore(%run_scoped3A : memref<!tpu.dma_semaphore, #tpu.memory_space<semaphore_mem>>)
      %dma_wait3A_2712 = arith.constant 0 : i32
      %dma_wait3A_2713 = tpu.memref_slice %arg6[%add3A_1649, %dma_wait3A_2712] : memref<16384x10xi8, #tpu.memory_space<hbm>> -> memref<512x10xi8, #tpu.memory_space<hbm>>
      %dma_wait3A_2714 = arith.constant 0 : i32
      %dma_wait3A_2715 = tpu.memref_slice %arg6[%add3A_1649, %dma_wait3A_2714] : memref<16384x10xi8, #tpu.memory_space<hbm>> -> memref<512x10xi8, #tpu.memory_space<hbm>>
      tpu.wait_dma2 semaphore(%run_scoped3A : memref<!tpu.dma_semaphore, #tpu.memory_space<semaphore_mem>>) src(%dma_wait3A_2715 : memref<512x10xi8, #tpu.memory_space<hbm>>) dst(%arg25 : memref<512x10xi8, #tpu.memory_space<vmem>>)
      tpu.yield
    }) : () -> ()
    %add3A_1650 = arith.constant 0 : i32
    %add3A_1651 = arith.addi %mul3A_4, %add3A_1650 : i32
    %jit3A_1652 = arith.constant 32 : i32
    %div3A_1653 = arith.divsi %add3A_1651, %jit3A_1652 : i32
    %sign3A_1654 = arith.constant 0 : i32
    %sign3A_1655 = arith.cmpi sgt, %add3A_1651, %sign3A_1654 : i32
    %sign3A_1656 = arith.extui %sign3A_1655 : i1 to i32
    %sign3A_1657 = arith.constant 0 : i32
    %sign3A_1658 = arith.cmpi slt, %add3A_1651, %sign3A_1657 : i32
    %sign3A_1659 = arith.extui %sign3A_1658 : i1 to i32
    %sign3A_1660 = arith.subi %sign3A_1656, %sign3A_1659 : i32
    %sign3A_1661 = arith.constant 0 : i32
    %sign3A_1662 = arith.cmpi sgt, %jit3A_1652, %sign3A_1661 : i32
    %sign3A_1663 = arith.extui %sign3A_1662 : i1 to i32
    %sign3A_1664 = arith.constant 0 : i32
    %sign3A_1665 = arith.cmpi slt, %jit3A_1652, %sign3A_1664 : i32
    %sign3A_1666 = arith.extui %sign3A_1665 : i1 to i32
    %sign3A_1667 = arith.subi %sign3A_1663, %sign3A_1666 : i32
    %ne3A_1668 = arith.cmpi ne, %sign3A_1660, %sign3A_1667 : i32
    %rem3A_1669 = arith.remsi %add3A_1651, %jit3A_1652 : i32
    %ne3A_1670 = arith.constant 0 : i32
    %ne3A_1671 = arith.cmpi ne, %rem3A_1669, %ne3A_1670 : i32
    %and3A_1672 = arith.andi %ne3A_1668, %ne3A_1671 : i1
    %sub3A_1673 = arith.constant 1 : i32
    %sub3A_1674 = arith.subi %div3A_1653, %sub3A_1673 : i32
    %select_n3A_1675 = arith.select %and3A_1672, %sub3A_1674, %div3A_1653 : i32
    %add3A_1676 = arith.constant 0 : i32
    %add3A_1677 = arith.addi %select_n3A_1675, %add3A_1676 : i32
    %add3A_1678 = arith.addi %shift_right_logical3A_580, %add3A_1677 : i32
    %and3A_1679 = arith.constant 4095 : i32
    %and3A_1680 = arith.andi %add3A_1678, %and3A_1679 : i32
    %mul3A_1681 = arith.constant 32 : i32
    %mul3A_1682 = arith.muli %and3A_1680, %mul3A_1681 : i32
    "tpu.region"() ({
      %run_scoped3A = tpu.sem_alloc : memref<!tpu.dma_semaphore, #tpu.memory_space<semaphore_mem>>
      %dma_start3A_2708 = arith.constant 0 : i32
      %dma_start3A_2709 = arith.constant 0 : i32
      %dma_start3A_2710 = tpu.memref_slice %arg25[%dma_start3A_2708, %dma_start3A_2709] : memref<512x10xi8, #tpu.memory_space<vmem>> -> memref<32x10xi8, #tpu.memory_space<vmem>>
      %dma_start3A_2711 = arith.constant 0 : i32
      %dma_start3A_2712 = tpu.memref_slice %arg13[%mul3A_1682, %dma_start3A_2711] : memref<131072x10xi8, #tpu.memory_space<hbm>> -> memref<32x10xi8, #tpu.memory_space<hbm>>
      %dma_start3A_2713 = arith.constant 0 : i32
      %dma_start3A_2714 = tpu.memref_slice %arg13[%mul3A_1682, %dma_start3A_2713] : memref<131072x10xi8, #tpu.memory_space<hbm>> -> memref<32x10xi8, #tpu.memory_space<hbm>>
      %dma_start3A_2715 = arith.constant 0 : i32
      %dma_start3A_2716 = arith.constant 0 : i32
      %dma_start3A_2717 = tpu.memref_slice %arg25[%dma_start3A_2715, %dma_start3A_2716] : memref<512x10xi8, #tpu.memory_space<vmem>> -> memref<32x10xi8, #tpu.memory_space<vmem>>
      tpu.enqueue_dma source(%dma_start3A_2717 : memref<32x10xi8, #tpu.memory_space<vmem>>) target(%dma_start3A_2714 : memref<32x10xi8, #tpu.memory_space<hbm>>) target_semaphore(%run_scoped3A : memref<!tpu.dma_semaphore, #tpu.memory_space<semaphore_mem>>)
      %dma_wait3A_2718 = arith.constant 0 : i32
      %dma_wait3A_2719 = arith.constant 0 : i32
      %dma_wait3A_2720 = tpu.memref_slice %arg25[%dma_wait3A_2718, %dma_wait3A_2719] : memref<512x10xi8, #tpu.memory_space<vmem>> -> memref<32x10xi8, #tpu.memory_space<vmem>>
      %dma_wait3A_2721 = arith.constant 0 : i32
      %dma_wait3A_2722 = tpu.memref_slice %arg13[%mul3A_1682, %dma_wait3A_2721] : memref<131072x10xi8, #tpu.memory_space<hbm>> -> memref<32x10xi8, #tpu.memory_space<hbm>>
      %dma_wait3A_2723 = arith.constant 0 : i32
      %dma_wait3A_2724 = tpu.memref_slice %arg13[%mul3A_1682, %dma_wait3A_2723] : memref<131072x10xi8, #tpu.memory_space<hbm>> -> memref<32x10xi8, #tpu.memory_space<hbm>>
      %dma_wait3A_2725 = arith.constant 0 : i32
      %dma_wait3A_2726 = arith.constant 0 : i32
      %dma_wait3A_2727 = tpu.memref_slice %arg25[%dma_wait3A_2725, %dma_wait3A_2726] : memref<512x10xi8, #tpu.memory_space<vmem>> -> memref<32x10xi8, #tpu.memory_space<vmem>>
      tpu.wait_dma2 semaphore(%run_scoped3A : memref<!tpu.dma_semaphore, #tpu.memory_space<semaphore_mem>>) src(%dma_wait3A_2727 : memref<32x10xi8, #tpu.memory_space<vmem>>) dst(%dma_wait3A_2724 : memref<32x10xi8, #tpu.memory_space<hbm>>)
      tpu.yield
    }) : () -> ()
    %add3A_1683 = arith.constant 0 : i32
    %add3A_1684 = arith.addi %mul3A_4, %add3A_1683 : i32
    %jit3A_1685 = arith.constant 32 : i32
    %div3A_1686 = arith.divsi %add3A_1684, %jit3A_1685 : i32
    %sign3A_1687 = arith.constant 0 : i32
    %sign3A_1688 = arith.cmpi sgt, %add3A_1684, %sign3A_1687 : i32
    %sign3A_1689 = arith.extui %sign3A_1688 : i1 to i32
    %sign3A_1690 = arith.constant 0 : i32
    %sign3A_1691 = arith.cmpi slt, %add3A_1684, %sign3A_1690 : i32
    %sign3A_1692 = arith.extui %sign3A_1691 : i1 to i32
    %sign3A_1693 = arith.subi %sign3A_1689, %sign3A_1692 : i32
    %sign3A_1694 = arith.constant 0 : i32
    %sign3A_1695 = arith.cmpi sgt, %jit3A_1685, %sign3A_1694 : i32
    %sign3A_1696 = arith.extui %sign3A_1695 : i1 to i32
    %sign3A_1697 = arith.constant 0 : i32
    %sign3A_1698 = arith.cmpi slt, %jit3A_1685, %sign3A_1697 : i32
    %sign3A_1699 = arith.extui %sign3A_1698 : i1 to i32
    %sign3A_1700 = arith.subi %sign3A_1696, %sign3A_1699 : i32
    %ne3A_1701 = arith.cmpi ne, %sign3A_1693, %sign3A_1700 : i32
    %rem3A_1702 = arith.remsi %add3A_1684, %jit3A_1685 : i32
    %ne3A_1703 = arith.constant 0 : i32
    %ne3A_1704 = arith.cmpi ne, %rem3A_1702, %ne3A_1703 : i32
    %and3A_1705 = arith.andi %ne3A_1701, %ne3A_1704 : i1
    %sub3A_1706 = arith.constant 1 : i32
    %sub3A_1707 = arith.subi %div3A_1686, %sub3A_1706 : i32
    %select_n3A_1708 = arith.select %and3A_1705, %sub3A_1707, %div3A_1686 : i32
    %add3A_1709 = arith.constant 1 : i32
    %add3A_1710 = arith.addi %select_n3A_1708, %add3A_1709 : i32
    %add3A_1711 = arith.addi %shift_right_logical3A_580, %add3A_1710 : i32
    %and3A_1712 = arith.constant 4095 : i32
    %and3A_1713 = arith.andi %add3A_1711, %and3A_1712 : i32
    %mul3A_1714 = arith.constant 32 : i32
    %mul3A_1715 = arith.muli %and3A_1713, %mul3A_1714 : i32
    "tpu.region"() ({
      %run_scoped3A = tpu.sem_alloc : memref<!tpu.dma_semaphore, #tpu.memory_space<semaphore_mem>>
      %dma_start3A_2708 = arith.constant 32 : i32
      %dma_start3A_2709 = arith.constant 0 : i32
      %dma_start3A_2710 = tpu.memref_slice %arg25[%dma_start3A_2708, %dma_start3A_2709] : memref<512x10xi8, #tpu.memory_space<vmem>> -> memref<32x10xi8, #tpu.memory_space<vmem>>
      %dma_start3A_2711 = arith.constant 0 : i32
      %dma_start3A_2712 = tpu.memref_slice %arg13[%mul3A_1715, %dma_start3A_2711] : memref<131072x10xi8, #tpu.memory_space<hbm>> -> memref<32x10xi8, #tpu.memory_space<hbm>>
      %dma_start3A_2713 = arith.constant 0 : i32
      %dma_start3A_2714 = tpu.memref_slice %arg13[%mul3A_1715, %dma_start3A_2713] : memref<131072x10xi8, #tpu.memory_space<hbm>> -> memref<32x10xi8, #tpu.memory_space<hbm>>
      %dma_start3A_2715 = arith.constant 32 : i32
      %dma_start3A_2716 = arith.constant 0 : i32
      %dma_start3A_2717 = tpu.memref_slice %arg25[%dma_start3A_2715, %dma_start3A_2716] : memref<512x10xi8, #tpu.memory_space<vmem>> -> memref<32x10xi8, #tpu.memory_space<vmem>>
      tpu.enqueue_dma source(%dma_start3A_2717 : memref<32x10xi8, #tpu.memory_space<vmem>>) target(%dma_start3A_2714 : memref<32x10xi8, #tpu.memory_space<hbm>>) target_semaphore(%run_scoped3A : memref<!tpu.dma_semaphore, #tpu.memory_space<semaphore_mem>>)
      %dma_wait3A_2718 = arith.constant 32 : i32
      %dma_wait3A_2719 = arith.constant 0 : i32
      %dma_wait3A_2720 = tpu.memref_slice %arg25[%dma_wait3A_2718, %dma_wait3A_2719] : memref<512x10xi8, #tpu.memory_space<vmem>> -> memref<32x10xi8, #tpu.memory_space<vmem>>
      %dma_wait3A_2721 = arith.constant 0 : i32
      %dma_wait3A_2722 = tpu.memref_slice %arg13[%mul3A_1715, %dma_wait3A_2721] : memref<131072x10xi8, #tpu.memory_space<hbm>> -> memref<32x10xi8, #tpu.memory_space<hbm>>
      %dma_wait3A_2723 = arith.constant 0 : i32
      %dma_wait3A_2724 = tpu.memref_slice %arg13[%mul3A_1715, %dma_wait3A_2723] : memref<131072x10xi8, #tpu.memory_space<hbm>> -> memref<32x10xi8, #tpu.memory_space<hbm>>
      %dma_wait3A_2725 = arith.constant 32 : i32
      %dma_wait3A_2726 = arith.constant 0 : i32
      %dma_wait3A_2727 = tpu.memref_slice %arg25[%dma_wait3A_2725, %dma_wait3A_2726] : memref<512x10xi8, #tpu.memory_space<vmem>> -> memref<32x10xi8, #tpu.memory_space<vmem>>
      tpu.wait_dma2 semaphore(%run_scoped3A : memref<!tpu.dma_semaphore, #tpu.memory_space<semaphore_mem>>) src(%dma_wait3A_2727 : memref<32x10xi8, #tpu.memory_space<vmem>>) dst(%dma_wait3A_2724 : memref<32x10xi8, #tpu.memory_space<hbm>>)
      tpu.yield
    }) : () -> ()
    %add3A_1716 = arith.constant 0 : i32
    %add3A_1717 = arith.addi %mul3A_4, %add3A_1716 : i32
    %jit3A_1718 = arith.constant 32 : i32
    %div3A_1719 = arith.divsi %add3A_1717, %jit3A_1718 : i32
    %sign3A_1720 = arith.constant 0 : i32
    %sign3A_1721 = arith.cmpi sgt, %add3A_1717, %sign3A_1720 : i32
    %sign3A_1722 = arith.extui %sign3A_1721 : i1 to i32
    %sign3A_1723 = arith.constant 0 : i32
    %sign3A_1724 = arith.cmpi slt, %add3A_1717, %sign3A_1723 : i32
    %sign3A_1725 = arith.extui %sign3A_1724 : i1 to i32
    %sign3A_1726 = arith.subi %sign3A_1722, %sign3A_1725 : i32
    %sign3A_1727 = arith.constant 0 : i32
    %sign3A_1728 = arith.cmpi sgt, %jit3A_1718, %sign3A_1727 : i32
    %sign3A_1729 = arith.extui %sign3A_1728 : i1 to i32
    %sign3A_1730 = arith.constant 0 : i32
    %sign3A_1731 = arith.cmpi slt, %jit3A_1718, %sign3A_1730 : i32
    %sign3A_1732 = arith.extui %sign3A_1731 : i1 to i32
    %sign3A_1733 = arith.subi %sign3A_1729, %sign3A_1732 : i32
    %ne3A_1734 = arith.cmpi ne, %sign3A_1726, %sign3A_1733 : i32
    %rem3A_1735 = arith.remsi %add3A_1717, %jit3A_1718 : i32
    %ne3A_1736 = arith.constant 0 : i32
    %ne3A_1737 = arith.cmpi ne, %rem3A_1735, %ne3A_1736 : i32
    %and3A_1738 = arith.andi %ne3A_1734, %ne3A_1737 : i1
    %sub3A_1739 = arith.constant 1 : i32
    %sub3A_1740 = arith.subi %div3A_1719, %sub3A_1739 : i32
    %select_n3A_1741 = arith.select %and3A_1738, %sub3A_1740, %div3A_1719 : i32
    %add3A_1742 = arith.constant 2 : i32
    %add3A_1743 = arith.addi %select_n3A_1741, %add3A_1742 : i32
    %add3A_1744 = arith.addi %shift_right_logical3A_580, %add3A_1743 : i32
    %and3A_1745 = arith.constant 4095 : i32
    %and3A_1746 = arith.andi %add3A_1744, %and3A_1745 : i32
    %mul3A_1747 = arith.constant 32 : i32
    %mul3A_1748 = arith.muli %and3A_1746, %mul3A_1747 : i32
    "tpu.region"() ({
      %run_scoped3A = tpu.sem_alloc : memref<!tpu.dma_semaphore, #tpu.memory_space<semaphore_mem>>
      %dma_start3A_2708 = arith.constant 64 : i32
      %dma_start3A_2709 = arith.constant 0 : i32
      %dma_start3A_2710 = tpu.memref_slice %arg25[%dma_start3A_2708, %dma_start3A_2709] : memref<512x10xi8, #tpu.memory_space<vmem>> -> memref<32x10xi8, #tpu.memory_space<vmem>>
      %dma_start3A_2711 = arith.constant 0 : i32
      %dma_start3A_2712 = tpu.memref_slice %arg13[%mul3A_1748, %dma_start3A_2711] : memref<131072x10xi8, #tpu.memory_space<hbm>> -> memref<32x10xi8, #tpu.memory_space<hbm>>
      %dma_start3A_2713 = arith.constant 0 : i32
      %dma_start3A_2714 = tpu.memref_slice %arg13[%mul3A_1748, %dma_start3A_2713] : memref<131072x10xi8, #tpu.memory_space<hbm>> -> memref<32x10xi8, #tpu.memory_space<hbm>>
      %dma_start3A_2715 = arith.constant 64 : i32
      %dma_start3A_2716 = arith.constant 0 : i32
      %dma_start3A_2717 = tpu.memref_slice %arg25[%dma_start3A_2715, %dma_start3A_2716] : memref<512x10xi8, #tpu.memory_space<vmem>> -> memref<32x10xi8, #tpu.memory_space<vmem>>
      tpu.enqueue_dma source(%dma_start3A_2717 : memref<32x10xi8, #tpu.memory_space<vmem>>) target(%dma_start3A_2714 : memref<32x10xi8, #tpu.memory_space<hbm>>) target_semaphore(%run_scoped3A : memref<!tpu.dma_semaphore, #tpu.memory_space<semaphore_mem>>)
      %dma_wait3A_2718 = arith.constant 64 : i32
      %dma_wait3A_2719 = arith.constant 0 : i32
      %dma_wait3A_2720 = tpu.memref_slice %arg25[%dma_wait3A_2718, %dma_wait3A_2719] : memref<512x10xi8, #tpu.memory_space<vmem>> -> memref<32x10xi8, #tpu.memory_space<vmem>>
      %dma_wait3A_2721 = arith.constant 0 : i32
      %dma_wait3A_2722 = tpu.memref_slice %arg13[%mul3A_1748, %dma_wait3A_2721] : memref<131072x10xi8, #tpu.memory_space<hbm>> -> memref<32x10xi8, #tpu.memory_space<hbm>>
      %dma_wait3A_2723 = arith.constant 0 : i32
      %dma_wait3A_2724 = tpu.memref_slice %arg13[%mul3A_1748, %dma_wait3A_2723] : memref<131072x10xi8, #tpu.memory_space<hbm>> -> memref<32x10xi8, #tpu.memory_space<hbm>>
      %dma_wait3A_2725 = arith.constant 64 : i32
      %dma_wait3A_2726 = arith.constant 0 : i32
      %dma_wait3A_2727 = tpu.memref_slice %arg25[%dma_wait3A_2725, %dma_wait3A_2726] : memref<512x10xi8, #tpu.memory_space<vmem>> -> memref<32x10xi8, #tpu.memory_space<vmem>>
      tpu.wait_dma2 semaphore(%run_scoped3A : memref<!tpu.dma_semaphore, #tpu.memory_space<semaphore_mem>>) src(%dma_wait3A_2727 : memref<32x10xi8, #tpu.memory_space<vmem>>) dst(%dma_wait3A_2724 : memref<32x10xi8, #tpu.memory_space<hbm>>)
      tpu.yield
    }) : () -> ()
    %add3A_1749 = arith.constant 0 : i32
    %add3A_1750 = arith.addi %mul3A_4, %add3A_1749 : i32
    %jit3A_1751 = arith.constant 32 : i32
    %div3A_1752 = arith.divsi %add3A_1750, %jit3A_1751 : i32
    %sign3A_1753 = arith.constant 0 : i32
    %sign3A_1754 = arith.cmpi sgt, %add3A_1750, %sign3A_1753 : i32
    %sign3A_1755 = arith.extui %sign3A_1754 : i1 to i32
    %sign3A_1756 = arith.constant 0 : i32
    %sign3A_1757 = arith.cmpi slt, %add3A_1750, %sign3A_1756 : i32
    %sign3A_1758 = arith.extui %sign3A_1757 : i1 to i32
    %sign3A_1759 = arith.subi %sign3A_1755, %sign3A_1758 : i32
    %sign3A_1760 = arith.constant 0 : i32
    %sign3A_1761 = arith.cmpi sgt, %jit3A_1751, %sign3A_1760 : i32
    %sign3A_1762 = arith.extui %sign3A_1761 : i1 to i32
    %sign3A_1763 = arith.constant 0 : i32
    %sign3A_1764 = arith.cmpi slt, %jit3A_1751, %sign3A_1763 : i32
    %sign3A_1765 = arith.extui %sign3A_1764 : i1 to i32
    %sign3A_1766 = arith.subi %sign3A_1762, %sign3A_1765 : i32
    %ne3A_1767 = arith.cmpi ne, %sign3A_1759, %sign3A_1766 : i32
    %rem3A_1768 = arith.remsi %add3A_1750, %jit3A_1751 : i32
    %ne3A_1769 = arith.constant 0 : i32
    %ne3A_1770 = arith.cmpi ne, %rem3A_1768, %ne3A_1769 : i32
    %and3A_1771 = arith.andi %ne3A_1767, %ne3A_1770 : i1
    %sub3A_1772 = arith.constant 1 : i32
    %sub3A_1773 = arith.subi %div3A_1752, %sub3A_1772 : i32
    %select_n3A_1774 = arith.select %and3A_1771, %sub3A_1773, %div3A_1752 : i32
    %add3A_1775 = arith.constant 3 : i32
    %add3A_1776 = arith.addi %select_n3A_1774, %add3A_1775 : i32
    %add3A_1777 = arith.addi %shift_right_logical3A_580, %add3A_1776 : i32
    %and3A_1778 = arith.constant 4095 : i32
    %and3A_1779 = arith.andi %add3A_1777, %and3A_1778 : i32
    %mul3A_1780 = arith.constant 32 : i32
    %mul3A_1781 = arith.muli %and3A_1779, %mul3A_1780 : i32
    "tpu.region"() ({
      %run_scoped3A = tpu.sem_alloc : memref<!tpu.dma_semaphore, #tpu.memory_space<semaphore_mem>>
      %dma_start3A_2708 = arith.constant 96 : i32
      %dma_start3A_2709 = arith.constant 0 : i32
      %dma_start3A_2710 = tpu.memref_slice %arg25[%dma_start3A_2708, %dma_start3A_2709] : memref<512x10xi8, #tpu.memory_space<vmem>> -> memref<32x10xi8, #tpu.memory_space<vmem>>
      %dma_start3A_2711 = arith.constant 0 : i32
      %dma_start3A_2712 = tpu.memref_slice %arg13[%mul3A_1781, %dma_start3A_2711] : memref<131072x10xi8, #tpu.memory_space<hbm>> -> memref<32x10xi8, #tpu.memory_space<hbm>>
      %dma_start3A_2713 = arith.constant 0 : i32
      %dma_start3A_2714 = tpu.memref_slice %arg13[%mul3A_1781, %dma_start3A_2713] : memref<131072x10xi8, #tpu.memory_space<hbm>> -> memref<32x10xi8, #tpu.memory_space<hbm>>
      %dma_start3A_2715 = arith.constant 96 : i32
      %dma_start3A_2716 = arith.constant 0 : i32
      %dma_start3A_2717 = tpu.memref_slice %arg25[%dma_start3A_2715, %dma_start3A_2716] : memref<512x10xi8, #tpu.memory_space<vmem>> -> memref<32x10xi8, #tpu.memory_space<vmem>>
      tpu.enqueue_dma source(%dma_start3A_2717 : memref<32x10xi8, #tpu.memory_space<vmem>>) target(%dma_start3A_2714 : memref<32x10xi8, #tpu.memory_space<hbm>>) target_semaphore(%run_scoped3A : memref<!tpu.dma_semaphore, #tpu.memory_space<semaphore_mem>>)
      %dma_wait3A_2718 = arith.constant 96 : i32
      %dma_wait3A_2719 = arith.constant 0 : i32
      %dma_wait3A_2720 = tpu.memref_slice %arg25[%dma_wait3A_2718, %dma_wait3A_2719] : memref<512x10xi8, #tpu.memory_space<vmem>> -> memref<32x10xi8, #tpu.memory_space<vmem>>
      %dma_wait3A_2721 = arith.constant 0 : i32
      %dma_wait3A_2722 = tpu.memref_slice %arg13[%mul3A_1781, %dma_wait3A_2721] : memref<131072x10xi8, #tpu.memory_space<hbm>> -> memref<32x10xi8, #tpu.memory_space<hbm>>
      %dma_wait3A_2723 = arith.constant 0 : i32
      %dma_wait3A_2724 = tpu.memref_slice %arg13[%mul3A_1781, %dma_wait3A_2723] : memref<131072x10xi8, #tpu.memory_space<hbm>> -> memref<32x10xi8, #tpu.memory_space<hbm>>
      %dma_wait3A_2725 = arith.constant 96 : i32
      %dma_wait3A_2726 = arith.constant 0 : i32
      %dma_wait3A_2727 = tpu.memref_slice %arg25[%dma_wait3A_2725, %dma_wait3A_2726] : memref<512x10xi8, #tpu.memory_space<vmem>> -> memref<32x10xi8, #tpu.memory_space<vmem>>
      tpu.wait_dma2 semaphore(%run_scoped3A : memref<!tpu.dma_semaphore, #tpu.memory_space<semaphore_mem>>) src(%dma_wait3A_2727 : memref<32x10xi8, #tpu.memory_space<vmem>>) dst(%dma_wait3A_2724 : memref<32x10xi8, #tpu.memory_space<hbm>>)
      tpu.yield
    }) : () -> ()
    %add3A_1782 = arith.constant 0 : i32
    %add3A_1783 = arith.addi %mul3A_4, %add3A_1782 : i32
    %jit3A_1784 = arith.constant 32 : i32
    %div3A_1785 = arith.divsi %add3A_1783, %jit3A_1784 : i32
    %sign3A_1786 = arith.constant 0 : i32
    %sign3A_1787 = arith.cmpi sgt, %add3A_1783, %sign3A_1786 : i32
    %sign3A_1788 = arith.extui %sign3A_1787 : i1 to i32
    %sign3A_1789 = arith.constant 0 : i32
    %sign3A_1790 = arith.cmpi slt, %add3A_1783, %sign3A_1789 : i32
    %sign3A_1791 = arith.extui %sign3A_1790 : i1 to i32
    %sign3A_1792 = arith.subi %sign3A_1788, %sign3A_1791 : i32
    %sign3A_1793 = arith.constant 0 : i32
    %sign3A_1794 = arith.cmpi sgt, %jit3A_1784, %sign3A_1793 : i32
    %sign3A_1795 = arith.extui %sign3A_1794 : i1 to i32
    %sign3A_1796 = arith.constant 0 : i32
    %sign3A_1797 = arith.cmpi slt, %jit3A_1784, %sign3A_1796 : i32
    %sign3A_1798 = arith.extui %sign3A_1797 : i1 to i32
    %sign3A_1799 = arith.subi %sign3A_1795, %sign3A_1798 : i32
    %ne3A_1800 = arith.cmpi ne, %sign3A_1792, %sign3A_1799 : i32
    %rem3A_1801 = arith.remsi %add3A_1783, %jit3A_1784 : i32
    %ne3A_1802 = arith.constant 0 : i32
    %ne3A_1803 = arith.cmpi ne, %rem3A_1801, %ne3A_1802 : i32
    %and3A_1804 = arith.andi %ne3A_1800, %ne3A_1803 : i1
    %sub3A_1805 = arith.constant 1 : i32
    %sub3A_1806 = arith.subi %div3A_1785, %sub3A_1805 : i32
    %select_n3A_1807 = arith.select %and3A_1804, %sub3A_1806, %div3A_1785 : i32
    %add3A_1808 = arith.constant 4 : i32
    %add3A_1809 = arith.addi %select_n3A_1807, %add3A_1808 : i32
    %add3A_1810 = arith.addi %shift_right_logical3A_580, %add3A_1809 : i32
    %and3A_1811 = arith.constant 4095 : i32
    %and3A_1812 = arith.andi %add3A_1810, %and3A_1811 : i32
    %mul3A_1813 = arith.constant 32 : i32
    %mul3A_1814 = arith.muli %and3A_1812, %mul3A_1813 : i32
    "tpu.region"() ({
      %run_scoped3A = tpu.sem_alloc : memref<!tpu.dma_semaphore, #tpu.memory_space<semaphore_mem>>
      %dma_start3A_2708 = arith.constant 128 : i32
      %dma_start3A_2709 = arith.constant 0 : i32
      %dma_start3A_2710 = tpu.memref_slice %arg25[%dma_start3A_2708, %dma_start3A_2709] : memref<512x10xi8, #tpu.memory_space<vmem>> -> memref<32x10xi8, #tpu.memory_space<vmem>>
      %dma_start3A_2711 = arith.constant 0 : i32
      %dma_start3A_2712 = tpu.memref_slice %arg13[%mul3A_1814, %dma_start3A_2711] : memref<131072x10xi8, #tpu.memory_space<hbm>> -> memref<32x10xi8, #tpu.memory_space<hbm>>
      %dma_start3A_2713 = arith.constant 0 : i32
      %dma_start3A_2714 = tpu.memref_slice %arg13[%mul3A_1814, %dma_start3A_2713] : memref<131072x10xi8, #tpu.memory_space<hbm>> -> memref<32x10xi8, #tpu.memory_space<hbm>>
      %dma_start3A_2715 = arith.constant 128 : i32
      %dma_start3A_2716 = arith.constant 0 : i32
      %dma_start3A_2717 = tpu.memref_slice %arg25[%dma_start3A_2715, %dma_start3A_2716] : memref<512x10xi8, #tpu.memory_space<vmem>> -> memref<32x10xi8, #tpu.memory_space<vmem>>
      tpu.enqueue_dma source(%dma_start3A_2717 : memref<32x10xi8, #tpu.memory_space<vmem>>) target(%dma_start3A_2714 : memref<32x10xi8, #tpu.memory_space<hbm>>) target_semaphore(%run_scoped3A : memref<!tpu.dma_semaphore, #tpu.memory_space<semaphore_mem>>)
      %dma_wait3A_2718 = arith.constant 128 : i32
      %dma_wait3A_2719 = arith.constant 0 : i32
      %dma_wait3A_2720 = tpu.memref_slice %arg25[%dma_wait3A_2718, %dma_wait3A_2719] : memref<512x10xi8, #tpu.memory_space<vmem>> -> memref<32x10xi8, #tpu.memory_space<vmem>>
      %dma_wait3A_2721 = arith.constant 0 : i32
      %dma_wait3A_2722 = tpu.memref_slice %arg13[%mul3A_1814, %dma_wait3A_2721] : memref<131072x10xi8, #tpu.memory_space<hbm>> -> memref<32x10xi8, #tpu.memory_space<hbm>>
      %dma_wait3A_2723 = arith.constant 0 : i32
      %dma_wait3A_2724 = tpu.memref_slice %arg13[%mul3A_1814, %dma_wait3A_2723] : memref<131072x10xi8, #tpu.memory_space<hbm>> -> memref<32x10xi8, #tpu.memory_space<hbm>>
      %dma_wait3A_2725 = arith.constant 128 : i32
      %dma_wait3A_2726 = arith.constant 0 : i32
      %dma_wait3A_2727 = tpu.memref_slice %arg25[%dma_wait3A_2725, %dma_wait3A_2726] : memref<512x10xi8, #tpu.memory_space<vmem>> -> memref<32x10xi8, #tpu.memory_space<vmem>>
      tpu.wait_dma2 semaphore(%run_scoped3A : memref<!tpu.dma_semaphore, #tpu.memory_space<semaphore_mem>>) src(%dma_wait3A_2727 : memref<32x10xi8, #tpu.memory_space<vmem>>) dst(%dma_wait3A_2724 : memref<32x10xi8, #tpu.memory_space<hbm>>)
      tpu.yield
    }) : () -> ()
    %add3A_1815 = arith.constant 0 : i32
    %add3A_1816 = arith.addi %mul3A_4, %add3A_1815 : i32
    %jit3A_1817 = arith.constant 32 : i32
    %div3A_1818 = arith.divsi %add3A_1816, %jit3A_1817 : i32
    %sign3A_1819 = arith.constant 0 : i32
    %sign3A_1820 = arith.cmpi sgt, %add3A_1816, %sign3A_1819 : i32
    %sign3A_1821 = arith.extui %sign3A_1820 : i1 to i32
    %sign3A_1822 = arith.constant 0 : i32
    %sign3A_1823 = arith.cmpi slt, %add3A_1816, %sign3A_1822 : i32
    %sign3A_1824 = arith.extui %sign3A_1823 : i1 to i32
    %sign3A_1825 = arith.subi %sign3A_1821, %sign3A_1824 : i32
    %sign3A_1826 = arith.constant 0 : i32
    %sign3A_1827 = arith.cmpi sgt, %jit3A_1817, %sign3A_1826 : i32
    %sign3A_1828 = arith.extui %sign3A_1827 : i1 to i32
    %sign3A_1829 = arith.constant 0 : i32
    %sign3A_1830 = arith.cmpi slt, %jit3A_1817, %sign3A_1829 : i32
    %sign3A_1831 = arith.extui %sign3A_1830 : i1 to i32
    %sign3A_1832 = arith.subi %sign3A_1828, %sign3A_1831 : i32
    %ne3A_1833 = arith.cmpi ne, %sign3A_1825, %sign3A_1832 : i32
    %rem3A_1834 = arith.remsi %add3A_1816, %jit3A_1817 : i32
    %ne3A_1835 = arith.constant 0 : i32
    %ne3A_1836 = arith.cmpi ne, %rem3A_1834, %ne3A_1835 : i32
    %and3A_1837 = arith.andi %ne3A_1833, %ne3A_1836 : i1
    %sub3A_1838 = arith.constant 1 : i32
    %sub3A_1839 = arith.subi %div3A_1818, %sub3A_1838 : i32
    %select_n3A_1840 = arith.select %and3A_1837, %sub3A_1839, %div3A_1818 : i32
    %add3A_1841 = arith.constant 5 : i32
    %add3A_1842 = arith.addi %select_n3A_1840, %add3A_1841 : i32
    %add3A_1843 = arith.addi %shift_right_logical3A_580, %add3A_1842 : i32
    %and3A_1844 = arith.constant 4095 : i32
    %and3A_1845 = arith.andi %add3A_1843, %and3A_1844 : i32
    %mul3A_1846 = arith.constant 32 : i32
    %mul3A_1847 = arith.muli %and3A_1845, %mul3A_1846 : i32
    "tpu.region"() ({
      %run_scoped3A = tpu.sem_alloc : memref<!tpu.dma_semaphore, #tpu.memory_space<semaphore_mem>>
      %dma_start3A_2708 = arith.constant 160 : i32
      %dma_start3A_2709 = arith.constant 0 : i32
      %dma_start3A_2710 = tpu.memref_slice %arg25[%dma_start3A_2708, %dma_start3A_2709] : memref<512x10xi8, #tpu.memory_space<vmem>> -> memref<32x10xi8, #tpu.memory_space<vmem>>
      %dma_start3A_2711 = arith.constant 0 : i32
      %dma_start3A_2712 = tpu.memref_slice %arg13[%mul3A_1847, %dma_start3A_2711] : memref<131072x10xi8, #tpu.memory_space<hbm>> -> memref<32x10xi8, #tpu.memory_space<hbm>>
      %dma_start3A_2713 = arith.constant 0 : i32
      %dma_start3A_2714 = tpu.memref_slice %arg13[%mul3A_1847, %dma_start3A_2713] : memref<131072x10xi8, #tpu.memory_space<hbm>> -> memref<32x10xi8, #tpu.memory_space<hbm>>
      %dma_start3A_2715 = arith.constant 160 : i32
      %dma_start3A_2716 = arith.constant 0 : i32
      %dma_start3A_2717 = tpu.memref_slice %arg25[%dma_start3A_2715, %dma_start3A_2716] : memref<512x10xi8, #tpu.memory_space<vmem>> -> memref<32x10xi8, #tpu.memory_space<vmem>>
      tpu.enqueue_dma source(%dma_start3A_2717 : memref<32x10xi8, #tpu.memory_space<vmem>>) target(%dma_start3A_2714 : memref<32x10xi8, #tpu.memory_space<hbm>>) target_semaphore(%run_scoped3A : memref<!tpu.dma_semaphore, #tpu.memory_space<semaphore_mem>>)
      %dma_wait3A_2718 = arith.constant 160 : i32
      %dma_wait3A_2719 = arith.constant 0 : i32
      %dma_wait3A_2720 = tpu.memref_slice %arg25[%dma_wait3A_2718, %dma_wait3A_2719] : memref<512x10xi8, #tpu.memory_space<vmem>> -> memref<32x10xi8, #tpu.memory_space<vmem>>
      %dma_wait3A_2721 = arith.constant 0 : i32
      %dma_wait3A_2722 = tpu.memref_slice %arg13[%mul3A_1847, %dma_wait3A_2721] : memref<131072x10xi8, #tpu.memory_space<hbm>> -> memref<32x10xi8, #tpu.memory_space<hbm>>
      %dma_wait3A_2723 = arith.constant 0 : i32
      %dma_wait3A_2724 = tpu.memref_slice %arg13[%mul3A_1847, %dma_wait3A_2723] : memref<131072x10xi8, #tpu.memory_space<hbm>> -> memref<32x10xi8, #tpu.memory_space<hbm>>
      %dma_wait3A_2725 = arith.constant 160 : i32
      %dma_wait3A_2726 = arith.constant 0 : i32
      %dma_wait3A_2727 = tpu.memref_slice %arg25[%dma_wait3A_2725, %dma_wait3A_2726] : memref<512x10xi8, #tpu.memory_space<vmem>> -> memref<32x10xi8, #tpu.memory_space<vmem>>
      tpu.wait_dma2 semaphore(%run_scoped3A : memref<!tpu.dma_semaphore, #tpu.memory_space<semaphore_mem>>) src(%dma_wait3A_2727 : memref<32x10xi8, #tpu.memory_space<vmem>>) dst(%dma_wait3A_2724 : memref<32x10xi8, #tpu.memory_space<hbm>>)
      tpu.yield
    }) : () -> ()
    %add3A_1848 = arith.constant 0 : i32
    %add3A_1849 = arith.addi %mul3A_4, %add3A_1848 : i32
    %jit3A_1850 = arith.constant 32 : i32
    %div3A_1851 = arith.divsi %add3A_1849, %jit3A_1850 : i32
    %sign3A_1852 = arith.constant 0 : i32
    %sign3A_1853 = arith.cmpi sgt, %add3A_1849, %sign3A_1852 : i32
    %sign3A_1854 = arith.extui %sign3A_1853 : i1 to i32
    %sign3A_1855 = arith.constant 0 : i32
    %sign3A_1856 = arith.cmpi slt, %add3A_1849, %sign3A_1855 : i32
    %sign3A_1857 = arith.extui %sign3A_1856 : i1 to i32
    %sign3A_1858 = arith.subi %sign3A_1854, %sign3A_1857 : i32
    %sign3A_1859 = arith.constant 0 : i32
    %sign3A_1860 = arith.cmpi sgt, %jit3A_1850, %sign3A_1859 : i32
    %sign3A_1861 = arith.extui %sign3A_1860 : i1 to i32
    %sign3A_1862 = arith.constant 0 : i32
    %sign3A_1863 = arith.cmpi slt, %jit3A_1850, %sign3A_1862 : i32
    %sign3A_1864 = arith.extui %sign3A_1863 : i1 to i32
    %sign3A_1865 = arith.subi %sign3A_1861, %sign3A_1864 : i32
    %ne3A_1866 = arith.cmpi ne, %sign3A_1858, %sign3A_1865 : i32
    %rem3A_1867 = arith.remsi %add3A_1849, %jit3A_1850 : i32
    %ne3A_1868 = arith.constant 0 : i32
    %ne3A_1869 = arith.cmpi ne, %rem3A_1867, %ne3A_1868 : i32
    %and3A_1870 = arith.andi %ne3A_1866, %ne3A_1869 : i1
    %sub3A_1871 = arith.constant 1 : i32
    %sub3A_1872 = arith.subi %div3A_1851, %sub3A_1871 : i32
    %select_n3A_1873 = arith.select %and3A_1870, %sub3A_1872, %div3A_1851 : i32
    %add3A_1874 = arith.constant 6 : i32
    %add3A_1875 = arith.addi %select_n3A_1873, %add3A_1874 : i32
    %add3A_1876 = arith.addi %shift_right_logical3A_580, %add3A_1875 : i32
    %and3A_1877 = arith.constant 4095 : i32
    %and3A_1878 = arith.andi %add3A_1876, %and3A_1877 : i32
    %mul3A_1879 = arith.constant 32 : i32
    %mul3A_1880 = arith.muli %and3A_1878, %mul3A_1879 : i32
    "tpu.region"() ({
      %run_scoped3A = tpu.sem_alloc : memref<!tpu.dma_semaphore, #tpu.memory_space<semaphore_mem>>
      %dma_start3A_2708 = arith.constant 192 : i32
      %dma_start3A_2709 = arith.constant 0 : i32
      %dma_start3A_2710 = tpu.memref_slice %arg25[%dma_start3A_2708, %dma_start3A_2709] : memref<512x10xi8, #tpu.memory_space<vmem>> -> memref<32x10xi8, #tpu.memory_space<vmem>>
      %dma_start3A_2711 = arith.constant 0 : i32
      %dma_start3A_2712 = tpu.memref_slice %arg13[%mul3A_1880, %dma_start3A_2711] : memref<131072x10xi8, #tpu.memory_space<hbm>> -> memref<32x10xi8, #tpu.memory_space<hbm>>
      %dma_start3A_2713 = arith.constant 0 : i32
      %dma_start3A_2714 = tpu.memref_slice %arg13[%mul3A_1880, %dma_start3A_2713] : memref<131072x10xi8, #tpu.memory_space<hbm>> -> memref<32x10xi8, #tpu.memory_space<hbm>>
      %dma_start3A_2715 = arith.constant 192 : i32
      %dma_start3A_2716 = arith.constant 0 : i32
      %dma_start3A_2717 = tpu.memref_slice %arg25[%dma_start3A_2715, %dma_start3A_2716] : memref<512x10xi8, #tpu.memory_space<vmem>> -> memref<32x10xi8, #tpu.memory_space<vmem>>
      tpu.enqueue_dma source(%dma_start3A_2717 : memref<32x10xi8, #tpu.memory_space<vmem>>) target(%dma_start3A_2714 : memref<32x10xi8, #tpu.memory_space<hbm>>) target_semaphore(%run_scoped3A : memref<!tpu.dma_semaphore, #tpu.memory_space<semaphore_mem>>)
      %dma_wait3A_2718 = arith.constant 192 : i32
      %dma_wait3A_2719 = arith.constant 0 : i32
      %dma_wait3A_2720 = tpu.memref_slice %arg25[%dma_wait3A_2718, %dma_wait3A_2719] : memref<512x10xi8, #tpu.memory_space<vmem>> -> memref<32x10xi8, #tpu.memory_space<vmem>>
      %dma_wait3A_2721 = arith.constant 0 : i32
      %dma_wait3A_2722 = tpu.memref_slice %arg13[%mul3A_1880, %dma_wait3A_2721] : memref<131072x10xi8, #tpu.memory_space<hbm>> -> memref<32x10xi8, #tpu.memory_space<hbm>>
      %dma_wait3A_2723 = arith.constant 0 : i32
      %dma_wait3A_2724 = tpu.memref_slice %arg13[%mul3A_1880, %dma_wait3A_2723] : memref<131072x10xi8, #tpu.memory_space<hbm>> -> memref<32x10xi8, #tpu.memory_space<hbm>>
      %dma_wait3A_2725 = arith.constant 192 : i32
      %dma_wait3A_2726 = arith.constant 0 : i32
      %dma_wait3A_2727 = tpu.memref_slice %arg25[%dma_wait3A_2725, %dma_wait3A_2726] : memref<512x10xi8, #tpu.memory_space<vmem>> -> memref<32x10xi8, #tpu.memory_space<vmem>>
      tpu.wait_dma2 semaphore(%run_scoped3A : memref<!tpu.dma_semaphore, #tpu.memory_space<semaphore_mem>>) src(%dma_wait3A_2727 : memref<32x10xi8, #tpu.memory_space<vmem>>) dst(%dma_wait3A_2724 : memref<32x10xi8, #tpu.memory_space<hbm>>)
      tpu.yield
    }) : () -> ()
    %add3A_1881 = arith.constant 0 : i32
    %add3A_1882 = arith.addi %mul3A_4, %add3A_1881 : i32
    %jit3A_1883 = arith.constant 32 : i32
    %div3A_1884 = arith.divsi %add3A_1882, %jit3A_1883 : i32
    %sign3A_1885 = arith.constant 0 : i32
    %sign3A_1886 = arith.cmpi sgt, %add3A_1882, %sign3A_1885 : i32
    %sign3A_1887 = arith.extui %sign3A_1886 : i1 to i32
    %sign3A_1888 = arith.constant 0 : i32
    %sign3A_1889 = arith.cmpi slt, %add3A_1882, %sign3A_1888 : i32
    %sign3A_1890 = arith.extui %sign3A_1889 : i1 to i32
    %sign3A_1891 = arith.subi %sign3A_1887, %sign3A_1890 : i32
    %sign3A_1892 = arith.constant 0 : i32
    %sign3A_1893 = arith.cmpi sgt, %jit3A_1883, %sign3A_1892 : i32
    %sign3A_1894 = arith.extui %sign3A_1893 : i1 to i32
    %sign3A_1895 = arith.constant 0 : i32
    %sign3A_1896 = arith.cmpi slt, %jit3A_1883, %sign3A_1895 : i32
    %sign3A_1897 = arith.extui %sign3A_1896 : i1 to i32
    %sign3A_1898 = arith.subi %sign3A_1894, %sign3A_1897 : i32
    %ne3A_1899 = arith.cmpi ne, %sign3A_1891, %sign3A_1898 : i32
    %rem3A_1900 = arith.remsi %add3A_1882, %jit3A_1883 : i32
    %ne3A_1901 = arith.constant 0 : i32
    %ne3A_1902 = arith.cmpi ne, %rem3A_1900, %ne3A_1901 : i32
    %and3A_1903 = arith.andi %ne3A_1899, %ne3A_1902 : i1
    %sub3A_1904 = arith.constant 1 : i32
    %sub3A_1905 = arith.subi %div3A_1884, %sub3A_1904 : i32
    %select_n3A_1906 = arith.select %and3A_1903, %sub3A_1905, %div3A_1884 : i32
    %add3A_1907 = arith.constant 7 : i32
    %add3A_1908 = arith.addi %select_n3A_1906, %add3A_1907 : i32
    %add3A_1909 = arith.addi %shift_right_logical3A_580, %add3A_1908 : i32
    %and3A_1910 = arith.constant 4095 : i32
    %and3A_1911 = arith.andi %add3A_1909, %and3A_1910 : i32
    %mul3A_1912 = arith.constant 32 : i32
    %mul3A_1913 = arith.muli %and3A_1911, %mul3A_1912 : i32
    "tpu.region"() ({
      %run_scoped3A = tpu.sem_alloc : memref<!tpu.dma_semaphore, #tpu.memory_space<semaphore_mem>>
      %dma_start3A_2708 = arith.constant 224 : i32
      %dma_start3A_2709 = arith.constant 0 : i32
      %dma_start3A_2710 = tpu.memref_slice %arg25[%dma_start3A_2708, %dma_start3A_2709] : memref<512x10xi8, #tpu.memory_space<vmem>> -> memref<32x10xi8, #tpu.memory_space<vmem>>
      %dma_start3A_2711 = arith.constant 0 : i32
      %dma_start3A_2712 = tpu.memref_slice %arg13[%mul3A_1913, %dma_start3A_2711] : memref<131072x10xi8, #tpu.memory_space<hbm>> -> memref<32x10xi8, #tpu.memory_space<hbm>>
      %dma_start3A_2713 = arith.constant 0 : i32
      %dma_start3A_2714 = tpu.memref_slice %arg13[%mul3A_1913, %dma_start3A_2713] : memref<131072x10xi8, #tpu.memory_space<hbm>> -> memref<32x10xi8, #tpu.memory_space<hbm>>
      %dma_start3A_2715 = arith.constant 224 : i32
      %dma_start3A_2716 = arith.constant 0 : i32
      %dma_start3A_2717 = tpu.memref_slice %arg25[%dma_start3A_2715, %dma_start3A_2716] : memref<512x10xi8, #tpu.memory_space<vmem>> -> memref<32x10xi8, #tpu.memory_space<vmem>>
      tpu.enqueue_dma source(%dma_start3A_2717 : memref<32x10xi8, #tpu.memory_space<vmem>>) target(%dma_start3A_2714 : memref<32x10xi8, #tpu.memory_space<hbm>>) target_semaphore(%run_scoped3A : memref<!tpu.dma_semaphore, #tpu.memory_space<semaphore_mem>>)
      %dma_wait3A_2718 = arith.constant 224 : i32
      %dma_wait3A_2719 = arith.constant 0 : i32
      %dma_wait3A_2720 = tpu.memref_slice %arg25[%dma_wait3A_2718, %dma_wait3A_2719] : memref<512x10xi8, #tpu.memory_space<vmem>> -> memref<32x10xi8, #tpu.memory_space<vmem>>
      %dma_wait3A_2721 = arith.constant 0 : i32
      %dma_wait3A_2722 = tpu.memref_slice %arg13[%mul3A_1913, %dma_wait3A_2721] : memref<131072x10xi8, #tpu.memory_space<hbm>> -> memref<32x10xi8, #tpu.memory_space<hbm>>
      %dma_wait3A_2723 = arith.constant 0 : i32
      %dma_wait3A_2724 = tpu.memref_slice %arg13[%mul3A_1913, %dma_wait3A_2723] : memref<131072x10xi8, #tpu.memory_space<hbm>> -> memref<32x10xi8, #tpu.memory_space<hbm>>
      %dma_wait3A_2725 = arith.constant 224 : i32
      %dma_wait3A_2726 = arith.constant 0 : i32
      %dma_wait3A_2727 = tpu.memref_slice %arg25[%dma_wait3A_2725, %dma_wait3A_2726] : memref<512x10xi8, #tpu.memory_space<vmem>> -> memref<32x10xi8, #tpu.memory_space<vmem>>
      tpu.wait_dma2 semaphore(%run_scoped3A : memref<!tpu.dma_semaphore, #tpu.memory_space<semaphore_mem>>) src(%dma_wait3A_2727 : memref<32x10xi8, #tpu.memory_space<vmem>>) dst(%dma_wait3A_2724 : memref<32x10xi8, #tpu.memory_space<hbm>>)
      tpu.yield
    }) : () -> ()
    %add3A_1914 = arith.constant 0 : i32
    %add3A_1915 = arith.addi %mul3A_4, %add3A_1914 : i32
    %jit3A_1916 = arith.constant 32 : i32
    %div3A_1917 = arith.divsi %add3A_1915, %jit3A_1916 : i32
    %sign3A_1918 = arith.constant 0 : i32
    %sign3A_1919 = arith.cmpi sgt, %add3A_1915, %sign3A_1918 : i32
    %sign3A_1920 = arith.extui %sign3A_1919 : i1 to i32
    %sign3A_1921 = arith.constant 0 : i32
    %sign3A_1922 = arith.cmpi slt, %add3A_1915, %sign3A_1921 : i32
    %sign3A_1923 = arith.extui %sign3A_1922 : i1 to i32
    %sign3A_1924 = arith.subi %sign3A_1920, %sign3A_1923 : i32
    %sign3A_1925 = arith.constant 0 : i32
    %sign3A_1926 = arith.cmpi sgt, %jit3A_1916, %sign3A_1925 : i32
    %sign3A_1927 = arith.extui %sign3A_1926 : i1 to i32
    %sign3A_1928 = arith.constant 0 : i32
    %sign3A_1929 = arith.cmpi slt, %jit3A_1916, %sign3A_1928 : i32
    %sign3A_1930 = arith.extui %sign3A_1929 : i1 to i32
    %sign3A_1931 = arith.subi %sign3A_1927, %sign3A_1930 : i32
    %ne3A_1932 = arith.cmpi ne, %sign3A_1924, %sign3A_1931 : i32
    %rem3A_1933 = arith.remsi %add3A_1915, %jit3A_1916 : i32
    %ne3A_1934 = arith.constant 0 : i32
    %ne3A_1935 = arith.cmpi ne, %rem3A_1933, %ne3A_1934 : i32
    %and3A_1936 = arith.andi %ne3A_1932, %ne3A_1935 : i1
    %sub3A_1937 = arith.constant 1 : i32
    %sub3A_1938 = arith.subi %div3A_1917, %sub3A_1937 : i32
    %select_n3A_1939 = arith.select %and3A_1936, %sub3A_1938, %div3A_1917 : i32
    %add3A_1940 = arith.constant 8 : i32
    %add3A_1941 = arith.addi %select_n3A_1939, %add3A_1940 : i32
    %add3A_1942 = arith.addi %shift_right_logical3A_580, %add3A_1941 : i32
    %and3A_1943 = arith.constant 4095 : i32
    %and3A_1944 = arith.andi %add3A_1942, %and3A_1943 : i32
    %mul3A_1945 = arith.constant 32 : i32
    %mul3A_1946 = arith.muli %and3A_1944, %mul3A_1945 : i32
    "tpu.region"() ({
      %run_scoped3A = tpu.sem_alloc : memref<!tpu.dma_semaphore, #tpu.memory_space<semaphore_mem>>
      %dma_start3A_2708 = arith.constant 256 : i32
      %dma_start3A_2709 = arith.constant 0 : i32
      %dma_start3A_2710 = tpu.memref_slice %arg25[%dma_start3A_2708, %dma_start3A_2709] : memref<512x10xi8, #tpu.memory_space<vmem>> -> memref<32x10xi8, #tpu.memory_space<vmem>>
      %dma_start3A_2711 = arith.constant 0 : i32
      %dma_start3A_2712 = tpu.memref_slice %arg13[%mul3A_1946, %dma_start3A_2711] : memref<131072x10xi8, #tpu.memory_space<hbm>> -> memref<32x10xi8, #tpu.memory_space<hbm>>
      %dma_start3A_2713 = arith.constant 0 : i32
      %dma_start3A_2714 = tpu.memref_slice %arg13[%mul3A_1946, %dma_start3A_2713] : memref<131072x10xi8, #tpu.memory_space<hbm>> -> memref<32x10xi8, #tpu.memory_space<hbm>>
      %dma_start3A_2715 = arith.constant 256 : i32
      %dma_start3A_2716 = arith.constant 0 : i32
      %dma_start3A_2717 = tpu.memref_slice %arg25[%dma_start3A_2715, %dma_start3A_2716] : memref<512x10xi8, #tpu.memory_space<vmem>> -> memref<32x10xi8, #tpu.memory_space<vmem>>
      tpu.enqueue_dma source(%dma_start3A_2717 : memref<32x10xi8, #tpu.memory_space<vmem>>) target(%dma_start3A_2714 : memref<32x10xi8, #tpu.memory_space<hbm>>) target_semaphore(%run_scoped3A : memref<!tpu.dma_semaphore, #tpu.memory_space<semaphore_mem>>)
      %dma_wait3A_2718 = arith.constant 256 : i32
      %dma_wait3A_2719 = arith.constant 0 : i32
      %dma_wait3A_2720 = tpu.memref_slice %arg25[%dma_wait3A_2718, %dma_wait3A_2719] : memref<512x10xi8, #tpu.memory_space<vmem>> -> memref<32x10xi8, #tpu.memory_space<vmem>>
      %dma_wait3A_2721 = arith.constant 0 : i32
      %dma_wait3A_2722 = tpu.memref_slice %arg13[%mul3A_1946, %dma_wait3A_2721] : memref<131072x10xi8, #tpu.memory_space<hbm>> -> memref<32x10xi8, #tpu.memory_space<hbm>>
      %dma_wait3A_2723 = arith.constant 0 : i32
      %dma_wait3A_2724 = tpu.memref_slice %arg13[%mul3A_1946, %dma_wait3A_2723] : memref<131072x10xi8, #tpu.memory_space<hbm>> -> memref<32x10xi8, #tpu.memory_space<hbm>>
      %dma_wait3A_2725 = arith.constant 256 : i32
      %dma_wait3A_2726 = arith.constant 0 : i32
      %dma_wait3A_2727 = tpu.memref_slice %arg25[%dma_wait3A_2725, %dma_wait3A_2726] : memref<512x10xi8, #tpu.memory_space<vmem>> -> memref<32x10xi8, #tpu.memory_space<vmem>>
      tpu.wait_dma2 semaphore(%run_scoped3A : memref<!tpu.dma_semaphore, #tpu.memory_space<semaphore_mem>>) src(%dma_wait3A_2727 : memref<32x10xi8, #tpu.memory_space<vmem>>) dst(%dma_wait3A_2724 : memref<32x10xi8, #tpu.memory_space<hbm>>)
      tpu.yield
    }) : () -> ()
    %add3A_1947 = arith.constant 0 : i32
    %add3A_1948 = arith.addi %mul3A_4, %add3A_1947 : i32
    %jit3A_1949 = arith.constant 32 : i32
    %div3A_1950 = arith.divsi %add3A_1948, %jit3A_1949 : i32
    %sign3A_1951 = arith.constant 0 : i32
    %sign3A_1952 = arith.cmpi sgt, %add3A_1948, %sign3A_1951 : i32
    %sign3A_1953 = arith.extui %sign3A_1952 : i1 to i32
    %sign3A_1954 = arith.constant 0 : i32
    %sign3A_1955 = arith.cmpi slt, %add3A_1948, %sign3A_1954 : i32
    %sign3A_1956 = arith.extui %sign3A_1955 : i1 to i32
    %sign3A_1957 = arith.subi %sign3A_1953, %sign3A_1956 : i32
    %sign3A_1958 = arith.constant 0 : i32
    %sign3A_1959 = arith.cmpi sgt, %jit3A_1949, %sign3A_1958 : i32
    %sign3A_1960 = arith.extui %sign3A_1959 : i1 to i32
    %sign3A_1961 = arith.constant 0 : i32
    %sign3A_1962 = arith.cmpi slt, %jit3A_1949, %sign3A_1961 : i32
    %sign3A_1963 = arith.extui %sign3A_1962 : i1 to i32
    %sign3A_1964 = arith.subi %sign3A_1960, %sign3A_1963 : i32
    %ne3A_1965 = arith.cmpi ne, %sign3A_1957, %sign3A_1964 : i32
    %rem3A_1966 = arith.remsi %add3A_1948, %jit3A_1949 : i32
    %ne3A_1967 = arith.constant 0 : i32
    %ne3A_1968 = arith.cmpi ne, %rem3A_1966, %ne3A_1967 : i32
    %and3A_1969 = arith.andi %ne3A_1965, %ne3A_1968 : i1
    %sub3A_1970 = arith.constant 1 : i32
    %sub3A_1971 = arith.subi %div3A_1950, %sub3A_1970 : i32
    %select_n3A_1972 = arith.select %and3A_1969, %sub3A_1971, %div3A_1950 : i32
    %add3A_1973 = arith.constant 9 : i32
    %add3A_1974 = arith.addi %select_n3A_1972, %add3A_1973 : i32
    %add3A_1975 = arith.addi %shift_right_logical3A_580, %add3A_1974 : i32
    %and3A_1976 = arith.constant 4095 : i32
    %and3A_1977 = arith.andi %add3A_1975, %and3A_1976 : i32
    %mul3A_1978 = arith.constant 32 : i32
    %mul3A_1979 = arith.muli %and3A_1977, %mul3A_1978 : i32
    "tpu.region"() ({
      %run_scoped3A = tpu.sem_alloc : memref<!tpu.dma_semaphore, #tpu.memory_space<semaphore_mem>>
      %dma_start3A_2708 = arith.constant 288 : i32
      %dma_start3A_2709 = arith.constant 0 : i32
      %dma_start3A_2710 = tpu.memref_slice %arg25[%dma_start3A_2708, %dma_start3A_2709] : memref<512x10xi8, #tpu.memory_space<vmem>> -> memref<32x10xi8, #tpu.memory_space<vmem>>
      %dma_start3A_2711 = arith.constant 0 : i32
      %dma_start3A_2712 = tpu.memref_slice %arg13[%mul3A_1979, %dma_start3A_2711] : memref<131072x10xi8, #tpu.memory_space<hbm>> -> memref<32x10xi8, #tpu.memory_space<hbm>>
      %dma_start3A_2713 = arith.constant 0 : i32
      %dma_start3A_2714 = tpu.memref_slice %arg13[%mul3A_1979, %dma_start3A_2713] : memref<131072x10xi8, #tpu.memory_space<hbm>> -> memref<32x10xi8, #tpu.memory_space<hbm>>
      %dma_start3A_2715 = arith.constant 288 : i32
      %dma_start3A_2716 = arith.constant 0 : i32
      %dma_start3A_2717 = tpu.memref_slice %arg25[%dma_start3A_2715, %dma_start3A_2716] : memref<512x10xi8, #tpu.memory_space<vmem>> -> memref<32x10xi8, #tpu.memory_space<vmem>>
      tpu.enqueue_dma source(%dma_start3A_2717 : memref<32x10xi8, #tpu.memory_space<vmem>>) target(%dma_start3A_2714 : memref<32x10xi8, #tpu.memory_space<hbm>>) target_semaphore(%run_scoped3A : memref<!tpu.dma_semaphore, #tpu.memory_space<semaphore_mem>>)
      %dma_wait3A_2718 = arith.constant 288 : i32
      %dma_wait3A_2719 = arith.constant 0 : i32
      %dma_wait3A_2720 = tpu.memref_slice %arg25[%dma_wait3A_2718, %dma_wait3A_2719] : memref<512x10xi8, #tpu.memory_space<vmem>> -> memref<32x10xi8, #tpu.memory_space<vmem>>
      %dma_wait3A_2721 = arith.constant 0 : i32
      %dma_wait3A_2722 = tpu.memref_slice %arg13[%mul3A_1979, %dma_wait3A_2721] : memref<131072x10xi8, #tpu.memory_space<hbm>> -> memref<32x10xi8, #tpu.memory_space<hbm>>
      %dma_wait3A_2723 = arith.constant 0 : i32
      %dma_wait3A_2724 = tpu.memref_slice %arg13[%mul3A_1979, %dma_wait3A_2723] : memref<131072x10xi8, #tpu.memory_space<hbm>> -> memref<32x10xi8, #tpu.memory_space<hbm>>
      %dma_wait3A_2725 = arith.constant 288 : i32
      %dma_wait3A_2726 = arith.constant 0 : i32
      %dma_wait3A_2727 = tpu.memref_slice %arg25[%dma_wait3A_2725, %dma_wait3A_2726] : memref<512x10xi8, #tpu.memory_space<vmem>> -> memref<32x10xi8, #tpu.memory_space<vmem>>
      tpu.wait_dma2 semaphore(%run_scoped3A : memref<!tpu.dma_semaphore, #tpu.memory_space<semaphore_mem>>) src(%dma_wait3A_2727 : memref<32x10xi8, #tpu.memory_space<vmem>>) dst(%dma_wait3A_2724 : memref<32x10xi8, #tpu.memory_space<hbm>>)
      tpu.yield
    }) : () -> ()
    %add3A_1980 = arith.constant 0 : i32
    %add3A_1981 = arith.addi %mul3A_4, %add3A_1980 : i32
    %jit3A_1982 = arith.constant 32 : i32
    %div3A_1983 = arith.divsi %add3A_1981, %jit3A_1982 : i32
    %sign3A_1984 = arith.constant 0 : i32
    %sign3A_1985 = arith.cmpi sgt, %add3A_1981, %sign3A_1984 : i32
    %sign3A_1986 = arith.extui %sign3A_1985 : i1 to i32
    %sign3A_1987 = arith.constant 0 : i32
    %sign3A_1988 = arith.cmpi slt, %add3A_1981, %sign3A_1987 : i32
    %sign3A_1989 = arith.extui %sign3A_1988 : i1 to i32
    %sign3A_1990 = arith.subi %sign3A_1986, %sign3A_1989 : i32
    %sign3A_1991 = arith.constant 0 : i32
    %sign3A_1992 = arith.cmpi sgt, %jit3A_1982, %sign3A_1991 : i32
    %sign3A_1993 = arith.extui %sign3A_1992 : i1 to i32
    %sign3A_1994 = arith.constant 0 : i32
    %sign3A_1995 = arith.cmpi slt, %jit3A_1982, %sign3A_1994 : i32
    %sign3A_1996 = arith.extui %sign3A_1995 : i1 to i32
    %sign3A_1997 = arith.subi %sign3A_1993, %sign3A_1996 : i32
    %ne3A_1998 = arith.cmpi ne, %sign3A_1990, %sign3A_1997 : i32
    %rem3A_1999 = arith.remsi %add3A_1981, %jit3A_1982 : i32
    %ne3A_2000 = arith.constant 0 : i32
    %ne3A_2001 = arith.cmpi ne, %rem3A_1999, %ne3A_2000 : i32
    %and3A_2002 = arith.andi %ne3A_1998, %ne3A_2001 : i1
    %sub3A_2003 = arith.constant 1 : i32
    %sub3A_2004 = arith.subi %div3A_1983, %sub3A_2003 : i32
    %select_n3A_2005 = arith.select %and3A_2002, %sub3A_2004, %div3A_1983 : i32
    %add3A_2006 = arith.constant 10 : i32
    %add3A_2007 = arith.addi %select_n3A_2005, %add3A_2006 : i32
    %add3A_2008 = arith.addi %shift_right_logical3A_580, %add3A_2007 : i32
    %and3A_2009 = arith.constant 4095 : i32
    %and3A_2010 = arith.andi %add3A_2008, %and3A_2009 : i32
    %mul3A_2011 = arith.constant 32 : i32
    %mul3A_2012 = arith.muli %and3A_2010, %mul3A_2011 : i32
    "tpu.region"() ({
      %run_scoped3A = tpu.sem_alloc : memref<!tpu.dma_semaphore, #tpu.memory_space<semaphore_mem>>
      %dma_start3A_2708 = arith.constant 320 : i32
      %dma_start3A_2709 = arith.constant 0 : i32
      %dma_start3A_2710 = tpu.memref_slice %arg25[%dma_start3A_2708, %dma_start3A_2709] : memref<512x10xi8, #tpu.memory_space<vmem>> -> memref<32x10xi8, #tpu.memory_space<vmem>>
      %dma_start3A_2711 = arith.constant 0 : i32
      %dma_start3A_2712 = tpu.memref_slice %arg13[%mul3A_2012, %dma_start3A_2711] : memref<131072x10xi8, #tpu.memory_space<hbm>> -> memref<32x10xi8, #tpu.memory_space<hbm>>
      %dma_start3A_2713 = arith.constant 0 : i32
      %dma_start3A_2714 = tpu.memref_slice %arg13[%mul3A_2012, %dma_start3A_2713] : memref<131072x10xi8, #tpu.memory_space<hbm>> -> memref<32x10xi8, #tpu.memory_space<hbm>>
      %dma_start3A_2715 = arith.constant 320 : i32
      %dma_start3A_2716 = arith.constant 0 : i32
      %dma_start3A_2717 = tpu.memref_slice %arg25[%dma_start3A_2715, %dma_start3A_2716] : memref<512x10xi8, #tpu.memory_space<vmem>> -> memref<32x10xi8, #tpu.memory_space<vmem>>
      tpu.enqueue_dma source(%dma_start3A_2717 : memref<32x10xi8, #tpu.memory_space<vmem>>) target(%dma_start3A_2714 : memref<32x10xi8, #tpu.memory_space<hbm>>) target_semaphore(%run_scoped3A : memref<!tpu.dma_semaphore, #tpu.memory_space<semaphore_mem>>)
      %dma_wait3A_2718 = arith.constant 320 : i32
      %dma_wait3A_2719 = arith.constant 0 : i32
      %dma_wait3A_2720 = tpu.memref_slice %arg25[%dma_wait3A_2718, %dma_wait3A_2719] : memref<512x10xi8, #tpu.memory_space<vmem>> -> memref<32x10xi8, #tpu.memory_space<vmem>>
      %dma_wait3A_2721 = arith.constant 0 : i32
      %dma_wait3A_2722 = tpu.memref_slice %arg13[%mul3A_2012, %dma_wait3A_2721] : memref<131072x10xi8, #tpu.memory_space<hbm>> -> memref<32x10xi8, #tpu.memory_space<hbm>>
      %dma_wait3A_2723 = arith.constant 0 : i32
      %dma_wait3A_2724 = tpu.memref_slice %arg13[%mul3A_2012, %dma_wait3A_2723] : memref<131072x10xi8, #tpu.memory_space<hbm>> -> memref<32x10xi8, #tpu.memory_space<hbm>>
      %dma_wait3A_2725 = arith.constant 320 : i32
      %dma_wait3A_2726 = arith.constant 0 : i32
      %dma_wait3A_2727 = tpu.memref_slice %arg25[%dma_wait3A_2725, %dma_wait3A_2726] : memref<512x10xi8, #tpu.memory_space<vmem>> -> memref<32x10xi8, #tpu.memory_space<vmem>>
      tpu.wait_dma2 semaphore(%run_scoped3A : memref<!tpu.dma_semaphore, #tpu.memory_space<semaphore_mem>>) src(%dma_wait3A_2727 : memref<32x10xi8, #tpu.memory_space<vmem>>) dst(%dma_wait3A_2724 : memref<32x10xi8, #tpu.memory_space<hbm>>)
      tpu.yield
    }) : () -> ()
    %add3A_2013 = arith.constant 0 : i32
    %add3A_2014 = arith.addi %mul3A_4, %add3A_2013 : i32
    %jit3A_2015 = arith.constant 32 : i32
    %div3A_2016 = arith.divsi %add3A_2014, %jit3A_2015 : i32
    %sign3A_2017 = arith.constant 0 : i32
    %sign3A_2018 = arith.cmpi sgt, %add3A_2014, %sign3A_2017 : i32
    %sign3A_2019 = arith.extui %sign3A_2018 : i1 to i32
    %sign3A_2020 = arith.constant 0 : i32
    %sign3A_2021 = arith.cmpi slt, %add3A_2014, %sign3A_2020 : i32
    %sign3A_2022 = arith.extui %sign3A_2021 : i1 to i32
    %sign3A_2023 = arith.subi %sign3A_2019, %sign3A_2022 : i32
    %sign3A_2024 = arith.constant 0 : i32
    %sign3A_2025 = arith.cmpi sgt, %jit3A_2015, %sign3A_2024 : i32
    %sign3A_2026 = arith.extui %sign3A_2025 : i1 to i32
    %sign3A_2027 = arith.constant 0 : i32
    %sign3A_2028 = arith.cmpi slt, %jit3A_2015, %sign3A_2027 : i32
    %sign3A_2029 = arith.extui %sign3A_2028 : i1 to i32
    %sign3A_2030 = arith.subi %sign3A_2026, %sign3A_2029 : i32
    %ne3A_2031 = arith.cmpi ne, %sign3A_2023, %sign3A_2030 : i32
    %rem3A_2032 = arith.remsi %add3A_2014, %jit3A_2015 : i32
    %ne3A_2033 = arith.constant 0 : i32
    %ne3A_2034 = arith.cmpi ne, %rem3A_2032, %ne3A_2033 : i32
    %and3A_2035 = arith.andi %ne3A_2031, %ne3A_2034 : i1
    %sub3A_2036 = arith.constant 1 : i32
    %sub3A_2037 = arith.subi %div3A_2016, %sub3A_2036 : i32
    %select_n3A_2038 = arith.select %and3A_2035, %sub3A_2037, %div3A_2016 : i32
    %add3A_2039 = arith.constant 11 : i32
    %add3A_2040 = arith.addi %select_n3A_2038, %add3A_2039 : i32
    %add3A_2041 = arith.addi %shift_right_logical3A_580, %add3A_2040 : i32
    %and3A_2042 = arith.constant 4095 : i32
    %and3A_2043 = arith.andi %add3A_2041, %and3A_2042 : i32
    %mul3A_2044 = arith.constant 32 : i32
    %mul3A_2045 = arith.muli %and3A_2043, %mul3A_2044 : i32
    "tpu.region"() ({
      %run_scoped3A = tpu.sem_alloc : memref<!tpu.dma_semaphore, #tpu.memory_space<semaphore_mem>>
      %dma_start3A_2708 = arith.constant 352 : i32
      %dma_start3A_2709 = arith.constant 0 : i32
      %dma_start3A_2710 = tpu.memref_slice %arg25[%dma_start3A_2708, %dma_start3A_2709] : memref<512x10xi8, #tpu.memory_space<vmem>> -> memref<32x10xi8, #tpu.memory_space<vmem>>
      %dma_start3A_2711 = arith.constant 0 : i32
      %dma_start3A_2712 = tpu.memref_slice %arg13[%mul3A_2045, %dma_start3A_2711] : memref<131072x10xi8, #tpu.memory_space<hbm>> -> memref<32x10xi8, #tpu.memory_space<hbm>>
      %dma_start3A_2713 = arith.constant 0 : i32
      %dma_start3A_2714 = tpu.memref_slice %arg13[%mul3A_2045, %dma_start3A_2713] : memref<131072x10xi8, #tpu.memory_space<hbm>> -> memref<32x10xi8, #tpu.memory_space<hbm>>
      %dma_start3A_2715 = arith.constant 352 : i32
      %dma_start3A_2716 = arith.constant 0 : i32
      %dma_start3A_2717 = tpu.memref_slice %arg25[%dma_start3A_2715, %dma_start3A_2716] : memref<512x10xi8, #tpu.memory_space<vmem>> -> memref<32x10xi8, #tpu.memory_space<vmem>>
      tpu.enqueue_dma source(%dma_start3A_2717 : memref<32x10xi8, #tpu.memory_space<vmem>>) target(%dma_start3A_2714 : memref<32x10xi8, #tpu.memory_space<hbm>>) target_semaphore(%run_scoped3A : memref<!tpu.dma_semaphore, #tpu.memory_space<semaphore_mem>>)
      %dma_wait3A_2718 = arith.constant 352 : i32
      %dma_wait3A_2719 = arith.constant 0 : i32
      %dma_wait3A_2720 = tpu.memref_slice %arg25[%dma_wait3A_2718, %dma_wait3A_2719] : memref<512x10xi8, #tpu.memory_space<vmem>> -> memref<32x10xi8, #tpu.memory_space<vmem>>
      %dma_wait3A_2721 = arith.constant 0 : i32
      %dma_wait3A_2722 = tpu.memref_slice %arg13[%mul3A_2045, %dma_wait3A_2721] : memref<131072x10xi8, #tpu.memory_space<hbm>> -> memref<32x10xi8, #tpu.memory_space<hbm>>
      %dma_wait3A_2723 = arith.constant 0 : i32
      %dma_wait3A_2724 = tpu.memref_slice %arg13[%mul3A_2045, %dma_wait3A_2723] : memref<131072x10xi8, #tpu.memory_space<hbm>> -> memref<32x10xi8, #tpu.memory_space<hbm>>
      %dma_wait3A_2725 = arith.constant 352 : i32
      %dma_wait3A_2726 = arith.constant 0 : i32
      %dma_wait3A_2727 = tpu.memref_slice %arg25[%dma_wait3A_2725, %dma_wait3A_2726] : memref<512x10xi8, #tpu.memory_space<vmem>> -> memref<32x10xi8, #tpu.memory_space<vmem>>
      tpu.wait_dma2 semaphore(%run_scoped3A : memref<!tpu.dma_semaphore, #tpu.memory_space<semaphore_mem>>) src(%dma_wait3A_2727 : memref<32x10xi8, #tpu.memory_space<vmem>>) dst(%dma_wait3A_2724 : memref<32x10xi8, #tpu.memory_space<hbm>>)
      tpu.yield
    }) : () -> ()
    %add3A_2046 = arith.constant 0 : i32
    %add3A_2047 = arith.addi %mul3A_4, %add3A_2046 : i32
    %jit3A_2048 = arith.constant 32 : i32
    %div3A_2049 = arith.divsi %add3A_2047, %jit3A_2048 : i32
    %sign3A_2050 = arith.constant 0 : i32
    %sign3A_2051 = arith.cmpi sgt, %add3A_2047, %sign3A_2050 : i32
    %sign3A_2052 = arith.extui %sign3A_2051 : i1 to i32
    %sign3A_2053 = arith.constant 0 : i32
    %sign3A_2054 = arith.cmpi slt, %add3A_2047, %sign3A_2053 : i32
    %sign3A_2055 = arith.extui %sign3A_2054 : i1 to i32
    %sign3A_2056 = arith.subi %sign3A_2052, %sign3A_2055 : i32
    %sign3A_2057 = arith.constant 0 : i32
    %sign3A_2058 = arith.cmpi sgt, %jit3A_2048, %sign3A_2057 : i32
    %sign3A_2059 = arith.extui %sign3A_2058 : i1 to i32
    %sign3A_2060 = arith.constant 0 : i32
    %sign3A_2061 = arith.cmpi slt, %jit3A_2048, %sign3A_2060 : i32
    %sign3A_2062 = arith.extui %sign3A_2061 : i1 to i32
    %sign3A_2063 = arith.subi %sign3A_2059, %sign3A_2062 : i32
    %ne3A_2064 = arith.cmpi ne, %sign3A_2056, %sign3A_2063 : i32
    %rem3A_2065 = arith.remsi %add3A_2047, %jit3A_2048 : i32
    %ne3A_2066 = arith.constant 0 : i32
    %ne3A_2067 = arith.cmpi ne, %rem3A_2065, %ne3A_2066 : i32
    %and3A_2068 = arith.andi %ne3A_2064, %ne3A_2067 : i1
    %sub3A_2069 = arith.constant 1 : i32
    %sub3A_2070 = arith.subi %div3A_2049, %sub3A_2069 : i32
    %select_n3A_2071 = arith.select %and3A_2068, %sub3A_2070, %div3A_2049 : i32
    %add3A_2072 = arith.constant 12 : i32
    %add3A_2073 = arith.addi %select_n3A_2071, %add3A_2072 : i32
    %add3A_2074 = arith.addi %shift_right_logical3A_580, %add3A_2073 : i32
    %and3A_2075 = arith.constant 4095 : i32
    %and3A_2076 = arith.andi %add3A_2074, %and3A_2075 : i32
    %mul3A_2077 = arith.constant 32 : i32
    %mul3A_2078 = arith.muli %and3A_2076, %mul3A_2077 : i32
    "tpu.region"() ({
      %run_scoped3A = tpu.sem_alloc : memref<!tpu.dma_semaphore, #tpu.memory_space<semaphore_mem>>
      %dma_start3A_2708 = arith.constant 384 : i32
      %dma_start3A_2709 = arith.constant 0 : i32
      %dma_start3A_2710 = tpu.memref_slice %arg25[%dma_start3A_2708, %dma_start3A_2709] : memref<512x10xi8, #tpu.memory_space<vmem>> -> memref<32x10xi8, #tpu.memory_space<vmem>>
      %dma_start3A_2711 = arith.constant 0 : i32
      %dma_start3A_2712 = tpu.memref_slice %arg13[%mul3A_2078, %dma_start3A_2711] : memref<131072x10xi8, #tpu.memory_space<hbm>> -> memref<32x10xi8, #tpu.memory_space<hbm>>
      %dma_start3A_2713 = arith.constant 0 : i32
      %dma_start3A_2714 = tpu.memref_slice %arg13[%mul3A_2078, %dma_start3A_2713] : memref<131072x10xi8, #tpu.memory_space<hbm>> -> memref<32x10xi8, #tpu.memory_space<hbm>>
      %dma_start3A_2715 = arith.constant 384 : i32
      %dma_start3A_2716 = arith.constant 0 : i32
      %dma_start3A_2717 = tpu.memref_slice %arg25[%dma_start3A_2715, %dma_start3A_2716] : memref<512x10xi8, #tpu.memory_space<vmem>> -> memref<32x10xi8, #tpu.memory_space<vmem>>
      tpu.enqueue_dma source(%dma_start3A_2717 : memref<32x10xi8, #tpu.memory_space<vmem>>) target(%dma_start3A_2714 : memref<32x10xi8, #tpu.memory_space<hbm>>) target_semaphore(%run_scoped3A : memref<!tpu.dma_semaphore, #tpu.memory_space<semaphore_mem>>)
      %dma_wait3A_2718 = arith.constant 384 : i32
      %dma_wait3A_2719 = arith.constant 0 : i32
      %dma_wait3A_2720 = tpu.memref_slice %arg25[%dma_wait3A_2718, %dma_wait3A_2719] : memref<512x10xi8, #tpu.memory_space<vmem>> -> memref<32x10xi8, #tpu.memory_space<vmem>>
      %dma_wait3A_2721 = arith.constant 0 : i32
      %dma_wait3A_2722 = tpu.memref_slice %arg13[%mul3A_2078, %dma_wait3A_2721] : memref<131072x10xi8, #tpu.memory_space<hbm>> -> memref<32x10xi8, #tpu.memory_space<hbm>>
      %dma_wait3A_2723 = arith.constant 0 : i32
      %dma_wait3A_2724 = tpu.memref_slice %arg13[%mul3A_2078, %dma_wait3A_2723] : memref<131072x10xi8, #tpu.memory_space<hbm>> -> memref<32x10xi8, #tpu.memory_space<hbm>>
      %dma_wait3A_2725 = arith.constant 384 : i32
      %dma_wait3A_2726 = arith.constant 0 : i32
      %dma_wait3A_2727 = tpu.memref_slice %arg25[%dma_wait3A_2725, %dma_wait3A_2726] : memref<512x10xi8, #tpu.memory_space<vmem>> -> memref<32x10xi8, #tpu.memory_space<vmem>>
      tpu.wait_dma2 semaphore(%run_scoped3A : memref<!tpu.dma_semaphore, #tpu.memory_space<semaphore_mem>>) src(%dma_wait3A_2727 : memref<32x10xi8, #tpu.memory_space<vmem>>) dst(%dma_wait3A_2724 : memref<32x10xi8, #tpu.memory_space<hbm>>)
      tpu.yield
    }) : () -> ()
    %add3A_2079 = arith.constant 0 : i32
    %add3A_2080 = arith.addi %mul3A_4, %add3A_2079 : i32
    %jit3A_2081 = arith.constant 32 : i32
    %div3A_2082 = arith.divsi %add3A_2080, %jit3A_2081 : i32
    %sign3A_2083 = arith.constant 0 : i32
    %sign3A_2084 = arith.cmpi sgt, %add3A_2080, %sign3A_2083 : i32
    %sign3A_2085 = arith.extui %sign3A_2084 : i1 to i32
    %sign3A_2086 = arith.constant 0 : i32
    %sign3A_2087 = arith.cmpi slt, %add3A_2080, %sign3A_2086 : i32
    %sign3A_2088 = arith.extui %sign3A_2087 : i1 to i32
    %sign3A_2089 = arith.subi %sign3A_2085, %sign3A_2088 : i32
    %sign3A_2090 = arith.constant 0 : i32
    %sign3A_2091 = arith.cmpi sgt, %jit3A_2081, %sign3A_2090 : i32
    %sign3A_2092 = arith.extui %sign3A_2091 : i1 to i32
    %sign3A_2093 = arith.constant 0 : i32
    %sign3A_2094 = arith.cmpi slt, %jit3A_2081, %sign3A_2093 : i32
    %sign3A_2095 = arith.extui %sign3A_2094 : i1 to i32
    %sign3A_2096 = arith.subi %sign3A_2092, %sign3A_2095 : i32
    %ne3A_2097 = arith.cmpi ne, %sign3A_2089, %sign3A_2096 : i32
    %rem3A_2098 = arith.remsi %add3A_2080, %jit3A_2081 : i32
    %ne3A_2099 = arith.constant 0 : i32
    %ne3A_2100 = arith.cmpi ne, %rem3A_2098, %ne3A_2099 : i32
    %and3A_2101 = arith.andi %ne3A_2097, %ne3A_2100 : i1
    %sub3A_2102 = arith.constant 1 : i32
    %sub3A_2103 = arith.subi %div3A_2082, %sub3A_2102 : i32
    %select_n3A_2104 = arith.select %and3A_2101, %sub3A_2103, %div3A_2082 : i32
    %add3A_2105 = arith.constant 13 : i32
    %add3A_2106 = arith.addi %select_n3A_2104, %add3A_2105 : i32
    %add3A_2107 = arith.addi %shift_right_logical3A_580, %add3A_2106 : i32
    %and3A_2108 = arith.constant 4095 : i32
    %and3A_2109 = arith.andi %add3A_2107, %and3A_2108 : i32
    %mul3A_2110 = arith.constant 32 : i32
    %mul3A_2111 = arith.muli %and3A_2109, %mul3A_2110 : i32
    "tpu.region"() ({
      %run_scoped3A = tpu.sem_alloc : memref<!tpu.dma_semaphore, #tpu.memory_space<semaphore_mem>>
      %dma_start3A_2708 = arith.constant 416 : i32
      %dma_start3A_2709 = arith.constant 0 : i32
      %dma_start3A_2710 = tpu.memref_slice %arg25[%dma_start3A_2708, %dma_start3A_2709] : memref<512x10xi8, #tpu.memory_space<vmem>> -> memref<32x10xi8, #tpu.memory_space<vmem>>
      %dma_start3A_2711 = arith.constant 0 : i32
      %dma_start3A_2712 = tpu.memref_slice %arg13[%mul3A_2111, %dma_start3A_2711] : memref<131072x10xi8, #tpu.memory_space<hbm>> -> memref<32x10xi8, #tpu.memory_space<hbm>>
      %dma_start3A_2713 = arith.constant 0 : i32
      %dma_start3A_2714 = tpu.memref_slice %arg13[%mul3A_2111, %dma_start3A_2713] : memref<131072x10xi8, #tpu.memory_space<hbm>> -> memref<32x10xi8, #tpu.memory_space<hbm>>
      %dma_start3A_2715 = arith.constant 416 : i32
      %dma_start3A_2716 = arith.constant 0 : i32
      %dma_start3A_2717 = tpu.memref_slice %arg25[%dma_start3A_2715, %dma_start3A_2716] : memref<512x10xi8, #tpu.memory_space<vmem>> -> memref<32x10xi8, #tpu.memory_space<vmem>>
      tpu.enqueue_dma source(%dma_start3A_2717 : memref<32x10xi8, #tpu.memory_space<vmem>>) target(%dma_start3A_2714 : memref<32x10xi8, #tpu.memory_space<hbm>>) target_semaphore(%run_scoped3A : memref<!tpu.dma_semaphore, #tpu.memory_space<semaphore_mem>>)
      %dma_wait3A_2718 = arith.constant 416 : i32
      %dma_wait3A_2719 = arith.constant 0 : i32
      %dma_wait3A_2720 = tpu.memref_slice %arg25[%dma_wait3A_2718, %dma_wait3A_2719] : memref<512x10xi8, #tpu.memory_space<vmem>> -> memref<32x10xi8, #tpu.memory_space<vmem>>
      %dma_wait3A_2721 = arith.constant 0 : i32
      %dma_wait3A_2722 = tpu.memref_slice %arg13[%mul3A_2111, %dma_wait3A_2721] : memref<131072x10xi8, #tpu.memory_space<hbm>> -> memref<32x10xi8, #tpu.memory_space<hbm>>
      %dma_wait3A_2723 = arith.constant 0 : i32
      %dma_wait3A_2724 = tpu.memref_slice %arg13[%mul3A_2111, %dma_wait3A_2723] : memref<131072x10xi8, #tpu.memory_space<hbm>> -> memref<32x10xi8, #tpu.memory_space<hbm>>
      %dma_wait3A_2725 = arith.constant 416 : i32
      %dma_wait3A_2726 = arith.constant 0 : i32
      %dma_wait3A_2727 = tpu.memref_slice %arg25[%dma_wait3A_2725, %dma_wait3A_2726] : memref<512x10xi8, #tpu.memory_space<vmem>> -> memref<32x10xi8, #tpu.memory_space<vmem>>
      tpu.wait_dma2 semaphore(%run_scoped3A : memref<!tpu.dma_semaphore, #tpu.memory_space<semaphore_mem>>) src(%dma_wait3A_2727 : memref<32x10xi8, #tpu.memory_space<vmem>>) dst(%dma_wait3A_2724 : memref<32x10xi8, #tpu.memory_space<hbm>>)
      tpu.yield
    }) : () -> ()
    %add3A_2112 = arith.constant 0 : i32
    %add3A_2113 = arith.addi %mul3A_4, %add3A_2112 : i32
    %jit3A_2114 = arith.constant 32 : i32
    %div3A_2115 = arith.divsi %add3A_2113, %jit3A_2114 : i32
    %sign3A_2116 = arith.constant 0 : i32
    %sign3A_2117 = arith.cmpi sgt, %add3A_2113, %sign3A_2116 : i32
    %sign3A_2118 = arith.extui %sign3A_2117 : i1 to i32
    %sign3A_2119 = arith.constant 0 : i32
    %sign3A_2120 = arith.cmpi slt, %add3A_2113, %sign3A_2119 : i32
    %sign3A_2121 = arith.extui %sign3A_2120 : i1 to i32
    %sign3A_2122 = arith.subi %sign3A_2118, %sign3A_2121 : i32
    %sign3A_2123 = arith.constant 0 : i32
    %sign3A_2124 = arith.cmpi sgt, %jit3A_2114, %sign3A_2123 : i32
    %sign3A_2125 = arith.extui %sign3A_2124 : i1 to i32
    %sign3A_2126 = arith.constant 0 : i32
    %sign3A_2127 = arith.cmpi slt, %jit3A_2114, %sign3A_2126 : i32
    %sign3A_2128 = arith.extui %sign3A_2127 : i1 to i32
    %sign3A_2129 = arith.subi %sign3A_2125, %sign3A_2128 : i32
    %ne3A_2130 = arith.cmpi ne, %sign3A_2122, %sign3A_2129 : i32
    %rem3A_2131 = arith.remsi %add3A_2113, %jit3A_2114 : i32
    %ne3A_2132 = arith.constant 0 : i32
    %ne3A_2133 = arith.cmpi ne, %rem3A_2131, %ne3A_2132 : i32
    %and3A_2134 = arith.andi %ne3A_2130, %ne3A_2133 : i1
    %sub3A_2135 = arith.constant 1 : i32
    %sub3A_2136 = arith.subi %div3A_2115, %sub3A_2135 : i32
    %select_n3A_2137 = arith.select %and3A_2134, %sub3A_2136, %div3A_2115 : i32
    %add3A_2138 = arith.constant 14 : i32
    %add3A_2139 = arith.addi %select_n3A_2137, %add3A_2138 : i32
    %add3A_2140 = arith.addi %shift_right_logical3A_580, %add3A_2139 : i32
    %and3A_2141 = arith.constant 4095 : i32
    %and3A_2142 = arith.andi %add3A_2140, %and3A_2141 : i32
    %mul3A_2143 = arith.constant 32 : i32
    %mul3A_2144 = arith.muli %and3A_2142, %mul3A_2143 : i32
    "tpu.region"() ({
      %run_scoped3A = tpu.sem_alloc : memref<!tpu.dma_semaphore, #tpu.memory_space<semaphore_mem>>
      %dma_start3A_2708 = arith.constant 448 : i32
      %dma_start3A_2709 = arith.constant 0 : i32
      %dma_start3A_2710 = tpu.memref_slice %arg25[%dma_start3A_2708, %dma_start3A_2709] : memref<512x10xi8, #tpu.memory_space<vmem>> -> memref<32x10xi8, #tpu.memory_space<vmem>>
      %dma_start3A_2711 = arith.constant 0 : i32
      %dma_start3A_2712 = tpu.memref_slice %arg13[%mul3A_2144, %dma_start3A_2711] : memref<131072x10xi8, #tpu.memory_space<hbm>> -> memref<32x10xi8, #tpu.memory_space<hbm>>
      %dma_start3A_2713 = arith.constant 0 : i32
      %dma_start3A_2714 = tpu.memref_slice %arg13[%mul3A_2144, %dma_start3A_2713] : memref<131072x10xi8, #tpu.memory_space<hbm>> -> memref<32x10xi8, #tpu.memory_space<hbm>>
      %dma_start3A_2715 = arith.constant 448 : i32
      %dma_start3A_2716 = arith.constant 0 : i32
      %dma_start3A_2717 = tpu.memref_slice %arg25[%dma_start3A_2715, %dma_start3A_2716] : memref<512x10xi8, #tpu.memory_space<vmem>> -> memref<32x10xi8, #tpu.memory_space<vmem>>
      tpu.enqueue_dma source(%dma_start3A_2717 : memref<32x10xi8, #tpu.memory_space<vmem>>) target(%dma_start3A_2714 : memref<32x10xi8, #tpu.memory_space<hbm>>) target_semaphore(%run_scoped3A : memref<!tpu.dma_semaphore, #tpu.memory_space<semaphore_mem>>)
      %dma_wait3A_2718 = arith.constant 448 : i32
      %dma_wait3A_2719 = arith.constant 0 : i32
      %dma_wait3A_2720 = tpu.memref_slice %arg25[%dma_wait3A_2718, %dma_wait3A_2719] : memref<512x10xi8, #tpu.memory_space<vmem>> -> memref<32x10xi8, #tpu.memory_space<vmem>>
      %dma_wait3A_2721 = arith.constant 0 : i32
      %dma_wait3A_2722 = tpu.memref_slice %arg13[%mul3A_2144, %dma_wait3A_2721] : memref<131072x10xi8, #tpu.memory_space<hbm>> -> memref<32x10xi8, #tpu.memory_space<hbm>>
      %dma_wait3A_2723 = arith.constant 0 : i32
      %dma_wait3A_2724 = tpu.memref_slice %arg13[%mul3A_2144, %dma_wait3A_2723] : memref<131072x10xi8, #tpu.memory_space<hbm>> -> memref<32x10xi8, #tpu.memory_space<hbm>>
      %dma_wait3A_2725 = arith.constant 448 : i32
      %dma_wait3A_2726 = arith.constant 0 : i32
      %dma_wait3A_2727 = tpu.memref_slice %arg25[%dma_wait3A_2725, %dma_wait3A_2726] : memref<512x10xi8, #tpu.memory_space<vmem>> -> memref<32x10xi8, #tpu.memory_space<vmem>>
      tpu.wait_dma2 semaphore(%run_scoped3A : memref<!tpu.dma_semaphore, #tpu.memory_space<semaphore_mem>>) src(%dma_wait3A_2727 : memref<32x10xi8, #tpu.memory_space<vmem>>) dst(%dma_wait3A_2724 : memref<32x10xi8, #tpu.memory_space<hbm>>)
      tpu.yield
    }) : () -> ()
    %add3A_2145 = arith.constant 0 : i32
    %add3A_2146 = arith.addi %mul3A_4, %add3A_2145 : i32
    %jit3A_2147 = arith.constant 32 : i32
    %div3A_2148 = arith.divsi %add3A_2146, %jit3A_2147 : i32
    %sign3A_2149 = arith.constant 0 : i32
    %sign3A_2150 = arith.cmpi sgt, %add3A_2146, %sign3A_2149 : i32
    %sign3A_2151 = arith.extui %sign3A_2150 : i1 to i32
    %sign3A_2152 = arith.constant 0 : i32
    %sign3A_2153 = arith.cmpi slt, %add3A_2146, %sign3A_2152 : i32
    %sign3A_2154 = arith.extui %sign3A_2153 : i1 to i32
    %sign3A_2155 = arith.subi %sign3A_2151, %sign3A_2154 : i32
    %sign3A_2156 = arith.constant 0 : i32
    %sign3A_2157 = arith.cmpi sgt, %jit3A_2147, %sign3A_2156 : i32
    %sign3A_2158 = arith.extui %sign3A_2157 : i1 to i32
    %sign3A_2159 = arith.constant 0 : i32
    %sign3A_2160 = arith.cmpi slt, %jit3A_2147, %sign3A_2159 : i32
    %sign3A_2161 = arith.extui %sign3A_2160 : i1 to i32
    %sign3A_2162 = arith.subi %sign3A_2158, %sign3A_2161 : i32
    %ne3A_2163 = arith.cmpi ne, %sign3A_2155, %sign3A_2162 : i32
    %rem3A_2164 = arith.remsi %add3A_2146, %jit3A_2147 : i32
    %ne3A_2165 = arith.constant 0 : i32
    %ne3A_2166 = arith.cmpi ne, %rem3A_2164, %ne3A_2165 : i32
    %and3A_2167 = arith.andi %ne3A_2163, %ne3A_2166 : i1
    %sub3A_2168 = arith.constant 1 : i32
    %sub3A_2169 = arith.subi %div3A_2148, %sub3A_2168 : i32
    %select_n3A_2170 = arith.select %and3A_2167, %sub3A_2169, %div3A_2148 : i32
    %add3A_2171 = arith.constant 15 : i32
    %add3A_2172 = arith.addi %select_n3A_2170, %add3A_2171 : i32
    %add3A_2173 = arith.addi %shift_right_logical3A_580, %add3A_2172 : i32
    %and3A_2174 = arith.constant 4095 : i32
    %and3A_2175 = arith.andi %add3A_2173, %and3A_2174 : i32
    %mul3A_2176 = arith.constant 32 : i32
    %mul3A_2177 = arith.muli %and3A_2175, %mul3A_2176 : i32
    "tpu.region"() ({
      %run_scoped3A = tpu.sem_alloc : memref<!tpu.dma_semaphore, #tpu.memory_space<semaphore_mem>>
      %dma_start3A_2708 = arith.constant 480 : i32
      %dma_start3A_2709 = arith.constant 0 : i32
      %dma_start3A_2710 = tpu.memref_slice %arg25[%dma_start3A_2708, %dma_start3A_2709] : memref<512x10xi8, #tpu.memory_space<vmem>> -> memref<32x10xi8, #tpu.memory_space<vmem>>
      %dma_start3A_2711 = arith.constant 0 : i32
      %dma_start3A_2712 = tpu.memref_slice %arg13[%mul3A_2177, %dma_start3A_2711] : memref<131072x10xi8, #tpu.memory_space<hbm>> -> memref<32x10xi8, #tpu.memory_space<hbm>>
      %dma_start3A_2713 = arith.constant 0 : i32
      %dma_start3A_2714 = tpu.memref_slice %arg13[%mul3A_2177, %dma_start3A_2713] : memref<131072x10xi8, #tpu.memory_space<hbm>> -> memref<32x10xi8, #tpu.memory_space<hbm>>
      %dma_start3A_2715 = arith.constant 480 : i32
      %dma_start3A_2716 = arith.constant 0 : i32
      %dma_start3A_2717 = tpu.memref_slice %arg25[%dma_start3A_2715, %dma_start3A_2716] : memref<512x10xi8, #tpu.memory_space<vmem>> -> memref<32x10xi8, #tpu.memory_space<vmem>>
      tpu.enqueue_dma source(%dma_start3A_2717 : memref<32x10xi8, #tpu.memory_space<vmem>>) target(%dma_start3A_2714 : memref<32x10xi8, #tpu.memory_space<hbm>>) target_semaphore(%run_scoped3A : memref<!tpu.dma_semaphore, #tpu.memory_space<semaphore_mem>>)
      %dma_wait3A_2718 = arith.constant 480 : i32
      %dma_wait3A_2719 = arith.constant 0 : i32
      %dma_wait3A_2720 = tpu.memref_slice %arg25[%dma_wait3A_2718, %dma_wait3A_2719] : memref<512x10xi8, #tpu.memory_space<vmem>> -> memref<32x10xi8, #tpu.memory_space<vmem>>
      %dma_wait3A_2721 = arith.constant 0 : i32
      %dma_wait3A_2722 = tpu.memref_slice %arg13[%mul3A_2177, %dma_wait3A_2721] : memref<131072x10xi8, #tpu.memory_space<hbm>> -> memref<32x10xi8, #tpu.memory_space<hbm>>
      %dma_wait3A_2723 = arith.constant 0 : i32
      %dma_wait3A_2724 = tpu.memref_slice %arg13[%mul3A_2177, %dma_wait3A_2723] : memref<131072x10xi8, #tpu.memory_space<hbm>> -> memref<32x10xi8, #tpu.memory_space<hbm>>
      %dma_wait3A_2725 = arith.constant 480 : i32
      %dma_wait3A_2726 = arith.constant 0 : i32
      %dma_wait3A_2727 = tpu.memref_slice %arg25[%dma_wait3A_2725, %dma_wait3A_2726] : memref<512x10xi8, #tpu.memory_space<vmem>> -> memref<32x10xi8, #tpu.memory_space<vmem>>
      tpu.wait_dma2 semaphore(%run_scoped3A : memref<!tpu.dma_semaphore, #tpu.memory_space<semaphore_mem>>) src(%dma_wait3A_2727 : memref<32x10xi8, #tpu.memory_space<vmem>>) dst(%dma_wait3A_2724 : memref<32x10xi8, #tpu.memory_space<hbm>>)
      tpu.yield
    }) : () -> ()
    %add3A_2178 = arith.constant 0 : i32
    %add3A_2179 = arith.addi %mul3A_4, %add3A_2178 : i32
    "tpu.region"() ({
      %run_scoped3A = tpu.sem_alloc : memref<!tpu.dma_semaphore, #tpu.memory_space<semaphore_mem>>
      %dma_start3A_2708 = arith.constant 0 : i32
      %dma_start3A_2709 = tpu.memref_slice %arg7[%add3A_2179, %dma_start3A_2708] : memref<16384x1xi8, #tpu.memory_space<hbm>> -> memref<512x1xi8, #tpu.memory_space<hbm>>
      %dma_start3A_2710 = arith.constant 0 : i32
      %dma_start3A_2711 = tpu.memref_slice %arg7[%add3A_2179, %dma_start3A_2710] : memref<16384x1xi8, #tpu.memory_space<hbm>> -> memref<512x1xi8, #tpu.memory_space<hbm>>
      tpu.enqueue_dma source(%dma_start3A_2711 : memref<512x1xi8, #tpu.memory_space<hbm>>) target(%arg26 : memref<512x1xi8, #tpu.memory_space<vmem>>) target_semaphore(%run_scoped3A : memref<!tpu.dma_semaphore, #tpu.memory_space<semaphore_mem>>)
      %dma_wait3A_2712 = arith.constant 0 : i32
      %dma_wait3A_2713 = tpu.memref_slice %arg7[%add3A_2179, %dma_wait3A_2712] : memref<16384x1xi8, #tpu.memory_space<hbm>> -> memref<512x1xi8, #tpu.memory_space<hbm>>
      %dma_wait3A_2714 = arith.constant 0 : i32
      %dma_wait3A_2715 = tpu.memref_slice %arg7[%add3A_2179, %dma_wait3A_2714] : memref<16384x1xi8, #tpu.memory_space<hbm>> -> memref<512x1xi8, #tpu.memory_space<hbm>>
      tpu.wait_dma2 semaphore(%run_scoped3A : memref<!tpu.dma_semaphore, #tpu.memory_space<semaphore_mem>>) src(%dma_wait3A_2715 : memref<512x1xi8, #tpu.memory_space<hbm>>) dst(%arg26 : memref<512x1xi8, #tpu.memory_space<vmem>>)
      tpu.yield
    }) : () -> ()
    %add3A_2180 = arith.constant 0 : i32
    %add3A_2181 = arith.addi %mul3A_4, %add3A_2180 : i32
    %jit3A_2182 = arith.constant 32 : i32
    %div3A_2183 = arith.divsi %add3A_2181, %jit3A_2182 : i32
    %sign3A_2184 = arith.constant 0 : i32
    %sign3A_2185 = arith.cmpi sgt, %add3A_2181, %sign3A_2184 : i32
    %sign3A_2186 = arith.extui %sign3A_2185 : i1 to i32
    %sign3A_2187 = arith.constant 0 : i32
    %sign3A_2188 = arith.cmpi slt, %add3A_2181, %sign3A_2187 : i32
    %sign3A_2189 = arith.extui %sign3A_2188 : i1 to i32
    %sign3A_2190 = arith.subi %sign3A_2186, %sign3A_2189 : i32
    %sign3A_2191 = arith.constant 0 : i32
    %sign3A_2192 = arith.cmpi sgt, %jit3A_2182, %sign3A_2191 : i32
    %sign3A_2193 = arith.extui %sign3A_2192 : i1 to i32
    %sign3A_2194 = arith.constant 0 : i32
    %sign3A_2195 = arith.cmpi slt, %jit3A_2182, %sign3A_2194 : i32
    %sign3A_2196 = arith.extui %sign3A_2195 : i1 to i32
    %sign3A_2197 = arith.subi %sign3A_2193, %sign3A_2196 : i32
    %ne3A_2198 = arith.cmpi ne, %sign3A_2190, %sign3A_2197 : i32
    %rem3A_2199 = arith.remsi %add3A_2181, %jit3A_2182 : i32
    %ne3A_2200 = arith.constant 0 : i32
    %ne3A_2201 = arith.cmpi ne, %rem3A_2199, %ne3A_2200 : i32
    %and3A_2202 = arith.andi %ne3A_2198, %ne3A_2201 : i1
    %sub3A_2203 = arith.constant 1 : i32
    %sub3A_2204 = arith.subi %div3A_2183, %sub3A_2203 : i32
    %select_n3A_2205 = arith.select %and3A_2202, %sub3A_2204, %div3A_2183 : i32
    %add3A_2206 = arith.constant 0 : i32
    %add3A_2207 = arith.addi %select_n3A_2205, %add3A_2206 : i32
    %add3A_2208 = arith.addi %shift_right_logical3A_580, %add3A_2207 : i32
    %and3A_2209 = arith.constant 4095 : i32
    %and3A_2210 = arith.andi %add3A_2208, %and3A_2209 : i32
    %mul3A_2211 = arith.constant 32 : i32
    %mul3A_2212 = arith.muli %and3A_2210, %mul3A_2211 : i32
    "tpu.region"() ({
      %run_scoped3A = tpu.sem_alloc : memref<!tpu.dma_semaphore, #tpu.memory_space<semaphore_mem>>
      %dma_start3A_2708 = arith.constant 0 : i32
      %dma_start3A_2709 = arith.constant 0 : i32
      %dma_start3A_2710 = tpu.memref_slice %arg26[%dma_start3A_2708, %dma_start3A_2709] : memref<512x1xi8, #tpu.memory_space<vmem>> -> memref<32x1xi8, #tpu.memory_space<vmem>>
      %dma_start3A_2711 = arith.constant 0 : i32
      %dma_start3A_2712 = tpu.memref_slice %arg14[%mul3A_2212, %dma_start3A_2711] : memref<131072x1xi8, #tpu.memory_space<hbm>> -> memref<32x1xi8, #tpu.memory_space<hbm>>
      %dma_start3A_2713 = arith.constant 0 : i32
      %dma_start3A_2714 = tpu.memref_slice %arg14[%mul3A_2212, %dma_start3A_2713] : memref<131072x1xi8, #tpu.memory_space<hbm>> -> memref<32x1xi8, #tpu.memory_space<hbm>>
      %dma_start3A_2715 = arith.constant 0 : i32
      %dma_start3A_2716 = arith.constant 0 : i32
      %dma_start3A_2717 = tpu.memref_slice %arg26[%dma_start3A_2715, %dma_start3A_2716] : memref<512x1xi8, #tpu.memory_space<vmem>> -> memref<32x1xi8, #tpu.memory_space<vmem>>
      tpu.enqueue_dma source(%dma_start3A_2717 : memref<32x1xi8, #tpu.memory_space<vmem>>) target(%dma_start3A_2714 : memref<32x1xi8, #tpu.memory_space<hbm>>) target_semaphore(%run_scoped3A : memref<!tpu.dma_semaphore, #tpu.memory_space<semaphore_mem>>)
      %dma_wait3A_2718 = arith.constant 0 : i32
      %dma_wait3A_2719 = arith.constant 0 : i32
      %dma_wait3A_2720 = tpu.memref_slice %arg26[%dma_wait3A_2718, %dma_wait3A_2719] : memref<512x1xi8, #tpu.memory_space<vmem>> -> memref<32x1xi8, #tpu.memory_space<vmem>>
      %dma_wait3A_2721 = arith.constant 0 : i32
      %dma_wait3A_2722 = tpu.memref_slice %arg14[%mul3A_2212, %dma_wait3A_2721] : memref<131072x1xi8, #tpu.memory_space<hbm>> -> memref<32x1xi8, #tpu.memory_space<hbm>>
      %dma_wait3A_2723 = arith.constant 0 : i32
      %dma_wait3A_2724 = tpu.memref_slice %arg14[%mul3A_2212, %dma_wait3A_2723] : memref<131072x1xi8, #tpu.memory_space<hbm>> -> memref<32x1xi8, #tpu.memory_space<hbm>>
      %dma_wait3A_2725 = arith.constant 0 : i32
      %dma_wait3A_2726 = arith.constant 0 : i32
      %dma_wait3A_2727 = tpu.memref_slice %arg26[%dma_wait3A_2725, %dma_wait3A_2726] : memref<512x1xi8, #tpu.memory_space<vmem>> -> memref<32x1xi8, #tpu.memory_space<vmem>>
      tpu.wait_dma2 semaphore(%run_scoped3A : memref<!tpu.dma_semaphore, #tpu.memory_space<semaphore_mem>>) src(%dma_wait3A_2727 : memref<32x1xi8, #tpu.memory_space<vmem>>) dst(%dma_wait3A_2724 : memref<32x1xi8, #tpu.memory_space<hbm>>)
      tpu.yield
    }) : () -> ()
    %add3A_2213 = arith.constant 0 : i32
    %add3A_2214 = arith.addi %mul3A_4, %add3A_2213 : i32
    %jit3A_2215 = arith.constant 32 : i32
    %div3A_2216 = arith.divsi %add3A_2214, %jit3A_2215 : i32
    %sign3A_2217 = arith.constant 0 : i32
    %sign3A_2218 = arith.cmpi sgt, %add3A_2214, %sign3A_2217 : i32
    %sign3A_2219 = arith.extui %sign3A_2218 : i1 to i32
    %sign3A_2220 = arith.constant 0 : i32
    %sign3A_2221 = arith.cmpi slt, %add3A_2214, %sign3A_2220 : i32
    %sign3A_2222 = arith.extui %sign3A_2221 : i1 to i32
    %sign3A_2223 = arith.subi %sign3A_2219, %sign3A_2222 : i32
    %sign3A_2224 = arith.constant 0 : i32
    %sign3A_2225 = arith.cmpi sgt, %jit3A_2215, %sign3A_2224 : i32
    %sign3A_2226 = arith.extui %sign3A_2225 : i1 to i32
    %sign3A_2227 = arith.constant 0 : i32
    %sign3A_2228 = arith.cmpi slt, %jit3A_2215, %sign3A_2227 : i32
    %sign3A_2229 = arith.extui %sign3A_2228 : i1 to i32
    %sign3A_2230 = arith.subi %sign3A_2226, %sign3A_2229 : i32
    %ne3A_2231 = arith.cmpi ne, %sign3A_2223, %sign3A_2230 : i32
    %rem3A_2232 = arith.remsi %add3A_2214, %jit3A_2215 : i32
    %ne3A_2233 = arith.constant 0 : i32
    %ne3A_2234 = arith.cmpi ne, %rem3A_2232, %ne3A_2233 : i32
    %and3A_2235 = arith.andi %ne3A_2231, %ne3A_2234 : i1
    %sub3A_2236 = arith.constant 1 : i32
    %sub3A_2237 = arith.subi %div3A_2216, %sub3A_2236 : i32
    %select_n3A_2238 = arith.select %and3A_2235, %sub3A_2237, %div3A_2216 : i32
    %add3A_2239 = arith.constant 1 : i32
    %add3A_2240 = arith.addi %select_n3A_2238, %add3A_2239 : i32
    %add3A_2241 = arith.addi %shift_right_logical3A_580, %add3A_2240 : i32
    %and3A_2242 = arith.constant 4095 : i32
    %and3A_2243 = arith.andi %add3A_2241, %and3A_2242 : i32
    %mul3A_2244 = arith.constant 32 : i32
    %mul3A_2245 = arith.muli %and3A_2243, %mul3A_2244 : i32
    "tpu.region"() ({
      %run_scoped3A = tpu.sem_alloc : memref<!tpu.dma_semaphore, #tpu.memory_space<semaphore_mem>>
      %dma_start3A_2708 = arith.constant 32 : i32
      %dma_start3A_2709 = arith.constant 0 : i32
      %dma_start3A_2710 = tpu.memref_slice %arg26[%dma_start3A_2708, %dma_start3A_2709] : memref<512x1xi8, #tpu.memory_space<vmem>> -> memref<32x1xi8, #tpu.memory_space<vmem>>
      %dma_start3A_2711 = arith.constant 0 : i32
      %dma_start3A_2712 = tpu.memref_slice %arg14[%mul3A_2245, %dma_start3A_2711] : memref<131072x1xi8, #tpu.memory_space<hbm>> -> memref<32x1xi8, #tpu.memory_space<hbm>>
      %dma_start3A_2713 = arith.constant 0 : i32
      %dma_start3A_2714 = tpu.memref_slice %arg14[%mul3A_2245, %dma_start3A_2713] : memref<131072x1xi8, #tpu.memory_space<hbm>> -> memref<32x1xi8, #tpu.memory_space<hbm>>
      %dma_start3A_2715 = arith.constant 32 : i32
      %dma_start3A_2716 = arith.constant 0 : i32
      %dma_start3A_2717 = tpu.memref_slice %arg26[%dma_start3A_2715, %dma_start3A_2716] : memref<512x1xi8, #tpu.memory_space<vmem>> -> memref<32x1xi8, #tpu.memory_space<vmem>>
      tpu.enqueue_dma source(%dma_start3A_2717 : memref<32x1xi8, #tpu.memory_space<vmem>>) target(%dma_start3A_2714 : memref<32x1xi8, #tpu.memory_space<hbm>>) target_semaphore(%run_scoped3A : memref<!tpu.dma_semaphore, #tpu.memory_space<semaphore_mem>>)
      %dma_wait3A_2718 = arith.constant 32 : i32
      %dma_wait3A_2719 = arith.constant 0 : i32
      %dma_wait3A_2720 = tpu.memref_slice %arg26[%dma_wait3A_2718, %dma_wait3A_2719] : memref<512x1xi8, #tpu.memory_space<vmem>> -> memref<32x1xi8, #tpu.memory_space<vmem>>
      %dma_wait3A_2721 = arith.constant 0 : i32
      %dma_wait3A_2722 = tpu.memref_slice %arg14[%mul3A_2245, %dma_wait3A_2721] : memref<131072x1xi8, #tpu.memory_space<hbm>> -> memref<32x1xi8, #tpu.memory_space<hbm>>
      %dma_wait3A_2723 = arith.constant 0 : i32
      %dma_wait3A_2724 = tpu.memref_slice %arg14[%mul3A_2245, %dma_wait3A_2723] : memref<131072x1xi8, #tpu.memory_space<hbm>> -> memref<32x1xi8, #tpu.memory_space<hbm>>
      %dma_wait3A_2725 = arith.constant 32 : i32
      %dma_wait3A_2726 = arith.constant 0 : i32
      %dma_wait3A_2727 = tpu.memref_slice %arg26[%dma_wait3A_2725, %dma_wait3A_2726] : memref<512x1xi8, #tpu.memory_space<vmem>> -> memref<32x1xi8, #tpu.memory_space<vmem>>
      tpu.wait_dma2 semaphore(%run_scoped3A : memref<!tpu.dma_semaphore, #tpu.memory_space<semaphore_mem>>) src(%dma_wait3A_2727 : memref<32x1xi8, #tpu.memory_space<vmem>>) dst(%dma_wait3A_2724 : memref<32x1xi8, #tpu.memory_space<hbm>>)
      tpu.yield
    }) : () -> ()
    %add3A_2246 = arith.constant 0 : i32
    %add3A_2247 = arith.addi %mul3A_4, %add3A_2246 : i32
    %jit3A_2248 = arith.constant 32 : i32
    %div3A_2249 = arith.divsi %add3A_2247, %jit3A_2248 : i32
    %sign3A_2250 = arith.constant 0 : i32
    %sign3A_2251 = arith.cmpi sgt, %add3A_2247, %sign3A_2250 : i32
    %sign3A_2252 = arith.extui %sign3A_2251 : i1 to i32
    %sign3A_2253 = arith.constant 0 : i32
    %sign3A_2254 = arith.cmpi slt, %add3A_2247, %sign3A_2253 : i32
    %sign3A_2255 = arith.extui %sign3A_2254 : i1 to i32
    %sign3A_2256 = arith.subi %sign3A_2252, %sign3A_2255 : i32
    %sign3A_2257 = arith.constant 0 : i32
    %sign3A_2258 = arith.cmpi sgt, %jit3A_2248, %sign3A_2257 : i32
    %sign3A_2259 = arith.extui %sign3A_2258 : i1 to i32
    %sign3A_2260 = arith.constant 0 : i32
    %sign3A_2261 = arith.cmpi slt, %jit3A_2248, %sign3A_2260 : i32
    %sign3A_2262 = arith.extui %sign3A_2261 : i1 to i32
    %sign3A_2263 = arith.subi %sign3A_2259, %sign3A_2262 : i32
    %ne3A_2264 = arith.cmpi ne, %sign3A_2256, %sign3A_2263 : i32
    %rem3A_2265 = arith.remsi %add3A_2247, %jit3A_2248 : i32
    %ne3A_2266 = arith.constant 0 : i32
    %ne3A_2267 = arith.cmpi ne, %rem3A_2265, %ne3A_2266 : i32
    %and3A_2268 = arith.andi %ne3A_2264, %ne3A_2267 : i1
    %sub3A_2269 = arith.constant 1 : i32
    %sub3A_2270 = arith.subi %div3A_2249, %sub3A_2269 : i32
    %select_n3A_2271 = arith.select %and3A_2268, %sub3A_2270, %div3A_2249 : i32
    %add3A_2272 = arith.constant 2 : i32
    %add3A_2273 = arith.addi %select_n3A_2271, %add3A_2272 : i32
    %add3A_2274 = arith.addi %shift_right_logical3A_580, %add3A_2273 : i32
    %and3A_2275 = arith.constant 4095 : i32
    %and3A_2276 = arith.andi %add3A_2274, %and3A_2275 : i32
    %mul3A_2277 = arith.constant 32 : i32
    %mul3A_2278 = arith.muli %and3A_2276, %mul3A_2277 : i32
    "tpu.region"() ({
      %run_scoped3A = tpu.sem_alloc : memref<!tpu.dma_semaphore, #tpu.memory_space<semaphore_mem>>
      %dma_start3A_2708 = arith.constant 64 : i32
      %dma_start3A_2709 = arith.constant 0 : i32
      %dma_start3A_2710 = tpu.memref_slice %arg26[%dma_start3A_2708, %dma_start3A_2709] : memref<512x1xi8, #tpu.memory_space<vmem>> -> memref<32x1xi8, #tpu.memory_space<vmem>>
      %dma_start3A_2711 = arith.constant 0 : i32
      %dma_start3A_2712 = tpu.memref_slice %arg14[%mul3A_2278, %dma_start3A_2711] : memref<131072x1xi8, #tpu.memory_space<hbm>> -> memref<32x1xi8, #tpu.memory_space<hbm>>
      %dma_start3A_2713 = arith.constant 0 : i32
      %dma_start3A_2714 = tpu.memref_slice %arg14[%mul3A_2278, %dma_start3A_2713] : memref<131072x1xi8, #tpu.memory_space<hbm>> -> memref<32x1xi8, #tpu.memory_space<hbm>>
      %dma_start3A_2715 = arith.constant 64 : i32
      %dma_start3A_2716 = arith.constant 0 : i32
      %dma_start3A_2717 = tpu.memref_slice %arg26[%dma_start3A_2715, %dma_start3A_2716] : memref<512x1xi8, #tpu.memory_space<vmem>> -> memref<32x1xi8, #tpu.memory_space<vmem>>
      tpu.enqueue_dma source(%dma_start3A_2717 : memref<32x1xi8, #tpu.memory_space<vmem>>) target(%dma_start3A_2714 : memref<32x1xi8, #tpu.memory_space<hbm>>) target_semaphore(%run_scoped3A : memref<!tpu.dma_semaphore, #tpu.memory_space<semaphore_mem>>)
      %dma_wait3A_2718 = arith.constant 64 : i32
      %dma_wait3A_2719 = arith.constant 0 : i32
      %dma_wait3A_2720 = tpu.memref_slice %arg26[%dma_wait3A_2718, %dma_wait3A_2719] : memref<512x1xi8, #tpu.memory_space<vmem>> -> memref<32x1xi8, #tpu.memory_space<vmem>>
      %dma_wait3A_2721 = arith.constant 0 : i32
      %dma_wait3A_2722 = tpu.memref_slice %arg14[%mul3A_2278, %dma_wait3A_2721] : memref<131072x1xi8, #tpu.memory_space<hbm>> -> memref<32x1xi8, #tpu.memory_space<hbm>>
      %dma_wait3A_2723 = arith.constant 0 : i32
      %dma_wait3A_2724 = tpu.memref_slice %arg14[%mul3A_2278, %dma_wait3A_2723] : memref<131072x1xi8, #tpu.memory_space<hbm>> -> memref<32x1xi8, #tpu.memory_space<hbm>>
      %dma_wait3A_2725 = arith.constant 64 : i32
      %dma_wait3A_2726 = arith.constant 0 : i32
      %dma_wait3A_2727 = tpu.memref_slice %arg26[%dma_wait3A_2725, %dma_wait3A_2726] : memref<512x1xi8, #tpu.memory_space<vmem>> -> memref<32x1xi8, #tpu.memory_space<vmem>>
      tpu.wait_dma2 semaphore(%run_scoped3A : memref<!tpu.dma_semaphore, #tpu.memory_space<semaphore_mem>>) src(%dma_wait3A_2727 : memref<32x1xi8, #tpu.memory_space<vmem>>) dst(%dma_wait3A_2724 : memref<32x1xi8, #tpu.memory_space<hbm>>)
      tpu.yield
    }) : () -> ()
    %add3A_2279 = arith.constant 0 : i32
    %add3A_2280 = arith.addi %mul3A_4, %add3A_2279 : i32
    %jit3A_2281 = arith.constant 32 : i32
    %div3A_2282 = arith.divsi %add3A_2280, %jit3A_2281 : i32
    %sign3A_2283 = arith.constant 0 : i32
    %sign3A_2284 = arith.cmpi sgt, %add3A_2280, %sign3A_2283 : i32
    %sign3A_2285 = arith.extui %sign3A_2284 : i1 to i32
    %sign3A_2286 = arith.constant 0 : i32
    %sign3A_2287 = arith.cmpi slt, %add3A_2280, %sign3A_2286 : i32
    %sign3A_2288 = arith.extui %sign3A_2287 : i1 to i32
    %sign3A_2289 = arith.subi %sign3A_2285, %sign3A_2288 : i32
    %sign3A_2290 = arith.constant 0 : i32
    %sign3A_2291 = arith.cmpi sgt, %jit3A_2281, %sign3A_2290 : i32
    %sign3A_2292 = arith.extui %sign3A_2291 : i1 to i32
    %sign3A_2293 = arith.constant 0 : i32
    %sign3A_2294 = arith.cmpi slt, %jit3A_2281, %sign3A_2293 : i32
    %sign3A_2295 = arith.extui %sign3A_2294 : i1 to i32
    %sign3A_2296 = arith.subi %sign3A_2292, %sign3A_2295 : i32
    %ne3A_2297 = arith.cmpi ne, %sign3A_2289, %sign3A_2296 : i32
    %rem3A_2298 = arith.remsi %add3A_2280, %jit3A_2281 : i32
    %ne3A_2299 = arith.constant 0 : i32
    %ne3A_2300 = arith.cmpi ne, %rem3A_2298, %ne3A_2299 : i32
    %and3A_2301 = arith.andi %ne3A_2297, %ne3A_2300 : i1
    %sub3A_2302 = arith.constant 1 : i32
    %sub3A_2303 = arith.subi %div3A_2282, %sub3A_2302 : i32
    %select_n3A_2304 = arith.select %and3A_2301, %sub3A_2303, %div3A_2282 : i32
    %add3A_2305 = arith.constant 3 : i32
    %add3A_2306 = arith.addi %select_n3A_2304, %add3A_2305 : i32
    %add3A_2307 = arith.addi %shift_right_logical3A_580, %add3A_2306 : i32
    %and3A_2308 = arith.constant 4095 : i32
    %and3A_2309 = arith.andi %add3A_2307, %and3A_2308 : i32
    %mul3A_2310 = arith.constant 32 : i32
    %mul3A_2311 = arith.muli %and3A_2309, %mul3A_2310 : i32
    "tpu.region"() ({
      %run_scoped3A = tpu.sem_alloc : memref<!tpu.dma_semaphore, #tpu.memory_space<semaphore_mem>>
      %dma_start3A_2708 = arith.constant 96 : i32
      %dma_start3A_2709 = arith.constant 0 : i32
      %dma_start3A_2710 = tpu.memref_slice %arg26[%dma_start3A_2708, %dma_start3A_2709] : memref<512x1xi8, #tpu.memory_space<vmem>> -> memref<32x1xi8, #tpu.memory_space<vmem>>
      %dma_start3A_2711 = arith.constant 0 : i32
      %dma_start3A_2712 = tpu.memref_slice %arg14[%mul3A_2311, %dma_start3A_2711] : memref<131072x1xi8, #tpu.memory_space<hbm>> -> memref<32x1xi8, #tpu.memory_space<hbm>>
      %dma_start3A_2713 = arith.constant 0 : i32
      %dma_start3A_2714 = tpu.memref_slice %arg14[%mul3A_2311, %dma_start3A_2713] : memref<131072x1xi8, #tpu.memory_space<hbm>> -> memref<32x1xi8, #tpu.memory_space<hbm>>
      %dma_start3A_2715 = arith.constant 96 : i32
      %dma_start3A_2716 = arith.constant 0 : i32
      %dma_start3A_2717 = tpu.memref_slice %arg26[%dma_start3A_2715, %dma_start3A_2716] : memref<512x1xi8, #tpu.memory_space<vmem>> -> memref<32x1xi8, #tpu.memory_space<vmem>>
      tpu.enqueue_dma source(%dma_start3A_2717 : memref<32x1xi8, #tpu.memory_space<vmem>>) target(%dma_start3A_2714 : memref<32x1xi8, #tpu.memory_space<hbm>>) target_semaphore(%run_scoped3A : memref<!tpu.dma_semaphore, #tpu.memory_space<semaphore_mem>>)
      %dma_wait3A_2718 = arith.constant 96 : i32
      %dma_wait3A_2719 = arith.constant 0 : i32
      %dma_wait3A_2720 = tpu.memref_slice %arg26[%dma_wait3A_2718, %dma_wait3A_2719] : memref<512x1xi8, #tpu.memory_space<vmem>> -> memref<32x1xi8, #tpu.memory_space<vmem>>
      %dma_wait3A_2721 = arith.constant 0 : i32
      %dma_wait3A_2722 = tpu.memref_slice %arg14[%mul3A_2311, %dma_wait3A_2721] : memref<131072x1xi8, #tpu.memory_space<hbm>> -> memref<32x1xi8, #tpu.memory_space<hbm>>
      %dma_wait3A_2723 = arith.constant 0 : i32
      %dma_wait3A_2724 = tpu.memref_slice %arg14[%mul3A_2311, %dma_wait3A_2723] : memref<131072x1xi8, #tpu.memory_space<hbm>> -> memref<32x1xi8, #tpu.memory_space<hbm>>
      %dma_wait3A_2725 = arith.constant 96 : i32
      %dma_wait3A_2726 = arith.constant 0 : i32
      %dma_wait3A_2727 = tpu.memref_slice %arg26[%dma_wait3A_2725, %dma_wait3A_2726] : memref<512x1xi8, #tpu.memory_space<vmem>> -> memref<32x1xi8, #tpu.memory_space<vmem>>
      tpu.wait_dma2 semaphore(%run_scoped3A : memref<!tpu.dma_semaphore, #tpu.memory_space<semaphore_mem>>) src(%dma_wait3A_2727 : memref<32x1xi8, #tpu.memory_space<vmem>>) dst(%dma_wait3A_2724 : memref<32x1xi8, #tpu.memory_space<hbm>>)
      tpu.yield
    }) : () -> ()
    %add3A_2312 = arith.constant 0 : i32
    %add3A_2313 = arith.addi %mul3A_4, %add3A_2312 : i32
    %jit3A_2314 = arith.constant 32 : i32
    %div3A_2315 = arith.divsi %add3A_2313, %jit3A_2314 : i32
    %sign3A_2316 = arith.constant 0 : i32
    %sign3A_2317 = arith.cmpi sgt, %add3A_2313, %sign3A_2316 : i32
    %sign3A_2318 = arith.extui %sign3A_2317 : i1 to i32
    %sign3A_2319 = arith.constant 0 : i32
    %sign3A_2320 = arith.cmpi slt, %add3A_2313, %sign3A_2319 : i32
    %sign3A_2321 = arith.extui %sign3A_2320 : i1 to i32
    %sign3A_2322 = arith.subi %sign3A_2318, %sign3A_2321 : i32
    %sign3A_2323 = arith.constant 0 : i32
    %sign3A_2324 = arith.cmpi sgt, %jit3A_2314, %sign3A_2323 : i32
    %sign3A_2325 = arith.extui %sign3A_2324 : i1 to i32
    %sign3A_2326 = arith.constant 0 : i32
    %sign3A_2327 = arith.cmpi slt, %jit3A_2314, %sign3A_2326 : i32
    %sign3A_2328 = arith.extui %sign3A_2327 : i1 to i32
    %sign3A_2329 = arith.subi %sign3A_2325, %sign3A_2328 : i32
    %ne3A_2330 = arith.cmpi ne, %sign3A_2322, %sign3A_2329 : i32
    %rem3A_2331 = arith.remsi %add3A_2313, %jit3A_2314 : i32
    %ne3A_2332 = arith.constant 0 : i32
    %ne3A_2333 = arith.cmpi ne, %rem3A_2331, %ne3A_2332 : i32
    %and3A_2334 = arith.andi %ne3A_2330, %ne3A_2333 : i1
    %sub3A_2335 = arith.constant 1 : i32
    %sub3A_2336 = arith.subi %div3A_2315, %sub3A_2335 : i32
    %select_n3A_2337 = arith.select %and3A_2334, %sub3A_2336, %div3A_2315 : i32
    %add3A_2338 = arith.constant 4 : i32
    %add3A_2339 = arith.addi %select_n3A_2337, %add3A_2338 : i32
    %add3A_2340 = arith.addi %shift_right_logical3A_580, %add3A_2339 : i32
    %and3A_2341 = arith.constant 4095 : i32
    %and3A_2342 = arith.andi %add3A_2340, %and3A_2341 : i32
    %mul3A_2343 = arith.constant 32 : i32
    %mul3A_2344 = arith.muli %and3A_2342, %mul3A_2343 : i32
    "tpu.region"() ({
      %run_scoped3A = tpu.sem_alloc : memref<!tpu.dma_semaphore, #tpu.memory_space<semaphore_mem>>
      %dma_start3A_2708 = arith.constant 128 : i32
      %dma_start3A_2709 = arith.constant 0 : i32
      %dma_start3A_2710 = tpu.memref_slice %arg26[%dma_start3A_2708, %dma_start3A_2709] : memref<512x1xi8, #tpu.memory_space<vmem>> -> memref<32x1xi8, #tpu.memory_space<vmem>>
      %dma_start3A_2711 = arith.constant 0 : i32
      %dma_start3A_2712 = tpu.memref_slice %arg14[%mul3A_2344, %dma_start3A_2711] : memref<131072x1xi8, #tpu.memory_space<hbm>> -> memref<32x1xi8, #tpu.memory_space<hbm>>
      %dma_start3A_2713 = arith.constant 0 : i32
      %dma_start3A_2714 = tpu.memref_slice %arg14[%mul3A_2344, %dma_start3A_2713] : memref<131072x1xi8, #tpu.memory_space<hbm>> -> memref<32x1xi8, #tpu.memory_space<hbm>>
      %dma_start3A_2715 = arith.constant 128 : i32
      %dma_start3A_2716 = arith.constant 0 : i32
      %dma_start3A_2717 = tpu.memref_slice %arg26[%dma_start3A_2715, %dma_start3A_2716] : memref<512x1xi8, #tpu.memory_space<vmem>> -> memref<32x1xi8, #tpu.memory_space<vmem>>
      tpu.enqueue_dma source(%dma_start3A_2717 : memref<32x1xi8, #tpu.memory_space<vmem>>) target(%dma_start3A_2714 : memref<32x1xi8, #tpu.memory_space<hbm>>) target_semaphore(%run_scoped3A : memref<!tpu.dma_semaphore, #tpu.memory_space<semaphore_mem>>)
      %dma_wait3A_2718 = arith.constant 128 : i32
      %dma_wait3A_2719 = arith.constant 0 : i32
      %dma_wait3A_2720 = tpu.memref_slice %arg26[%dma_wait3A_2718, %dma_wait3A_2719] : memref<512x1xi8, #tpu.memory_space<vmem>> -> memref<32x1xi8, #tpu.memory_space<vmem>>
      %dma_wait3A_2721 = arith.constant 0 : i32
      %dma_wait3A_2722 = tpu.memref_slice %arg14[%mul3A_2344, %dma_wait3A_2721] : memref<131072x1xi8, #tpu.memory_space<hbm>> -> memref<32x1xi8, #tpu.memory_space<hbm>>
      %dma_wait3A_2723 = arith.constant 0 : i32
      %dma_wait3A_2724 = tpu.memref_slice %arg14[%mul3A_2344, %dma_wait3A_2723] : memref<131072x1xi8, #tpu.memory_space<hbm>> -> memref<32x1xi8, #tpu.memory_space<hbm>>
      %dma_wait3A_2725 = arith.constant 128 : i32
      %dma_wait3A_2726 = arith.constant 0 : i32
      %dma_wait3A_2727 = tpu.memref_slice %arg26[%dma_wait3A_2725, %dma_wait3A_2726] : memref<512x1xi8, #tpu.memory_space<vmem>> -> memref<32x1xi8, #tpu.memory_space<vmem>>
      tpu.wait_dma2 semaphore(%run_scoped3A : memref<!tpu.dma_semaphore, #tpu.memory_space<semaphore_mem>>) src(%dma_wait3A_2727 : memref<32x1xi8, #tpu.memory_space<vmem>>) dst(%dma_wait3A_2724 : memref<32x1xi8, #tpu.memory_space<hbm>>)
      tpu.yield
    }) : () -> ()
    %add3A_2345 = arith.constant 0 : i32
    %add3A_2346 = arith.addi %mul3A_4, %add3A_2345 : i32
    %jit3A_2347 = arith.constant 32 : i32
    %div3A_2348 = arith.divsi %add3A_2346, %jit3A_2347 : i32
    %sign3A_2349 = arith.constant 0 : i32
    %sign3A_2350 = arith.cmpi sgt, %add3A_2346, %sign3A_2349 : i32
    %sign3A_2351 = arith.extui %sign3A_2350 : i1 to i32
    %sign3A_2352 = arith.constant 0 : i32
    %sign3A_2353 = arith.cmpi slt, %add3A_2346, %sign3A_2352 : i32
    %sign3A_2354 = arith.extui %sign3A_2353 : i1 to i32
    %sign3A_2355 = arith.subi %sign3A_2351, %sign3A_2354 : i32
    %sign3A_2356 = arith.constant 0 : i32
    %sign3A_2357 = arith.cmpi sgt, %jit3A_2347, %sign3A_2356 : i32
    %sign3A_2358 = arith.extui %sign3A_2357 : i1 to i32
    %sign3A_2359 = arith.constant 0 : i32
    %sign3A_2360 = arith.cmpi slt, %jit3A_2347, %sign3A_2359 : i32
    %sign3A_2361 = arith.extui %sign3A_2360 : i1 to i32
    %sign3A_2362 = arith.subi %sign3A_2358, %sign3A_2361 : i32
    %ne3A_2363 = arith.cmpi ne, %sign3A_2355, %sign3A_2362 : i32
    %rem3A_2364 = arith.remsi %add3A_2346, %jit3A_2347 : i32
    %ne3A_2365 = arith.constant 0 : i32
    %ne3A_2366 = arith.cmpi ne, %rem3A_2364, %ne3A_2365 : i32
    %and3A_2367 = arith.andi %ne3A_2363, %ne3A_2366 : i1
    %sub3A_2368 = arith.constant 1 : i32
    %sub3A_2369 = arith.subi %div3A_2348, %sub3A_2368 : i32
    %select_n3A_2370 = arith.select %and3A_2367, %sub3A_2369, %div3A_2348 : i32
    %add3A_2371 = arith.constant 5 : i32
    %add3A_2372 = arith.addi %select_n3A_2370, %add3A_2371 : i32
    %add3A_2373 = arith.addi %shift_right_logical3A_580, %add3A_2372 : i32
    %and3A_2374 = arith.constant 4095 : i32
    %and3A_2375 = arith.andi %add3A_2373, %and3A_2374 : i32
    %mul3A_2376 = arith.constant 32 : i32
    %mul3A_2377 = arith.muli %and3A_2375, %mul3A_2376 : i32
    "tpu.region"() ({
      %run_scoped3A = tpu.sem_alloc : memref<!tpu.dma_semaphore, #tpu.memory_space<semaphore_mem>>
      %dma_start3A_2708 = arith.constant 160 : i32
      %dma_start3A_2709 = arith.constant 0 : i32
      %dma_start3A_2710 = tpu.memref_slice %arg26[%dma_start3A_2708, %dma_start3A_2709] : memref<512x1xi8, #tpu.memory_space<vmem>> -> memref<32x1xi8, #tpu.memory_space<vmem>>
      %dma_start3A_2711 = arith.constant 0 : i32
      %dma_start3A_2712 = tpu.memref_slice %arg14[%mul3A_2377, %dma_start3A_2711] : memref<131072x1xi8, #tpu.memory_space<hbm>> -> memref<32x1xi8, #tpu.memory_space<hbm>>
      %dma_start3A_2713 = arith.constant 0 : i32
      %dma_start3A_2714 = tpu.memref_slice %arg14[%mul3A_2377, %dma_start3A_2713] : memref<131072x1xi8, #tpu.memory_space<hbm>> -> memref<32x1xi8, #tpu.memory_space<hbm>>
      %dma_start3A_2715 = arith.constant 160 : i32
      %dma_start3A_2716 = arith.constant 0 : i32
      %dma_start3A_2717 = tpu.memref_slice %arg26[%dma_start3A_2715, %dma_start3A_2716] : memref<512x1xi8, #tpu.memory_space<vmem>> -> memref<32x1xi8, #tpu.memory_space<vmem>>
      tpu.enqueue_dma source(%dma_start3A_2717 : memref<32x1xi8, #tpu.memory_space<vmem>>) target(%dma_start3A_2714 : memref<32x1xi8, #tpu.memory_space<hbm>>) target_semaphore(%run_scoped3A : memref<!tpu.dma_semaphore, #tpu.memory_space<semaphore_mem>>)
      %dma_wait3A_2718 = arith.constant 160 : i32
      %dma_wait3A_2719 = arith.constant 0 : i32
      %dma_wait3A_2720 = tpu.memref_slice %arg26[%dma_wait3A_2718, %dma_wait3A_2719] : memref<512x1xi8, #tpu.memory_space<vmem>> -> memref<32x1xi8, #tpu.memory_space<vmem>>
      %dma_wait3A_2721 = arith.constant 0 : i32
      %dma_wait3A_2722 = tpu.memref_slice %arg14[%mul3A_2377, %dma_wait3A_2721] : memref<131072x1xi8, #tpu.memory_space<hbm>> -> memref<32x1xi8, #tpu.memory_space<hbm>>
      %dma_wait3A_2723 = arith.constant 0 : i32
      %dma_wait3A_2724 = tpu.memref_slice %arg14[%mul3A_2377, %dma_wait3A_2723] : memref<131072x1xi8, #tpu.memory_space<hbm>> -> memref<32x1xi8, #tpu.memory_space<hbm>>
      %dma_wait3A_2725 = arith.constant 160 : i32
      %dma_wait3A_2726 = arith.constant 0 : i32
      %dma_wait3A_2727 = tpu.memref_slice %arg26[%dma_wait3A_2725, %dma_wait3A_2726] : memref<512x1xi8, #tpu.memory_space<vmem>> -> memref<32x1xi8, #tpu.memory_space<vmem>>
      tpu.wait_dma2 semaphore(%run_scoped3A : memref<!tpu.dma_semaphore, #tpu.memory_space<semaphore_mem>>) src(%dma_wait3A_2727 : memref<32x1xi8, #tpu.memory_space<vmem>>) dst(%dma_wait3A_2724 : memref<32x1xi8, #tpu.memory_space<hbm>>)
      tpu.yield
    }) : () -> ()
    %add3A_2378 = arith.constant 0 : i32
    %add3A_2379 = arith.addi %mul3A_4, %add3A_2378 : i32
    %jit3A_2380 = arith.constant 32 : i32
    %div3A_2381 = arith.divsi %add3A_2379, %jit3A_2380 : i32
    %sign3A_2382 = arith.constant 0 : i32
    %sign3A_2383 = arith.cmpi sgt, %add3A_2379, %sign3A_2382 : i32
    %sign3A_2384 = arith.extui %sign3A_2383 : i1 to i32
    %sign3A_2385 = arith.constant 0 : i32
    %sign3A_2386 = arith.cmpi slt, %add3A_2379, %sign3A_2385 : i32
    %sign3A_2387 = arith.extui %sign3A_2386 : i1 to i32
    %sign3A_2388 = arith.subi %sign3A_2384, %sign3A_2387 : i32
    %sign3A_2389 = arith.constant 0 : i32
    %sign3A_2390 = arith.cmpi sgt, %jit3A_2380, %sign3A_2389 : i32
    %sign3A_2391 = arith.extui %sign3A_2390 : i1 to i32
    %sign3A_2392 = arith.constant 0 : i32
    %sign3A_2393 = arith.cmpi slt, %jit3A_2380, %sign3A_2392 : i32
    %sign3A_2394 = arith.extui %sign3A_2393 : i1 to i32
    %sign3A_2395 = arith.subi %sign3A_2391, %sign3A_2394 : i32
    %ne3A_2396 = arith.cmpi ne, %sign3A_2388, %sign3A_2395 : i32
    %rem3A_2397 = arith.remsi %add3A_2379, %jit3A_2380 : i32
    %ne3A_2398 = arith.constant 0 : i32
    %ne3A_2399 = arith.cmpi ne, %rem3A_2397, %ne3A_2398 : i32
    %and3A_2400 = arith.andi %ne3A_2396, %ne3A_2399 : i1
    %sub3A_2401 = arith.constant 1 : i32
    %sub3A_2402 = arith.subi %div3A_2381, %sub3A_2401 : i32
    %select_n3A_2403 = arith.select %and3A_2400, %sub3A_2402, %div3A_2381 : i32
    %add3A_2404 = arith.constant 6 : i32
    %add3A_2405 = arith.addi %select_n3A_2403, %add3A_2404 : i32
    %add3A_2406 = arith.addi %shift_right_logical3A_580, %add3A_2405 : i32
    %and3A_2407 = arith.constant 4095 : i32
    %and3A_2408 = arith.andi %add3A_2406, %and3A_2407 : i32
    %mul3A_2409 = arith.constant 32 : i32
    %mul3A_2410 = arith.muli %and3A_2408, %mul3A_2409 : i32
    "tpu.region"() ({
      %run_scoped3A = tpu.sem_alloc : memref<!tpu.dma_semaphore, #tpu.memory_space<semaphore_mem>>
      %dma_start3A_2708 = arith.constant 192 : i32
      %dma_start3A_2709 = arith.constant 0 : i32
      %dma_start3A_2710 = tpu.memref_slice %arg26[%dma_start3A_2708, %dma_start3A_2709] : memref<512x1xi8, #tpu.memory_space<vmem>> -> memref<32x1xi8, #tpu.memory_space<vmem>>
      %dma_start3A_2711 = arith.constant 0 : i32
      %dma_start3A_2712 = tpu.memref_slice %arg14[%mul3A_2410, %dma_start3A_2711] : memref<131072x1xi8, #tpu.memory_space<hbm>> -> memref<32x1xi8, #tpu.memory_space<hbm>>
      %dma_start3A_2713 = arith.constant 0 : i32
      %dma_start3A_2714 = tpu.memref_slice %arg14[%mul3A_2410, %dma_start3A_2713] : memref<131072x1xi8, #tpu.memory_space<hbm>> -> memref<32x1xi8, #tpu.memory_space<hbm>>
      %dma_start3A_2715 = arith.constant 192 : i32
      %dma_start3A_2716 = arith.constant 0 : i32
      %dma_start3A_2717 = tpu.memref_slice %arg26[%dma_start3A_2715, %dma_start3A_2716] : memref<512x1xi8, #tpu.memory_space<vmem>> -> memref<32x1xi8, #tpu.memory_space<vmem>>
      tpu.enqueue_dma source(%dma_start3A_2717 : memref<32x1xi8, #tpu.memory_space<vmem>>) target(%dma_start3A_2714 : memref<32x1xi8, #tpu.memory_space<hbm>>) target_semaphore(%run_scoped3A : memref<!tpu.dma_semaphore, #tpu.memory_space<semaphore_mem>>)
      %dma_wait3A_2718 = arith.constant 192 : i32
      %dma_wait3A_2719 = arith.constant 0 : i32
      %dma_wait3A_2720 = tpu.memref_slice %arg26[%dma_wait3A_2718, %dma_wait3A_2719] : memref<512x1xi8, #tpu.memory_space<vmem>> -> memref<32x1xi8, #tpu.memory_space<vmem>>
      %dma_wait3A_2721 = arith.constant 0 : i32
      %dma_wait3A_2722 = tpu.memref_slice %arg14[%mul3A_2410, %dma_wait3A_2721] : memref<131072x1xi8, #tpu.memory_space<hbm>> -> memref<32x1xi8, #tpu.memory_space<hbm>>
      %dma_wait3A_2723 = arith.constant 0 : i32
      %dma_wait3A_2724 = tpu.memref_slice %arg14[%mul3A_2410, %dma_wait3A_2723] : memref<131072x1xi8, #tpu.memory_space<hbm>> -> memref<32x1xi8, #tpu.memory_space<hbm>>
      %dma_wait3A_2725 = arith.constant 192 : i32
      %dma_wait3A_2726 = arith.constant 0 : i32
      %dma_wait3A_2727 = tpu.memref_slice %arg26[%dma_wait3A_2725, %dma_wait3A_2726] : memref<512x1xi8, #tpu.memory_space<vmem>> -> memref<32x1xi8, #tpu.memory_space<vmem>>
      tpu.wait_dma2 semaphore(%run_scoped3A : memref<!tpu.dma_semaphore, #tpu.memory_space<semaphore_mem>>) src(%dma_wait3A_2727 : memref<32x1xi8, #tpu.memory_space<vmem>>) dst(%dma_wait3A_2724 : memref<32x1xi8, #tpu.memory_space<hbm>>)
      tpu.yield
    }) : () -> ()
    %add3A_2411 = arith.constant 0 : i32
    %add3A_2412 = arith.addi %mul3A_4, %add3A_2411 : i32
    %jit3A_2413 = arith.constant 32 : i32
    %div3A_2414 = arith.divsi %add3A_2412, %jit3A_2413 : i32
    %sign3A_2415 = arith.constant 0 : i32
    %sign3A_2416 = arith.cmpi sgt, %add3A_2412, %sign3A_2415 : i32
    %sign3A_2417 = arith.extui %sign3A_2416 : i1 to i32
    %sign3A_2418 = arith.constant 0 : i32
    %sign3A_2419 = arith.cmpi slt, %add3A_2412, %sign3A_2418 : i32
    %sign3A_2420 = arith.extui %sign3A_2419 : i1 to i32
    %sign3A_2421 = arith.subi %sign3A_2417, %sign3A_2420 : i32
    %sign3A_2422 = arith.constant 0 : i32
    %sign3A_2423 = arith.cmpi sgt, %jit3A_2413, %sign3A_2422 : i32
    %sign3A_2424 = arith.extui %sign3A_2423 : i1 to i32
    %sign3A_2425 = arith.constant 0 : i32
    %sign3A_2426 = arith.cmpi slt, %jit3A_2413, %sign3A_2425 : i32
    %sign3A_2427 = arith.extui %sign3A_2426 : i1 to i32
    %sign3A_2428 = arith.subi %sign3A_2424, %sign3A_2427 : i32
    %ne3A_2429 = arith.cmpi ne, %sign3A_2421, %sign3A_2428 : i32
    %rem3A_2430 = arith.remsi %add3A_2412, %jit3A_2413 : i32
    %ne3A_2431 = arith.constant 0 : i32
    %ne3A_2432 = arith.cmpi ne, %rem3A_2430, %ne3A_2431 : i32
    %and3A_2433 = arith.andi %ne3A_2429, %ne3A_2432 : i1
    %sub3A_2434 = arith.constant 1 : i32
    %sub3A_2435 = arith.subi %div3A_2414, %sub3A_2434 : i32
    %select_n3A_2436 = arith.select %and3A_2433, %sub3A_2435, %div3A_2414 : i32
    %add3A_2437 = arith.constant 7 : i32
    %add3A_2438 = arith.addi %select_n3A_2436, %add3A_2437 : i32
    %add3A_2439 = arith.addi %shift_right_logical3A_580, %add3A_2438 : i32
    %and3A_2440 = arith.constant 4095 : i32
    %and3A_2441 = arith.andi %add3A_2439, %and3A_2440 : i32
    %mul3A_2442 = arith.constant 32 : i32
    %mul3A_2443 = arith.muli %and3A_2441, %mul3A_2442 : i32
    "tpu.region"() ({
      %run_scoped3A = tpu.sem_alloc : memref<!tpu.dma_semaphore, #tpu.memory_space<semaphore_mem>>
      %dma_start3A_2708 = arith.constant 224 : i32
      %dma_start3A_2709 = arith.constant 0 : i32
      %dma_start3A_2710 = tpu.memref_slice %arg26[%dma_start3A_2708, %dma_start3A_2709] : memref<512x1xi8, #tpu.memory_space<vmem>> -> memref<32x1xi8, #tpu.memory_space<vmem>>
      %dma_start3A_2711 = arith.constant 0 : i32
      %dma_start3A_2712 = tpu.memref_slice %arg14[%mul3A_2443, %dma_start3A_2711] : memref<131072x1xi8, #tpu.memory_space<hbm>> -> memref<32x1xi8, #tpu.memory_space<hbm>>
      %dma_start3A_2713 = arith.constant 0 : i32
      %dma_start3A_2714 = tpu.memref_slice %arg14[%mul3A_2443, %dma_start3A_2713] : memref<131072x1xi8, #tpu.memory_space<hbm>> -> memref<32x1xi8, #tpu.memory_space<hbm>>
      %dma_start3A_2715 = arith.constant 224 : i32
      %dma_start3A_2716 = arith.constant 0 : i32
      %dma_start3A_2717 = tpu.memref_slice %arg26[%dma_start3A_2715, %dma_start3A_2716] : memref<512x1xi8, #tpu.memory_space<vmem>> -> memref<32x1xi8, #tpu.memory_space<vmem>>
      tpu.enqueue_dma source(%dma_start3A_2717 : memref<32x1xi8, #tpu.memory_space<vmem>>) target(%dma_start3A_2714 : memref<32x1xi8, #tpu.memory_space<hbm>>) target_semaphore(%run_scoped3A : memref<!tpu.dma_semaphore, #tpu.memory_space<semaphore_mem>>)
      %dma_wait3A_2718 = arith.constant 224 : i32
      %dma_wait3A_2719 = arith.constant 0 : i32
      %dma_wait3A_2720 = tpu.memref_slice %arg26[%dma_wait3A_2718, %dma_wait3A_2719] : memref<512x1xi8, #tpu.memory_space<vmem>> -> memref<32x1xi8, #tpu.memory_space<vmem>>
      %dma_wait3A_2721 = arith.constant 0 : i32
      %dma_wait3A_2722 = tpu.memref_slice %arg14[%mul3A_2443, %dma_wait3A_2721] : memref<131072x1xi8, #tpu.memory_space<hbm>> -> memref<32x1xi8, #tpu.memory_space<hbm>>
      %dma_wait3A_2723 = arith.constant 0 : i32
      %dma_wait3A_2724 = tpu.memref_slice %arg14[%mul3A_2443, %dma_wait3A_2723] : memref<131072x1xi8, #tpu.memory_space<hbm>> -> memref<32x1xi8, #tpu.memory_space<hbm>>
      %dma_wait3A_2725 = arith.constant 224 : i32
      %dma_wait3A_2726 = arith.constant 0 : i32
      %dma_wait3A_2727 = tpu.memref_slice %arg26[%dma_wait3A_2725, %dma_wait3A_2726] : memref<512x1xi8, #tpu.memory_space<vmem>> -> memref<32x1xi8, #tpu.memory_space<vmem>>
      tpu.wait_dma2 semaphore(%run_scoped3A : memref<!tpu.dma_semaphore, #tpu.memory_space<semaphore_mem>>) src(%dma_wait3A_2727 : memref<32x1xi8, #tpu.memory_space<vmem>>) dst(%dma_wait3A_2724 : memref<32x1xi8, #tpu.memory_space<hbm>>)
      tpu.yield
    }) : () -> ()
    %add3A_2444 = arith.constant 0 : i32
    %add3A_2445 = arith.addi %mul3A_4, %add3A_2444 : i32
    %jit3A_2446 = arith.constant 32 : i32
    %div3A_2447 = arith.divsi %add3A_2445, %jit3A_2446 : i32
    %sign3A_2448 = arith.constant 0 : i32
    %sign3A_2449 = arith.cmpi sgt, %add3A_2445, %sign3A_2448 : i32
    %sign3A_2450 = arith.extui %sign3A_2449 : i1 to i32
    %sign3A_2451 = arith.constant 0 : i32
    %sign3A_2452 = arith.cmpi slt, %add3A_2445, %sign3A_2451 : i32
    %sign3A_2453 = arith.extui %sign3A_2452 : i1 to i32
    %sign3A_2454 = arith.subi %sign3A_2450, %sign3A_2453 : i32
    %sign3A_2455 = arith.constant 0 : i32
    %sign3A_2456 = arith.cmpi sgt, %jit3A_2446, %sign3A_2455 : i32
    %sign3A_2457 = arith.extui %sign3A_2456 : i1 to i32
    %sign3A_2458 = arith.constant 0 : i32
    %sign3A_2459 = arith.cmpi slt, %jit3A_2446, %sign3A_2458 : i32
    %sign3A_2460 = arith.extui %sign3A_2459 : i1 to i32
    %sign3A_2461 = arith.subi %sign3A_2457, %sign3A_2460 : i32
    %ne3A_2462 = arith.cmpi ne, %sign3A_2454, %sign3A_2461 : i32
    %rem3A_2463 = arith.remsi %add3A_2445, %jit3A_2446 : i32
    %ne3A_2464 = arith.constant 0 : i32
    %ne3A_2465 = arith.cmpi ne, %rem3A_2463, %ne3A_2464 : i32
    %and3A_2466 = arith.andi %ne3A_2462, %ne3A_2465 : i1
    %sub3A_2467 = arith.constant 1 : i32
    %sub3A_2468 = arith.subi %div3A_2447, %sub3A_2467 : i32
    %select_n3A_2469 = arith.select %and3A_2466, %sub3A_2468, %div3A_2447 : i32
    %add3A_2470 = arith.constant 8 : i32
    %add3A_2471 = arith.addi %select_n3A_2469, %add3A_2470 : i32
    %add3A_2472 = arith.addi %shift_right_logical3A_580, %add3A_2471 : i32
    %and3A_2473 = arith.constant 4095 : i32
    %and3A_2474 = arith.andi %add3A_2472, %and3A_2473 : i32
    %mul3A_2475 = arith.constant 32 : i32
    %mul3A_2476 = arith.muli %and3A_2474, %mul3A_2475 : i32
    "tpu.region"() ({
      %run_scoped3A = tpu.sem_alloc : memref<!tpu.dma_semaphore, #tpu.memory_space<semaphore_mem>>
      %dma_start3A_2708 = arith.constant 256 : i32
      %dma_start3A_2709 = arith.constant 0 : i32
      %dma_start3A_2710 = tpu.memref_slice %arg26[%dma_start3A_2708, %dma_start3A_2709] : memref<512x1xi8, #tpu.memory_space<vmem>> -> memref<32x1xi8, #tpu.memory_space<vmem>>
      %dma_start3A_2711 = arith.constant 0 : i32
      %dma_start3A_2712 = tpu.memref_slice %arg14[%mul3A_2476, %dma_start3A_2711] : memref<131072x1xi8, #tpu.memory_space<hbm>> -> memref<32x1xi8, #tpu.memory_space<hbm>>
      %dma_start3A_2713 = arith.constant 0 : i32
      %dma_start3A_2714 = tpu.memref_slice %arg14[%mul3A_2476, %dma_start3A_2713] : memref<131072x1xi8, #tpu.memory_space<hbm>> -> memref<32x1xi8, #tpu.memory_space<hbm>>
      %dma_start3A_2715 = arith.constant 256 : i32
      %dma_start3A_2716 = arith.constant 0 : i32
      %dma_start3A_2717 = tpu.memref_slice %arg26[%dma_start3A_2715, %dma_start3A_2716] : memref<512x1xi8, #tpu.memory_space<vmem>> -> memref<32x1xi8, #tpu.memory_space<vmem>>
      tpu.enqueue_dma source(%dma_start3A_2717 : memref<32x1xi8, #tpu.memory_space<vmem>>) target(%dma_start3A_2714 : memref<32x1xi8, #tpu.memory_space<hbm>>) target_semaphore(%run_scoped3A : memref<!tpu.dma_semaphore, #tpu.memory_space<semaphore_mem>>)
      %dma_wait3A_2718 = arith.constant 256 : i32
      %dma_wait3A_2719 = arith.constant 0 : i32
      %dma_wait3A_2720 = tpu.memref_slice %arg26[%dma_wait3A_2718, %dma_wait3A_2719] : memref<512x1xi8, #tpu.memory_space<vmem>> -> memref<32x1xi8, #tpu.memory_space<vmem>>
      %dma_wait3A_2721 = arith.constant 0 : i32
      %dma_wait3A_2722 = tpu.memref_slice %arg14[%mul3A_2476, %dma_wait3A_2721] : memref<131072x1xi8, #tpu.memory_space<hbm>> -> memref<32x1xi8, #tpu.memory_space<hbm>>
      %dma_wait3A_2723 = arith.constant 0 : i32
      %dma_wait3A_2724 = tpu.memref_slice %arg14[%mul3A_2476, %dma_wait3A_2723] : memref<131072x1xi8, #tpu.memory_space<hbm>> -> memref<32x1xi8, #tpu.memory_space<hbm>>
      %dma_wait3A_2725 = arith.constant 256 : i32
      %dma_wait3A_2726 = arith.constant 0 : i32
      %dma_wait3A_2727 = tpu.memref_slice %arg26[%dma_wait3A_2725, %dma_wait3A_2726] : memref<512x1xi8, #tpu.memory_space<vmem>> -> memref<32x1xi8, #tpu.memory_space<vmem>>
      tpu.wait_dma2 semaphore(%run_scoped3A : memref<!tpu.dma_semaphore, #tpu.memory_space<semaphore_mem>>) src(%dma_wait3A_2727 : memref<32x1xi8, #tpu.memory_space<vmem>>) dst(%dma_wait3A_2724 : memref<32x1xi8, #tpu.memory_space<hbm>>)
      tpu.yield
    }) : () -> ()
    %add3A_2477 = arith.constant 0 : i32
    %add3A_2478 = arith.addi %mul3A_4, %add3A_2477 : i32
    %jit3A_2479 = arith.constant 32 : i32
    %div3A_2480 = arith.divsi %add3A_2478, %jit3A_2479 : i32
    %sign3A_2481 = arith.constant 0 : i32
    %sign3A_2482 = arith.cmpi sgt, %add3A_2478, %sign3A_2481 : i32
    %sign3A_2483 = arith.extui %sign3A_2482 : i1 to i32
    %sign3A_2484 = arith.constant 0 : i32
    %sign3A_2485 = arith.cmpi slt, %add3A_2478, %sign3A_2484 : i32
    %sign3A_2486 = arith.extui %sign3A_2485 : i1 to i32
    %sign3A_2487 = arith.subi %sign3A_2483, %sign3A_2486 : i32
    %sign3A_2488 = arith.constant 0 : i32
    %sign3A_2489 = arith.cmpi sgt, %jit3A_2479, %sign3A_2488 : i32
    %sign3A_2490 = arith.extui %sign3A_2489 : i1 to i32
    %sign3A_2491 = arith.constant 0 : i32
    %sign3A_2492 = arith.cmpi slt, %jit3A_2479, %sign3A_2491 : i32
    %sign3A_2493 = arith.extui %sign3A_2492 : i1 to i32
    %sign3A_2494 = arith.subi %sign3A_2490, %sign3A_2493 : i32
    %ne3A_2495 = arith.cmpi ne, %sign3A_2487, %sign3A_2494 : i32
    %rem3A_2496 = arith.remsi %add3A_2478, %jit3A_2479 : i32
    %ne3A_2497 = arith.constant 0 : i32
    %ne3A_2498 = arith.cmpi ne, %rem3A_2496, %ne3A_2497 : i32
    %and3A_2499 = arith.andi %ne3A_2495, %ne3A_2498 : i1
    %sub3A_2500 = arith.constant 1 : i32
    %sub3A_2501 = arith.subi %div3A_2480, %sub3A_2500 : i32
    %select_n3A_2502 = arith.select %and3A_2499, %sub3A_2501, %div3A_2480 : i32
    %add3A_2503 = arith.constant 9 : i32
    %add3A_2504 = arith.addi %select_n3A_2502, %add3A_2503 : i32
    %add3A_2505 = arith.addi %shift_right_logical3A_580, %add3A_2504 : i32
    %and3A_2506 = arith.constant 4095 : i32
    %and3A_2507 = arith.andi %add3A_2505, %and3A_2506 : i32
    %mul3A_2508 = arith.constant 32 : i32
    %mul3A_2509 = arith.muli %and3A_2507, %mul3A_2508 : i32
    "tpu.region"() ({
      %run_scoped3A = tpu.sem_alloc : memref<!tpu.dma_semaphore, #tpu.memory_space<semaphore_mem>>
      %dma_start3A_2708 = arith.constant 288 : i32
      %dma_start3A_2709 = arith.constant 0 : i32
      %dma_start3A_2710 = tpu.memref_slice %arg26[%dma_start3A_2708, %dma_start3A_2709] : memref<512x1xi8, #tpu.memory_space<vmem>> -> memref<32x1xi8, #tpu.memory_space<vmem>>
      %dma_start3A_2711 = arith.constant 0 : i32
      %dma_start3A_2712 = tpu.memref_slice %arg14[%mul3A_2509, %dma_start3A_2711] : memref<131072x1xi8, #tpu.memory_space<hbm>> -> memref<32x1xi8, #tpu.memory_space<hbm>>
      %dma_start3A_2713 = arith.constant 0 : i32
      %dma_start3A_2714 = tpu.memref_slice %arg14[%mul3A_2509, %dma_start3A_2713] : memref<131072x1xi8, #tpu.memory_space<hbm>> -> memref<32x1xi8, #tpu.memory_space<hbm>>
      %dma_start3A_2715 = arith.constant 288 : i32
      %dma_start3A_2716 = arith.constant 0 : i32
      %dma_start3A_2717 = tpu.memref_slice %arg26[%dma_start3A_2715, %dma_start3A_2716] : memref<512x1xi8, #tpu.memory_space<vmem>> -> memref<32x1xi8, #tpu.memory_space<vmem>>
      tpu.enqueue_dma source(%dma_start3A_2717 : memref<32x1xi8, #tpu.memory_space<vmem>>) target(%dma_start3A_2714 : memref<32x1xi8, #tpu.memory_space<hbm>>) target_semaphore(%run_scoped3A : memref<!tpu.dma_semaphore, #tpu.memory_space<semaphore_mem>>)
      %dma_wait3A_2718 = arith.constant 288 : i32
      %dma_wait3A_2719 = arith.constant 0 : i32
      %dma_wait3A_2720 = tpu.memref_slice %arg26[%dma_wait3A_2718, %dma_wait3A_2719] : memref<512x1xi8, #tpu.memory_space<vmem>> -> memref<32x1xi8, #tpu.memory_space<vmem>>
      %dma_wait3A_2721 = arith.constant 0 : i32
      %dma_wait3A_2722 = tpu.memref_slice %arg14[%mul3A_2509, %dma_wait3A_2721] : memref<131072x1xi8, #tpu.memory_space<hbm>> -> memref<32x1xi8, #tpu.memory_space<hbm>>
      %dma_wait3A_2723 = arith.constant 0 : i32
      %dma_wait3A_2724 = tpu.memref_slice %arg14[%mul3A_2509, %dma_wait3A_2723] : memref<131072x1xi8, #tpu.memory_space<hbm>> -> memref<32x1xi8, #tpu.memory_space<hbm>>
      %dma_wait3A_2725 = arith.constant 288 : i32
      %dma_wait3A_2726 = arith.constant 0 : i32
      %dma_wait3A_2727 = tpu.memref_slice %arg26[%dma_wait3A_2725, %dma_wait3A_2726] : memref<512x1xi8, #tpu.memory_space<vmem>> -> memref<32x1xi8, #tpu.memory_space<vmem>>
      tpu.wait_dma2 semaphore(%run_scoped3A : memref<!tpu.dma_semaphore, #tpu.memory_space<semaphore_mem>>) src(%dma_wait3A_2727 : memref<32x1xi8, #tpu.memory_space<vmem>>) dst(%dma_wait3A_2724 : memref<32x1xi8, #tpu.memory_space<hbm>>)
      tpu.yield
    }) : () -> ()
    %add3A_2510 = arith.constant 0 : i32
    %add3A_2511 = arith.addi %mul3A_4, %add3A_2510 : i32
    %jit3A_2512 = arith.constant 32 : i32
    %div3A_2513 = arith.divsi %add3A_2511, %jit3A_2512 : i32
    %sign3A_2514 = arith.constant 0 : i32
    %sign3A_2515 = arith.cmpi sgt, %add3A_2511, %sign3A_2514 : i32
    %sign3A_2516 = arith.extui %sign3A_2515 : i1 to i32
    %sign3A_2517 = arith.constant 0 : i32
    %sign3A_2518 = arith.cmpi slt, %add3A_2511, %sign3A_2517 : i32
    %sign3A_2519 = arith.extui %sign3A_2518 : i1 to i32
    %sign3A_2520 = arith.subi %sign3A_2516, %sign3A_2519 : i32
    %sign3A_2521 = arith.constant 0 : i32
    %sign3A_2522 = arith.cmpi sgt, %jit3A_2512, %sign3A_2521 : i32
    %sign3A_2523 = arith.extui %sign3A_2522 : i1 to i32
    %sign3A_2524 = arith.constant 0 : i32
    %sign3A_2525 = arith.cmpi slt, %jit3A_2512, %sign3A_2524 : i32
    %sign3A_2526 = arith.extui %sign3A_2525 : i1 to i32
    %sign3A_2527 = arith.subi %sign3A_2523, %sign3A_2526 : i32
    %ne3A_2528 = arith.cmpi ne, %sign3A_2520, %sign3A_2527 : i32
    %rem3A_2529 = arith.remsi %add3A_2511, %jit3A_2512 : i32
    %ne3A_2530 = arith.constant 0 : i32
    %ne3A_2531 = arith.cmpi ne, %rem3A_2529, %ne3A_2530 : i32
    %and3A_2532 = arith.andi %ne3A_2528, %ne3A_2531 : i1
    %sub3A_2533 = arith.constant 1 : i32
    %sub3A_2534 = arith.subi %div3A_2513, %sub3A_2533 : i32
    %select_n3A_2535 = arith.select %and3A_2532, %sub3A_2534, %div3A_2513 : i32
    %add3A_2536 = arith.constant 10 : i32
    %add3A_2537 = arith.addi %select_n3A_2535, %add3A_2536 : i32
    %add3A_2538 = arith.addi %shift_right_logical3A_580, %add3A_2537 : i32
    %and3A_2539 = arith.constant 4095 : i32
    %and3A_2540 = arith.andi %add3A_2538, %and3A_2539 : i32
    %mul3A_2541 = arith.constant 32 : i32
    %mul3A_2542 = arith.muli %and3A_2540, %mul3A_2541 : i32
    "tpu.region"() ({
      %run_scoped3A = tpu.sem_alloc : memref<!tpu.dma_semaphore, #tpu.memory_space<semaphore_mem>>
      %dma_start3A_2708 = arith.constant 320 : i32
      %dma_start3A_2709 = arith.constant 0 : i32
      %dma_start3A_2710 = tpu.memref_slice %arg26[%dma_start3A_2708, %dma_start3A_2709] : memref<512x1xi8, #tpu.memory_space<vmem>> -> memref<32x1xi8, #tpu.memory_space<vmem>>
      %dma_start3A_2711 = arith.constant 0 : i32
      %dma_start3A_2712 = tpu.memref_slice %arg14[%mul3A_2542, %dma_start3A_2711] : memref<131072x1xi8, #tpu.memory_space<hbm>> -> memref<32x1xi8, #tpu.memory_space<hbm>>
      %dma_start3A_2713 = arith.constant 0 : i32
      %dma_start3A_2714 = tpu.memref_slice %arg14[%mul3A_2542, %dma_start3A_2713] : memref<131072x1xi8, #tpu.memory_space<hbm>> -> memref<32x1xi8, #tpu.memory_space<hbm>>
      %dma_start3A_2715 = arith.constant 320 : i32
      %dma_start3A_2716 = arith.constant 0 : i32
      %dma_start3A_2717 = tpu.memref_slice %arg26[%dma_start3A_2715, %dma_start3A_2716] : memref<512x1xi8, #tpu.memory_space<vmem>> -> memref<32x1xi8, #tpu.memory_space<vmem>>
      tpu.enqueue_dma source(%dma_start3A_2717 : memref<32x1xi8, #tpu.memory_space<vmem>>) target(%dma_start3A_2714 : memref<32x1xi8, #tpu.memory_space<hbm>>) target_semaphore(%run_scoped3A : memref<!tpu.dma_semaphore, #tpu.memory_space<semaphore_mem>>)
      %dma_wait3A_2718 = arith.constant 320 : i32
      %dma_wait3A_2719 = arith.constant 0 : i32
      %dma_wait3A_2720 = tpu.memref_slice %arg26[%dma_wait3A_2718, %dma_wait3A_2719] : memref<512x1xi8, #tpu.memory_space<vmem>> -> memref<32x1xi8, #tpu.memory_space<vmem>>
      %dma_wait3A_2721 = arith.constant 0 : i32
      %dma_wait3A_2722 = tpu.memref_slice %arg14[%mul3A_2542, %dma_wait3A_2721] : memref<131072x1xi8, #tpu.memory_space<hbm>> -> memref<32x1xi8, #tpu.memory_space<hbm>>
      %dma_wait3A_2723 = arith.constant 0 : i32
      %dma_wait3A_2724 = tpu.memref_slice %arg14[%mul3A_2542, %dma_wait3A_2723] : memref<131072x1xi8, #tpu.memory_space<hbm>> -> memref<32x1xi8, #tpu.memory_space<hbm>>
      %dma_wait3A_2725 = arith.constant 320 : i32
      %dma_wait3A_2726 = arith.constant 0 : i32
      %dma_wait3A_2727 = tpu.memref_slice %arg26[%dma_wait3A_2725, %dma_wait3A_2726] : memref<512x1xi8, #tpu.memory_space<vmem>> -> memref<32x1xi8, #tpu.memory_space<vmem>>
      tpu.wait_dma2 semaphore(%run_scoped3A : memref<!tpu.dma_semaphore, #tpu.memory_space<semaphore_mem>>) src(%dma_wait3A_2727 : memref<32x1xi8, #tpu.memory_space<vmem>>) dst(%dma_wait3A_2724 : memref<32x1xi8, #tpu.memory_space<hbm>>)
      tpu.yield
    }) : () -> ()
    %add3A_2543 = arith.constant 0 : i32
    %add3A_2544 = arith.addi %mul3A_4, %add3A_2543 : i32
    %jit3A_2545 = arith.constant 32 : i32
    %div3A_2546 = arith.divsi %add3A_2544, %jit3A_2545 : i32
    %sign3A_2547 = arith.constant 0 : i32
    %sign3A_2548 = arith.cmpi sgt, %add3A_2544, %sign3A_2547 : i32
    %sign3A_2549 = arith.extui %sign3A_2548 : i1 to i32
    %sign3A_2550 = arith.constant 0 : i32
    %sign3A_2551 = arith.cmpi slt, %add3A_2544, %sign3A_2550 : i32
    %sign3A_2552 = arith.extui %sign3A_2551 : i1 to i32
    %sign3A_2553 = arith.subi %sign3A_2549, %sign3A_2552 : i32
    %sign3A_2554 = arith.constant 0 : i32
    %sign3A_2555 = arith.cmpi sgt, %jit3A_2545, %sign3A_2554 : i32
    %sign3A_2556 = arith.extui %sign3A_2555 : i1 to i32
    %sign3A_2557 = arith.constant 0 : i32
    %sign3A_2558 = arith.cmpi slt, %jit3A_2545, %sign3A_2557 : i32
    %sign3A_2559 = arith.extui %sign3A_2558 : i1 to i32
    %sign3A_2560 = arith.subi %sign3A_2556, %sign3A_2559 : i32
    %ne3A_2561 = arith.cmpi ne, %sign3A_2553, %sign3A_2560 : i32
    %rem3A_2562 = arith.remsi %add3A_2544, %jit3A_2545 : i32
    %ne3A_2563 = arith.constant 0 : i32
    %ne3A_2564 = arith.cmpi ne, %rem3A_2562, %ne3A_2563 : i32
    %and3A_2565 = arith.andi %ne3A_2561, %ne3A_2564 : i1
    %sub3A_2566 = arith.constant 1 : i32
    %sub3A_2567 = arith.subi %div3A_2546, %sub3A_2566 : i32
    %select_n3A_2568 = arith.select %and3A_2565, %sub3A_2567, %div3A_2546 : i32
    %add3A_2569 = arith.constant 11 : i32
    %add3A_2570 = arith.addi %select_n3A_2568, %add3A_2569 : i32
    %add3A_2571 = arith.addi %shift_right_logical3A_580, %add3A_2570 : i32
    %and3A_2572 = arith.constant 4095 : i32
    %and3A_2573 = arith.andi %add3A_2571, %and3A_2572 : i32
    %mul3A_2574 = arith.constant 32 : i32
    %mul3A_2575 = arith.muli %and3A_2573, %mul3A_2574 : i32
    "tpu.region"() ({
      %run_scoped3A = tpu.sem_alloc : memref<!tpu.dma_semaphore, #tpu.memory_space<semaphore_mem>>
      %dma_start3A_2708 = arith.constant 352 : i32
      %dma_start3A_2709 = arith.constant 0 : i32
      %dma_start3A_2710 = tpu.memref_slice %arg26[%dma_start3A_2708, %dma_start3A_2709] : memref<512x1xi8, #tpu.memory_space<vmem>> -> memref<32x1xi8, #tpu.memory_space<vmem>>
      %dma_start3A_2711 = arith.constant 0 : i32
      %dma_start3A_2712 = tpu.memref_slice %arg14[%mul3A_2575, %dma_start3A_2711] : memref<131072x1xi8, #tpu.memory_space<hbm>> -> memref<32x1xi8, #tpu.memory_space<hbm>>
      %dma_start3A_2713 = arith.constant 0 : i32
      %dma_start3A_2714 = tpu.memref_slice %arg14[%mul3A_2575, %dma_start3A_2713] : memref<131072x1xi8, #tpu.memory_space<hbm>> -> memref<32x1xi8, #tpu.memory_space<hbm>>
      %dma_start3A_2715 = arith.constant 352 : i32
      %dma_start3A_2716 = arith.constant 0 : i32
      %dma_start3A_2717 = tpu.memref_slice %arg26[%dma_start3A_2715, %dma_start3A_2716] : memref<512x1xi8, #tpu.memory_space<vmem>> -> memref<32x1xi8, #tpu.memory_space<vmem>>
      tpu.enqueue_dma source(%dma_start3A_2717 : memref<32x1xi8, #tpu.memory_space<vmem>>) target(%dma_start3A_2714 : memref<32x1xi8, #tpu.memory_space<hbm>>) target_semaphore(%run_scoped3A : memref<!tpu.dma_semaphore, #tpu.memory_space<semaphore_mem>>)
      %dma_wait3A_2718 = arith.constant 352 : i32
      %dma_wait3A_2719 = arith.constant 0 : i32
      %dma_wait3A_2720 = tpu.memref_slice %arg26[%dma_wait3A_2718, %dma_wait3A_2719] : memref<512x1xi8, #tpu.memory_space<vmem>> -> memref<32x1xi8, #tpu.memory_space<vmem>>
      %dma_wait3A_2721 = arith.constant 0 : i32
      %dma_wait3A_2722 = tpu.memref_slice %arg14[%mul3A_2575, %dma_wait3A_2721] : memref<131072x1xi8, #tpu.memory_space<hbm>> -> memref<32x1xi8, #tpu.memory_space<hbm>>
      %dma_wait3A_2723 = arith.constant 0 : i32
      %dma_wait3A_2724 = tpu.memref_slice %arg14[%mul3A_2575, %dma_wait3A_2723] : memref<131072x1xi8, #tpu.memory_space<hbm>> -> memref<32x1xi8, #tpu.memory_space<hbm>>
      %dma_wait3A_2725 = arith.constant 352 : i32
      %dma_wait3A_2726 = arith.constant 0 : i32
      %dma_wait3A_2727 = tpu.memref_slice %arg26[%dma_wait3A_2725, %dma_wait3A_2726] : memref<512x1xi8, #tpu.memory_space<vmem>> -> memref<32x1xi8, #tpu.memory_space<vmem>>
      tpu.wait_dma2 semaphore(%run_scoped3A : memref<!tpu.dma_semaphore, #tpu.memory_space<semaphore_mem>>) src(%dma_wait3A_2727 : memref<32x1xi8, #tpu.memory_space<vmem>>) dst(%dma_wait3A_2724 : memref<32x1xi8, #tpu.memory_space<hbm>>)
      tpu.yield
    }) : () -> ()
    %add3A_2576 = arith.constant 0 : i32
    %add3A_2577 = arith.addi %mul3A_4, %add3A_2576 : i32
    %jit3A_2578 = arith.constant 32 : i32
    %div3A_2579 = arith.divsi %add3A_2577, %jit3A_2578 : i32
    %sign3A_2580 = arith.constant 0 : i32
    %sign3A_2581 = arith.cmpi sgt, %add3A_2577, %sign3A_2580 : i32
    %sign3A_2582 = arith.extui %sign3A_2581 : i1 to i32
    %sign3A_2583 = arith.constant 0 : i32
    %sign3A_2584 = arith.cmpi slt, %add3A_2577, %sign3A_2583 : i32
    %sign3A_2585 = arith.extui %sign3A_2584 : i1 to i32
    %sign3A_2586 = arith.subi %sign3A_2582, %sign3A_2585 : i32
    %sign3A_2587 = arith.constant 0 : i32
    %sign3A_2588 = arith.cmpi sgt, %jit3A_2578, %sign3A_2587 : i32
    %sign3A_2589 = arith.extui %sign3A_2588 : i1 to i32
    %sign3A_2590 = arith.constant 0 : i32
    %sign3A_2591 = arith.cmpi slt, %jit3A_2578, %sign3A_2590 : i32
    %sign3A_2592 = arith.extui %sign3A_2591 : i1 to i32
    %sign3A_2593 = arith.subi %sign3A_2589, %sign3A_2592 : i32
    %ne3A_2594 = arith.cmpi ne, %sign3A_2586, %sign3A_2593 : i32
    %rem3A_2595 = arith.remsi %add3A_2577, %jit3A_2578 : i32
    %ne3A_2596 = arith.constant 0 : i32
    %ne3A_2597 = arith.cmpi ne, %rem3A_2595, %ne3A_2596 : i32
    %and3A_2598 = arith.andi %ne3A_2594, %ne3A_2597 : i1
    %sub3A_2599 = arith.constant 1 : i32
    %sub3A_2600 = arith.subi %div3A_2579, %sub3A_2599 : i32
    %select_n3A_2601 = arith.select %and3A_2598, %sub3A_2600, %div3A_2579 : i32
    %add3A_2602 = arith.constant 12 : i32
    %add3A_2603 = arith.addi %select_n3A_2601, %add3A_2602 : i32
    %add3A_2604 = arith.addi %shift_right_logical3A_580, %add3A_2603 : i32
    %and3A_2605 = arith.constant 4095 : i32
    %and3A_2606 = arith.andi %add3A_2604, %and3A_2605 : i32
    %mul3A_2607 = arith.constant 32 : i32
    %mul3A_2608 = arith.muli %and3A_2606, %mul3A_2607 : i32
    "tpu.region"() ({
      %run_scoped3A = tpu.sem_alloc : memref<!tpu.dma_semaphore, #tpu.memory_space<semaphore_mem>>
      %dma_start3A_2708 = arith.constant 384 : i32
      %dma_start3A_2709 = arith.constant 0 : i32
      %dma_start3A_2710 = tpu.memref_slice %arg26[%dma_start3A_2708, %dma_start3A_2709] : memref<512x1xi8, #tpu.memory_space<vmem>> -> memref<32x1xi8, #tpu.memory_space<vmem>>
      %dma_start3A_2711 = arith.constant 0 : i32
      %dma_start3A_2712 = tpu.memref_slice %arg14[%mul3A_2608, %dma_start3A_2711] : memref<131072x1xi8, #tpu.memory_space<hbm>> -> memref<32x1xi8, #tpu.memory_space<hbm>>
      %dma_start3A_2713 = arith.constant 0 : i32
      %dma_start3A_2714 = tpu.memref_slice %arg14[%mul3A_2608, %dma_start3A_2713] : memref<131072x1xi8, #tpu.memory_space<hbm>> -> memref<32x1xi8, #tpu.memory_space<hbm>>
      %dma_start3A_2715 = arith.constant 384 : i32
      %dma_start3A_2716 = arith.constant 0 : i32
      %dma_start3A_2717 = tpu.memref_slice %arg26[%dma_start3A_2715, %dma_start3A_2716] : memref<512x1xi8, #tpu.memory_space<vmem>> -> memref<32x1xi8, #tpu.memory_space<vmem>>
      tpu.enqueue_dma source(%dma_start3A_2717 : memref<32x1xi8, #tpu.memory_space<vmem>>) target(%dma_start3A_2714 : memref<32x1xi8, #tpu.memory_space<hbm>>) target_semaphore(%run_scoped3A : memref<!tpu.dma_semaphore, #tpu.memory_space<semaphore_mem>>)
      %dma_wait3A_2718 = arith.constant 384 : i32
      %dma_wait3A_2719 = arith.constant 0 : i32
      %dma_wait3A_2720 = tpu.memref_slice %arg26[%dma_wait3A_2718, %dma_wait3A_2719] : memref<512x1xi8, #tpu.memory_space<vmem>> -> memref<32x1xi8, #tpu.memory_space<vmem>>
      %dma_wait3A_2721 = arith.constant 0 : i32
      %dma_wait3A_2722 = tpu.memref_slice %arg14[%mul3A_2608, %dma_wait3A_2721] : memref<131072x1xi8, #tpu.memory_space<hbm>> -> memref<32x1xi8, #tpu.memory_space<hbm>>
      %dma_wait3A_2723 = arith.constant 0 : i32
      %dma_wait3A_2724 = tpu.memref_slice %arg14[%mul3A_2608, %dma_wait3A_2723] : memref<131072x1xi8, #tpu.memory_space<hbm>> -> memref<32x1xi8, #tpu.memory_space<hbm>>
      %dma_wait3A_2725 = arith.constant 384 : i32
      %dma_wait3A_2726 = arith.constant 0 : i32
      %dma_wait3A_2727 = tpu.memref_slice %arg26[%dma_wait3A_2725, %dma_wait3A_2726] : memref<512x1xi8, #tpu.memory_space<vmem>> -> memref<32x1xi8, #tpu.memory_space<vmem>>
      tpu.wait_dma2 semaphore(%run_scoped3A : memref<!tpu.dma_semaphore, #tpu.memory_space<semaphore_mem>>) src(%dma_wait3A_2727 : memref<32x1xi8, #tpu.memory_space<vmem>>) dst(%dma_wait3A_2724 : memref<32x1xi8, #tpu.memory_space<hbm>>)
      tpu.yield
    }) : () -> ()
    %add3A_2609 = arith.constant 0 : i32
    %add3A_2610 = arith.addi %mul3A_4, %add3A_2609 : i32
    %jit3A_2611 = arith.constant 32 : i32
    %div3A_2612 = arith.divsi %add3A_2610, %jit3A_2611 : i32
    %sign3A_2613 = arith.constant 0 : i32
    %sign3A_2614 = arith.cmpi sgt, %add3A_2610, %sign3A_2613 : i32
    %sign3A_2615 = arith.extui %sign3A_2614 : i1 to i32
    %sign3A_2616 = arith.constant 0 : i32
    %sign3A_2617 = arith.cmpi slt, %add3A_2610, %sign3A_2616 : i32
    %sign3A_2618 = arith.extui %sign3A_2617 : i1 to i32
    %sign3A_2619 = arith.subi %sign3A_2615, %sign3A_2618 : i32
    %sign3A_2620 = arith.constant 0 : i32
    %sign3A_2621 = arith.cmpi sgt, %jit3A_2611, %sign3A_2620 : i32
    %sign3A_2622 = arith.extui %sign3A_2621 : i1 to i32
    %sign3A_2623 = arith.constant 0 : i32
    %sign3A_2624 = arith.cmpi slt, %jit3A_2611, %sign3A_2623 : i32
    %sign3A_2625 = arith.extui %sign3A_2624 : i1 to i32
    %sign3A_2626 = arith.subi %sign3A_2622, %sign3A_2625 : i32
    %ne3A_2627 = arith.cmpi ne, %sign3A_2619, %sign3A_2626 : i32
    %rem3A_2628 = arith.remsi %add3A_2610, %jit3A_2611 : i32
    %ne3A_2629 = arith.constant 0 : i32
    %ne3A_2630 = arith.cmpi ne, %rem3A_2628, %ne3A_2629 : i32
    %and3A_2631 = arith.andi %ne3A_2627, %ne3A_2630 : i1
    %sub3A_2632 = arith.constant 1 : i32
    %sub3A_2633 = arith.subi %div3A_2612, %sub3A_2632 : i32
    %select_n3A_2634 = arith.select %and3A_2631, %sub3A_2633, %div3A_2612 : i32
    %add3A_2635 = arith.constant 13 : i32
    %add3A_2636 = arith.addi %select_n3A_2634, %add3A_2635 : i32
    %add3A_2637 = arith.addi %shift_right_logical3A_580, %add3A_2636 : i32
    %and3A_2638 = arith.constant 4095 : i32
    %and3A_2639 = arith.andi %add3A_2637, %and3A_2638 : i32
    %mul3A_2640 = arith.constant 32 : i32
    %mul3A_2641 = arith.muli %and3A_2639, %mul3A_2640 : i32
    "tpu.region"() ({
      %run_scoped3A = tpu.sem_alloc : memref<!tpu.dma_semaphore, #tpu.memory_space<semaphore_mem>>
      %dma_start3A_2708 = arith.constant 416 : i32
      %dma_start3A_2709 = arith.constant 0 : i32
      %dma_start3A_2710 = tpu.memref_slice %arg26[%dma_start3A_2708, %dma_start3A_2709] : memref<512x1xi8, #tpu.memory_space<vmem>> -> memref<32x1xi8, #tpu.memory_space<vmem>>
      %dma_start3A_2711 = arith.constant 0 : i32
      %dma_start3A_2712 = tpu.memref_slice %arg14[%mul3A_2641, %dma_start3A_2711] : memref<131072x1xi8, #tpu.memory_space<hbm>> -> memref<32x1xi8, #tpu.memory_space<hbm>>
      %dma_start3A_2713 = arith.constant 0 : i32
      %dma_start3A_2714 = tpu.memref_slice %arg14[%mul3A_2641, %dma_start3A_2713] : memref<131072x1xi8, #tpu.memory_space<hbm>> -> memref<32x1xi8, #tpu.memory_space<hbm>>
      %dma_start3A_2715 = arith.constant 416 : i32
      %dma_start3A_2716 = arith.constant 0 : i32
      %dma_start3A_2717 = tpu.memref_slice %arg26[%dma_start3A_2715, %dma_start3A_2716] : memref<512x1xi8, #tpu.memory_space<vmem>> -> memref<32x1xi8, #tpu.memory_space<vmem>>
      tpu.enqueue_dma source(%dma_start3A_2717 : memref<32x1xi8, #tpu.memory_space<vmem>>) target(%dma_start3A_2714 : memref<32x1xi8, #tpu.memory_space<hbm>>) target_semaphore(%run_scoped3A : memref<!tpu.dma_semaphore, #tpu.memory_space<semaphore_mem>>)
      %dma_wait3A_2718 = arith.constant 416 : i32
      %dma_wait3A_2719 = arith.constant 0 : i32
      %dma_wait3A_2720 = tpu.memref_slice %arg26[%dma_wait3A_2718, %dma_wait3A_2719] : memref<512x1xi8, #tpu.memory_space<vmem>> -> memref<32x1xi8, #tpu.memory_space<vmem>>
      %dma_wait3A_2721 = arith.constant 0 : i32
      %dma_wait3A_2722 = tpu.memref_slice %arg14[%mul3A_2641, %dma_wait3A_2721] : memref<131072x1xi8, #tpu.memory_space<hbm>> -> memref<32x1xi8, #tpu.memory_space<hbm>>
      %dma_wait3A_2723 = arith.constant 0 : i32
      %dma_wait3A_2724 = tpu.memref_slice %arg14[%mul3A_2641, %dma_wait3A_2723] : memref<131072x1xi8, #tpu.memory_space<hbm>> -> memref<32x1xi8, #tpu.memory_space<hbm>>
      %dma_wait3A_2725 = arith.constant 416 : i32
      %dma_wait3A_2726 = arith.constant 0 : i32
      %dma_wait3A_2727 = tpu.memref_slice %arg26[%dma_wait3A_2725, %dma_wait3A_2726] : memref<512x1xi8, #tpu.memory_space<vmem>> -> memref<32x1xi8, #tpu.memory_space<vmem>>
      tpu.wait_dma2 semaphore(%run_scoped3A : memref<!tpu.dma_semaphore, #tpu.memory_space<semaphore_mem>>) src(%dma_wait3A_2727 : memref<32x1xi8, #tpu.memory_space<vmem>>) dst(%dma_wait3A_2724 : memref<32x1xi8, #tpu.memory_space<hbm>>)
      tpu.yield
    }) : () -> ()
    %add3A_2642 = arith.constant 0 : i32
    %add3A_2643 = arith.addi %mul3A_4, %add3A_2642 : i32
    %jit3A_2644 = arith.constant 32 : i32
    %div3A_2645 = arith.divsi %add3A_2643, %jit3A_2644 : i32
    %sign3A_2646 = arith.constant 0 : i32
    %sign3A_2647 = arith.cmpi sgt, %add3A_2643, %sign3A_2646 : i32
    %sign3A_2648 = arith.extui %sign3A_2647 : i1 to i32
    %sign3A_2649 = arith.constant 0 : i32
    %sign3A_2650 = arith.cmpi slt, %add3A_2643, %sign3A_2649 : i32
    %sign3A_2651 = arith.extui %sign3A_2650 : i1 to i32
    %sign3A_2652 = arith.subi %sign3A_2648, %sign3A_2651 : i32
    %sign3A_2653 = arith.constant 0 : i32
    %sign3A_2654 = arith.cmpi sgt, %jit3A_2644, %sign3A_2653 : i32
    %sign3A_2655 = arith.extui %sign3A_2654 : i1 to i32
    %sign3A_2656 = arith.constant 0 : i32
    %sign3A_2657 = arith.cmpi slt, %jit3A_2644, %sign3A_2656 : i32
    %sign3A_2658 = arith.extui %sign3A_2657 : i1 to i32
    %sign3A_2659 = arith.subi %sign3A_2655, %sign3A_2658 : i32
    %ne3A_2660 = arith.cmpi ne, %sign3A_2652, %sign3A_2659 : i32
    %rem3A_2661 = arith.remsi %add3A_2643, %jit3A_2644 : i32
    %ne3A_2662 = arith.constant 0 : i32
    %ne3A_2663 = arith.cmpi ne, %rem3A_2661, %ne3A_2662 : i32
    %and3A_2664 = arith.andi %ne3A_2660, %ne3A_2663 : i1
    %sub3A_2665 = arith.constant 1 : i32
    %sub3A_2666 = arith.subi %div3A_2645, %sub3A_2665 : i32
    %select_n3A_2667 = arith.select %and3A_2664, %sub3A_2666, %div3A_2645 : i32
    %add3A_2668 = arith.constant 14 : i32
    %add3A_2669 = arith.addi %select_n3A_2667, %add3A_2668 : i32
    %add3A_2670 = arith.addi %shift_right_logical3A_580, %add3A_2669 : i32
    %and3A_2671 = arith.constant 4095 : i32
    %and3A_2672 = arith.andi %add3A_2670, %and3A_2671 : i32
    %mul3A_2673 = arith.constant 32 : i32
    %mul3A_2674 = arith.muli %and3A_2672, %mul3A_2673 : i32
    "tpu.region"() ({
      %run_scoped3A = tpu.sem_alloc : memref<!tpu.dma_semaphore, #tpu.memory_space<semaphore_mem>>
      %dma_start3A_2708 = arith.constant 448 : i32
      %dma_start3A_2709 = arith.constant 0 : i32
      %dma_start3A_2710 = tpu.memref_slice %arg26[%dma_start3A_2708, %dma_start3A_2709] : memref<512x1xi8, #tpu.memory_space<vmem>> -> memref<32x1xi8, #tpu.memory_space<vmem>>
      %dma_start3A_2711 = arith.constant 0 : i32
      %dma_start3A_2712 = tpu.memref_slice %arg14[%mul3A_2674, %dma_start3A_2711] : memref<131072x1xi8, #tpu.memory_space<hbm>> -> memref<32x1xi8, #tpu.memory_space<hbm>>
      %dma_start3A_2713 = arith.constant 0 : i32
      %dma_start3A_2714 = tpu.memref_slice %arg14[%mul3A_2674, %dma_start3A_2713] : memref<131072x1xi8, #tpu.memory_space<hbm>> -> memref<32x1xi8, #tpu.memory_space<hbm>>
      %dma_start3A_2715 = arith.constant 448 : i32
      %dma_start3A_2716 = arith.constant 0 : i32
      %dma_start3A_2717 = tpu.memref_slice %arg26[%dma_start3A_2715, %dma_start3A_2716] : memref<512x1xi8, #tpu.memory_space<vmem>> -> memref<32x1xi8, #tpu.memory_space<vmem>>
      tpu.enqueue_dma source(%dma_start3A_2717 : memref<32x1xi8, #tpu.memory_space<vmem>>) target(%dma_start3A_2714 : memref<32x1xi8, #tpu.memory_space<hbm>>) target_semaphore(%run_scoped3A : memref<!tpu.dma_semaphore, #tpu.memory_space<semaphore_mem>>)
      %dma_wait3A_2718 = arith.constant 448 : i32
      %dma_wait3A_2719 = arith.constant 0 : i32
      %dma_wait3A_2720 = tpu.memref_slice %arg26[%dma_wait3A_2718, %dma_wait3A_2719] : memref<512x1xi8, #tpu.memory_space<vmem>> -> memref<32x1xi8, #tpu.memory_space<vmem>>
      %dma_wait3A_2721 = arith.constant 0 : i32
      %dma_wait3A_2722 = tpu.memref_slice %arg14[%mul3A_2674, %dma_wait3A_2721] : memref<131072x1xi8, #tpu.memory_space<hbm>> -> memref<32x1xi8, #tpu.memory_space<hbm>>
      %dma_wait3A_2723 = arith.constant 0 : i32
      %dma_wait3A_2724 = tpu.memref_slice %arg14[%mul3A_2674, %dma_wait3A_2723] : memref<131072x1xi8, #tpu.memory_space<hbm>> -> memref<32x1xi8, #tpu.memory_space<hbm>>
      %dma_wait3A_2725 = arith.constant 448 : i32
      %dma_wait3A_2726 = arith.constant 0 : i32
      %dma_wait3A_2727 = tpu.memref_slice %arg26[%dma_wait3A_2725, %dma_wait3A_2726] : memref<512x1xi8, #tpu.memory_space<vmem>> -> memref<32x1xi8, #tpu.memory_space<vmem>>
      tpu.wait_dma2 semaphore(%run_scoped3A : memref<!tpu.dma_semaphore, #tpu.memory_space<semaphore_mem>>) src(%dma_wait3A_2727 : memref<32x1xi8, #tpu.memory_space<vmem>>) dst(%dma_wait3A_2724 : memref<32x1xi8, #tpu.memory_space<hbm>>)
      tpu.yield
    }) : () -> ()
    %add3A_2675 = arith.constant 0 : i32
    %add3A_2676 = arith.addi %mul3A_4, %add3A_2675 : i32
    %jit3A_2677 = arith.constant 32 : i32
    %div3A_2678 = arith.divsi %add3A_2676, %jit3A_2677 : i32
    %sign3A_2679 = arith.constant 0 : i32
    %sign3A_2680 = arith.cmpi sgt, %add3A_2676, %sign3A_2679 : i32
    %sign3A_2681 = arith.extui %sign3A_2680 : i1 to i32
    %sign3A_2682 = arith.constant 0 : i32
    %sign3A_2683 = arith.cmpi slt, %add3A_2676, %sign3A_2682 : i32
    %sign3A_2684 = arith.extui %sign3A_2683 : i1 to i32
    %sign3A_2685 = arith.subi %sign3A_2681, %sign3A_2684 : i32
    %sign3A_2686 = arith.constant 0 : i32
    %sign3A_2687 = arith.cmpi sgt, %jit3A_2677, %sign3A_2686 : i32
    %sign3A_2688 = arith.extui %sign3A_2687 : i1 to i32
    %sign3A_2689 = arith.constant 0 : i32
    %sign3A_2690 = arith.cmpi slt, %jit3A_2677, %sign3A_2689 : i32
    %sign3A_2691 = arith.extui %sign3A_2690 : i1 to i32
    %sign3A_2692 = arith.subi %sign3A_2688, %sign3A_2691 : i32
    %ne3A_2693 = arith.cmpi ne, %sign3A_2685, %sign3A_2692 : i32
    %rem3A_2694 = arith.remsi %add3A_2676, %jit3A_2677 : i32
    %ne3A_2695 = arith.constant 0 : i32
    %ne3A_2696 = arith.cmpi ne, %rem3A_2694, %ne3A_2695 : i32
    %and3A_2697 = arith.andi %ne3A_2693, %ne3A_2696 : i1
    %sub3A_2698 = arith.constant 1 : i32
    %sub3A_2699 = arith.subi %div3A_2678, %sub3A_2698 : i32
    %select_n3A_2700 = arith.select %and3A_2697, %sub3A_2699, %div3A_2678 : i32
    %add3A_2701 = arith.constant 15 : i32
    %add3A_2702 = arith.addi %select_n3A_2700, %add3A_2701 : i32
    %add3A_2703 = arith.addi %shift_right_logical3A_580, %add3A_2702 : i32
    %and3A_2704 = arith.constant 4095 : i32
    %and3A_2705 = arith.andi %add3A_2703, %and3A_2704 : i32
    %mul3A_2706 = arith.constant 32 : i32
    %mul3A_2707 = arith.muli %and3A_2705, %mul3A_2706 : i32
    "tpu.region"() ({
      %run_scoped3A = tpu.sem_alloc : memref<!tpu.dma_semaphore, #tpu.memory_space<semaphore_mem>>
      %dma_start3A_2708 = arith.constant 480 : i32
      %dma_start3A_2709 = arith.constant 0 : i32
      %dma_start3A_2710 = tpu.memref_slice %arg26[%dma_start3A_2708, %dma_start3A_2709] : memref<512x1xi8, #tpu.memory_space<vmem>> -> memref<32x1xi8, #tpu.memory_space<vmem>>
      %dma_start3A_2711 = arith.constant 0 : i32
      %dma_start3A_2712 = tpu.memref_slice %arg14[%mul3A_2707, %dma_start3A_2711] : memref<131072x1xi8, #tpu.memory_space<hbm>> -> memref<32x1xi8, #tpu.memory_space<hbm>>
      %dma_start3A_2713 = arith.constant 0 : i32
      %dma_start3A_2714 = tpu.memref_slice %arg14[%mul3A_2707, %dma_start3A_2713] : memref<131072x1xi8, #tpu.memory_space<hbm>> -> memref<32x1xi8, #tpu.memory_space<hbm>>
      %dma_start3A_2715 = arith.constant 480 : i32
      %dma_start3A_2716 = arith.constant 0 : i32
      %dma_start3A_2717 = tpu.memref_slice %arg26[%dma_start3A_2715, %dma_start3A_2716] : memref<512x1xi8, #tpu.memory_space<vmem>> -> memref<32x1xi8, #tpu.memory_space<vmem>>
      tpu.enqueue_dma source(%dma_start3A_2717 : memref<32x1xi8, #tpu.memory_space<vmem>>) target(%dma_start3A_2714 : memref<32x1xi8, #tpu.memory_space<hbm>>) target_semaphore(%run_scoped3A : memref<!tpu.dma_semaphore, #tpu.memory_space<semaphore_mem>>)
      %dma_wait3A_2718 = arith.constant 480 : i32
      %dma_wait3A_2719 = arith.constant 0 : i32
      %dma_wait3A_2720 = tpu.memref_slice %arg26[%dma_wait3A_2718, %dma_wait3A_2719] : memref<512x1xi8, #tpu.memory_space<vmem>> -> memref<32x1xi8, #tpu.memory_space<vmem>>
      %dma_wait3A_2721 = arith.constant 0 : i32
      %dma_wait3A_2722 = tpu.memref_slice %arg14[%mul3A_2707, %dma_wait3A_2721] : memref<131072x1xi8, #tpu.memory_space<hbm>> -> memref<32x1xi8, #tpu.memory_space<hbm>>
      %dma_wait3A_2723 = arith.constant 0 : i32
      %dma_wait3A_2724 = tpu.memref_slice %arg14[%mul3A_2707, %dma_wait3A_2723] : memref<131072x1xi8, #tpu.memory_space<hbm>> -> memref<32x1xi8, #tpu.memory_space<hbm>>
      %dma_wait3A_2725 = arith.constant 480 : i32
      %dma_wait3A_2726 = arith.constant 0 : i32
      %dma_wait3A_2727 = tpu.memref_slice %arg26[%dma_wait3A_2725, %dma_wait3A_2726] : memref<512x1xi8, #tpu.memory_space<vmem>> -> memref<32x1xi8, #tpu.memory_space<vmem>>
      tpu.wait_dma2 semaphore(%run_scoped3A : memref<!tpu.dma_semaphore, #tpu.memory_space<semaphore_mem>>) src(%dma_wait3A_2727 : memref<32x1xi8, #tpu.memory_space<vmem>>) dst(%dma_wait3A_2724 : memref<32x1xi8, #tpu.memory_space<hbm>>)
      tpu.yield
    }) : () -> ()
    return
  }
}

</mosaic_0001>

<sc_bundles>
// kernel: kernel.3.cloned.1.call-start
scs
__scs_entry_jumppad:
0x0: {  	(pc) =	sbr.rel $0x88, $3  }
0x1: {  	(tag) =	ssettag $0x0;
	lr =	simm.s32 $0x1  }
0x2: {  	[smem:$0x3F93] =	sst lr;
	_ =	strace $0xD0000000  }
0x3: {  	_ = 	snop  }
0x4: {  	_ = 	snop  }
0x5: {  	_ = 	snop  }
0x6: {  	_ = 	snop  }
0x7: {  	_ = 	snop  }
__scs_overlays_trampoline_lowered:
0x8: {  	[smem:$0x3FA2] =	sst s0  }
0x9: {  	[smem:$0x3FA3] =	sst s1  }
0xa: {  	[smem:$0x3FA4] =	sst s2  }
0xb: {  	[smem:$0x3FA5] =	sst s3  }
0xc: {  	[smem:$0x3FA6] =	sst s4  }
0xd: {  	[smem:$0x3FA7] =	sst s5  }
0xe: {  	[smem:$0x3FA8] =	sst s6  }
0xf: {  	[smem:$0x3FA9] =	sst s7  }
0x10: {  	[smem:$0x3FAA] =	sst s8  }
0x11: {  	[smem:$0x3FAB] =	sst s9;
	s0 =	simm.s32 @!p0 $0x0  }
0x12: {  	s1 =	sld [smem:$0x3F91];
	s0 =	simm.s32 @p0 $0x1  }
0x13: {  	[smem:$0x3FAC] =	sst s0;
	s0 =	simm.s32 @!p1 $0x0  }
0x14: {  	s2 =	sld [smem:$0x3F90];
	s0 =	simm.s32 @p1 $0x1  }
0x15: {  	[smem:$0x3FAD] =	sst s0;
	s0 =	simm.s32 @!p2 $0x0  }
0x16: {  	s3 =	sld [smem:$0x3FDB];
	s0 =	simm.s32 @p2 $0x1  }
0x17: {  	s4 =	simm.s32 $0x1BF5;
	[smem:$0x3FAF] =	sst s0  }
0x18: {  	s0 =	sld [smem:$0x3F92];
	_ =	swait.ge [sflag:s4], $0x0  }
0x19: {  	s7 =	sld [smem:$0x3F93]  }
0x1a: {  	s8 =	sadd.s32 $0xFFFFE003, lr  }
0x1b: {  	s9 =	sadd.s32 $0xFFFFFEF7, lr;
	s5 =	simm.s32 $0xFFFFFFFF;
	p2 =	slt.u32 s8, $0xFFFFF086  }
0x1c: {  	p1 =	slt.u32 s9, $0xF7A;
	s5 =	simm.s32 @!p2 $0x0  }
0x1d: {  	s5 =	simm.s32 @p1 $0x1;
	p0 =	seq.s32 s7, s2  }
0x1e: {  	s7 =	smul.u32 @!p0 $0xF7A, s2;
	p2 =	seq.s32 @!p0 s5, $0x0  }
0x1f: {  	s9 =	smul.u32 $0xF7A, s1;
	s8 =	simm.s32 @!p0 $0x1BF5;
	p2 =	por !p2, p0  }
0x20: {  	[sflag:s8] =	ssyncset.s32 @!p0 $0xFFFFF086;
	s6 =	sadd.s32 @!p0 s3, s7;
	s7 =	simm.s32 @!p0 $0x108  }
0x21: {  	s3 =	sadd.s32 s3, s9;
	s6 =	sadd.s32 @!p0 $0x88, s6;
	s7 =	simm.s32 @p2 $0x1082  }
0x22: {  	[simem:s7], [sflag:s8] =	dma.local @!p0 [hbm:s6], $0xF7A  }
0x23: {  	s9 =	sor.u32 $0xD0000000, s2;
	s6 =	simm.s32 $0x108;
	_ =	swait.ge @!p0 [sflag:s8], $0x0  }
0x24: {  	s3 =	sadd.s32 $0x88, s3;
	s6 =	simm.s32 @!p1 $0x1082;
	[sflag:s4] =	ssyncset.s32 $0xFFFFF086  }
0x25: {  	[simem:s6], [sflag:s4] =	dma.local [hbm:s3], $0xF7A  }
0x26: {  	[smem:$0x3F93] =	sst s1;
	(tag) =	ssettag s2;
	_ =	strace s9  }
0x27: {  	s1 =	sld [smem:$0x3FA3]  }
0x28: {  	s2 =	sld [smem:$0x3FA4]  }
0x29: {  	s4 =	sld [smem:$0x3FA6]  }
0x2a: {  	p0 =	seq.s32 s5, $0x0;
	s5 =	sld [smem:$0x3FA7]  }
0x2b: {  	s6 =	sld [smem:$0x3FA8]  }
0x2c: {  	s7 =	sld [smem:$0x3FA9]  }
0x2d: {  	s3 =	simm.s32 $0x108;
	s8 =	sld [smem:$0x3FAA]  }
0x2e: {  	s3 =	simm.s32 @!p0 $0x1082;
	s9 =	sld [smem:$0x3FAB]  }
0x2f: {  	lr =	sadd.s32 s0, s3;
	s0 =	sld [smem:$0x3FA2]  }
0x30: {  	s3 =	sld [smem:$0x3FA5]  }
0x31: {  	[smem:$0x3FAE] =	sst s10  }
0x32: {  	s10 =	sld [smem:$0x3FAC];
	_ =	sdelay $0x3  }
0x33: {  	p0 =	seq.s32 s10, $0x1;
	s10 =	sld [smem:$0x3FAE];
	_ =	sdelay $0x3  }
0x34: {  	[smem:$0x3FAE] =	sst s10  }
0x35: {  	s10 =	sld [smem:$0x3FAD];
	_ =	sdelay $0x3  }
0x36: {  	p1 =	seq.s32 s10, $0x1;
	s10 =	sld [smem:$0x3FAE];
	_ =	sdelay $0x3  }
0x37: {  	[smem:$0x3FAE] =	sst s10  }
0x38: {  	s10 =	sld [smem:$0x3FAF]  }
0x39: {  	_ = 	snop;
	(pc) =	sbr.ind lr, $3  }
0x3a: {  	_ = 	snop  }
0x3b: {  	_ = 	snop  }
0x3c: {  	p2 =	seq.s32 s10, $0x1;
	s10 =	sld [smem:$0x3FAE]  }
0x3d: {  	_ =	shalt  }
0x3e: {  	_ =	shalt  }
0x3f: {  	_ =	shalt  }
0x40: {  	_ =	shalt  }
0x41: {  	_ =	shalt  }
0x42: {  	_ =	shalt  }
0x43: {  	_ =	shalt  }
0x44: {  	_ =	shalt  }
0x45: {  	_ =	shalt  }
0x46: {  	_ =	shalt  }
0x47: {  	_ =	shalt  }
0x48: {  	_ =	shalt  }
0x49: {  	_ =	shalt  }
0x4a: {  	_ =	shalt  }
0x4b: {  	_ =	shalt  }
0x4c: {  	_ =	shalt  }
0x4d: {  	_ =	shalt  }
0x4e: {  	_ =	shalt  }
0x4f: {  	_ =	shalt  }
0x50: {  	_ =	shalt  }
0x51: {  	_ =	shalt  }
0x52: {  	_ =	shalt  }
0x53: {  	_ =	shalt  }
0x54: {  	_ =	shalt  }
0x55: {  	_ =	shalt  }
0x56: {  	_ =	shalt  }
0x57: {  	_ =	shalt  }
0x58: {  	_ =	shalt  }
0x59: {  	_ =	shalt  }
0x5a: {  	_ =	shalt  }
0x5b: {  	_ =	shalt  }
0x5c: {  	_ =	shalt  }
0x5d: {  	_ =	shalt  }
0x5e: {  	_ =	shalt  }
0x5f: {  	_ =	shalt  }
0x60: {  	_ =	shalt  }
0x61: {  	_ =	shalt  }
0x62: {  	_ =	shalt  }
0x63: {  	_ =	shalt  }
0x64: {  	_ =	shalt  }
0x65: {  	_ =	shalt  }
0x66: {  	_ =	shalt  }
0x67: {  	_ =	shalt  }
0x68: {  	_ =	shalt  }
0x69: {  	_ =	shalt  }
0x6a: {  	_ =	shalt  }
0x6b: {  	_ =	shalt  }
0x6c: {  	_ =	shalt  }
0x6d: {  	_ =	shalt  }
0x6e: {  	_ =	shalt  }
0x6f: {  	_ =	shalt  }
0x70: {  	_ =	shalt  }
0x71: {  	_ =	shalt  }
0x72: {  	_ =	shalt  }
0x73: {  	_ =	shalt  }
0x74: {  	_ =	shalt  }
0x75: {  	_ =	shalt  }
0x76: {  	_ =	shalt  }
0x77: {  	_ =	shalt  }
0x78: {  	_ =	shalt  }
0x79: {  	_ =	shalt  }
0x7a: {  	_ =	shalt  }
0x7b: {  	_ =	shalt  }
0x7c: {  	_ =	shalt  }
0x7d: {  	_ =	shalt  }
0x7e: {  	_ =	shalt  }
0x7f: {  	_ =	shalt  }
0x80: {  	_ =	shalt  }
0x81: {  	_ =	shalt  }
0x82: {  	_ =	shalt  }
0x83: {  	_ =	shalt  }
0x84: {  	_ =	shalt  }
0x85: {  	_ =	shalt  }
0x86: {  	_ =	shalt  }
0x87: {  	_ =	shalt  }
.Lfunc_end0:
.L_simem_size_0:
called_computation_lowered:
.L_overlay_start_0:
0x88: {  	s2 =	sld [smem:$0x3FD9]  }
0x89: {  	s3 =	sld [smem:$0x3FFE];
	_ =	sdelay $0x1  }
0x8a: {  	s1 =	srdreg.scid  }
0x8b: {  	s0 =	sand.u32 $0x1, s1  }
0x8c: {  	s14 =	sshll.u32 s0, $0xA;
	s2 =	sadd.s32 s3, s2  }
0x8d: {  	s2 =	sadd.s32 s2, s14  }
0x8e: {  	[smem:$0x3FBA] =	sst s2  }
0x8f: {  	_ = 	snop  }
0x90: {  	s15 =	sld [smem:$0x3FD0]  }
0x91: {  	s4 =	sld [smem:$0x3FC9]  }
0x92: {  	s5 =	sld [smem:$0x3FC8]  }
0x93: {  	s6 =	simm.s32 $0xA;
	s7 =	simm.s32 $0x10;
	s2 =	sld [smem:$0x3FBD]  }
0x94: {  	[smem:s7], [sflag:s6] =	dma.local [hbm:s15], $0x1  }
0x95: {  	_ =	swait.eq [sflag:s6], $0x1  }
0x96: {  	s16 =	sld [smem:$0x10]  }
0x97: {  	s17 =	sld [smem:$0x11]  }
0x98: {  	s8 =	sld [smem:$0x12];
	[sflag:s6] =	ssyncset.done $0x0  }
0x99: {  	s9 =	sld [smem:$0x14];
	[sflag:s6] =	ssyncadd.s32 $0xFFFFFFFF  }
0x9a: {  	s18 =	sld [smem:$0x15];
	(tm) =	ssettm $0x1  }
0x9b: {  	s10 =	sld [smem:$0x3FFB];
	_ =	sdelay $0x3  }
0x9c: {  	_ =	strace s10  }
0x9d: {  	s10 =	sld [smem:$0x3FFC];
	_ =	sdelay $0x3  }
0x9e: {  	_ =	strace s10  }
0x9f: {  	s10 =	sld [smem:$0x3FFD];
	_ =	sdelay $0x3  }
0xa0: {  	_ =	strace s10  }
0xa1: {  	_ =	strace $0x8FFFFFFF  }
0xa2: {  	s19 =	sld [smem:$0x3FDB];
	_ =	sdelay $0x1  }
0xa3: {  	s11 =	simm.s32 $_scs_section_size  }
0xa4: {  	s12 =	simm.s32 $_size__tile_overlayer_lowered;
	s13 =	simm.s32 $_tile_overlayer_lowered  }
0xa5: {  	s22 =	simm.s32 $0x1BFF;
	s21 =	sshll.u32 s13, $0x1;
	s10 =	sadd.s32 s11, s19  }
0xa6: {  	s20 =	sshll.u32 s12, $0x1;
	s14 =	simm.s32 $0x0;
	s12 =	sadd.s32 s21, s10  }
0xa7: {  	[timem:s14], [sflag:s22] =	dma.local [hbm:s12], s20  }
0xa8: {  	_ =	swait.ge [sflag:s22], s20  }
0xa9: {  	s11 =	ssub.s32 $0x0, s20;
	[sflag:s22] =	ssyncset.done $0x0  }
0xaa: {  	[sflag:s22] =	ssyncadd.s32 s11;
	_ =	sdelay $0x1  }
0xab: {  	s23 =	simm.s32 $0x1B8B  }
0xac: {  	_ =	swait.ge [sflag:s23], $0x1  }
0xad: {  	[sflag:s23] =	ssyncset.done $0x0  }
0xae: {  	s25 =	simm.s32 $0x1B8E;
	s24 =	sld [smem:$0x3FFE];
	[sflag:s23] =	ssyncadd.s32 $0xFFFFFFFF  }
0xaf: {  	s26 =	simm.s32 $execute0_lowered;
	[smem:$0x3FD2] =	sst s25  }
0xb0: {  	s12 =	sshll.u32 s26, $0x1;
	_ =	strace $0x80000046;
	[dreg:$0x1] =	wrdreg $0xFFFFFFFF  }
0xb1: {  	s28 =	simm.s32 $_size_execute0_lowered;
	s10 =	sadd.s32 s10, s12;
	[dreg:$0x0] =	wrdreg $0x0  }
0xb2: {  	s12 =	sshll.u32 s28, $0x1;
	[dreg:$0x2] =	wrdreg s10  }
0xb3: {  	[dreg:$0x3] =	wrdreg s12  }
0xb4: {  	[dreg:$0x4] =	wrdreg $0xC0  }
0xb5: {  	_ =	task [dreg:s14], $0x5FFFF  }
0xb6: {  	[dreg:$0x1] =	wrdreg $0xFFFFFFFF  }
0xb7: {  	[dreg:$0x0] =	wrdreg $0x60  }
0xb8: {  	[dreg:$0x2] =	wrdreg s4  }
0xb9: {  	[dreg:$0x3] =	wrdreg s5  }
0xba: {  	[dreg:$0x4] =	wrdreg s8  }
0xbb: {  	[dreg:$0x5] =	wrdreg s24  }
0xbc: {  	[dreg:$0x6] =	wrdreg s18  }
0xbd: {  	[dreg:$0x7] =	wrdreg s9  }
0xbe: {  	[dreg:$0x8] =	wrdreg s16  }
0xbf: {  	[dreg:$0x9] =	wrdreg s17  }
0xc0: {  	[dreg:$0xa] =	wrdreg s2  }
0xc1: {  	[dreg:$0xb] =	wrdreg $0x9  }
0xc2: {  	_ =	task.clear_ibuf [dreg:s14], $0xCFFFF;
	_ =	strace $0x90000046  }
0xc3: {  	s29 =	simm.s32 $0x9;
	_ =	strace $0x80000048  }
0xc4: {  	_ =	swait.ge [sflag:s29], $0x1  }
0xc5: {  	[sflag:s29] =	ssyncadd.s32 $0xFFFFFFFF  }
0xc6: {  	_ =	strace $0x90000048  }
0xc7: {  	_ =	sfence  }
0xc8: {  	s30 =	sld [smem:$0x0];
	_ =	sdelay $0x2  }
0xc9: {  	s31 =	sshll.u32 s1, $0xD;
	s1 =	sshrl.u32 s1, $0x2  }
0xca: {  	s3 =	sand.u32 $0x4000, s31;
	s1 =	sadd.s32 s1, s30  }
0xcb: {  	s0 =	sor.u32 s3, s0;
	s1 =	sshll.u32 s1, $0x11  }
0xcc: {  	s0 =	sor.u32 s1, s0  }
0xcd: {  	s0 =	sadd.s32 $0x8F2B, s0  }
0xce: {  	[sflag:s0] =	ssyncadd.remote.s32 $0x1  }
0xcf: {  	_ =	sfence.sel $0xFFFF  }
0xd0: {  	[dreg:$0x0] =	wrdreg $0xFFFFFFFF;
	(pc) =	sbr.abs _section_cstart, $3  }
0xd1: {  	[dreg:$0x1] =	wrdreg $0xFFFFFFFF  }
0xd2: {  	_ =	task.clear_ibuf [dreg:s14], $0x2FFFF;
	_ =	strace $0x9FFFFFFF  }
0xd3: {  	(tm) =	ssettm $0x7FFFFFFF  }
tec
execute0_lowered:
.L_overlay_start_1:
0x0: {  	(tag) =	ssettag $0x1  }
0x1: {  	s5 =	rddreg [dreg:$0x0]  }
0x2: {  	s9 =	rddreg [dreg:$0x1]  }
0x3: {  	s7 =	rddreg [dreg:$0x2]  }
0x4: {  	s16 =	rddreg [dreg:$0x3]  }
0x5: {  	s6 =	rddreg [dreg:$0x4]  }
0x6: {  	s0 =	rddreg [dreg:$0x5]  }
0x7: {  	s1 =	rddreg [dreg:$0x6]  }
0x8: {  	s18 =	rddreg [dreg:$0x8];
	s19 =	srdreg.scid;
	s4 =	simm.s32 $0x0  }
0x9: {  	s3 =	stileid.u32;
	[dreg:$0xa] =	wrdreg s0;
	s14 =	sand.u32 $0x1, s19  }
0xa: {  	[dreg:$0xb] =	wrdreg s18;
	s20 =	sshll.u32 s3, $0xA;
	s21 =	sshll.u32 s14, $0x9  }
0xb: {  	[smem:$0x7FF] =	sst s4;
	s3 =	sor.u32 s21, s20  }
0xc: {  	s2 =	rddreg [dreg:$0x7];
	_ =	strace $0x80000047;
	s8 =	sshll.u32 s3, $0x4  }
0xd: {  	s18 =	sor.u32 $0x80, s3;
	s17 =	sor.u32 $0x100, s3;
	s10 =	sadd.s32 s5, s8  }
0xe: {  	s0 =	sor.u32 $0x180, s3;
	s24 =	sadd.s32 s9, s8;
	[dreg:$0xc] =	wrdreg s10  }
0xf: {  	s21 =	sor.u32 $0x40, s3;
	s29 =	sadd.s32 s7, s8;
	[dreg:$0x10] =	wrdreg s24  }
0x10: {  	s11 =	sshll.u32 s18, $0x4;
	s15 =	sshrl.u32 s21, $0x5;
	[dreg:$0x14] =	wrdreg s29  }
0x11: {  	s12 =	sshll.u32 s17, $0x4;
	s22 =	sadd.s32 s5, s11;
	[smem:$0x7B2] =	sst s15  }
0x12: {  	s13 =	sshll.u32 s0, $0x4;
	s23 =	sadd.s32 s5, s12;
	[dreg:$0xd] =	wrdreg s22  }
0x13: {  	s5 =	sadd.s32 s5, s13;
	[dreg:$0xe] =	wrdreg s23  }
0x14: {  	s25 =	sadd.s32 s9, s11;
	[dreg:$0xf] =	wrdreg s5  }
0x15: {  	s26 =	sadd.s32 s9, s12;
	[dreg:$0x11] =	wrdreg s25  }
0x16: {  	s31 =	sshll.u32 s21, $0x4;
	s28 =	sadd.s32 s9, s13;
	[dreg:$0x12] =	wrdreg s26  }
0x17: {  	s10 =	sadd.s32 s7, s31;
	[dreg:$0x13] =	wrdreg s28  }
0x18: {  	s19 =	sor.u32 $0x1, s15;
	[dreg:$0x16] =	wrdreg s10  }
0x19: {  	s31 =	sshrl.u32 s17, $0x5;
	[dreg:$0x17] =	wrdreg s19  }
0x1a: {  	s22 =	sadd.s32 s7, s11;
	[smem:$0x7B5] =	sst s31  }
0x1b: {  	s20 =	sor.u32 $0xC0, s3;
	s23 =	sshrl.u32 s18, $0x5;
	[dreg:$0x18] =	wrdreg s22  }
0x1c: {  	s28 =	sshrl.u32 s20, $0x5;
	[smem:$0x7B3] =	sst s23  }
0x1d: {  	s8 =	sadd.s32 s8, s16;
	s10 =	sor.u32 $0x1, s31;
	[smem:$0x7B4] =	sst s28  }
0x1e: {  	s31 =	sadd.s32 $0x4600, s8;
	[dreg:$0x1d] =	wrdreg s10  }
0x1f: {  	s5 =	sshrl.u32 s3, $0x5;
	[smem:$0x7BD] =	sst s31  }
0x20: {  	s30 =	sor.u32 $0x1, s5;
	[smem:$0x7CB] =	sst s5  }
0x21: {  	s25 =	sshll.u32 s20, $0x4;
	s24 =	sor.u32 $0x1, s23;
	[dreg:$0x15] =	wrdreg s30  }
0x22: {  	s26 =	sadd.s32 s7, s25;
	[dreg:$0x19] =	wrdreg s24  }
0x23: {  	s19 =	sor.u32 $0x140, s3;
	s29 =	sor.u32 $0x1, s28;
	[dreg:$0x1a] =	wrdreg s26  }
0x24: {  	s15 =	sshrl.u32 s19, $0x5;
	[dreg:$0x1b] =	wrdreg s29  }
0x25: {  	s23 =	sadd.s32 s7, s13;
	[smem:$0x7B6] =	sst s15  }
0x26: {  	s25 =	sshrl.u32 s0, $0x5;
	[smem:$0x7B7] =	sst s23  }
0x27: {  	s8 =	sor.u32 $0x2, s5;
	[smem:$0x7B8] =	sst s25  }
0x28: {  	s9 =	sor.u32 $0x3, s5;
	[smem:$0x7BE] =	sst s8  }
0x29: {  	s10 =	sor.u32 $0x4, s5;
	[smem:$0x7BF] =	sst s9  }
0x2a: {  	s13 =	sor.u32 $0x7, s5;
	[smem:$0x7C0] =	sst s10  }
0x2b: {  	s31 =	sor.u32 $0xF, s5;
	[smem:$0x7C3] =	sst s13  }
0x2c: {  	s11 =	sshll.u32 s19, $0x4;
	s30 =	sadd.s32 s7, s12;
	[smem:$0x7CC] =	sst s31  }
0x2d: {  	s12 =	sadd.s32 s7, s11;
	[dreg:$0x1c] =	wrdreg s30  }
0x2e: {  	s22 =	sor.u32 $0x1, s15;
	[dreg:$0x1e] =	wrdreg s12  }
0x2f: {  	s26 =	sor.u32 $0x1, s25;
	[dreg:$0x1f] =	wrdreg s22  }
0x30: {  	s11 =	sor.u32 $0x5, s5;
	[smem:$0x7B9] =	sst s26  }
0x31: {  	s15 =	sor.u32 $0x8, s5;
	[smem:$0x7C1] =	sst s11  }
0x32: {  	s23 =	sor.u32 $0xA, s5;
	[smem:$0x7C4] =	sst s15  }
0x33: {  	s25 =	sor.u32 $0xB, s5;
	[smem:$0x7C6] =	sst s23  }
0x34: {  	s9 =	simm.s32 $0x1E280;
	[smem:$0x7C7] =	sst s25  }
0x35: {  	s10 =	simm.s32 $0x1E200;
	[smem:$0x7CF] =	sst s9  }
0x36: {  	s13 =	simm.s32 $0x9000;
	[smem:$0x7D0] =	sst s10  }
0x37: {  	s24 =	sor.u32 $0x1C0, s3;
	s31 =	simm.s32 $0x12000;
	[smem:$0x7D3] =	sst s13  }
0x38: {  	s29 =	sshrl.u32 s24, $0x5;
	[smem:$0x7DC] =	sst s31  }
0x39: {  	s12 =	sor.u32 $0x6, s5;
	[smem:$0x7BB] =	sst s29  }
0x3a: {  	s22 =	sor.u32 $0x9, s5;
	[smem:$0x7C2] =	sst s12  }
0x3b: {  	s26 =	sor.u32 $0xC, s5;
	[smem:$0x7C5] =	sst s22  }
0x3c: {  	s11 =	simm.s32 $0x7000;
	[smem:$0x7C8] =	sst s26  }
0x3d: {  	s15 =	simm.s32 $0xA000;
	[smem:$0x7D1] =	sst s11  }
0x3e: {  	s23 =	simm.s32 $0xC000;
	[smem:$0x7D4] =	sst s15  }
0x3f: {  	s25 =	simm.s32 $0xD000;
	[smem:$0x7D6] =	sst s23  }
0x40: {  	s9 =	simm.s32 $0x16400;
	[smem:$0x7D7] =	sst s25  }
0x41: {  	s10 =	simm.s32 $0x16800;
	[smem:$0x7E0] =	sst s9  }
0x42: {  	s13 =	simm.s32 $0x17400;
	[smem:$0x7E1] =	sst s10  }
0x43: {  	s28 =	sshll.u32 s24, $0x4;
	s31 =	simm.s32 $0x19800;
	[smem:$0x7E4] =	sst s13  }
0x44: {  	s7 =	sadd.s32 s7, s28;
	[smem:$0x7ED] =	sst s31  }
0x45: {  	s30 =	sor.u32 $0x1, s29;
	[smem:$0x7BA] =	sst s7  }
0x46: {  	s28 =	sor.u32 $0xD, s5;
	[smem:$0x7BC] =	sst s30  }
0x47: {  	s29 =	sor.u32 $0xE, s5;
	[smem:$0x7C9] =	sst s28  }
0x48: {  	s12 =	simm.s32 $0x8000;
	[smem:$0x7CA] =	sst s29  }
0x49: {  	s22 =	simm.s32 $0xB000;
	[smem:$0x7D2] =	sst s12  }
0x4a: {  	s26 =	simm.s32 $0xE000;
	[smem:$0x7D5] =	sst s22  }
0x4b: {  	s11 =	simm.s32 $0x16C00;
	[smem:$0x7D8] =	sst s26  }
0x4c: {  	s15 =	simm.s32 $0x17800;
	[smem:$0x7E2] =	sst s11  }
0x4d: {  	s23 =	simm.s32 $0x18000;
	[smem:$0x7E5] =	sst s15  }
0x4e: {  	s25 =	simm.s32 $0x18400;
	[smem:$0x7E7] =	sst s23  }
0x4f: {  	s9 =	simm.s32 $0x1AC00;
	[smem:$0x7E8] =	sst s25  }
0x50: {  	s10 =	simm.s32 $0x1B000;
	[smem:$0x7F1] =	sst s9  }
0x51: {  	s13 =	simm.s32 $0x1BC00;
	[smem:$0x7F2] =	sst s10  }
0x52: {  	s28 =	simm.s32 $0xF000;
	[smem:$0x7F5] =	sst s13  }
0x53: {  	v31 =	vlaneseq.u32;
	s29 =	simm.s32 $0x10000;
	[smem:$0x7D9] =	sst s28  }
0x54: {  	v3 =	vor.u32 s21, v31;
	s21 =	sor.u32 $0x130, s3;
	s7 =	simm.s32 $0x14000;
	[smem:$0x7DA] =	sst s29  }
0x55: {  	v18 =	vor.u32 s21, v31;
	s21 =	simm.s32 $0x1;
	s12 =	simm.s32 $0x17000;
	[smem:$0x7DE] =	sst s7  }
0x56: {  	v7 =	vor.u32 s18, v31;
	s18 =	simm.s32 $0x2;
	s22 =	simm.s32 $0x17C00;
	[smem:$0x7E3] =	sst s12  }
0x57: {  	v20 =	vor.u32 s19, v31;
	s19 =	simm.s32 $0x80;
	s26 =	simm.s32 $0x18800;
	[smem:$0x7E6] =	sst s22  }
0x58: {  	s30 =	sshll.u32 s3, $0x2;
	s11 =	simm.s32 $0x1B400;
	[smem:$0x7E9] =	sst s26  }
0x59: {  	s15 =	simm.s32 $0x1C000;
	s23 =	simm.s32 $0x1C800;
	[smem:$0x7F3] =	sst s11  }
0x5a: {  	s25 =	simm.s32 $0x1CC00;
	s13 =	sadd.s32 $0x54600, s16;
	[smem:$0x7F6] =	sst s15  }
0x5b: {  	s9 =	sor.u32 $0x10, s3;
	s10 =	sor.u32 $0x20, s3;
	[smem:$0x7F8] =	sst s23  }
0x5c: {  	s5 =	sadd.s32 s30, s16;
	s6 =	sadd.s32 s6, s30;
	[smem:$0x7F9] =	sst s25  }
0x5d: {  	s30 =	simm.s32 $0x11000;
	s28 =	simm.s32 $0x18C00;
	[smem:$0x7CD] =	sst s6  }
0x5e: {  	s29 =	simm.s32 $0x19000;
	s7 =	simm.s32 $0x1A400;
	[smem:$0x7DB] =	sst s30  }
0x5f: {  	s12 =	simm.s32 $0x1B800;
	s22 =	simm.s32 $0x1C400;
	[smem:$0x7EA] =	sst s28  }
0x60: {  	s26 =	simm.s32 $0x1D000;
	s15 =	sadd.s32 $0x454600, s16;
	[smem:$0x7EB] =	sst s29  }
0x61: {  	s11 =	sor.u32 $0x30, s3;
	s23 =	sor.u32 $0x70, s3;
	[smem:$0x7EF] =	sst s7  }
0x62: {  	s25 =	sor.u32 $0x90, s3;
	s8 =	sadd.s32 $0x44600, s5;
	[smem:$0x7F4] =	sst s12  }
0x63: {  	s5 =	simm.s32 $0x13000;
	s30 =	simm.s32 $0x19400;
	[smem:$0x7F7] =	sst s22  }
0x64: {  	[smem:$0x7FA] =	sst s26;
	s29 =	ssub.s32 $0x2, s14;
	s14 =	sadd.s32 $0x254600, s16  }
0x65: {  	s28 =	simm.s32 $0x1D400;
	s16 =	sadd.s32 $0x4D4600, s16;
	s12 =	sor.u32 $0x50, s3  }
0x66: {  	s22 =	sor.u32 $0x60, s3;
	s26 =	sor.u32 $0xA0, s3;
	[smem:$0x7CE] =	sst s8  }
0x67: {  	v2 =	vor.u32 s11, v31;
	v8 =	vor.u32 s25, v31;
	s11 =	sor.u32 $0x120, s3;
	s25 =	sor.u32 $0x150, s3;
	[smem:$0x7DD] =	sst s5  }
0x68: {  	v6 =	vor.u32 s23, v31;
	s23 =	sor.u32 $0x1D0, s3;
	s8 =	simm.s32 $0x15000;
	[smem:$0x7EC] =	sst s30  }
0x69: {  	v19 =	vor.u32 s3, v31;
	s5 =	simm.s32 $0x19C00;
	[smem:$0x7FB] =	sst s28;
	s30 =	simm.s32 $0x1D800  }
0x6a: {  	v11 =	vor.u32 s20, v31;
	v15 =	vor.u32 s17, v31;
	v24 =	vor.u32 s0, v31;
	s31 =	sshrl.u32 s29, $0x1;
	s28 =	sor.u32 $0xB0, s3;
	[smem:$0x7DF] =	sst s8  }
0x6b: {  	v28 =	vor.u32 s24, v31;
	v5 =	vor.u32 s22, v31;
	v9 =	vor.u32 s26, v31;
	s26 =	sor.u32 $0x160, s3;
	s22 =	sor.u32 $0x1B0, s3;
	[smem:$0x7EE] =	sst s5  }
0x6c: {  	v0 =	vor.u32 s9, v31;
	v1 =	vor.u32 s10, v31;
	v21 =	vor.u32 s25, v31;
	s25 =	simm.s32 $0x4000;
	s8 =	simm.s32 $0x1A800;
	[smem:$0x7FC] =	sst s30  }
0x6d: {  	v4 =	vor.u32 s12, v31;
	v17 =	vor.u32 s11, v31;
	v29 =	vor.u32 s23, v31;
	s5 =	simm.s32 $0x1DC00;
	s7 =	ssub.s32 s29, s31;
	s29 =	sor.u32 $0xD0, s3  }
0x6e: {  	s30 =	sor.u32 $0xE0, s3;
	s31 =	sor.u32 $0xF0, s3;
	v10 =	vor.u32 s28, v31;
	s28 =	sor.u32 $0x170, s3;
	v22 =	vor.u32 s26, v31;
	v27 =	vor.u32 s22, v31  }
0x6f: {  	[smem:$0x7FD] =	sst s5;
	s5 =	sor.u32 $0x110, s3;
	v12 =	vor.u32 s29, v31;
	v13 =	vor.u32 s30, v31;
	s29 =	sor.u32 $0x190, s3;
	v14 =	vor.u32 s31, v31  }
0x70: {  	s30 =	sor.u32 $0x1A0, s3;
	s31 =	sor.u32 $0x1E0, s3;
	s3 =	sor.u32 $0x1F0, s3;
	v23 =	vor.u32 s28, v31;
	v16 =	vor.u32 s5, v31;
	v25 =	vor.u32 s29, v31  }
0x71: {  	s26 =	simm.s32 $0x5000;
	[smem:$0x7F0] =	sst s8;
	s17 =	smax.u32 s7, $0x1;
	v26 =	vor.u32 s30, v31;
	v30 =	vor.u32 s31, v31;
	v31 =	vor.u32 s3, v31  }
.LBB2_1:
0x72: {  	s3 =	sld [smem:$0x7CF];
	_ =	sdelay $0x1  }
0x73: {  	s0 =	rddreg [dreg:$0xb]  }
0x74: {  	[tilespmem:s3], [sflag:$0x2] =	stream.linear.gather [hbm4b:s0+s4], $0x1, $0x38;
	[tilespmem:$0x1E300] =	vst v63  }
0x75: {  	_ =	swait.ge [sflag:s18], $0x1  }
0x76: {  	[sflag:s18] =	ssyncset.done $0x0  }
0x77: {  	[sflag:s18] =	ssyncadd.s32 $0xFFFFFFFF  }
0x78: {  	v32 =	vld [tilespmem:$0x1E280];
	_ =	sdelay $0x4  }
0x79: {  	(v2sf) =	vpush v32, $0x0;
	_ =	sdelay $0xa  }
0x7a: {  	s6 =	sld [smem:$0x7D0];
	_ =	sdelay $0x1  }
0x7b: {  	s20 =	rddreg [dreg:$0xa]  }
0x7c: {  	[tilespmem:s6], [sflag:$0x2] =	stream.linear.gather [hbm4b:s20+s4], $0x80, $0x38;
	[tilespmem:$0x1E300] =	vst v63  }
0x7d: {  	s22 =	spop (v2sf)  }
0x7e: {  	_ =	swait.ge [sflag:s18], $0x80  }
0x7f: {  	[sflag:s18] =	ssyncset.done $0x0  }
0x80: {  	[sflag:s18] =	ssyncadd.s32 $0xFFFFFF80  }
0x81: {  	v32 =	vld [tilespmem:$0x1E200];
	_ =	sdelay $0x4  }
0x82: {  	v33 =	vadd.s32 v19, v32  }
0x83: {  	v34 =	vadd.s32 v0, v32;
	v33 =	vand.u32 $0x1FFFF, v33  }
0x84: {  	v62 =	vadd.s32 v1, v32;
	v61 =	vand.u32 $0x1FFFF, v34;
	[tilespmem:$0x1E000] =	vst v33  }
0x85: {  	v36 =	vadd.s32 v2, v32;
	v63 =	vand.u32 $0x1FFFF, v62;
	[tilespmem:$0x1E010] =	vst v61  }
0x86: {  	v38 =	vadd.s32 v3, v32;
	v37 =	vand.u32 $0x1FFFF, v36;
	[tilespmem:$0x1E020] =	vst v63  }
0x87: {  	v40 =	vadd.s32 v4, v32;
	v39 =	vand.u32 $0x1FFFF, v38;
	[tilespmem:$0x1E030] =	vst v37  }
0x88: {  	v42 =	vadd.s32 v5, v32;
	v41 =	vand.u32 $0x1FFFF, v40;
	[tilespmem:$0x1E040] =	vst v39  }
0x89: {  	v44 =	vadd.s32 v6, v32;
	v43 =	vand.u32 $0x1FFFF, v42;
	[tilespmem:$0x1E050] =	vst v41  }
0x8a: {  	v46 =	vadd.s32 v7, v32;
	v45 =	vand.u32 $0x1FFFF, v44;
	[tilespmem:$0x1E060] =	vst v43  }
0x8b: {  	v48 =	vadd.s32 v8, v32;
	v47 =	vand.u32 $0x1FFFF, v46;
	[tilespmem:$0x1E070] =	vst v45  }
0x8c: {  	v50 =	vadd.s32 v9, v32;
	v49 =	vand.u32 $0x1FFFF, v48;
	[tilespmem:$0x1E080] =	vst v47  }
0x8d: {  	v52 =	vadd.s32 v10, v32;
	v51 =	vand.u32 $0x1FFFF, v50;
	[tilespmem:$0x1E090] =	vst v49  }
0x8e: {  	v54 =	vadd.s32 v11, v32;
	v53 =	vand.u32 $0x1FFFF, v52;
	[tilespmem:$0x1E0A0] =	vst v51  }
0x8f: {  	v56 =	vadd.s32 v12, v32;
	v55 =	vand.u32 $0x1FFFF, v54;
	[tilespmem:$0x1E0B0] =	vst v53  }
0x90: {  	v58 =	vadd.s32 v13, v32;
	v57 =	vand.u32 $0x1FFFF, v56;
	[tilespmem:$0x1E0C0] =	vst v55  }
0x91: {  	v60 =	vadd.s32 v14, v32;
	v59 =	vand.u32 $0x1FFFF, v58;
	[tilespmem:$0x1E0D0] =	vst v57  }
0x92: {  	v62 =	vadd.s32 v15, v32;
	[tilespmem:$0x1E0E0] =	vst v59;
	v61 =	vand.u32 $0x1FFFF, v60  }
0x93: {  	v36 =	vadd.s32 v16, v32;
	v63 =	vand.u32 $0x1FFFF, v62;
	[tilespmem:$0x1E0F0] =	vst v61  }
0x94: {  	v38 =	vadd.s32 v17, v32;
	v37 =	vand.u32 $0x1FFFF, v36;
	[tilespmem:$0x1E100] =	vst v63  }
0x95: {  	v40 =	vadd.s32 v18, v32;
	v39 =	vand.u32 $0x1FFFF, v38;
	[tilespmem:$0x1E110] =	vst v37  }
0x96: {  	v42 =	vadd.s32 v20, v32;
	v41 =	vand.u32 $0x1FFFF, v40;
	[tilespmem:$0x1E120] =	vst v39  }
0x97: {  	v44 =	vadd.s32 v21, v32;
	v43 =	vand.u32 $0x1FFFF, v42;
	[tilespmem:$0x1E130] =	vst v41  }
0x98: {  	v46 =	vadd.s32 v22, v32;
	v45 =	vand.u32 $0x1FFFF, v44;
	[tilespmem:$0x1E140] =	vst v43  }
0x99: {  	v48 =	vadd.s32 v23, v32;
	v47 =	vand.u32 $0x1FFFF, v46;
	[tilespmem:$0x1E150] =	vst v45  }
0x9a: {  	v50 =	vadd.s32 v24, v32;
	v49 =	vand.u32 $0x1FFFF, v48;
	[tilespmem:$0x1E160] =	vst v47  }
0x9b: {  	v52 =	vadd.s32 v25, v32;
	v51 =	vand.u32 $0x1FFFF, v50;
	[tilespmem:$0x1E170] =	vst v49  }
0x9c: {  	v54 =	vadd.s32 v26, v32;
	v53 =	vand.u32 $0x1FFFF, v52;
	[tilespmem:$0x1E180] =	vst v51  }
0x9d: {  	v56 =	vadd.s32 v27, v32;
	v55 =	vand.u32 $0x1FFFF, v54;
	[tilespmem:$0x1E190] =	vst v53  }
0x9e: {  	v58 =	vadd.s32 v28, v32;
	v57 =	vand.u32 $0x1FFFF, v56;
	[tilespmem:$0x1E1A0] =	vst v55  }
0x9f: {  	v59 =	vand.u32 $0x1FFFF, v58;
	v60 =	vadd.s32 v29, v32;
	[tilespmem:$0x1E1B0] =	vst v57  }
0xa0: {  	v62 =	vadd.s32 v30, v32;
	[tilespmem:$0x1E1C0] =	vst v59;
	v61 =	vand.u32 $0x1FFFF, v60  }
0xa1: {  	v32 =	vadd.s32 v31, v32;
	v63 =	vand.u32 $0x1FFFF, v62;
	[tilespmem:$0x1E1D0] =	vst v61  }
0xa2: {  	v32 =	vand.u32 $0x1FFFF, v32;
	[tilespmem:$0x1E1E0] =	vst v63  }
0xa3: {  	s23 =	rddreg [dreg:$0xc];
	[tilespmem:$0x1E1F0] =	vst v32  }
0xa4: {  	[tilespmem:s4], [sflag:$0x2] =	stream.linear.gather [hbm4b:s23+s4], $0x4000, $0x38;
	[tilespmem:$0x1E300] =	vst v63  }
0xa5: {  	_ =	swait.ge [sflag:s18], $0x4000  }
0xa6: {  	[sflag:s18] =	ssyncset.done $0x0  }
0xa7: {  	s5 =	simm.s32 $0x1E000;
	[sflag:s18] =	ssyncadd.s32 $0xFFFFC000  }
0xa8: {  	[hbm4b:s1+s19] =	stream.indirect.scatter [tilespmem:s4], [sflag:$0x1], $0x80, s5, s19, $0xb8;
	[tilespmem:$0x1E300] =	vst v63  }
0xa9: {  	_ =	swait.ge [sflag:s21], $0x4000  }
0xaa: {  	[sflag:s21] =	ssyncset.done $0x0  }
0xab: {  	s24 =	rddreg [dreg:$0xd];
	[sflag:s21] =	ssyncadd.s32 $0xFFFFC000  }
0xac: {  	[tilespmem:s4], [sflag:$0x2] =	stream.linear.gather [hbm4b:s24+s4], $0x4000, $0x38;
	[tilespmem:$0x1E300] =	vst v63  }
0xad: {  	_ =	swait.ge [sflag:s18], $0x4000  }
0xae: {  	[sflag:s18] =	ssyncset.done $0x0  }
0xaf: {  	s28 =	simm.s32 $0x1E080;
	[sflag:s18] =	ssyncadd.s32 $0xFFFFC000  }
0xb0: {  	[hbm4b:s1+s19] =	stream.indirect.scatter [tilespmem:s4], [sflag:$0x1], $0x80, s28, s19, $0xb8;
	[tilespmem:$0x1E300] =	vst v63  }
0xb1: {  	_ =	swait.ge [sflag:s21], $0x4000  }
0xb2: {  	[sflag:s21] =	ssyncset.done $0x0  }
0xb3: {  	s29 =	rddreg [dreg:$0xe];
	[sflag:s21] =	ssyncadd.s32 $0xFFFFC000  }
0xb4: {  	[tilespmem:s4], [sflag:$0x2] =	stream.linear.gather [hbm4b:s29+s4], $0x4000, $0x38;
	[tilespmem:$0x1E300] =	vst v63  }
0xb5: {  	_ =	swait.ge [sflag:s18], $0x4000  }
0xb6: {  	[sflag:s18] =	ssyncset.done $0x0  }
0xb7: {  	s7 =	simm.s32 $0x1E100;
	[sflag:s18] =	ssyncadd.s32 $0xFFFFC000  }
0xb8: {  	[hbm4b:s1+s19] =	stream.indirect.scatter [tilespmem:s4], [sflag:$0x1], $0x80, s7, s19, $0xb8;
	[tilespmem:$0x1E300] =	vst v63  }
0xb9: {  	_ =	swait.ge [sflag:s21], $0x4000  }
0xba: {  	[sflag:s21] =	ssyncset.done $0x0  }
0xbb: {  	s30 =	rddreg [dreg:$0xf];
	[sflag:s21] =	ssyncadd.s32 $0xFFFFC000  }
0xbc: {  	[tilespmem:s4], [sflag:$0x2] =	stream.linear.gather [hbm4b:s30+s4], $0x4000, $0x38;
	[tilespmem:$0x1E300] =	vst v63  }
0xbd: {  	_ =	swait.ge [sflag:s18], $0x4000  }
0xbe: {  	[sflag:s18] =	ssyncset.done $0x0  }
0xbf: {  	s8 =	simm.s32 $0x1E180;
	[sflag:s18] =	ssyncadd.s32 $0xFFFFC000  }
0xc0: {  	[hbm4b:s1+s19] =	stream.indirect.scatter [tilespmem:s4], [sflag:$0x1], $0x80, s8, s19, $0xb8;
	[tilespmem:$0x1E300] =	vst v63  }
0xc1: {  	_ =	swait.ge [sflag:s21], $0x4000  }
0xc2: {  	[sflag:s21] =	ssyncset.done $0x0  }
0xc3: {  	s31 =	rddreg [dreg:$0x10];
	[sflag:s21] =	ssyncadd.s32 $0xFFFFC000  }
0xc4: {  	[tilespmem:s4], [sflag:$0x2] =	stream.linear.gather [hbm4b:s31+s4], $0x4000, $0x38;
	[tilespmem:$0x1E300] =	vst v63  }
0xc5: {  	_ =	swait.ge [sflag:s18], $0x4000  }
0xc6: {  	[sflag:s18] =	ssyncset.done $0x0  }
0xc7: {  	[sflag:s18] =	ssyncadd.s32 $0xFFFFC000  }
0xc8: {  	[hbm4b:s2+s19] =	stream.indirect.scatter [tilespmem:s4], [sflag:$0x1], $0x80, s5, s19, $0xb8;
	[tilespmem:$0x1E300] =	vst v63  }
0xc9: {  	_ =	swait.ge [sflag:s21], $0x4000  }
0xca: {  	[sflag:s21] =	ssyncset.done $0x0  }
0xcb: {  	s5 =	rddreg [dreg:$0x11];
	[sflag:s21] =	ssyncadd.s32 $0xFFFFC000  }
0xcc: {  	[tilespmem:s4], [sflag:$0x2] =	stream.linear.gather [hbm4b:s5+s4], $0x4000, $0x38;
	[tilespmem:$0x1E300] =	vst v63  }
0xcd: {  	_ =	swait.ge [sflag:s18], $0x4000  }
0xce: {  	[sflag:s18] =	ssyncset.done $0x0  }
0xcf: {  	[sflag:s18] =	ssyncadd.s32 $0xFFFFC000  }
0xd0: {  	[hbm4b:s2+s19] =	stream.indirect.scatter [tilespmem:s4], [sflag:$0x1], $0x80, s28, s19, $0xb8;
	[tilespmem:$0x1E300] =	vst v63  }
0xd1: {  	_ =	swait.ge [sflag:s21], $0x4000  }
0xd2: {  	[sflag:s21] =	ssyncset.done $0x0  }
0xd3: {  	s6 =	rddreg [dreg:$0x12];
	[sflag:s21] =	ssyncadd.s32 $0xFFFFC000  }
0xd4: {  	[tilespmem:s4], [sflag:$0x2] =	stream.linear.gather [hbm4b:s6+s4], $0x4000, $0x38;
	[tilespmem:$0x1E300] =	vst v63  }
0xd5: {  	_ =	swait.ge [sflag:s18], $0x4000  }
0xd6: {  	[sflag:s18] =	ssyncset.done $0x0  }
0xd7: {  	[sflag:s18] =	ssyncadd.s32 $0xFFFFC000  }
0xd8: {  	[hbm4b:s2+s19] =	stream.indirect.scatter [tilespmem:s4], [sflag:$0x1], $0x80, s7, s19, $0xb8;
	[tilespmem:$0x1E300] =	vst v63  }
0xd9: {  	_ =	swait.ge [sflag:s21], $0x4000  }
0xda: {  	[sflag:s21] =	ssyncset.done $0x0  }
0xdb: {  	s7 =	rddreg [dreg:$0x13];
	[sflag:s21] =	ssyncadd.s32 $0xFFFFC000  }
0xdc: {  	[tilespmem:s4], [sflag:$0x2] =	stream.linear.gather [hbm4b:s7+s4], $0x4000, $0x38;
	[tilespmem:$0x1E300] =	vst v63  }
0xdd: {  	_ =	swait.ge [sflag:s18], $0x4000  }
0xde: {  	[sflag:s18] =	ssyncset.done $0x0  }
0xdf: {  	[sflag:s18] =	ssyncadd.s32 $0xFFFFC000  }
0xe0: {  	[hbm4b:s2+s19] =	stream.indirect.scatter [tilespmem:s4], [sflag:$0x1], $0x80, s8, s19, $0xb8;
	[tilespmem:$0x1E300] =	vst v63  }
0xe1: {  	_ =	swait.ge [sflag:s21], $0x4000  }
0xe2: {  	[sflag:s21] =	ssyncset.done $0x0;
	s10 =	sld [smem:$0x7CB]  }
0xe3: {  	s3 =	sshrl.u32 s22, $0x5;
	s9 =	rddreg [dreg:$0x14];
	[sflag:s21] =	ssyncadd.s32 $0xFFFFC000  }
0xe4: {  	[tilespmem:s25], [sflag:$0x2] =	stream.linear.gather [hbm4b:s9+s4], $0x2000, $0x38;
	[tilespmem:$0x1E300] =	vst v63  }
0xe5: {  	s0 =	sadd.s32 s10, s3  }
0xe6: {  	s0 =	sshll.u32 s0, $0xC  }
0xe7: {  	_ =	swait.ge [sflag:s18], $0x2000;
	s31 =	sand.u32 $0xFFF000, s0  }
0xe8: {  	[sflag:s18] =	ssyncset.done $0x0;
	s6 =	sshrl.u32 s31, $0x3  }
0xe9: {  	[sflag:s18] =	ssyncadd.s32 $0xFFFFE000;
	s11 =	sadd.s32 s13, s6  }
0xea: {  	[hbm4b:s11+s4] =	stream.linear.scatter [tilespmem:s25], [sflag:$0x2], $0x1000, $0x38;
	[tilespmem:$0x1E300] =	vst v63  }
0xeb: {  	_ =	swait.ge [sflag:s18], $0x1000  }
0xec: {  	s12 =	rddreg [dreg:$0x15]  }
0xed: {  	s0 =	sadd.s32 s3, s12  }
0xee: {  	s0 =	sshll.u32 s0, $0xC  }
0xef: {  	s0 =	sand.u32 $0xFFF000, s0  }
0xf0: {  	[sflag:s18] =	ssyncset.done $0x0;
	s7 =	sshrl.u32 s0, $0x3  }
0xf1: {  	[sflag:s18] =	ssyncadd.s32 $0xFFFFF000;
	s20 =	sadd.s32 s13, s7  }
0xf2: {  	[hbm4b:s20+s4] =	stream.linear.scatter [tilespmem:s26], [sflag:$0x2], $0x1000, $0x38;
	[tilespmem:$0x1E300] =	vst v63  }
0xf3: {  	_ =	swait.ge [sflag:s18], $0x1000  }
0xf4: {  	[sflag:s18] =	ssyncset.done $0x0;
	s23 =	sld [smem:$0x7B2]  }
0xf5: {  	s22 =	rddreg [dreg:$0x16];
	[sflag:s18] =	ssyncadd.s32 $0xFFFFF000  }
0xf6: {  	[tilespmem:s25], [sflag:$0x2] =	stream.linear.gather [hbm4b:s22+s4], $0x2000, $0x38;
	[tilespmem:$0x1E300] =	vst v63  }
0xf7: {  	s24 =	sadd.s32 s23, s3  }
0xf8: {  	_ =	swait.ge [sflag:s18], $0x2000;
	s8 =	sshll.u32 s24, $0x9  }
0xf9: {  	[sflag:s18] =	ssyncset.done $0x0;
	s8 =	sand.u32 $0x1FFE00, s8  }
0xfa: {  	[sflag:s18] =	ssyncadd.s32 $0xFFFFE000;
	s8 =	sadd.s32 s13, s8  }
0xfb: {  	[hbm4b:s8+s4] =	stream.linear.scatter [tilespmem:s25], [sflag:$0x2], $0x1000, $0x38;
	[tilespmem:$0x1E300] =	vst v63  }
0xfc: {  	_ =	swait.ge [sflag:s18], $0x1000  }
0xfd: {  	s28 =	rddreg [dreg:$0x17]  }
0xfe: {  	s8 =	sadd.s32 s3, s28  }
0xff: {  	s8 =	sshll.u32 s8, $0x9  }
0x100: {  	[sflag:s18] =	ssyncset.done $0x0;
	s8 =	sand.u32 $0x1FFE00, s8  }
0x101: {  	[sflag:s18] =	ssyncadd.s32 $0xFFFFF000;
	s8 =	sadd.s32 s13, s8  }
0x102: {  	[hbm4b:s8+s4] =	stream.linear.scatter [tilespmem:s26], [sflag:$0x2], $0x1000, $0x38;
	[tilespmem:$0x1E300] =	vst v63  }
0x103: {  	_ =	swait.ge [sflag:s18], $0x1000  }
0x104: {  	[sflag:s18] =	ssyncset.done $0x0;
	s30 =	sld [smem:$0x7B3]  }
0x105: {  	s29 =	rddreg [dreg:$0x18];
	[sflag:s18] =	ssyncadd.s32 $0xFFFFF000  }
0x106: {  	[tilespmem:s25], [sflag:$0x2] =	stream.linear.gather [hbm4b:s29+s4], $0x2000, $0x38;
	[tilespmem:$0x1E300] =	vst v63  }
0x107: {  	s5 =	sadd.s32 s30, s3  }
0x108: {  	_ =	swait.ge [sflag:s18], $0x2000;
	s8 =	sshll.u32 s5, $0x9  }
0x109: {  	[sflag:s18] =	ssyncset.done $0x0;
	s8 =	sand.u32 $0x1FFE00, s8  }
0x10a: {  	[sflag:s18] =	ssyncadd.s32 $0xFFFFE000;
	s8 =	sadd.s32 s13, s8  }
0x10b: {  	[hbm4b:s8+s4] =	stream.linear.scatter [tilespmem:s25], [sflag:$0x2], $0x1000, $0x38;
	[tilespmem:$0x1E300] =	vst v63  }
0x10c: {  	_ =	swait.ge [sflag:s18], $0x1000  }
0x10d: {  	s9 =	rddreg [dreg:$0x19]  }
0x10e: {  	s8 =	sadd.s32 s3, s9  }
0x10f: {  	s8 =	sshll.u32 s8, $0x9  }
0x110: {  	[sflag:s18] =	ssyncset.done $0x0;
	s8 =	sand.u32 $0x1FFE00, s8  }
0x111: {  	[sflag:s18] =	ssyncadd.s32 $0xFFFFF000;
	s8 =	sadd.s32 s13, s8  }
0x112: {  	[hbm4b:s8+s4] =	stream.linear.scatter [tilespmem:s26], [sflag:$0x2], $0x1000, $0x38;
	[tilespmem:$0x1E300] =	vst v63  }
0x113: {  	_ =	swait.ge [sflag:s18], $0x1000  }
0x114: {  	[sflag:s18] =	ssyncset.done $0x0;
	s11 =	sld [smem:$0x7B4]  }
0x115: {  	s10 =	rddreg [dreg:$0x1a];
	[sflag:s18] =	ssyncadd.s32 $0xFFFFF000  }
0x116: {  	[tilespmem:s25], [sflag:$0x2] =	stream.linear.gather [hbm4b:s10+s4], $0x2000, $0x38;
	[tilespmem:$0x1E300] =	vst v63  }
0x117: {  	s12 =	sadd.s32 s11, s3  }
0x118: {  	_ =	swait.ge [sflag:s18], $0x2000;
	s8 =	sshll.u32 s12, $0x9  }
0x119: {  	[sflag:s18] =	ssyncset.done $0x0;
	s8 =	sand.u32 $0x1FFE00, s8  }
0x11a: {  	[sflag:s18] =	ssyncadd.s32 $0xFFFFE000;
	s8 =	sadd.s32 s13, s8  }
0x11b: {  	[hbm4b:s8+s4] =	stream.linear.scatter [tilespmem:s25], [sflag:$0x2], $0x1000, $0x38;
	[tilespmem:$0x1E300] =	vst v63  }
0x11c: {  	_ =	swait.ge [sflag:s18], $0x1000  }
0x11d: {  	s20 =	rddreg [dreg:$0x1b]  }
0x11e: {  	s8 =	sadd.s32 s3, s20  }
0x11f: {  	s8 =	sshll.u32 s8, $0x9  }
0x120: {  	[sflag:s18] =	ssyncset.done $0x0;
	s8 =	sand.u32 $0x1FFE00, s8  }
0x121: {  	[sflag:s18] =	ssyncadd.s32 $0xFFFFF000;
	s8 =	sadd.s32 s13, s8  }
0x122: {  	[hbm4b:s8+s4] =	stream.linear.scatter [tilespmem:s26], [sflag:$0x2], $0x1000, $0x38;
	[tilespmem:$0x1E300] =	vst v63  }
0x123: {  	_ =	swait.ge [sflag:s18], $0x1000  }
0x124: {  	[sflag:s18] =	ssyncset.done $0x0;
	s23 =	sld [smem:$0x7B5]  }
0x125: {  	s22 =	rddreg [dreg:$0x1c];
	[sflag:s18] =	ssyncadd.s32 $0xFFFFF000  }
0x126: {  	[tilespmem:s25], [sflag:$0x2] =	stream.linear.gather [hbm4b:s22+s4], $0x2000, $0x38;
	[tilespmem:$0x1E300] =	vst v63  }
0x127: {  	s24 =	sadd.s32 s23, s3  }
0x128: {  	_ =	swait.ge [sflag:s18], $0x2000;
	s8 =	sshll.u32 s24, $0x9  }
0x129: {  	[sflag:s18] =	ssyncset.done $0x0;
	s8 =	sand.u32 $0x1FFE00, s8  }
0x12a: {  	[sflag:s18] =	ssyncadd.s32 $0xFFFFE000;
	s8 =	sadd.s32 s13, s8  }
0x12b: {  	[hbm4b:s8+s4] =	stream.linear.scatter [tilespmem:s25], [sflag:$0x2], $0x1000, $0x38;
	[tilespmem:$0x1E300] =	vst v63  }
0x12c: {  	_ =	swait.ge [sflag:s18], $0x1000  }
0x12d: {  	s28 =	rddreg [dreg:$0x1d]  }
0x12e: {  	s8 =	sadd.s32 s3, s28  }
0x12f: {  	s8 =	sshll.u32 s8, $0x9  }
0x130: {  	[sflag:s18] =	ssyncset.done $0x0;
	s8 =	sand.u32 $0x1FFE00, s8  }
0x131: {  	[sflag:s18] =	ssyncadd.s32 $0xFFFFF000;
	s8 =	sadd.s32 s13, s8  }
0x132: {  	[hbm4b:s8+s4] =	stream.linear.scatter [tilespmem:s26], [sflag:$0x2], $0x1000, $0x38;
	[tilespmem:$0x1E300] =	vst v63  }
0x133: {  	_ =	swait.ge [sflag:s18], $0x1000  }
0x134: {  	[sflag:s18] =	ssyncset.done $0x0;
	s30 =	sld [smem:$0x7B6]  }
0x135: {  	s29 =	rddreg [dreg:$0x1e];
	[sflag:s18] =	ssyncadd.s32 $0xFFFFF000  }
0x136: {  	[tilespmem:s25], [sflag:$0x2] =	stream.linear.gather [hbm4b:s29+s4], $0x2000, $0x38;
	[tilespmem:$0x1E300] =	vst v63  }
0x137: {  	s5 =	sadd.s32 s30, s3  }
0x138: {  	_ =	swait.ge [sflag:s18], $0x2000;
	s8 =	sshll.u32 s5, $0x9  }
0x139: {  	[sflag:s18] =	ssyncset.done $0x0;
	s8 =	sand.u32 $0x1FFE00, s8  }
0x13a: {  	[sflag:s18] =	ssyncadd.s32 $0xFFFFE000;
	s8 =	sadd.s32 s13, s8  }
0x13b: {  	[hbm4b:s8+s4] =	stream.linear.scatter [tilespmem:s25], [sflag:$0x2], $0x1000, $0x38;
	[tilespmem:$0x1E300] =	vst v63  }
0x13c: {  	_ =	swait.ge [sflag:s18], $0x1000  }
0x13d: {  	s9 =	rddreg [dreg:$0x1f]  }
0x13e: {  	s8 =	sadd.s32 s3, s9  }
0x13f: {  	s8 =	sshll.u32 s8, $0x9  }
0x140: {  	[sflag:s18] =	ssyncset.done $0x0;
	s8 =	sand.u32 $0x1FFE00, s8  }
0x141: {  	[sflag:s18] =	ssyncadd.s32 $0xFFFFF000;
	s8 =	sadd.s32 s13, s8  }
0x142: {  	[hbm4b:s8+s4] =	stream.linear.scatter [tilespmem:s26], [sflag:$0x2], $0x1000, $0x38;
	[tilespmem:$0x1E300] =	vst v63  }
0x143: {  	_ =	swait.ge [sflag:s18], $0x1000  }
0x144: {  	s10 =	sld [smem:$0x7B7]  }
0x145: {  	[sflag:s18] =	ssyncset.done $0x0;
	s11 =	sld [smem:$0x7B8]  }
0x146: {  	[sflag:s18] =	ssyncadd.s32 $0xFFFFF000  }
0x147: {  	[tilespmem:s25], [sflag:$0x2] =	stream.linear.gather [hbm4b:s10+s4], $0x2000, $0x38;
	[tilespmem:$0x1E300] =	vst v63  }
0x148: {  	s12 =	sadd.s32 s11, s3  }
0x149: {  	_ =	swait.ge [sflag:s18], $0x2000;
	s8 =	sshll.u32 s12, $0x9  }
0x14a: {  	[sflag:s18] =	ssyncset.done $0x0;
	s8 =	sand.u32 $0x1FFE00, s8  }
0x14b: {  	[sflag:s18] =	ssyncadd.s32 $0xFFFFE000;
	s8 =	sadd.s32 s13, s8  }
0x14c: {  	[hbm4b:s8+s4] =	stream.linear.scatter [tilespmem:s25], [sflag:$0x2], $0x1000, $0x38;
	[tilespmem:$0x1E300] =	vst v63  }
0x14d: {  	_ =	swait.ge [sflag:s18], $0x1000  }
0x14e: {  	s20 =	sld [smem:$0x7B9];
	_ =	sdelay $0x2  }
0x14f: {  	s8 =	sadd.s32 s3, s20  }
0x150: {  	s8 =	sshll.u32 s8, $0x9  }
0x151: {  	[sflag:s18] =	ssyncset.done $0x0;
	s8 =	sand.u32 $0x1FFE00, s8  }
0x152: {  	[sflag:s18] =	ssyncadd.s32 $0xFFFFF000;
	s8 =	sadd.s32 s13, s8  }
0x153: {  	[hbm4b:s8+s4] =	stream.linear.scatter [tilespmem:s26], [sflag:$0x2], $0x1000, $0x38;
	[tilespmem:$0x1E300] =	vst v63  }
0x154: {  	_ =	swait.ge [sflag:s18], $0x1000  }
0x155: {  	s22 =	sld [smem:$0x7BA]  }
0x156: {  	[sflag:s18] =	ssyncset.done $0x0;
	s23 =	sld [smem:$0x7BB]  }
0x157: {  	[sflag:s18] =	ssyncadd.s32 $0xFFFFF000  }
0x158: {  	[tilespmem:s25], [sflag:$0x2] =	stream.linear.gather [hbm4b:s22+s4], $0x2000, $0x38;
	[tilespmem:$0x1E300] =	vst v63  }
0x159: {  	s24 =	sadd.s32 s23, s3  }
0x15a: {  	_ =	swait.ge [sflag:s18], $0x2000;
	s8 =	sshll.u32 s24, $0x9  }
0x15b: {  	[sflag:s18] =	ssyncset.done $0x0;
	s8 =	sand.u32 $0x1FFE00, s8  }
0x15c: {  	[sflag:s18] =	ssyncadd.s32 $0xFFFFE000;
	s8 =	sadd.s32 s13, s8  }
0x15d: {  	[hbm4b:s8+s4] =	stream.linear.scatter [tilespmem:s25], [sflag:$0x2], $0x1000, $0x38;
	[tilespmem:$0x1E300] =	vst v63  }
0x15e: {  	_ =	swait.ge [sflag:s18], $0x1000  }
0x15f: {  	s28 =	sld [smem:$0x7BC];
	_ =	sdelay $0x2  }
0x160: {  	s8 =	sadd.s32 s3, s28  }
0x161: {  	s8 =	sshll.u32 s8, $0x9  }
0x162: {  	[sflag:s18] =	ssyncset.done $0x0;
	s8 =	sand.u32 $0x1FFE00, s8  }
0x163: {  	[sflag:s18] =	ssyncadd.s32 $0xFFFFF000;
	s8 =	sadd.s32 s13, s8  }
0x164: {  	[hbm4b:s8+s4] =	stream.linear.scatter [tilespmem:s26], [sflag:$0x2], $0x1000, $0x38;
	[tilespmem:$0x1E300] =	vst v63  }
0x165: {  	_ =	swait.ge [sflag:s18], $0x1000  }
0x166: {  	s29 =	sld [smem:$0x7BD]  }
0x167: {  	[sflag:s18] =	ssyncset.done $0x0  }
0x168: {  	s30 =	simm.s32 $0x6000;
	[sflag:s18] =	ssyncadd.s32 $0xFFFFF000  }
0x169: {  	[tilespmem:s30], [sflag:$0x2] =	stream.linear.gather [hbm4b:s29+s4], $0x10000, $0x38;
	[tilespmem:$0x1E300] =	vst v63  }
0x16a: {  	_ =	swait.ge [sflag:s18], $0x10000  }
0x16b: {  	[sflag:s18] =	ssyncset.done $0x0  }
0x16c: {  	s6 =	sadd.s32 s14, s6;
	[sflag:s18] =	ssyncadd.s32 $0xFFFF0000  }
0x16d: {  	[hbm4b:s6+s4] =	stream.linear.scatter [tilespmem:s30], [sflag:$0x2], $0x1000, $0x38;
	[tilespmem:$0x1E300] =	vst v63  }
0x16e: {  	_ =	swait.ge [sflag:s18], $0x1000  }
0x16f: {  	s9 =	sld [smem:$0x7D1]  }
0x170: {  	[sflag:s18] =	ssyncset.done $0x0  }
0x171: {  	s7 =	sadd.s32 s14, s7;
	[sflag:s18] =	ssyncadd.s32 $0xFFFFF000  }
0x172: {  	[hbm4b:s7+s4] =	stream.linear.scatter [tilespmem:s9], [sflag:$0x2], $0x1000, $0x38;
	[tilespmem:$0x1E300] =	vst v63  }
0x173: {  	_ =	swait.ge [sflag:s18], $0x1000  }
0x174: {  	s10 =	sld [smem:$0x7BE];
	_ =	sdelay $0x2  }
0x175: {  	s6 =	sadd.s32 s3, s10  }
0x176: {  	s6 =	sshll.u32 s6, $0xC  }
0x177: {  	s11 =	sld [smem:$0x7D2];
	s6 =	sand.u32 $0xFFF000, s6  }
0x178: {  	[sflag:s18] =	ssyncset.done $0x0;
	s12 =	sshrl.u32 s6, $0x3  }
0x179: {  	[sflag:s18] =	ssyncadd.s32 $0xFFFFF000;
	s8 =	sadd.s32 s14, s12  }
0x17a: {  	[hbm4b:s8+s4] =	stream.linear.scatter [tilespmem:s11], [sflag:$0x2], $0x1000, $0x38;
	[tilespmem:$0x1E300] =	vst v63  }
0x17b: {  	_ =	swait.ge [sflag:s18], $0x1000  }
0x17c: {  	s20 =	sld [smem:$0x7BF];
	_ =	sdelay $0x2  }
0x17d: {  	s7 =	sadd.s32 s3, s20  }
0x17e: {  	s7 =	sshll.u32 s7, $0xC  }
0x17f: {  	s22 =	sld [smem:$0x7D3];
	s7 =	sand.u32 $0xFFF000, s7  }
0x180: {  	[sflag:s18] =	ssyncset.done $0x0;
	s9 =	sshrl.u32 s7, $0x3  }
0x181: {  	[sflag:s18] =	ssyncadd.s32 $0xFFFFF000;
	s9 =	sadd.s32 s14, s9  }
0x182: {  	[hbm4b:s9+s4] =	stream.linear.scatter [tilespmem:s22], [sflag:$0x2], $0x1000, $0x38;
	[tilespmem:$0x1E300] =	vst v63  }
0x183: {  	_ =	swait.ge [sflag:s18], $0x1000  }
0x184: {  	s23 =	sld [smem:$0x7C0];
	_ =	sdelay $0x2  }
0x185: {  	s8 =	sadd.s32 s3, s23  }
0x186: {  	s8 =	sshll.u32 s8, $0xC  }
0x187: {  	s24 =	sld [smem:$0x7D4];
	s8 =	sand.u32 $0xFFF000, s8  }
0x188: {  	[sflag:s18] =	ssyncset.done $0x0;
	s10 =	sshrl.u32 s8, $0x3  }
0x189: {  	[sflag:s18] =	ssyncadd.s32 $0xFFFFF000;
	s10 =	sadd.s32 s14, s10  }
0x18a: {  	[hbm4b:s10+s4] =	stream.linear.scatter [tilespmem:s24], [sflag:$0x2], $0x1000, $0x38;
	[tilespmem:$0x1E300] =	vst v63  }
0x18b: {  	_ =	swait.ge [sflag:s18], $0x1000  }
0x18c: {  	s28 =	sld [smem:$0x7C1];
	_ =	sdelay $0x2  }
0x18d: {  	s9 =	sadd.s32 s3, s28  }
0x18e: {  	s9 =	sshll.u32 s9, $0xC  }
0x18f: {  	s29 =	sld [smem:$0x7D5];
	s9 =	sand.u32 $0xFFF000, s9  }
0x190: {  	[sflag:s18] =	ssyncset.done $0x0;
	s11 =	sshrl.u32 s9, $0x3  }
0x191: {  	[sflag:s18] =	ssyncadd.s32 $0xFFFFF000;
	s11 =	sadd.s32 s14, s11  }
0x192: {  	[hbm4b:s11+s4] =	stream.linear.scatter [tilespmem:s29], [sflag:$0x2], $0x1000, $0x38;
	[tilespmem:$0x1E300] =	vst v63  }
0x193: {  	_ =	swait.ge [sflag:s18], $0x1000  }
0x194: {  	s30 =	sld [smem:$0x7C2];
	_ =	sdelay $0x2  }
0x195: {  	s10 =	sadd.s32 s3, s30  }
0x196: {  	s10 =	sshll.u32 s10, $0xC  }
0x197: {  	s5 =	sld [smem:$0x7D6];
	s10 =	sand.u32 $0xFFF000, s10  }
0x198: {  	[sflag:s18] =	ssyncset.done $0x0;
	s12 =	sshrl.u32 s10, $0x3  }
0x199: {  	[sflag:s18] =	ssyncadd.s32 $0xFFFFF000;
	s12 =	sadd.s32 s14, s12  }
0x19a: {  	[hbm4b:s12+s4] =	stream.linear.scatter [tilespmem:s5], [sflag:$0x2], $0x1000, $0x38;
	[tilespmem:$0x1E300] =	vst v63  }
0x19b: {  	_ =	swait.ge [sflag:s18], $0x1000  }
0x19c: {  	s20 =	sld [smem:$0x7C3];
	_ =	sdelay $0x2  }
0x19d: {  	s11 =	sadd.s32 s3, s20  }
0x19e: {  	s11 =	sshll.u32 s11, $0xC  }
0x19f: {  	s22 =	sld [smem:$0x7D7];
	s11 =	sand.u32 $0xFFF000, s11  }
0x1a0: {  	[sflag:s18] =	ssyncset.done $0x0;
	s20 =	sshrl.u32 s11, $0x3  }
0x1a1: {  	[sflag:s18] =	ssyncadd.s32 $0xFFFFF000;
	s20 =	sadd.s32 s14, s20  }
0x1a2: {  	[hbm4b:s20+s4] =	stream.linear.scatter [tilespmem:s22], [sflag:$0x2], $0x1000, $0x38;
	[tilespmem:$0x1E300] =	vst v63  }
0x1a3: {  	_ =	swait.ge [sflag:s18], $0x1000  }
0x1a4: {  	s23 =	sld [smem:$0x7C4];
	_ =	sdelay $0x2  }
0x1a5: {  	s12 =	sadd.s32 s3, s23  }
0x1a6: {  	s12 =	sshll.u32 s12, $0xC  }
0x1a7: {  	s24 =	sld [smem:$0x7D8];
	s12 =	sand.u32 $0xFFF000, s12  }
0x1a8: {  	[sflag:s18] =	ssyncset.done $0x0;
	s22 =	sshrl.u32 s12, $0x3  }
0x1a9: {  	[sflag:s18] =	ssyncadd.s32 $0xFFFFF000;
	s22 =	sadd.s32 s14, s22  }
0x1aa: {  	[hbm4b:s22+s4] =	stream.linear.scatter [tilespmem:s24], [sflag:$0x2], $0x1000, $0x38;
	[tilespmem:$0x1E300] =	vst v63  }
0x1ab: {  	_ =	swait.ge [sflag:s18], $0x1000  }
0x1ac: {  	s28 =	sld [smem:$0x7C5];
	_ =	sdelay $0x2  }
0x1ad: {  	s20 =	sadd.s32 s3, s28  }
0x1ae: {  	s20 =	sshll.u32 s20, $0xC  }
0x1af: {  	s29 =	sld [smem:$0x7D9];
	s20 =	sand.u32 $0xFFF000, s20  }
0x1b0: {  	[sflag:s18] =	ssyncset.done $0x0;
	s23 =	sshrl.u32 s20, $0x3  }
0x1b1: {  	[sflag:s18] =	ssyncadd.s32 $0xFFFFF000;
	s23 =	sadd.s32 s14, s23  }
0x1b2: {  	[hbm4b:s23+s4] =	stream.linear.scatter [tilespmem:s29], [sflag:$0x2], $0x1000, $0x38;
	[tilespmem:$0x1E300] =	vst v63  }
0x1b3: {  	_ =	swait.ge [sflag:s18], $0x1000  }
0x1b4: {  	s30 =	sld [smem:$0x7C6];
	_ =	sdelay $0x2  }
0x1b5: {  	s22 =	sadd.s32 s3, s30  }
0x1b6: {  	s22 =	sshll.u32 s22, $0xC  }
0x1b7: {  	s5 =	sld [smem:$0x7DA];
	s22 =	sand.u32 $0xFFF000, s22  }
0x1b8: {  	[sflag:s18] =	ssyncset.done $0x0;
	s24 =	sshrl.u32 s22, $0x3  }
0x1b9: {  	[sflag:s18] =	ssyncadd.s32 $0xFFFFF000;
	s24 =	sadd.s32 s14, s24  }
0x1ba: {  	[hbm4b:s24+s4] =	stream.linear.scatter [tilespmem:s5], [sflag:$0x2], $0x1000, $0x38;
	[tilespmem:$0x1E300] =	vst v63  }
0x1bb: {  	_ =	swait.ge [sflag:s18], $0x1000  }
0x1bc: {  	s28 =	sld [smem:$0x7C7];
	_ =	sdelay $0x2  }
0x1bd: {  	s23 =	sadd.s32 s3, s28  }
0x1be: {  	s23 =	sshll.u32 s23, $0xC  }
0x1bf: {  	s29 =	sld [smem:$0x7DB];
	s23 =	sand.u32 $0xFFF000, s23  }
0x1c0: {  	[sflag:s18] =	ssyncset.done $0x0;
	s28 =	sshrl.u32 s23, $0x3  }
0x1c1: {  	[sflag:s18] =	ssyncadd.s32 $0xFFFFF000;
	s28 =	sadd.s32 s14, s28  }
0x1c2: {  	[hbm4b:s28+s4] =	stream.linear.scatter [tilespmem:s29], [sflag:$0x2], $0x1000, $0x38;
	[tilespmem:$0x1E300] =	vst v63  }
0x1c3: {  	_ =	swait.ge [sflag:s18], $0x1000  }
0x1c4: {  	s30 =	sld [smem:$0x7C8];
	_ =	sdelay $0x2  }
0x1c5: {  	s24 =	sadd.s32 s3, s30  }
0x1c6: {  	s24 =	sshll.u32 s24, $0xC  }
0x1c7: {  	s5 =	sld [smem:$0x7DC];
	s24 =	sand.u32 $0xFFF000, s24  }
0x1c8: {  	[sflag:s18] =	ssyncset.done $0x0;
	s29 =	sshrl.u32 s24, $0x3  }
0x1c9: {  	[sflag:s18] =	ssyncadd.s32 $0xFFFFF000;
	s29 =	sadd.s32 s14, s29  }
0x1ca: {  	[hbm4b:s29+s4] =	stream.linear.scatter [tilespmem:s5], [sflag:$0x2], $0x1000, $0x38;
	[tilespmem:$0x1E300] =	vst v63  }
0x1cb: {  	_ =	swait.ge [sflag:s18], $0x1000  }
0x1cc: {  	s30 =	sld [smem:$0x7C9];
	_ =	sdelay $0x2  }
0x1cd: {  	s28 =	sadd.s32 s3, s30  }
0x1ce: {  	s28 =	sshll.u32 s28, $0xC  }
0x1cf: {  	s5 =	sld [smem:$0x7DD];
	s28 =	sand.u32 $0xFFF000, s28  }
0x1d0: {  	[sflag:s18] =	ssyncset.done $0x0;
	s30 =	sshrl.u32 s28, $0x3  }
0x1d1: {  	[sflag:s18] =	ssyncadd.s32 $0xFFFFF000;
	s30 =	sadd.s32 s14, s30  }
0x1d2: {  	[hbm4b:s30+s4] =	stream.linear.scatter [tilespmem:s5], [sflag:$0x2], $0x1000, $0x38;
	[tilespmem:$0x1E300] =	vst v63  }
0x1d3: {  	_ =	swait.ge [sflag:s18], $0x1000  }
0x1d4: {  	s5 =	sld [smem:$0x7CA];
	_ =	sdelay $0x2  }
0x1d5: {  	s29 =	sadd.s32 s3, s5  }
0x1d6: {  	s29 =	sshll.u32 s29, $0xC  }
0x1d7: {  	s30 =	sld [smem:$0x7DE];
	s29 =	sand.u32 $0xFFF000, s29  }
0x1d8: {  	[sflag:s18] =	ssyncset.done $0x0;
	s5 =	sshrl.u32 s29, $0x3  }
0x1d9: {  	[sflag:s18] =	ssyncadd.s32 $0xFFFFF000;
	s5 =	sadd.s32 s14, s5  }
0x1da: {  	[hbm4b:s5+s4] =	stream.linear.scatter [tilespmem:s30], [sflag:$0x2], $0x1000, $0x38;
	[tilespmem:$0x1E300] =	vst v63  }
0x1db: {  	_ =	swait.ge [sflag:s18], $0x1000  }
0x1dc: {  	s30 =	sld [smem:$0x7CC];
	_ =	sdelay $0x2  }
0x1dd: {  	s3 =	sadd.s32 s3, s30  }
0x1de: {  	s3 =	sshll.u32 s3, $0xC  }
0x1df: {  	s5 =	sld [smem:$0x7DF];
	s3 =	sand.u32 $0xFFF000, s3  }
0x1e0: {  	[sflag:s18] =	ssyncset.done $0x0;
	s30 =	sshrl.u32 s3, $0x3  }
0x1e1: {  	[sflag:s18] =	ssyncadd.s32 $0xFFFFF000;
	s30 =	sadd.s32 s14, s30  }
0x1e2: {  	[hbm4b:s30+s4] =	stream.linear.scatter [tilespmem:s5], [sflag:$0x2], $0x1000, $0x38;
	[tilespmem:$0x1E300] =	vst v63  }
0x1e3: {  	_ =	swait.ge [sflag:s18], $0x1000  }
0x1e4: {  	s5 =	sld [smem:$0x7CD]  }
0x1e5: {  	[sflag:s18] =	ssyncset.done $0x0  }
0x1e6: {  	s30 =	simm.s32 $0x16000;
	[sflag:s18] =	ssyncadd.s32 $0xFFFFF000  }
0x1e7: {  	[tilespmem:s30], [sflag:$0x2] =	stream.linear.gather [hbm4b:s5+s4], $0x4000, $0x38;
	[tilespmem:$0x1E300] =	vst v63  }
0x1e8: {  	_ =	swait.ge [sflag:s18], $0x4000  }
0x1e9: {  	s31 =	sshrl.u32 s31, $0x5;
	[sflag:s18] =	ssyncset.done $0x0  }
0x1ea: {  	s5 =	sadd.s32 s15, s31;
	[sflag:s18] =	ssyncadd.s32 $0xFFFFC000  }
0x1eb: {  	[hbm4b:s5+s4] =	stream.linear.scatter [tilespmem:s30], [sflag:$0x2], $0x400, $0x38;
	[tilespmem:$0x1E300] =	vst v63  }
0x1ec: {  	_ =	swait.ge [sflag:s18], $0x400  }
0x1ed: {  	s5 =	sld [smem:$0x7E0]  }
0x1ee: {  	s0 =	sshrl.u32 s0, $0x5;
	[sflag:s18] =	ssyncset.done $0x0  }
0x1ef: {  	s30 =	sadd.s32 s15, s0;
	[sflag:s18] =	ssyncadd.s32 $0xFFFFFC00  }
0x1f0: {  	[hbm4b:s30+s4] =	stream.linear.scatter [tilespmem:s5], [sflag:$0x2], $0x400, $0x38;
	[tilespmem:$0x1E300] =	vst v63  }
0x1f1: {  	_ =	swait.ge [sflag:s18], $0x400  }
0x1f2: {  	s5 =	sld [smem:$0x7E1]  }
0x1f3: {  	s6 =	sshrl.u32 s6, $0x5;
	[sflag:s18] =	ssyncset.done $0x0  }
0x1f4: {  	s30 =	sadd.s32 s15, s6;
	[sflag:s18] =	ssyncadd.s32 $0xFFFFFC00  }
0x1f5: {  	[hbm4b:s30+s4] =	stream.linear.scatter [tilespmem:s5], [sflag:$0x2], $0x400, $0x38;
	[tilespmem:$0x1E300] =	vst v63  }
0x1f6: {  	_ =	swait.ge [sflag:s18], $0x400  }
0x1f7: {  	s5 =	sld [smem:$0x7E2]  }
0x1f8: {  	s7 =	sshrl.u32 s7, $0x5;
	[sflag:s18] =	ssyncset.done $0x0  }
0x1f9: {  	s30 =	sadd.s32 s15, s7;
	[sflag:s18] =	ssyncadd.s32 $0xFFFFFC00  }
0x1fa: {  	[hbm4b:s30+s4] =	stream.linear.scatter [tilespmem:s5], [sflag:$0x2], $0x400, $0x38;
	[tilespmem:$0x1E300] =	vst v63  }
0x1fb: {  	_ =	swait.ge [sflag:s18], $0x400  }
0x1fc: {  	s5 =	sld [smem:$0x7E3]  }
0x1fd: {  	s8 =	sshrl.u32 s8, $0x5;
	[sflag:s18] =	ssyncset.done $0x0  }
0x1fe: {  	s30 =	sadd.s32 s15, s8;
	[sflag:s18] =	ssyncadd.s32 $0xFFFFFC00  }
0x1ff: {  	[hbm4b:s30+s4] =	stream.linear.scatter [tilespmem:s5], [sflag:$0x2], $0x400, $0x38;
	[tilespmem:$0x1E300] =	vst v63  }
0x200: {  	_ =	swait.ge [sflag:s18], $0x400  }
0x201: {  	s5 =	sld [smem:$0x7E4]  }
0x202: {  	s9 =	sshrl.u32 s9, $0x5;
	[sflag:s18] =	ssyncset.done $0x0  }
0x203: {  	s30 =	sadd.s32 s15, s9;
	[sflag:s18] =	ssyncadd.s32 $0xFFFFFC00  }
0x204: {  	[hbm4b:s30+s4] =	stream.linear.scatter [tilespmem:s5], [sflag:$0x2], $0x400, $0x38;
	[tilespmem:$0x1E300] =	vst v63  }
0x205: {  	_ =	swait.ge [sflag:s18], $0x400  }
0x206: {  	s5 =	sld [smem:$0x7E5]  }
0x207: {  	s10 =	sshrl.u32 s10, $0x5;
	[sflag:s18] =	ssyncset.done $0x0  }
0x208: {  	s30 =	sadd.s32 s15, s10;
	[sflag:s18] =	ssyncadd.s32 $0xFFFFFC00  }
0x209: {  	[hbm4b:s30+s4] =	stream.linear.scatter [tilespmem:s5], [sflag:$0x2], $0x400, $0x38;
	[tilespmem:$0x1E300] =	vst v63  }
0x20a: {  	_ =	swait.ge [sflag:s18], $0x400  }
0x20b: {  	s5 =	sld [smem:$0x7E6]  }
0x20c: {  	s11 =	sshrl.u32 s11, $0x5;
	[sflag:s18] =	ssyncset.done $0x0  }
0x20d: {  	s30 =	sadd.s32 s15, s11;
	[sflag:s18] =	ssyncadd.s32 $0xFFFFFC00  }
0x20e: {  	[hbm4b:s30+s4] =	stream.linear.scatter [tilespmem:s5], [sflag:$0x2], $0x400, $0x38;
	[tilespmem:$0x1E300] =	vst v63  }
0x20f: {  	_ =	swait.ge [sflag:s18], $0x400  }
0x210: {  	s5 =	sld [smem:$0x7E7]  }
0x211: {  	s12 =	sshrl.u32 s12, $0x5;
	[sflag:s18] =	ssyncset.done $0x0  }
0x212: {  	s30 =	sadd.s32 s15, s12;
	[sflag:s18] =	ssyncadd.s32 $0xFFFFFC00  }
0x213: {  	[hbm4b:s30+s4] =	stream.linear.scatter [tilespmem:s5], [sflag:$0x2], $0x400, $0x38;
	[tilespmem:$0x1E300] =	vst v63  }
0x214: {  	_ =	swait.ge [sflag:s18], $0x400  }
0x215: {  	s5 =	sld [smem:$0x7E8]  }
0x216: {  	s20 =	sshrl.u32 s20, $0x5;
	[sflag:s18] =	ssyncset.done $0x0  }
0x217: {  	s30 =	sadd.s32 s15, s20;
	[sflag:s18] =	ssyncadd.s32 $0xFFFFFC00  }
0x218: {  	[hbm4b:s30+s4] =	stream.linear.scatter [tilespmem:s5], [sflag:$0x2], $0x400, $0x38;
	[tilespmem:$0x1E300] =	vst v63  }
0x219: {  	_ =	swait.ge [sflag:s18], $0x400  }
0x21a: {  	s5 =	sld [smem:$0x7E9]  }
0x21b: {  	s22 =	sshrl.u32 s22, $0x5;
	[sflag:s18] =	ssyncset.done $0x0  }
0x21c: {  	s30 =	sadd.s32 s15, s22;
	[sflag:s18] =	ssyncadd.s32 $0xFFFFFC00  }
0x21d: {  	[hbm4b:s30+s4] =	stream.linear.scatter [tilespmem:s5], [sflag:$0x2], $0x400, $0x38;
	[tilespmem:$0x1E300] =	vst v63  }
0x21e: {  	_ =	swait.ge [sflag:s18], $0x400  }
0x21f: {  	s5 =	sld [smem:$0x7EA]  }
0x220: {  	s23 =	sshrl.u32 s23, $0x5;
	[sflag:s18] =	ssyncset.done $0x0  }
0x221: {  	s30 =	sadd.s32 s15, s23;
	[sflag:s18] =	ssyncadd.s32 $0xFFFFFC00  }
0x222: {  	[hbm4b:s30+s4] =	stream.linear.scatter [tilespmem:s5], [sflag:$0x2], $0x400, $0x38;
	[tilespmem:$0x1E300] =	vst v63  }
0x223: {  	_ =	swait.ge [sflag:s18], $0x400  }
0x224: {  	s5 =	sld [smem:$0x7EB]  }
0x225: {  	s24 =	sshrl.u32 s24, $0x5;
	[sflag:s18] =	ssyncset.done $0x0  }
0x226: {  	s30 =	sadd.s32 s15, s24;
	[sflag:s18] =	ssyncadd.s32 $0xFFFFFC00  }
0x227: {  	[hbm4b:s30+s4] =	stream.linear.scatter [tilespmem:s5], [sflag:$0x2], $0x400, $0x38;
	[tilespmem:$0x1E300] =	vst v63  }
0x228: {  	_ =	swait.ge [sflag:s18], $0x400  }
0x229: {  	s5 =	sld [smem:$0x7EC]  }
0x22a: {  	s28 =	sshrl.u32 s28, $0x5;
	[sflag:s18] =	ssyncset.done $0x0  }
0x22b: {  	s30 =	sadd.s32 s15, s28;
	[sflag:s18] =	ssyncadd.s32 $0xFFFFFC00  }
0x22c: {  	[hbm4b:s30+s4] =	stream.linear.scatter [tilespmem:s5], [sflag:$0x2], $0x400, $0x38;
	[tilespmem:$0x1E300] =	vst v63  }
0x22d: {  	_ =	swait.ge [sflag:s18], $0x400  }
0x22e: {  	s5 =	sld [smem:$0x7ED]  }
0x22f: {  	s29 =	sshrl.u32 s29, $0x5;
	[sflag:s18] =	ssyncset.done $0x0  }
0x230: {  	s30 =	sadd.s32 s15, s29;
	[sflag:s18] =	ssyncadd.s32 $0xFFFFFC00  }
0x231: {  	[hbm4b:s30+s4] =	stream.linear.scatter [tilespmem:s5], [sflag:$0x2], $0x400, $0x38;
	[tilespmem:$0x1E300] =	vst v63  }
0x232: {  	_ =	swait.ge [sflag:s18], $0x400  }
0x233: {  	s5 =	sld [smem:$0x7EE]  }
0x234: {  	s3 =	sshrl.u32 s3, $0x5;
	[sflag:s18] =	ssyncset.done $0x0  }
0x235: {  	s30 =	sadd.s32 s15, s3;
	[sflag:s18] =	ssyncadd.s32 $0xFFFFFC00  }
0x236: {  	[hbm4b:s30+s4] =	stream.linear.scatter [tilespmem:s5], [sflag:$0x2], $0x400, $0x38;
	[tilespmem:$0x1E300] =	vst v63  }
0x237: {  	_ =	swait.ge [sflag:s18], $0x400  }
0x238: {  	s5 =	sld [smem:$0x7CE]  }
0x239: {  	[sflag:s18] =	ssyncset.done $0x0  }
0x23a: {  	s30 =	simm.s32 $0x1A000;
	[sflag:s18] =	ssyncadd.s32 $0xFFFFFC00  }
0x23b: {  	[tilespmem:s30], [sflag:$0x2] =	stream.linear.gather [hbm4b:s5+s4], $0x4000, $0x38;
	[tilespmem:$0x1E300] =	vst v63  }
0x23c: {  	_ =	swait.ge [sflag:s18], $0x4000  }
0x23d: {  	[sflag:s18] =	ssyncset.done $0x0  }
0x23e: {  	s31 =	sadd.s32 s16, s31;
	[sflag:s18] =	ssyncadd.s32 $0xFFFFC000  }
0x23f: {  	[hbm4b:s31+s4] =	stream.linear.scatter [tilespmem:s30], [sflag:$0x2], $0x400, $0x38;
	[tilespmem:$0x1E300] =	vst v63  }
0x240: {  	_ =	swait.ge [sflag:s18], $0x400  }
0x241: {  	s31 =	sld [smem:$0x7EF]  }
0x242: {  	[sflag:s18] =	ssyncset.done $0x0  }
0x243: {  	s0 =	sadd.s32 s16, s0;
	[sflag:s18] =	ssyncadd.s32 $0xFFFFFC00  }
0x244: {  	[hbm4b:s0+s4] =	stream.linear.scatter [tilespmem:s31], [sflag:$0x2], $0x400, $0x38;
	[tilespmem:$0x1E300] =	vst v63  }
0x245: {  	_ =	swait.ge [sflag:s18], $0x400  }
0x246: {  	s5 =	sld [smem:$0x7F0]  }
0x247: {  	[sflag:s18] =	ssyncset.done $0x0  }
0x248: {  	s6 =	sadd.s32 s16, s6;
	[sflag:s18] =	ssyncadd.s32 $0xFFFFFC00  }
0x249: {  	[hbm4b:s6+s4] =	stream.linear.scatter [tilespmem:s5], [sflag:$0x2], $0x400, $0x38;
	[tilespmem:$0x1E300] =	vst v63  }
0x24a: {  	_ =	swait.ge [sflag:s18], $0x400  }
0x24b: {  	s30 =	sld [smem:$0x7F1]  }
0x24c: {  	[sflag:s18] =	ssyncset.done $0x0  }
0x24d: {  	s31 =	sadd.s32 s16, s7;
	[sflag:s18] =	ssyncadd.s32 $0xFFFFFC00  }
0x24e: {  	[hbm4b:s31+s4] =	stream.linear.scatter [tilespmem:s30], [sflag:$0x2], $0x400, $0x38;
	[tilespmem:$0x1E300] =	vst v63  }
0x24f: {  	_ =	swait.ge [sflag:s18], $0x400  }
0x250: {  	s5 =	sld [smem:$0x7F2]  }
0x251: {  	[sflag:s18] =	ssyncset.done $0x0  }
0x252: {  	s6 =	sadd.s32 s16, s8;
	[sflag:s18] =	ssyncadd.s32 $0xFFFFFC00  }
0x253: {  	[hbm4b:s6+s4] =	stream.linear.scatter [tilespmem:s5], [sflag:$0x2], $0x400, $0x38;
	[tilespmem:$0x1E300] =	vst v63  }
0x254: {  	_ =	swait.ge [sflag:s18], $0x400  }
0x255: {  	s7 =	sld [smem:$0x7F3]  }
0x256: {  	[sflag:s18] =	ssyncset.done $0x0  }
0x257: {  	s8 =	sadd.s32 s16, s9;
	[sflag:s18] =	ssyncadd.s32 $0xFFFFFC00  }
0x258: {  	[hbm4b:s8+s4] =	stream.linear.scatter [tilespmem:s7], [sflag:$0x2], $0x400, $0x38;
	[tilespmem:$0x1E300] =	vst v63  }
0x259: {  	_ =	swait.ge [sflag:s18], $0x400  }
0x25a: {  	s9 =	sld [smem:$0x7F4]  }
0x25b: {  	[sflag:s18] =	ssyncset.done $0x0  }
0x25c: {  	s10 =	sadd.s32 s16, s10;
	[sflag:s18] =	ssyncadd.s32 $0xFFFFFC00  }
0x25d: {  	[hbm4b:s10+s4] =	stream.linear.scatter [tilespmem:s9], [sflag:$0x2], $0x400, $0x38;
	[tilespmem:$0x1E300] =	vst v63  }
0x25e: {  	_ =	swait.ge [sflag:s18], $0x400  }
0x25f: {  	s30 =	sld [smem:$0x7F5]  }
0x260: {  	[sflag:s18] =	ssyncset.done $0x0  }
0x261: {  	s31 =	sadd.s32 s16, s11;
	[sflag:s18] =	ssyncadd.s32 $0xFFFFFC00  }
0x262: {  	[hbm4b:s31+s4] =	stream.linear.scatter [tilespmem:s30], [sflag:$0x2], $0x400, $0x38;
	[tilespmem:$0x1E300] =	vst v63  }
0x263: {  	_ =	swait.ge [sflag:s18], $0x400  }
0x264: {  	s5 =	sld [smem:$0x7F6]  }
0x265: {  	[sflag:s18] =	ssyncset.done $0x0  }
0x266: {  	s6 =	sadd.s32 s16, s12;
	[sflag:s18] =	ssyncadd.s32 $0xFFFFFC00  }
0x267: {  	[hbm4b:s6+s4] =	stream.linear.scatter [tilespmem:s5], [sflag:$0x2], $0x400, $0x38;
	[tilespmem:$0x1E300] =	vst v63  }
0x268: {  	_ =	swait.ge [sflag:s18], $0x400  }
0x269: {  	s7 =	sld [smem:$0x7F7]  }
0x26a: {  	[sflag:s18] =	ssyncset.done $0x0  }
0x26b: {  	s8 =	sadd.s32 s16, s20;
	[sflag:s18] =	ssyncadd.s32 $0xFFFFFC00  }
0x26c: {  	[hbm4b:s8+s4] =	stream.linear.scatter [tilespmem:s7], [sflag:$0x2], $0x400, $0x38;
	[tilespmem:$0x1E300] =	vst v63  }
0x26d: {  	_ =	swait.ge [sflag:s18], $0x400  }
0x26e: {  	s9 =	sld [smem:$0x7F8]  }
0x26f: {  	[sflag:s18] =	ssyncset.done $0x0  }
0x270: {  	s10 =	sadd.s32 s16, s22;
	[sflag:s18] =	ssyncadd.s32 $0xFFFFFC00  }
0x271: {  	[hbm4b:s10+s4] =	stream.linear.scatter [tilespmem:s9], [sflag:$0x2], $0x400, $0x38;
	[tilespmem:$0x1E300] =	vst v63  }
0x272: {  	_ =	swait.ge [sflag:s18], $0x400  }
0x273: {  	s11 =	sld [smem:$0x7F9]  }
0x274: {  	[sflag:s18] =	ssyncset.done $0x0  }
0x275: {  	s12 =	sadd.s32 s16, s23;
	[sflag:s18] =	ssyncadd.s32 $0xFFFFFC00  }
0x276: {  	[hbm4b:s12+s4] =	stream.linear.scatter [tilespmem:s11], [sflag:$0x2], $0x400, $0x38;
	[tilespmem:$0x1E300] =	vst v63  }
0x277: {  	_ =	swait.ge [sflag:s18], $0x400  }
0x278: {  	s20 =	sld [smem:$0x7FA]  }
0x279: {  	[sflag:s18] =	ssyncset.done $0x0  }
0x27a: {  	s22 =	sadd.s32 s16, s24;
	[sflag:s18] =	ssyncadd.s32 $0xFFFFFC00  }
0x27b: {  	[hbm4b:s22+s4] =	stream.linear.scatter [tilespmem:s20], [sflag:$0x2], $0x400, $0x38;
	[tilespmem:$0x1E300] =	vst v63  }
0x27c: {  	_ =	swait.ge [sflag:s18], $0x400  }
0x27d: {  	s23 =	sld [smem:$0x7FB]  }
0x27e: {  	[sflag:s18] =	ssyncset.done $0x0  }
0x27f: {  	s24 =	sadd.s32 s16, s28;
	[sflag:s18] =	ssyncadd.s32 $0xFFFFFC00  }
0x280: {  	[hbm4b:s24+s4] =	stream.linear.scatter [tilespmem:s23], [sflag:$0x2], $0x400, $0x38;
	[tilespmem:$0x1E300] =	vst v63  }
0x281: {  	_ =	swait.ge [sflag:s18], $0x400  }
0x282: {  	s28 =	sld [smem:$0x7FC]  }
0x283: {  	[sflag:s18] =	ssyncset.done $0x0  }
0x284: {  	s30 =	sadd.s32 s16, s29;
	[sflag:s18] =	ssyncadd.s32 $0xFFFFFC00  }
0x285: {  	[hbm4b:s30+s4] =	stream.linear.scatter [tilespmem:s28], [sflag:$0x2], $0x400, $0x38;
	[tilespmem:$0x1E300] =	vst v63  }
0x286: {  	_ =	swait.ge [sflag:s18], $0x400  }
0x287: {  	s31 =	sld [smem:$0x7FD]  }
0x288: {  	p0 =	sne.s32 s17, $0x1;
	[sflag:s18] =	ssyncset.done $0x0  }
.Ltmp0:
0x289: {  	s3 =	sadd.s32 s16, s3;
	[sflag:s18] =	ssyncadd.s32 $0xFFFFFC00;
	(pc) =	sbr.rel @p0 .LBB2_1-.Ltmp0, $4  }
0x28a: {  	[hbm4b:s3+s4] =	stream.linear.scatter [tilespmem:s31], [sflag:$0x2], $0x400, $0x38;
	[tilespmem:$0x1E300] =	vst v63  }
0x28b: {  	_ =	swait.ge [sflag:s18], $0x400  }
0x28c: {  	[sflag:s18] =	ssyncset.done $0x0  }
0x28d: {  	s17 =	sadd.s32 $0xFFFFFFFF, s17;
	[sflag:s18] =	ssyncadd.s32 $0xFFFFFC00  }
0x28e: {  	_ =	sfence.sel $0x180000  }
0x28f: {  	[bflag:$0x0] =	sbarrier.arrive $0xFFFF  }
0x290: {  	_ =	strace $0x90000047  }
0x291: {  	s0 =	stileid.u32;
	[bflag:$0x2] =	sbarrier.arrive $0xFFFF  }
0x292: {  	p0 =	sne.s32 s0, $0x0;
	s0 =	rddreg [dreg:$0x9]  }
0x293: {  	s0 =	sadd.s32 @!p0 $0x100000, s0  }
0x294: {  	[sflag:s0] =	ssyncadd.tile.s32 @!p0 $0x1;
	_ =	shalt  }
.Lfunc_end2:
_tile_overlayer_lowered:
.L_overlay_start_2:
0x295: {  	(tag) =	ssettag $0x2  }
0x296: {  	s0 =	rddreg [dreg:$0x0];
	s2 =	stileid.u32  }
0x297: {  	s1 =	rddreg [dreg:$0x1];
	p0 =	sne.s32 s2, $0x0  }
0x298: {  	s3 =	rddreg [dreg:$0x2];
	[bflag:$0x3] =	sbarrier.arrive $0xFFFF;
	s2 =	simm.s32 @!p0 $0x1C02  }
0x299: {  	[timem:s3], [sflag:s2] =	dma.local @!p0 [hbm:s0], s1  }
0x29a: {  	s0 =	simm.s32 @!p0 $0x2  }
0x29b: {  	_ =	swait.ge @!p0 [sflag:s0], s1  }
0x29c: {  	s1 =	ssub.s32 @!p0 $0x0, s1;
	[sflag:s0] =	ssyncset.done @!p0 $0x0  }
0x29d: {  	[sflag:s0] =	ssyncadd.s32 @!p0 s1  }
0x29e: {  	[bflag:$0x3] =	sbarrier.arrive $0xFFFF  }
0x29f: {  	_ =	shalt  }

</sc_bundles>
